<compile_context>
chip_gen: v7x
topology: tpu7x:2x2x1
jax: 0.10.2.dev20260603
libtpu: 0.0.44.dev20260713+nightly
codegen_flags: <defaults>
</compile_context>

<pallas_src>
import functools

import jax
import jax.numpy as jnp
import numpy as np
from jax import lax
from jax.experimental import pallas as pl
from jax.experimental.pallas import tpu as pltpu
from jax.experimental.pallas import tpu_sc as plsc

_B = 128
_C = 2048
_T = 128
_FOLD_DIV = 8
_NC = 2
_NS = 16
_NW = _NC * _NS
_K = 128
_RI = 7
_LEAD = 5


def _shift_codes():
    rng = np.random.default_rng(0)
    perm = rng.permutation(_C)
    fold = _C // _FOLD_DIV
    codes = np.zeros((_C,), np.int32)
    codes[np.sort(perm[:fold])] = 1
    codes[np.sort(perm[fold:2 * fold])] = 2
    return codes


def _row_groups():
    codes = _shift_codes()
    rows = np.arange(_B * _C, dtype=np.int32).reshape(_B, _C)
    out = []
    for code in (1, 2, 0):
        ch = np.nonzero(codes == code)[0]
        r = rows[:, ch].reshape(-1)
        n = r.size
        assert n % (_NW * _K) == 0, (code, n)
        out.append(r.reshape(_NW, n // (_NW * _K), _K))
    return out


_IDX_FWD, _IDX_BWD, _IDX_FIX = _row_groups()
_NCH_F = _IDX_FWD.shape[1]
_NCH_B = _IDX_BWD.shape[1]
_NCH_X = _IDX_FIX.shape[1]


def _chunk_order():
    shifted = [("f", j, 1) for j in range(_NCH_F)]
    shifted += [("b", j, 2) for j in range(_NCH_B)]
    fixed = [("x", j, 0) for j in range(_NCH_X)]
    order = []
    fi = si = 0
    while fi < len(fixed) or si < len(shifted):
        for _ in range(3):
            if fi < len(fixed):
                order.append(fixed[fi])
                fi += 1
        if si < len(shifted):
            order.append(shifted[si])
            si += 1
    return order


_CHUNKS = _chunk_order()


def _lane_perm(v, idx):
    return lax.gather(
        v, idx[:, None],
        dimension_numbers=lax.GatherDimensionNumbers(
            offset_dims=(), collapsed_slice_dims=(0,), start_index_map=(0,)),
        slice_sizes=(1,),
        mode=lax.GatherScatterMode.PROMISE_IN_BOUNDS)


def _shift_chunk(buf, code):
    lane = lax.iota(jnp.int32, 16)
    if code == 1:
        bidx = jnp.minimum(lane + 1, 15)
    else:
        bidx = jnp.maximum(lane - 1, 0)

    def body(r, carry):
        if code == 1:
            for i in range(7):
                buf[r, pl.ds(i * 16, 16)] = buf[r, pl.ds(i * 16 + 1, 16)]
            v = _lane_perm(buf[r, pl.ds(112, 16)], bidx)
            v = jnp.where(lane == 15, 0.0, v)
            buf[r, pl.ds(112, 16)] = v
        else:
            for i in range(7, 0, -1):
                buf[r, pl.ds(i * 16, 16)] = buf[r, pl.ds(i * 16 - 1, 16)]
            v = _lane_perm(buf[r, pl.ds(0, 16)], bidx)
            v = jnp.where(lane == 0, 0.0, v)
            buf[r, pl.ds(0, 16)] = v
        return carry

    lax.fori_loop(0, _K, body, 0)


_mesh = plsc.VectorSubcoreMesh(
    core_axis_name="c", subcore_axis_name="s",
    num_cores=_NC, num_subcores=_NS)


@functools.partial(
    pl.kernel,
    out_type=jax.ShapeDtypeStruct((_B * _C, _T), jnp.float32),
    mesh=_mesh,
    scratch_types=[
        pltpu.VMEM((_NCH_F, _K), jnp.int32),
        pltpu.VMEM((_NCH_B, _K), jnp.int32),
        pltpu.VMEM((_NCH_X, _K), jnp.int32),
        [pltpu.VMEM((_K, _T), jnp.float32) for _ in range(_RI)],
        [pltpu.SemaphoreType.DMA for _ in range(_RI)],
        [pltpu.SemaphoreType.DMA for _ in range(_RI)],
    ],
)
def _sc_shift(x_hbm, gf_hbm, gb_hbm, gx_hbm, o_hbm,
              vf, vb, vx, in_bufs, gsems, ssems):
    wid = lax.axis_index("s") * _NC + lax.axis_index("c")
    pltpu.sync_copy(gf_hbm.at[wid], vf)
    pltpu.sync_copy(gb_hbm.at[wid], vb)
    pltpu.sync_copy(gx_hbm.at[wid], vx)

    idx_refs = {"f": vf, "b": vb, "x": vx}
    n = len(_CHUNKS)
    gh = {}
    in_pending = [None] * _RI

    def start_gather(k):
        g, j, _ = _CHUNKS[k]
        s = k % _RI
        if in_pending[s] is not None:
            in_pending[s].wait()
            in_pending[s] = None
        gh[k] = pltpu.async_copy(
            x_hbm.at[idx_refs[g].at[j]], in_bufs[s], gsems[s])

    for k in range(min(_LEAD, n)):
        start_gather(k)
    for k in range(n):
        g, j, code = _CHUNKS[k]
        s = k % _RI
        gh.pop(k).wait()
        if code != 0:
            _shift_chunk(in_bufs[s], code)
        in_pending[s] = pltpu.async_copy(
            in_bufs[s], o_hbm.at[idx_refs[g].at[j]], ssems[s])
        if k + _LEAD < n:
            start_gather(k + _LEAD)
    for h in in_pending:
        if h is not None:
            h.wait()


@jax.jit
def _run(x2, gf, gb, gx):
    return _sc_shift(x2, gf, gb, gx)


def kernel(x):
    B, C, T = x.shape
    out = _run(x.reshape(B * C, T),
               jnp.asarray(_IDX_FWD), jnp.asarray(_IDX_BWD),
               jnp.asarray(_IDX_FIX))
    return out.reshape(B, C, T)

# --- scband reference (transcript-rebuilt; emitter-appended) ---
"""Pipeline reference for scband-temporal-shift-random-34617436405765 (READ-ONLY COPY).

The authoritative reference and input builder live on the scoring server;
editing this copy changes nothing except your own understanding.
"""

import jax, jax.numpy as jnp
import numpy as np

C = 2048
FOLD_DIV = 8

def _channel_split():
    # Deterministic stand-in for random.sample(channels_range, fold*2)
    rng = np.random.default_rng(0)
    perm = rng.permutation(C)
    fold = C // FOLD_DIV
    sel = perm[: 2 * fold]
    fwd = np.sort(sel[:fold])
    bwd = np.sort(sel[fold: 2 * fold])
    fixed = np.sort(perm[2 * fold:])
    return jnp.asarray(fwd), jnp.asarray(bwd), jnp.asarray(fixed)

def setup_inputs(seed: int = 0) -> dict:
    key = jax.random.key(seed)
    x = jax.random.normal(key, (128, C, 128), dtype=jnp.float32)
    return {"x": x}

def reference(x):
    # x: [B, C, T] -> permute to [B, T, C]
    xp = jnp.transpose(x, (0, 2, 1))
    fwd, bwd, fixed = _channel_split()
    out = jnp.zeros_like(xp)
    # shift-left channels: out[:, :-1, fwd] = x[:, 1:, fwd]
    out = out.at[:, :-1, fwd].set(xp[:, 1:, fwd])
    # shift-right channels: out[:, 1:, bwd] = x[:, :-1, bwd]
    out = out.at[:, 1:, bwd].set(xp[:, :-1, bwd])
    # unshifted channels copied through
    out = out.at[:, :, fixed].set(xp[:, :, fixed])
    return jnp.transpose(out, (0, 2, 1))

if __name__ == "__main__":
    import jax
    _d = setup_inputs()
    print(jax.jit(kernel)(*tuple(_d.values())))

</pallas_src>

<mosaic_0001>
#map = affine_map<(d0, d1) -> (0, 0)>
#map1 = affine_map<(d0, d1) -> (0, 0, 0)>
module attributes {stable_mosaic.version = 14 : i64} {
  func.func @_sc_shift(%arg0: i32, %arg1: i32, %arg2: memref<262144x128xf32, #tpu.memory_space<hbm>>, %arg3: memref<32x8x128xi32, #tpu.memory_space<hbm>>, %arg4: memref<32x8x128xi32, #tpu.memory_space<hbm>>, %arg5: memref<32x48x128xi32, #tpu.memory_space<hbm>>, %arg6: memref<262144x128xf32, #tpu.memory_space<hbm>>, %arg7: memref<8x128xi32, #tpu.memory_space<vmem>>, %arg8: memref<8x128xi32, #tpu.memory_space<vmem>>, %arg9: memref<48x128xi32, #tpu.memory_space<vmem>>, %arg10: memref<128x128xf32, #tpu.memory_space<vmem>>, %arg11: memref<128x128xf32, #tpu.memory_space<vmem>>, %arg12: memref<128x128xf32, #tpu.memory_space<vmem>>, %arg13: memref<128x128xf32, #tpu.memory_space<vmem>>, %arg14: memref<128x128xf32, #tpu.memory_space<vmem>>, %arg15: memref<128x128xf32, #tpu.memory_space<vmem>>, %arg16: memref<128x128xf32, #tpu.memory_space<vmem>>, %arg17: memref<!tpu.dma_semaphore, #tpu.memory_space<semaphore_mem>>, %arg18: memref<!tpu.dma_semaphore, #tpu.memory_space<semaphore_mem>>, %arg19: memref<!tpu.dma_semaphore, #tpu.memory_space<semaphore_mem>>, %arg20: memref<!tpu.dma_semaphore, #tpu.memory_space<semaphore_mem>>, %arg21: memref<!tpu.dma_semaphore, #tpu.memory_space<semaphore_mem>>, %arg22: memref<!tpu.dma_semaphore, #tpu.memory_space<semaphore_mem>>, %arg23: memref<!tpu.dma_semaphore, #tpu.memory_space<semaphore_mem>>, %arg24: memref<!tpu.dma_semaphore, #tpu.memory_space<semaphore_mem>>, %arg25: memref<!tpu.dma_semaphore, #tpu.memory_space<semaphore_mem>>, %arg26: memref<!tpu.dma_semaphore, #tpu.memory_space<semaphore_mem>>, %arg27: memref<!tpu.dma_semaphore, #tpu.memory_space<semaphore_mem>>, %arg28: memref<!tpu.dma_semaphore, #tpu.memory_space<semaphore_mem>>, %arg29: memref<!tpu.dma_semaphore, #tpu.memory_space<semaphore_mem>>, %arg30: memref<!tpu.dma_semaphore, #tpu.memory_space<semaphore_mem>>) attributes {dimension_semantics = [#tpu.dimension_semantics<core_parallel>, #tpu.dimension_semantics<subcore_parallel>], iteration_bounds = array<i64: 2, 16>, scalar_prefetch = 0 : i64, scratch_operands = 24 : i64, tpu.core_type = #tpu.core_type<sc_vector_subcore>, window_params = [{transform_indices = #map}, {transform_indices = #map1}, {transform_indices = #map1}, {transform_indices = #map1}, {transform_indices = #map}]} {
    %mul3A = arith.constant 2 : i32
    %mul3A_0 = arith.muli %arg1, %mul3A : i32
    %add3A = arith.addi %mul3A_0, %arg0 : i32
    "tpu.region"() ({
      %run_scoped3A = tpu.sem_alloc : memref<!tpu.dma_semaphore, #tpu.memory_space<semaphore_mem>>
      %dma_start3A_1994 = arith.constant 0 : i32
      %dma_start3A_1995 = arith.constant 0 : i32
      %dma_start3A_1996 = tpu.memref_slice %arg3[%add3A, %dma_start3A_1994, %dma_start3A_1995] : memref<32x8x128xi32, #tpu.memory_space<hbm>> -> memref<1x8x128xi32, #tpu.memory_space<hbm>>
      %dma_start3A_1997 = tpu.memref_squeeze %dma_start3A_1996 : memref<1x8x128xi32, #tpu.memory_space<hbm>> -> memref<8x128xi32, #tpu.memory_space<hbm>>
      %dma_start3A_1998 = arith.constant 0 : i32
      %dma_start3A_1999 = arith.constant 0 : i32
      %dma_start3A_2000 = tpu.memref_slice %arg3[%add3A, %dma_start3A_1998, %dma_start3A_1999] : memref<32x8x128xi32, #tpu.memory_space<hbm>> -> memref<1x8x128xi32, #tpu.memory_space<hbm>>
      %dma_start3A_2001 = tpu.memref_squeeze %dma_start3A_2000 : memref<1x8x128xi32, #tpu.memory_space<hbm>> -> memref<8x128xi32, #tpu.memory_space<hbm>>
      tpu.enqueue_dma source(%dma_start3A_2001 : memref<8x128xi32, #tpu.memory_space<hbm>>) target(%arg7 : memref<8x128xi32, #tpu.memory_space<vmem>>) target_semaphore(%run_scoped3A : memref<!tpu.dma_semaphore, #tpu.memory_space<semaphore_mem>>)
      %dma_wait3A_2002 = arith.constant 0 : i32
      %dma_wait3A_2003 = arith.constant 0 : i32
      %dma_wait3A_2004 = tpu.memref_slice %arg3[%add3A, %dma_wait3A_2002, %dma_wait3A_2003] : memref<32x8x128xi32, #tpu.memory_space<hbm>> -> memref<1x8x128xi32, #tpu.memory_space<hbm>>
      %dma_wait3A_2005 = tpu.memref_squeeze %dma_wait3A_2004 : memref<1x8x128xi32, #tpu.memory_space<hbm>> -> memref<8x128xi32, #tpu.memory_space<hbm>>
      %dma_wait3A_2006 = arith.constant 0 : i32
      %dma_wait3A_2007 = arith.constant 0 : i32
      %dma_wait3A_2008 = tpu.memref_slice %arg3[%add3A, %dma_wait3A_2006, %dma_wait3A_2007] : memref<32x8x128xi32, #tpu.memory_space<hbm>> -> memref<1x8x128xi32, #tpu.memory_space<hbm>>
      %dma_wait3A_2009 = tpu.memref_squeeze %dma_wait3A_2008 : memref<1x8x128xi32, #tpu.memory_space<hbm>> -> memref<8x128xi32, #tpu.memory_space<hbm>>
      tpu.wait_dma2 semaphore(%run_scoped3A : memref<!tpu.dma_semaphore, #tpu.memory_space<semaphore_mem>>) src(%dma_wait3A_2009 : memref<8x128xi32, #tpu.memory_space<hbm>>) dst(%arg7 : memref<8x128xi32, #tpu.memory_space<vmem>>)
      tpu.yield
    }) : () -> ()
    "tpu.region"() ({
      %run_scoped3A = tpu.sem_alloc : memref<!tpu.dma_semaphore, #tpu.memory_space<semaphore_mem>>
      %dma_start3A_1994 = arith.constant 0 : i32
      %dma_start3A_1995 = arith.constant 0 : i32
      %dma_start3A_1996 = tpu.memref_slice %arg4[%add3A, %dma_start3A_1994, %dma_start3A_1995] : memref<32x8x128xi32, #tpu.memory_space<hbm>> -> memref<1x8x128xi32, #tpu.memory_space<hbm>>
      %dma_start3A_1997 = tpu.memref_squeeze %dma_start3A_1996 : memref<1x8x128xi32, #tpu.memory_space<hbm>> -> memref<8x128xi32, #tpu.memory_space<hbm>>
      %dma_start3A_1998 = arith.constant 0 : i32
      %dma_start3A_1999 = arith.constant 0 : i32
      %dma_start3A_2000 = tpu.memref_slice %arg4[%add3A, %dma_start3A_1998, %dma_start3A_1999] : memref<32x8x128xi32, #tpu.memory_space<hbm>> -> memref<1x8x128xi32, #tpu.memory_space<hbm>>
      %dma_start3A_2001 = tpu.memref_squeeze %dma_start3A_2000 : memref<1x8x128xi32, #tpu.memory_space<hbm>> -> memref<8x128xi32, #tpu.memory_space<hbm>>
      tpu.enqueue_dma source(%dma_start3A_2001 : memref<8x128xi32, #tpu.memory_space<hbm>>) target(%arg8 : memref<8x128xi32, #tpu.memory_space<vmem>>) target_semaphore(%run_scoped3A : memref<!tpu.dma_semaphore, #tpu.memory_space<semaphore_mem>>)
      %dma_wait3A_2002 = arith.constant 0 : i32
      %dma_wait3A_2003 = arith.constant 0 : i32
      %dma_wait3A_2004 = tpu.memref_slice %arg4[%add3A, %dma_wait3A_2002, %dma_wait3A_2003] : memref<32x8x128xi32, #tpu.memory_space<hbm>> -> memref<1x8x128xi32, #tpu.memory_space<hbm>>
      %dma_wait3A_2005 = tpu.memref_squeeze %dma_wait3A_2004 : memref<1x8x128xi32, #tpu.memory_space<hbm>> -> memref<8x128xi32, #tpu.memory_space<hbm>>
      %dma_wait3A_2006 = arith.constant 0 : i32
      %dma_wait3A_2007 = arith.constant 0 : i32
      %dma_wait3A_2008 = tpu.memref_slice %arg4[%add3A, %dma_wait3A_2006, %dma_wait3A_2007] : memref<32x8x128xi32, #tpu.memory_space<hbm>> -> memref<1x8x128xi32, #tpu.memory_space<hbm>>
      %dma_wait3A_2009 = tpu.memref_squeeze %dma_wait3A_2008 : memref<1x8x128xi32, #tpu.memory_space<hbm>> -> memref<8x128xi32, #tpu.memory_space<hbm>>
      tpu.wait_dma2 semaphore(%run_scoped3A : memref<!tpu.dma_semaphore, #tpu.memory_space<semaphore_mem>>) src(%dma_wait3A_2009 : memref<8x128xi32, #tpu.memory_space<hbm>>) dst(%arg8 : memref<8x128xi32, #tpu.memory_space<vmem>>)
      tpu.yield
    }) : () -> ()
    "tpu.region"() ({
      %run_scoped3A = tpu.sem_alloc : memref<!tpu.dma_semaphore, #tpu.memory_space<semaphore_mem>>
      %dma_start3A_1994 = arith.constant 0 : i32
      %dma_start3A_1995 = arith.constant 0 : i32
      %dma_start3A_1996 = tpu.memref_slice %arg5[%add3A, %dma_start3A_1994, %dma_start3A_1995] : memref<32x48x128xi32, #tpu.memory_space<hbm>> -> memref<1x48x128xi32, #tpu.memory_space<hbm>>
      %dma_start3A_1997 = tpu.memref_squeeze %dma_start3A_1996 : memref<1x48x128xi32, #tpu.memory_space<hbm>> -> memref<48x128xi32, #tpu.memory_space<hbm>>
      %dma_start3A_1998 = arith.constant 0 : i32
      %dma_start3A_1999 = arith.constant 0 : i32
      %dma_start3A_2000 = tpu.memref_slice %arg5[%add3A, %dma_start3A_1998, %dma_start3A_1999] : memref<32x48x128xi32, #tpu.memory_space<hbm>> -> memref<1x48x128xi32, #tpu.memory_space<hbm>>
      %dma_start3A_2001 = tpu.memref_squeeze %dma_start3A_2000 : memref<1x48x128xi32, #tpu.memory_space<hbm>> -> memref<48x128xi32, #tpu.memory_space<hbm>>
      tpu.enqueue_dma source(%dma_start3A_2001 : memref<48x128xi32, #tpu.memory_space<hbm>>) target(%arg9 : memref<48x128xi32, #tpu.memory_space<vmem>>) target_semaphore(%run_scoped3A : memref<!tpu.dma_semaphore, #tpu.memory_space<semaphore_mem>>)
      %dma_wait3A_2002 = arith.constant 0 : i32
      %dma_wait3A_2003 = arith.constant 0 : i32
      %dma_wait3A_2004 = tpu.memref_slice %arg5[%add3A, %dma_wait3A_2002, %dma_wait3A_2003] : memref<32x48x128xi32, #tpu.memory_space<hbm>> -> memref<1x48x128xi32, #tpu.memory_space<hbm>>
      %dma_wait3A_2005 = tpu.memref_squeeze %dma_wait3A_2004 : memref<1x48x128xi32, #tpu.memory_space<hbm>> -> memref<48x128xi32, #tpu.memory_space<hbm>>
      %dma_wait3A_2006 = arith.constant 0 : i32
      %dma_wait3A_2007 = arith.constant 0 : i32
      %dma_wait3A_2008 = tpu.memref_slice %arg5[%add3A, %dma_wait3A_2006, %dma_wait3A_2007] : memref<32x48x128xi32, #tpu.memory_space<hbm>> -> memref<1x48x128xi32, #tpu.memory_space<hbm>>
      %dma_wait3A_2009 = tpu.memref_squeeze %dma_wait3A_2008 : memref<1x48x128xi32, #tpu.memory_space<hbm>> -> memref<48x128xi32, #tpu.memory_space<hbm>>
      tpu.wait_dma2 semaphore(%run_scoped3A : memref<!tpu.dma_semaphore, #tpu.memory_space<semaphore_mem>>) src(%dma_wait3A_2009 : memref<48x128xi32, #tpu.memory_space<hbm>>) dst(%arg9 : memref<48x128xi32, #tpu.memory_space<vmem>>)
      tpu.yield
    }) : () -> ()
    %dma_start3A = arith.constant 0 : i32
    %dma_start3A_1 = arith.constant 0 : i32
    %dma_start3A_2 = tpu.memref_slice %arg9[%dma_start3A, %dma_start3A_1] : memref<48x128xi32, #tpu.memory_space<vmem>> -> memref<1x128xi32, #tpu.memory_space<vmem>>
    %dma_start3A_3 = tpu.memref_squeeze %dma_start3A_2 : memref<1x128xi32, #tpu.memory_space<vmem>> -> memref<128xi32, #tpu.memory_space<vmem>>
    %dma_start3A_4 = arith.constant 0 : i32
    %dma_start3A_5 = arith.constant 0 : i32
    %dma_start3A_6 = tpu.memref_slice %arg2[%dma_start3A_4, %dma_start3A_5] : memref<262144x128xf32, #tpu.memory_space<hbm>> -> memref<262144x128xf32, #tpu.memory_space<hbm>>
    tpu.enqueue_indirect_dma source(%dma_start3A_6 : memref<262144x128xf32, #tpu.memory_space<hbm>>) target(%arg10 : memref<128x128xf32, #tpu.memory_space<vmem>>) offsets(%dma_start3A_3 : memref<128xi32, #tpu.memory_space<vmem>>) semaphore(%arg17 : memref<!tpu.dma_semaphore, #tpu.memory_space<semaphore_mem>>)
    %dma_start3A_7 = arith.constant 1 : i32
    %dma_start3A_8 = arith.constant 0 : i32
    %dma_start3A_9 = tpu.memref_slice %arg9[%dma_start3A_7, %dma_start3A_8] : memref<48x128xi32, #tpu.memory_space<vmem>> -> memref<1x128xi32, #tpu.memory_space<vmem>>
    %dma_start3A_10 = tpu.memref_squeeze %dma_start3A_9 : memref<1x128xi32, #tpu.memory_space<vmem>> -> memref<128xi32, #tpu.memory_space<vmem>>
    %dma_start3A_11 = arith.constant 0 : i32
    %dma_start3A_12 = arith.constant 0 : i32
    %dma_start3A_13 = tpu.memref_slice %arg2[%dma_start3A_11, %dma_start3A_12] : memref<262144x128xf32, #tpu.memory_space<hbm>> -> memref<262144x128xf32, #tpu.memory_space<hbm>>
    tpu.enqueue_indirect_dma source(%dma_start3A_13 : memref<262144x128xf32, #tpu.memory_space<hbm>>) target(%arg11 : memref<128x128xf32, #tpu.memory_space<vmem>>) offsets(%dma_start3A_10 : memref<128xi32, #tpu.memory_space<vmem>>) semaphore(%arg18 : memref<!tpu.dma_semaphore, #tpu.memory_space<semaphore_mem>>)
    %dma_start3A_14 = arith.constant 2 : i32
    %dma_start3A_15 = arith.constant 0 : i32
    %dma_start3A_16 = tpu.memref_slice %arg9[%dma_start3A_14, %dma_start3A_15] : memref<48x128xi32, #tpu.memory_space<vmem>> -> memref<1x128xi32, #tpu.memory_space<vmem>>
    %dma_start3A_17 = tpu.memref_squeeze %dma_start3A_16 : memref<1x128xi32, #tpu.memory_space<vmem>> -> memref<128xi32, #tpu.memory_space<vmem>>
    %dma_start3A_18 = arith.constant 0 : i32
    %dma_start3A_19 = arith.constant 0 : i32
    %dma_start3A_20 = tpu.memref_slice %arg2[%dma_start3A_18, %dma_start3A_19] : memref<262144x128xf32, #tpu.memory_space<hbm>> -> memref<262144x128xf32, #tpu.memory_space<hbm>>
    tpu.enqueue_indirect_dma source(%dma_start3A_20 : memref<262144x128xf32, #tpu.memory_space<hbm>>) target(%arg12 : memref<128x128xf32, #tpu.memory_space<vmem>>) offsets(%dma_start3A_17 : memref<128xi32, #tpu.memory_space<vmem>>) semaphore(%arg19 : memref<!tpu.dma_semaphore, #tpu.memory_space<semaphore_mem>>)
    %dma_start3A_21 = arith.constant 0 : i32
    %dma_start3A_22 = arith.constant 0 : i32
    %dma_start3A_23 = tpu.memref_slice %arg7[%dma_start3A_21, %dma_start3A_22] : memref<8x128xi32, #tpu.memory_space<vmem>> -> memref<1x128xi32, #tpu.memory_space<vmem>>
    %dma_start3A_24 = tpu.memref_squeeze %dma_start3A_23 : memref<1x128xi32, #tpu.memory_space<vmem>> -> memref<128xi32, #tpu.memory_space<vmem>>
    %dma_start3A_25 = arith.constant 0 : i32
    %dma_start3A_26 = arith.constant 0 : i32
    %dma_start3A_27 = tpu.memref_slice %arg2[%dma_start3A_25, %dma_start3A_26] : memref<262144x128xf32, #tpu.memory_space<hbm>> -> memref<262144x128xf32, #tpu.memory_space<hbm>>
    tpu.enqueue_indirect_dma source(%dma_start3A_27 : memref<262144x128xf32, #tpu.memory_space<hbm>>) target(%arg13 : memref<128x128xf32, #tpu.memory_space<vmem>>) offsets(%dma_start3A_24 : memref<128xi32, #tpu.memory_space<vmem>>) semaphore(%arg20 : memref<!tpu.dma_semaphore, #tpu.memory_space<semaphore_mem>>)
    %dma_start3A_28 = arith.constant 3 : i32
    %dma_start3A_29 = arith.constant 0 : i32
    %dma_start3A_30 = tpu.memref_slice %arg9[%dma_start3A_28, %dma_start3A_29] : memref<48x128xi32, #tpu.memory_space<vmem>> -> memref<1x128xi32, #tpu.memory_space<vmem>>
    %dma_start3A_31 = tpu.memref_squeeze %dma_start3A_30 : memref<1x128xi32, #tpu.memory_space<vmem>> -> memref<128xi32, #tpu.memory_space<vmem>>
    %dma_start3A_32 = arith.constant 0 : i32
    %dma_start3A_33 = arith.constant 0 : i32
    %dma_start3A_34 = tpu.memref_slice %arg2[%dma_start3A_32, %dma_start3A_33] : memref<262144x128xf32, #tpu.memory_space<hbm>> -> memref<262144x128xf32, #tpu.memory_space<hbm>>
    tpu.enqueue_indirect_dma source(%dma_start3A_34 : memref<262144x128xf32, #tpu.memory_space<hbm>>) target(%arg14 : memref<128x128xf32, #tpu.memory_space<vmem>>) offsets(%dma_start3A_31 : memref<128xi32, #tpu.memory_space<vmem>>) semaphore(%arg21 : memref<!tpu.dma_semaphore, #tpu.memory_space<semaphore_mem>>)
    %dma_wait3A = arith.constant 0 : i32
    %dma_wait3A_35 = arith.constant 0 : i32
    %dma_wait3A_36 = tpu.memref_slice %arg9[%dma_wait3A, %dma_wait3A_35] : memref<48x128xi32, #tpu.memory_space<vmem>> -> memref<1x128xi32, #tpu.memory_space<vmem>>
    %dma_wait3A_37 = tpu.memref_squeeze %dma_wait3A_36 : memref<1x128xi32, #tpu.memory_space<vmem>> -> memref<128xi32, #tpu.memory_space<vmem>>
    %dma_wait3A_38 = arith.constant 0 : i32
    %dma_wait3A_39 = arith.constant 0 : i32
    %dma_wait3A_40 = tpu.memref_slice %arg2[%dma_wait3A_38, %dma_wait3A_39] : memref<262144x128xf32, #tpu.memory_space<hbm>> -> memref<262144x128xf32, #tpu.memory_space<hbm>>
    tpu.wait_indirect_dma semaphore(%arg17 : memref<!tpu.dma_semaphore, #tpu.memory_space<semaphore_mem>>) src(%dma_wait3A_40 : memref<262144x128xf32, #tpu.memory_space<hbm>>) dst(%arg10 : memref<128x128xf32, #tpu.memory_space<vmem>>)
    %dma_start3A_41 = arith.constant 0 : i32
    %dma_start3A_42 = arith.constant 0 : i32
    %dma_start3A_43 = tpu.memref_slice %arg9[%dma_start3A_41, %dma_start3A_42] : memref<48x128xi32, #tpu.memory_space<vmem>> -> memref<1x128xi32, #tpu.memory_space<vmem>>
    %dma_start3A_44 = tpu.memref_squeeze %dma_start3A_43 : memref<1x128xi32, #tpu.memory_space<vmem>> -> memref<128xi32, #tpu.memory_space<vmem>>
    %dma_start3A_45 = arith.constant 0 : i32
    %dma_start3A_46 = arith.constant 0 : i32
    %dma_start3A_47 = tpu.memref_slice %arg6[%dma_start3A_45, %dma_start3A_46] : memref<262144x128xf32, #tpu.memory_space<hbm>> -> memref<262144x128xf32, #tpu.memory_space<hbm>>
    tpu.enqueue_indirect_dma source(%arg10 : memref<128x128xf32, #tpu.memory_space<vmem>>) target(%dma_start3A_47 : memref<262144x128xf32, #tpu.memory_space<hbm>>) offsets(%dma_start3A_44 : memref<128xi32, #tpu.memory_space<vmem>>) semaphore(%arg24 : memref<!tpu.dma_semaphore, #tpu.memory_space<semaphore_mem>>)
    %dma_start3A_48 = arith.constant 4 : i32
    %dma_start3A_49 = arith.constant 0 : i32
    %dma_start3A_50 = tpu.memref_slice %arg9[%dma_start3A_48, %dma_start3A_49] : memref<48x128xi32, #tpu.memory_space<vmem>> -> memref<1x128xi32, #tpu.memory_space<vmem>>
    %dma_start3A_51 = tpu.memref_squeeze %dma_start3A_50 : memref<1x128xi32, #tpu.memory_space<vmem>> -> memref<128xi32, #tpu.memory_space<vmem>>
    %dma_start3A_52 = arith.constant 0 : i32
    %dma_start3A_53 = arith.constant 0 : i32
    %dma_start3A_54 = tpu.memref_slice %arg2[%dma_start3A_52, %dma_start3A_53] : memref<262144x128xf32, #tpu.memory_space<hbm>> -> memref<262144x128xf32, #tpu.memory_space<hbm>>
    tpu.enqueue_indirect_dma source(%dma_start3A_54 : memref<262144x128xf32, #tpu.memory_space<hbm>>) target(%arg15 : memref<128x128xf32, #tpu.memory_space<vmem>>) offsets(%dma_start3A_51 : memref<128xi32, #tpu.memory_space<vmem>>) semaphore(%arg22 : memref<!tpu.dma_semaphore, #tpu.memory_space<semaphore_mem>>)
    %dma_wait3A_55 = arith.constant 1 : i32
    %dma_wait3A_56 = arith.constant 0 : i32
    %dma_wait3A_57 = tpu.memref_slice %arg9[%dma_wait3A_55, %dma_wait3A_56] : memref<48x128xi32, #tpu.memory_space<vmem>> -> memref<1x128xi32, #tpu.memory_space<vmem>>
    %dma_wait3A_58 = tpu.memref_squeeze %dma_wait3A_57 : memref<1x128xi32, #tpu.memory_space<vmem>> -> memref<128xi32, #tpu.memory_space<vmem>>
    %dma_wait3A_59 = arith.constant 0 : i32
    %dma_wait3A_60 = arith.constant 0 : i32
    %dma_wait3A_61 = tpu.memref_slice %arg2[%dma_wait3A_59, %dma_wait3A_60] : memref<262144x128xf32, #tpu.memory_space<hbm>> -> memref<262144x128xf32, #tpu.memory_space<hbm>>
    tpu.wait_indirect_dma semaphore(%arg18 : memref<!tpu.dma_semaphore, #tpu.memory_space<semaphore_mem>>) src(%dma_wait3A_61 : memref<262144x128xf32, #tpu.memory_space<hbm>>) dst(%arg11 : memref<128x128xf32, #tpu.memory_space<vmem>>)
    %dma_start3A_62 = arith.constant 1 : i32
    %dma_start3A_63 = arith.constant 0 : i32
    %dma_start3A_64 = tpu.memref_slice %arg9[%dma_start3A_62, %dma_start3A_63] : memref<48x128xi32, #tpu.memory_space<vmem>> -> memref<1x128xi32, #tpu.memory_space<vmem>>
    %dma_start3A_65 = tpu.memref_squeeze %dma_start3A_64 : memref<1x128xi32, #tpu.memory_space<vmem>> -> memref<128xi32, #tpu.memory_space<vmem>>
    %dma_start3A_66 = arith.constant 0 : i32
    %dma_start3A_67 = arith.constant 0 : i32
    %dma_start3A_68 = tpu.memref_slice %arg6[%dma_start3A_66, %dma_start3A_67] : memref<262144x128xf32, #tpu.memory_space<hbm>> -> memref<262144x128xf32, #tpu.memory_space<hbm>>
    tpu.enqueue_indirect_dma source(%arg11 : memref<128x128xf32, #tpu.memory_space<vmem>>) target(%dma_start3A_68 : memref<262144x128xf32, #tpu.memory_space<hbm>>) offsets(%dma_start3A_65 : memref<128xi32, #tpu.memory_space<vmem>>) semaphore(%arg25 : memref<!tpu.dma_semaphore, #tpu.memory_space<semaphore_mem>>)
    %dma_start3A_69 = arith.constant 5 : i32
    %dma_start3A_70 = arith.constant 0 : i32
    %dma_start3A_71 = tpu.memref_slice %arg9[%dma_start3A_69, %dma_start3A_70] : memref<48x128xi32, #tpu.memory_space<vmem>> -> memref<1x128xi32, #tpu.memory_space<vmem>>
    %dma_start3A_72 = tpu.memref_squeeze %dma_start3A_71 : memref<1x128xi32, #tpu.memory_space<vmem>> -> memref<128xi32, #tpu.memory_space<vmem>>
    %dma_start3A_73 = arith.constant 0 : i32
    %dma_start3A_74 = arith.constant 0 : i32
    %dma_start3A_75 = tpu.memref_slice %arg2[%dma_start3A_73, %dma_start3A_74] : memref<262144x128xf32, #tpu.memory_space<hbm>> -> memref<262144x128xf32, #tpu.memory_space<hbm>>
    tpu.enqueue_indirect_dma source(%dma_start3A_75 : memref<262144x128xf32, #tpu.memory_space<hbm>>) target(%arg16 : memref<128x128xf32, #tpu.memory_space<vmem>>) offsets(%dma_start3A_72 : memref<128xi32, #tpu.memory_space<vmem>>) semaphore(%arg23 : memref<!tpu.dma_semaphore, #tpu.memory_space<semaphore_mem>>)
    %dma_wait3A_76 = arith.constant 2 : i32
    %dma_wait3A_77 = arith.constant 0 : i32
    %dma_wait3A_78 = tpu.memref_slice %arg9[%dma_wait3A_76, %dma_wait3A_77] : memref<48x128xi32, #tpu.memory_space<vmem>> -> memref<1x128xi32, #tpu.memory_space<vmem>>
    %dma_wait3A_79 = tpu.memref_squeeze %dma_wait3A_78 : memref<1x128xi32, #tpu.memory_space<vmem>> -> memref<128xi32, #tpu.memory_space<vmem>>
    %dma_wait3A_80 = arith.constant 0 : i32
    %dma_wait3A_81 = arith.constant 0 : i32
    %dma_wait3A_82 = tpu.memref_slice %arg2[%dma_wait3A_80, %dma_wait3A_81] : memref<262144x128xf32, #tpu.memory_space<hbm>> -> memref<262144x128xf32, #tpu.memory_space<hbm>>
    tpu.wait_indirect_dma semaphore(%arg19 : memref<!tpu.dma_semaphore, #tpu.memory_space<semaphore_mem>>) src(%dma_wait3A_82 : memref<262144x128xf32, #tpu.memory_space<hbm>>) dst(%arg12 : memref<128x128xf32, #tpu.memory_space<vmem>>)
    %dma_start3A_83 = arith.constant 2 : i32
    %dma_start3A_84 = arith.constant 0 : i32
    %dma_start3A_85 = tpu.memref_slice %arg9[%dma_start3A_83, %dma_start3A_84] : memref<48x128xi32, #tpu.memory_space<vmem>> -> memref<1x128xi32, #tpu.memory_space<vmem>>
    %dma_start3A_86 = tpu.memref_squeeze %dma_start3A_85 : memref<1x128xi32, #tpu.memory_space<vmem>> -> memref<128xi32, #tpu.memory_space<vmem>>
    %dma_start3A_87 = arith.constant 0 : i32
    %dma_start3A_88 = arith.constant 0 : i32
    %dma_start3A_89 = tpu.memref_slice %arg6[%dma_start3A_87, %dma_start3A_88] : memref<262144x128xf32, #tpu.memory_space<hbm>> -> memref<262144x128xf32, #tpu.memory_space<hbm>>
    tpu.enqueue_indirect_dma source(%arg12 : memref<128x128xf32, #tpu.memory_space<vmem>>) target(%dma_start3A_89 : memref<262144x128xf32, #tpu.memory_space<hbm>>) offsets(%dma_start3A_86 : memref<128xi32, #tpu.memory_space<vmem>>) semaphore(%arg26 : memref<!tpu.dma_semaphore, #tpu.memory_space<semaphore_mem>>)
    %dma_wait3A_90 = arith.constant 0 : i32
    %dma_wait3A_91 = arith.constant 0 : i32
    %dma_wait3A_92 = tpu.memref_slice %arg9[%dma_wait3A_90, %dma_wait3A_91] : memref<48x128xi32, #tpu.memory_space<vmem>> -> memref<1x128xi32, #tpu.memory_space<vmem>>
    %dma_wait3A_93 = tpu.memref_squeeze %dma_wait3A_92 : memref<1x128xi32, #tpu.memory_space<vmem>> -> memref<128xi32, #tpu.memory_space<vmem>>
    %dma_wait3A_94 = arith.constant 0 : i32
    %dma_wait3A_95 = arith.constant 0 : i32
    %dma_wait3A_96 = tpu.memref_slice %arg6[%dma_wait3A_94, %dma_wait3A_95] : memref<262144x128xf32, #tpu.memory_space<hbm>> -> memref<262144x128xf32, #tpu.memory_space<hbm>>
    tpu.wait_indirect_dma semaphore(%arg24 : memref<!tpu.dma_semaphore, #tpu.memory_space<semaphore_mem>>) src(%arg10 : memref<128x128xf32, #tpu.memory_space<vmem>>) dst(%dma_wait3A_96 : memref<262144x128xf32, #tpu.memory_space<hbm>>)
    %dma_start3A_97 = arith.constant 1 : i32
    %dma_start3A_98 = arith.constant 0 : i32
    %dma_start3A_99 = tpu.memref_slice %arg7[%dma_start3A_97, %dma_start3A_98] : memref<8x128xi32, #tpu.memory_space<vmem>> -> memref<1x128xi32, #tpu.memory_space<vmem>>
    %dma_start3A_100 = tpu.memref_squeeze %dma_start3A_99 : memref<1x128xi32, #tpu.memory_space<vmem>> -> memref<128xi32, #tpu.memory_space<vmem>>
    %dma_start3A_101 = arith.constant 0 : i32
    %dma_start3A_102 = arith.constant 0 : i32
    %dma_start3A_103 = tpu.memref_slice %arg2[%dma_start3A_101, %dma_start3A_102] : memref<262144x128xf32, #tpu.memory_space<hbm>> -> memref<262144x128xf32, #tpu.memory_space<hbm>>
    tpu.enqueue_indirect_dma source(%dma_start3A_103 : memref<262144x128xf32, #tpu.memory_space<hbm>>) target(%arg10 : memref<128x128xf32, #tpu.memory_space<vmem>>) offsets(%dma_start3A_100 : memref<128xi32, #tpu.memory_space<vmem>>) semaphore(%arg17 : memref<!tpu.dma_semaphore, #tpu.memory_space<semaphore_mem>>)
    %dma_wait3A_104 = arith.constant 0 : i32
    %dma_wait3A_105 = arith.constant 0 : i32
    %dma_wait3A_106 = tpu.memref_slice %arg7[%dma_wait3A_104, %dma_wait3A_105] : memref<8x128xi32, #tpu.memory_space<vmem>> -> memref<1x128xi32, #tpu.memory_space<vmem>>
    %dma_wait3A_107 = tpu.memref_squeeze %dma_wait3A_106 : memref<1x128xi32, #tpu.memory_space<vmem>> -> memref<128xi32, #tpu.memory_space<vmem>>
    %dma_wait3A_108 = arith.constant 0 : i32
    %dma_wait3A_109 = arith.constant 0 : i32
    %dma_wait3A_110 = tpu.memref_slice %arg2[%dma_wait3A_108, %dma_wait3A_109] : memref<262144x128xf32, #tpu.memory_space<hbm>> -> memref<262144x128xf32, #tpu.memory_space<hbm>>
    tpu.wait_indirect_dma semaphore(%arg20 : memref<!tpu.dma_semaphore, #tpu.memory_space<semaphore_mem>>) src(%dma_wait3A_110 : memref<262144x128xf32, #tpu.memory_space<hbm>>) dst(%arg13 : memref<128x128xf32, #tpu.memory_space<vmem>>)
    %iota3A = tpu.iota {dimensions = array<i32: 0>} : vector<16xi32>
    %add3A_111 = arith.constant 1 : i32
    %add3A_112 = vector.broadcast %add3A_111 : i32 to vector<16xi32>
    %add3A_113 = arith.addi %iota3A, %add3A_112 : vector<16xi32>
    %min3A = arith.constant 15 : i32
    %min3A_114 = vector.broadcast %min3A : i32 to vector<16xi32>
    %min3A_115 = arith.minsi %add3A_113, %min3A_114 : vector<16xi32>
    %scan3A = arith.constant 0 : i32
    %scan3A_116 = arith.constant 0 : i32
    %scan3A_117 = arith.constant 128 : i32
    %scan3A_118 = arith.addi %scan3A_116, %scan3A_117 : i32
    %scan3A_119 = arith.constant 1 : i32
    scf.for %scan3A_1994 = %scan3A_116 to %scan3A_118 step %scan3A_119  : i32 {
      %get3A = arith.index_cast %scan3A_1994 : i32 to index
      %get3A_1995 = arith.constant 1 : index
      %get3A_1996 = tpu.vector_load %arg13[%get3A, %get3A_1995] {strides = array<i32>} : memref<128x128xf32, #tpu.memory_space<vmem>>, vector<1x16xf32>,
      %get3A_1997 = vector.shape_cast %get3A_1996 : vector<1x16xf32> to vector<16xf32>
      %swap3A = arith.index_cast %scan3A_1994 : i32 to index
      %swap3A_1998 = arith.constant 0 : index
      %swap3A_1999 = tpu.vector_load %arg13[%swap3A, %swap3A_1998] {strides = array<i32>} : memref<128x128xf32, #tpu.memory_space<vmem>>, vector<1x16xf32>,
      %swap3A_2000 = vector.shape_cast %swap3A_1999 : vector<1x16xf32> to vector<16xf32>
      %swap3A_2001 = vector.shape_cast %get3A_1997 : vector<16xf32> to vector<1x16xf32>
      tpu.vector_store %arg13[%swap3A, %swap3A_1998], %swap3A_2001 {strides = array<i32>} : memref<128x128xf32, #tpu.memory_space<vmem>>, vector<1x16xf32>,
      %get3A_2002 = arith.index_cast %scan3A_1994 : i32 to index
      %get3A_2003 = arith.constant 17 : index
      %get3A_2004 = tpu.vector_load %arg13[%get3A_2002, %get3A_2003] {strides = array<i32>} : memref<128x128xf32, #tpu.memory_space<vmem>>, vector<1x16xf32>,
      %get3A_2005 = vector.shape_cast %get3A_2004 : vector<1x16xf32> to vector<16xf32>
      %swap3A_2006 = arith.index_cast %scan3A_1994 : i32 to index
      %swap3A_2007 = arith.constant 16 : index
      %swap3A_2008 = tpu.vector_load %arg13[%swap3A_2006, %swap3A_2007] {strides = array<i32>} : memref<128x128xf32, #tpu.memory_space<vmem>>, vector<1x16xf32>,
      %swap3A_2009 = vector.shape_cast %swap3A_2008 : vector<1x16xf32> to vector<16xf32>
      %swap3A_2010 = vector.shape_cast %get3A_2005 : vector<16xf32> to vector<1x16xf32>
      tpu.vector_store %arg13[%swap3A_2006, %swap3A_2007], %swap3A_2010 {strides = array<i32>} : memref<128x128xf32, #tpu.memory_space<vmem>>, vector<1x16xf32>,
      %get3A_2011 = arith.index_cast %scan3A_1994 : i32 to index
      %get3A_2012 = arith.constant 33 : index
      %get3A_2013 = tpu.vector_load %arg13[%get3A_2011, %get3A_2012] {strides = array<i32>} : memref<128x128xf32, #tpu.memory_space<vmem>>, vector<1x16xf32>,
      %get3A_2014 = vector.shape_cast %get3A_2013 : vector<1x16xf32> to vector<16xf32>
      %swap3A_2015 = arith.index_cast %scan3A_1994 : i32 to index
      %swap3A_2016 = arith.constant 32 : index
      %swap3A_2017 = tpu.vector_load %arg13[%swap3A_2015, %swap3A_2016] {strides = array<i32>} : memref<128x128xf32, #tpu.memory_space<vmem>>, vector<1x16xf32>,
      %swap3A_2018 = vector.shape_cast %swap3A_2017 : vector<1x16xf32> to vector<16xf32>
      %swap3A_2019 = vector.shape_cast %get3A_2014 : vector<16xf32> to vector<1x16xf32>
      tpu.vector_store %arg13[%swap3A_2015, %swap3A_2016], %swap3A_2019 {strides = array<i32>} : memref<128x128xf32, #tpu.memory_space<vmem>>, vector<1x16xf32>,
      %get3A_2020 = arith.index_cast %scan3A_1994 : i32 to index
      %get3A_2021 = arith.constant 49 : index
      %get3A_2022 = tpu.vector_load %arg13[%get3A_2020, %get3A_2021] {strides = array<i32>} : memref<128x128xf32, #tpu.memory_space<vmem>>, vector<1x16xf32>,
      %get3A_2023 = vector.shape_cast %get3A_2022 : vector<1x16xf32> to vector<16xf32>
      %swap3A_2024 = arith.index_cast %scan3A_1994 : i32 to index
      %swap3A_2025 = arith.constant 48 : index
      %swap3A_2026 = tpu.vector_load %arg13[%swap3A_2024, %swap3A_2025] {strides = array<i32>} : memref<128x128xf32, #tpu.memory_space<vmem>>, vector<1x16xf32>,
      %swap3A_2027 = vector.shape_cast %swap3A_2026 : vector<1x16xf32> to vector<16xf32>
      %swap3A_2028 = vector.shape_cast %get3A_2023 : vector<16xf32> to vector<1x16xf32>
      tpu.vector_store %arg13[%swap3A_2024, %swap3A_2025], %swap3A_2028 {strides = array<i32>} : memref<128x128xf32, #tpu.memory_space<vmem>>, vector<1x16xf32>,
      %get3A_2029 = arith.index_cast %scan3A_1994 : i32 to index
      %get3A_2030 = arith.constant 65 : index
      %get3A_2031 = tpu.vector_load %arg13[%get3A_2029, %get3A_2030] {strides = array<i32>} : memref<128x128xf32, #tpu.memory_space<vmem>>, vector<1x16xf32>,
      %get3A_2032 = vector.shape_cast %get3A_2031 : vector<1x16xf32> to vector<16xf32>
      %swap3A_2033 = arith.index_cast %scan3A_1994 : i32 to index
      %swap3A_2034 = arith.constant 64 : index
      %swap3A_2035 = tpu.vector_load %arg13[%swap3A_2033, %swap3A_2034] {strides = array<i32>} : memref<128x128xf32, #tpu.memory_space<vmem>>, vector<1x16xf32>,
      %swap3A_2036 = vector.shape_cast %swap3A_2035 : vector<1x16xf32> to vector<16xf32>
      %swap3A_2037 = vector.shape_cast %get3A_2032 : vector<16xf32> to vector<1x16xf32>
      tpu.vector_store %arg13[%swap3A_2033, %swap3A_2034], %swap3A_2037 {strides = array<i32>} : memref<128x128xf32, #tpu.memory_space<vmem>>, vector<1x16xf32>,
      %get3A_2038 = arith.index_cast %scan3A_1994 : i32 to index
      %get3A_2039 = arith.constant 81 : index
      %get3A_2040 = tpu.vector_load %arg13[%get3A_2038, %get3A_2039] {strides = array<i32>} : memref<128x128xf32, #tpu.memory_space<vmem>>, vector<1x16xf32>,
      %get3A_2041 = vector.shape_cast %get3A_2040 : vector<1x16xf32> to vector<16xf32>
      %swap3A_2042 = arith.index_cast %scan3A_1994 : i32 to index
      %swap3A_2043 = arith.constant 80 : index
      %swap3A_2044 = tpu.vector_load %arg13[%swap3A_2042, %swap3A_2043] {strides = array<i32>} : memref<128x128xf32, #tpu.memory_space<vmem>>, vector<1x16xf32>,
      %swap3A_2045 = vector.shape_cast %swap3A_2044 : vector<1x16xf32> to vector<16xf32>
      %swap3A_2046 = vector.shape_cast %get3A_2041 : vector<16xf32> to vector<1x16xf32>
      tpu.vector_store %arg13[%swap3A_2042, %swap3A_2043], %swap3A_2046 {strides = array<i32>} : memref<128x128xf32, #tpu.memory_space<vmem>>, vector<1x16xf32>,
      %get3A_2047 = arith.index_cast %scan3A_1994 : i32 to index
      %get3A_2048 = arith.constant 97 : index
      %get3A_2049 = tpu.vector_load %arg13[%get3A_2047, %get3A_2048] {strides = array<i32>} : memref<128x128xf32, #tpu.memory_space<vmem>>, vector<1x16xf32>,
      %get3A_2050 = vector.shape_cast %get3A_2049 : vector<1x16xf32> to vector<16xf32>
      %swap3A_2051 = arith.index_cast %scan3A_1994 : i32 to index
      %swap3A_2052 = arith.constant 96 : index
      %swap3A_2053 = tpu.vector_load %arg13[%swap3A_2051, %swap3A_2052] {strides = array<i32>} : memref<128x128xf32, #tpu.memory_space<vmem>>, vector<1x16xf32>,
      %swap3A_2054 = vector.shape_cast %swap3A_2053 : vector<1x16xf32> to vector<16xf32>
      %swap3A_2055 = vector.shape_cast %get3A_2050 : vector<16xf32> to vector<1x16xf32>
      tpu.vector_store %arg13[%swap3A_2051, %swap3A_2052], %swap3A_2055 {strides = array<i32>} : memref<128x128xf32, #tpu.memory_space<vmem>>, vector<1x16xf32>,
      %get3A_2056 = arith.index_cast %scan3A_1994 : i32 to index
      %get3A_2057 = arith.constant 112 : index
      %get3A_2058 = tpu.vector_load %arg13[%get3A_2056, %get3A_2057] {strides = array<i32>} : memref<128x128xf32, #tpu.memory_space<vmem>>, vector<1x16xf32>,
      %get3A_2059 = vector.shape_cast %get3A_2058 : vector<1x16xf32> to vector<16xf32>
      %broadcast_in_dim3A = vector.shape_cast %min3A_115 : vector<16xi32> to vector<16x1xi32>
      %gather3A = vector.shape_cast %broadcast_in_dim3A : vector<16x1xi32> to vector<16xi32>
      %gather3A_2060 = tpu.dynamic_gather %get3A_2059[%gather3A] in [0] : vector<16xf32>, vector<16xi32> -> vector<16xf32>
      %eq3A = arith.constant 15 : i32
      %eq3A_2061 = vector.broadcast %eq3A : i32 to vector<16xi32>
      %eq3A_2062 = arith.cmpi eq, %iota3A, %eq3A_2061 : vector<16xi32>
      %jit3A = arith.constant 0.000000e+00 : f32
      %broadcast_in_dim3A_2063 = vector.broadcast %jit3A : f32 to vector<16xf32>
      %select_n3A = arith.select %eq3A_2062, %broadcast_in_dim3A_2063, %gather3A_2060 : vector<16xi1>, vector<16xf32>
      %swap3A_2064 = arith.index_cast %scan3A_1994 : i32 to index
      %swap3A_2065 = arith.constant 112 : index
      %swap3A_2066 = tpu.vector_load %arg13[%swap3A_2064, %swap3A_2065] {strides = array<i32>} : memref<128x128xf32, #tpu.memory_space<vmem>>, vector<1x16xf32>,
      %swap3A_2067 = vector.shape_cast %swap3A_2066 : vector<1x16xf32> to vector<16xf32>
      %swap3A_2068 = vector.shape_cast %select_n3A : vector<16xf32> to vector<1x16xf32>
      tpu.vector_store %arg13[%swap3A_2064, %swap3A_2065], %swap3A_2068 {strides = array<i32>} : memref<128x128xf32, #tpu.memory_space<vmem>>, vector<1x16xf32>,
    }
    %scan3A_120 = arith.constant 128 : i32
    %dma_start3A_121 = arith.constant 0 : i32
    %dma_start3A_122 = arith.constant 0 : i32
    %dma_start3A_123 = tpu.memref_slice %arg7[%dma_start3A_121, %dma_start3A_122] : memref<8x128xi32, #tpu.memory_space<vmem>> -> memref<1x128xi32, #tpu.memory_space<vmem>>
    %dma_start3A_124 = tpu.memref_squeeze %dma_start3A_123 : memref<1x128xi32, #tpu.memory_space<vmem>> -> memref<128xi32, #tpu.memory_space<vmem>>
    %dma_start3A_125 = arith.constant 0 : i32
    %dma_start3A_126 = arith.constant 0 : i32
    %dma_start3A_127 = tpu.memref_slice %arg6[%dma_start3A_125, %dma_start3A_126] : memref<262144x128xf32, #tpu.memory_space<hbm>> -> memref<262144x128xf32, #tpu.memory_space<hbm>>
    tpu.enqueue_indirect_dma source(%arg13 : memref<128x128xf32, #tpu.memory_space<vmem>>) target(%dma_start3A_127 : memref<262144x128xf32, #tpu.memory_space<hbm>>) offsets(%dma_start3A_124 : memref<128xi32, #tpu.memory_space<vmem>>) semaphore(%arg27 : memref<!tpu.dma_semaphore, #tpu.memory_space<semaphore_mem>>)
    %dma_wait3A_128 = arith.constant 1 : i32
    %dma_wait3A_129 = arith.constant 0 : i32
    %dma_wait3A_130 = tpu.memref_slice %arg9[%dma_wait3A_128, %dma_wait3A_129] : memref<48x128xi32, #tpu.memory_space<vmem>> -> memref<1x128xi32, #tpu.memory_space<vmem>>
    %dma_wait3A_131 = tpu.memref_squeeze %dma_wait3A_130 : memref<1x128xi32, #tpu.memory_space<vmem>> -> memref<128xi32, #tpu.memory_space<vmem>>
    %dma_wait3A_132 = arith.constant 0 : i32
    %dma_wait3A_133 = arith.constant 0 : i32
    %dma_wait3A_134 = tpu.memref_slice %arg6[%dma_wait3A_132, %dma_wait3A_133] : memref<262144x128xf32, #tpu.memory_space<hbm>> -> memref<262144x128xf32, #tpu.memory_space<hbm>>
    tpu.wait_indirect_dma semaphore(%arg25 : memref<!tpu.dma_semaphore, #tpu.memory_space<semaphore_mem>>) src(%arg11 : memref<128x128xf32, #tpu.memory_space<vmem>>) dst(%dma_wait3A_134 : memref<262144x128xf32, #tpu.memory_space<hbm>>)
    %dma_start3A_135 = arith.constant 6 : i32
    %dma_start3A_136 = arith.constant 0 : i32
    %dma_start3A_137 = tpu.memref_slice %arg9[%dma_start3A_135, %dma_start3A_136] : memref<48x128xi32, #tpu.memory_space<vmem>> -> memref<1x128xi32, #tpu.memory_space<vmem>>
    %dma_start3A_138 = tpu.memref_squeeze %dma_start3A_137 : memref<1x128xi32, #tpu.memory_space<vmem>> -> memref<128xi32, #tpu.memory_space<vmem>>
    %dma_start3A_139 = arith.constant 0 : i32
    %dma_start3A_140 = arith.constant 0 : i32
    %dma_start3A_141 = tpu.memref_slice %arg2[%dma_start3A_139, %dma_start3A_140] : memref<262144x128xf32, #tpu.memory_space<hbm>> -> memref<262144x128xf32, #tpu.memory_space<hbm>>
    tpu.enqueue_indirect_dma source(%dma_start3A_141 : memref<262144x128xf32, #tpu.memory_space<hbm>>) target(%arg11 : memref<128x128xf32, #tpu.memory_space<vmem>>) offsets(%dma_start3A_138 : memref<128xi32, #tpu.memory_space<vmem>>) semaphore(%arg18 : memref<!tpu.dma_semaphore, #tpu.memory_space<semaphore_mem>>)
    %dma_wait3A_142 = arith.constant 3 : i32
    %dma_wait3A_143 = arith.constant 0 : i32
    %dma_wait3A_144 = tpu.memref_slice %arg9[%dma_wait3A_142, %dma_wait3A_143] : memref<48x128xi32, #tpu.memory_space<vmem>> -> memref<1x128xi32, #tpu.memory_space<vmem>>
    %dma_wait3A_145 = tpu.memref_squeeze %dma_wait3A_144 : memref<1x128xi32, #tpu.memory_space<vmem>> -> memref<128xi32, #tpu.memory_space<vmem>>
    %dma_wait3A_146 = arith.constant 0 : i32
    %dma_wait3A_147 = arith.constant 0 : i32
    %dma_wait3A_148 = tpu.memref_slice %arg2[%dma_wait3A_146, %dma_wait3A_147] : memref<262144x128xf32, #tpu.memory_space<hbm>> -> memref<262144x128xf32, #tpu.memory_space<hbm>>
    tpu.wait_indirect_dma semaphore(%arg21 : memref<!tpu.dma_semaphore, #tpu.memory_space<semaphore_mem>>) src(%dma_wait3A_148 : memref<262144x128xf32, #tpu.memory_space<hbm>>) dst(%arg14 : memref<128x128xf32, #tpu.memory_space<vmem>>)
    %dma_start3A_149 = arith.constant 3 : i32
    %dma_start3A_150 = arith.constant 0 : i32
    %dma_start3A_151 = tpu.memref_slice %arg9[%dma_start3A_149, %dma_start3A_150] : memref<48x128xi32, #tpu.memory_space<vmem>> -> memref<1x128xi32, #tpu.memory_space<vmem>>
    %dma_start3A_152 = tpu.memref_squeeze %dma_start3A_151 : memref<1x128xi32, #tpu.memory_space<vmem>> -> memref<128xi32, #tpu.memory_space<vmem>>
    %dma_start3A_153 = arith.constant 0 : i32
    %dma_start3A_154 = arith.constant 0 : i32
    %dma_start3A_155 = tpu.memref_slice %arg6[%dma_start3A_153, %dma_start3A_154] : memref<262144x128xf32, #tpu.memory_space<hbm>> -> memref<262144x128xf32, #tpu.memory_space<hbm>>
    tpu.enqueue_indirect_dma source(%arg14 : memref<128x128xf32, #tpu.memory_space<vmem>>) target(%dma_start3A_155 : memref<262144x128xf32, #tpu.memory_space<hbm>>) offsets(%dma_start3A_152 : memref<128xi32, #tpu.memory_space<vmem>>) semaphore(%arg28 : memref<!tpu.dma_semaphore, #tpu.memory_space<semaphore_mem>>)
    %dma_wait3A_156 = arith.constant 2 : i32
    %dma_wait3A_157 = arith.constant 0 : i32
    %dma_wait3A_158 = tpu.memref_slice %arg9[%dma_wait3A_156, %dma_wait3A_157] : memref<48x128xi32, #tpu.memory_space<vmem>> -> memref<1x128xi32, #tpu.memory_space<vmem>>
    %dma_wait3A_159 = tpu.memref_squeeze %dma_wait3A_158 : memref<1x128xi32, #tpu.memory_space<vmem>> -> memref<128xi32, #tpu.memory_space<vmem>>
    %dma_wait3A_160 = arith.constant 0 : i32
    %dma_wait3A_161 = arith.constant 0 : i32
    %dma_wait3A_162 = tpu.memref_slice %arg6[%dma_wait3A_160, %dma_wait3A_161] : memref<262144x128xf32, #tpu.memory_space<hbm>> -> memref<262144x128xf32, #tpu.memory_space<hbm>>
    tpu.wait_indirect_dma semaphore(%arg26 : memref<!tpu.dma_semaphore, #tpu.memory_space<semaphore_mem>>) src(%arg12 : memref<128x128xf32, #tpu.memory_space<vmem>>) dst(%dma_wait3A_162 : memref<262144x128xf32, #tpu.memory_space<hbm>>)
    %dma_start3A_163 = arith.constant 7 : i32
    %dma_start3A_164 = arith.constant 0 : i32
    %dma_start3A_165 = tpu.memref_slice %arg9[%dma_start3A_163, %dma_start3A_164] : memref<48x128xi32, #tpu.memory_space<vmem>> -> memref<1x128xi32, #tpu.memory_space<vmem>>
    %dma_start3A_166 = tpu.memref_squeeze %dma_start3A_165 : memref<1x128xi32, #tpu.memory_space<vmem>> -> memref<128xi32, #tpu.memory_space<vmem>>
    %dma_start3A_167 = arith.constant 0 : i32
    %dma_start3A_168 = arith.constant 0 : i32
    %dma_start3A_169 = tpu.memref_slice %arg2[%dma_start3A_167, %dma_start3A_168] : memref<262144x128xf32, #tpu.memory_space<hbm>> -> memref<262144x128xf32, #tpu.memory_space<hbm>>
    tpu.enqueue_indirect_dma source(%dma_start3A_169 : memref<262144x128xf32, #tpu.memory_space<hbm>>) target(%arg12 : memref<128x128xf32, #tpu.memory_space<vmem>>) offsets(%dma_start3A_166 : memref<128xi32, #tpu.memory_space<vmem>>) semaphore(%arg19 : memref<!tpu.dma_semaphore, #tpu.memory_space<semaphore_mem>>)
    %dma_wait3A_170 = arith.constant 4 : i32
    %dma_wait3A_171 = arith.constant 0 : i32
    %dma_wait3A_172 = tpu.memref_slice %arg9[%dma_wait3A_170, %dma_wait3A_171] : memref<48x128xi32, #tpu.memory_space<vmem>> -> memref<1x128xi32, #tpu.memory_space<vmem>>
    %dma_wait3A_173 = tpu.memref_squeeze %dma_wait3A_172 : memref<1x128xi32, #tpu.memory_space<vmem>> -> memref<128xi32, #tpu.memory_space<vmem>>
    %dma_wait3A_174 = arith.constant 0 : i32
    %dma_wait3A_175 = arith.constant 0 : i32
    %dma_wait3A_176 = tpu.memref_slice %arg2[%dma_wait3A_174, %dma_wait3A_175] : memref<262144x128xf32, #tpu.memory_space<hbm>> -> memref<262144x128xf32, #tpu.memory_space<hbm>>
    tpu.wait_indirect_dma semaphore(%arg22 : memref<!tpu.dma_semaphore, #tpu.memory_space<semaphore_mem>>) src(%dma_wait3A_176 : memref<262144x128xf32, #tpu.memory_space<hbm>>) dst(%arg15 : memref<128x128xf32, #tpu.memory_space<vmem>>)
    %dma_start3A_177 = arith.constant 4 : i32
    %dma_start3A_178 = arith.constant 0 : i32
    %dma_start3A_179 = tpu.memref_slice %arg9[%dma_start3A_177, %dma_start3A_178] : memref<48x128xi32, #tpu.memory_space<vmem>> -> memref<1x128xi32, #tpu.memory_space<vmem>>
    %dma_start3A_180 = tpu.memref_squeeze %dma_start3A_179 : memref<1x128xi32, #tpu.memory_space<vmem>> -> memref<128xi32, #tpu.memory_space<vmem>>
    %dma_start3A_181 = arith.constant 0 : i32
    %dma_start3A_182 = arith.constant 0 : i32
    %dma_start3A_183 = tpu.memref_slice %arg6[%dma_start3A_181, %dma_start3A_182] : memref<262144x128xf32, #tpu.memory_space<hbm>> -> memref<262144x128xf32, #tpu.memory_space<hbm>>
    tpu.enqueue_indirect_dma source(%arg15 : memref<128x128xf32, #tpu.memory_space<vmem>>) target(%dma_start3A_183 : memref<262144x128xf32, #tpu.memory_space<hbm>>) offsets(%dma_start3A_180 : memref<128xi32, #tpu.memory_space<vmem>>) semaphore(%arg29 : memref<!tpu.dma_semaphore, #tpu.memory_space<semaphore_mem>>)
    %dma_wait3A_184 = arith.constant 0 : i32
    %dma_wait3A_185 = arith.constant 0 : i32
    %dma_wait3A_186 = tpu.memref_slice %arg7[%dma_wait3A_184, %dma_wait3A_185] : memref<8x128xi32, #tpu.memory_space<vmem>> -> memref<1x128xi32, #tpu.memory_space<vmem>>
    %dma_wait3A_187 = tpu.memref_squeeze %dma_wait3A_186 : memref<1x128xi32, #tpu.memory_space<vmem>> -> memref<128xi32, #tpu.memory_space<vmem>>
    %dma_wait3A_188 = arith.constant 0 : i32
    %dma_wait3A_189 = arith.constant 0 : i32
    %dma_wait3A_190 = tpu.memref_slice %arg6[%dma_wait3A_188, %dma_wait3A_189] : memref<262144x128xf32, #tpu.memory_space<hbm>> -> memref<262144x128xf32, #tpu.memory_space<hbm>>
    tpu.wait_indirect_dma semaphore(%arg27 : memref<!tpu.dma_semaphore, #tpu.memory_space<semaphore_mem>>) src(%arg13 : memref<128x128xf32, #tpu.memory_space<vmem>>) dst(%dma_wait3A_190 : memref<262144x128xf32, #tpu.memory_space<hbm>>)
    %dma_start3A_191 = arith.constant 8 : i32
    %dma_start3A_192 = arith.constant 0 : i32
    %dma_start3A_193 = tpu.memref_slice %arg9[%dma_start3A_191, %dma_start3A_192] : memref<48x128xi32, #tpu.memory_space<vmem>> -> memref<1x128xi32, #tpu.memory_space<vmem>>
    %dma_start3A_194 = tpu.memref_squeeze %dma_start3A_193 : memref<1x128xi32, #tpu.memory_space<vmem>> -> memref<128xi32, #tpu.memory_space<vmem>>
    %dma_start3A_195 = arith.constant 0 : i32
    %dma_start3A_196 = arith.constant 0 : i32
    %dma_start3A_197 = tpu.memref_slice %arg2[%dma_start3A_195, %dma_start3A_196] : memref<262144x128xf32, #tpu.memory_space<hbm>> -> memref<262144x128xf32, #tpu.memory_space<hbm>>
    tpu.enqueue_indirect_dma source(%dma_start3A_197 : memref<262144x128xf32, #tpu.memory_space<hbm>>) target(%arg13 : memref<128x128xf32, #tpu.memory_space<vmem>>) offsets(%dma_start3A_194 : memref<128xi32, #tpu.memory_space<vmem>>) semaphore(%arg20 : memref<!tpu.dma_semaphore, #tpu.memory_space<semaphore_mem>>)
    %dma_wait3A_198 = arith.constant 5 : i32
    %dma_wait3A_199 = arith.constant 0 : i32
    %dma_wait3A_200 = tpu.memref_slice %arg9[%dma_wait3A_198, %dma_wait3A_199] : memref<48x128xi32, #tpu.memory_space<vmem>> -> memref<1x128xi32, #tpu.memory_space<vmem>>
    %dma_wait3A_201 = tpu.memref_squeeze %dma_wait3A_200 : memref<1x128xi32, #tpu.memory_space<vmem>> -> memref<128xi32, #tpu.memory_space<vmem>>
    %dma_wait3A_202 = arith.constant 0 : i32
    %dma_wait3A_203 = arith.constant 0 : i32
    %dma_wait3A_204 = tpu.memref_slice %arg2[%dma_wait3A_202, %dma_wait3A_203] : memref<262144x128xf32, #tpu.memory_space<hbm>> -> memref<262144x128xf32, #tpu.memory_space<hbm>>
    tpu.wait_indirect_dma semaphore(%arg23 : memref<!tpu.dma_semaphore, #tpu.memory_space<semaphore_mem>>) src(%dma_wait3A_204 : memref<262144x128xf32, #tpu.memory_space<hbm>>) dst(%arg16 : memref<128x128xf32, #tpu.memory_space<vmem>>)
    %dma_start3A_205 = arith.constant 5 : i32
    %dma_start3A_206 = arith.constant 0 : i32
    %dma_start3A_207 = tpu.memref_slice %arg9[%dma_start3A_205, %dma_start3A_206] : memref<48x128xi32, #tpu.memory_space<vmem>> -> memref<1x128xi32, #tpu.memory_space<vmem>>
    %dma_start3A_208 = tpu.memref_squeeze %dma_start3A_207 : memref<1x128xi32, #tpu.memory_space<vmem>> -> memref<128xi32, #tpu.memory_space<vmem>>
    %dma_start3A_209 = arith.constant 0 : i32
    %dma_start3A_210 = arith.constant 0 : i32
    %dma_start3A_211 = tpu.memref_slice %arg6[%dma_start3A_209, %dma_start3A_210] : memref<262144x128xf32, #tpu.memory_space<hbm>> -> memref<262144x128xf32, #tpu.memory_space<hbm>>
    tpu.enqueue_indirect_dma source(%arg16 : memref<128x128xf32, #tpu.memory_space<vmem>>) target(%dma_start3A_211 : memref<262144x128xf32, #tpu.memory_space<hbm>>) offsets(%dma_start3A_208 : memref<128xi32, #tpu.memory_space<vmem>>) semaphore(%arg30 : memref<!tpu.dma_semaphore, #tpu.memory_space<semaphore_mem>>)
    %dma_wait3A_212 = arith.constant 3 : i32
    %dma_wait3A_213 = arith.constant 0 : i32
    %dma_wait3A_214 = tpu.memref_slice %arg9[%dma_wait3A_212, %dma_wait3A_213] : memref<48x128xi32, #tpu.memory_space<vmem>> -> memref<1x128xi32, #tpu.memory_space<vmem>>
    %dma_wait3A_215 = tpu.memref_squeeze %dma_wait3A_214 : memref<1x128xi32, #tpu.memory_space<vmem>> -> memref<128xi32, #tpu.memory_space<vmem>>
    %dma_wait3A_216 = arith.constant 0 : i32
    %dma_wait3A_217 = arith.constant 0 : i32
    %dma_wait3A_218 = tpu.memref_slice %arg6[%dma_wait3A_216, %dma_wait3A_217] : memref<262144x128xf32, #tpu.memory_space<hbm>> -> memref<262144x128xf32, #tpu.memory_space<hbm>>
    tpu.wait_indirect_dma semaphore(%arg28 : memref<!tpu.dma_semaphore, #tpu.memory_space<semaphore_mem>>) src(%arg14 : memref<128x128xf32, #tpu.memory_space<vmem>>) dst(%dma_wait3A_218 : memref<262144x128xf32, #tpu.memory_space<hbm>>)
    %dma_start3A_219 = arith.constant 2 : i32
    %dma_start3A_220 = arith.constant 0 : i32
    %dma_start3A_221 = tpu.memref_slice %arg7[%dma_start3A_219, %dma_start3A_220] : memref<8x128xi32, #tpu.memory_space<vmem>> -> memref<1x128xi32, #tpu.memory_space<vmem>>
    %dma_start3A_222 = tpu.memref_squeeze %dma_start3A_221 : memref<1x128xi32, #tpu.memory_space<vmem>> -> memref<128xi32, #tpu.memory_space<vmem>>
    %dma_start3A_223 = arith.constant 0 : i32
    %dma_start3A_224 = arith.constant 0 : i32
    %dma_start3A_225 = tpu.memref_slice %arg2[%dma_start3A_223, %dma_start3A_224] : memref<262144x128xf32, #tpu.memory_space<hbm>> -> memref<262144x128xf32, #tpu.memory_space<hbm>>
    tpu.enqueue_indirect_dma source(%dma_start3A_225 : memref<262144x128xf32, #tpu.memory_space<hbm>>) target(%arg14 : memref<128x128xf32, #tpu.memory_space<vmem>>) offsets(%dma_start3A_222 : memref<128xi32, #tpu.memory_space<vmem>>) semaphore(%arg21 : memref<!tpu.dma_semaphore, #tpu.memory_space<semaphore_mem>>)
    %dma_wait3A_226 = arith.constant 1 : i32
    %dma_wait3A_227 = arith.constant 0 : i32
    %dma_wait3A_228 = tpu.memref_slice %arg7[%dma_wait3A_226, %dma_wait3A_227] : memref<8x128xi32, #tpu.memory_space<vmem>> -> memref<1x128xi32, #tpu.memory_space<vmem>>
    %dma_wait3A_229 = tpu.memref_squeeze %dma_wait3A_228 : memref<1x128xi32, #tpu.memory_space<vmem>> -> memref<128xi32, #tpu.memory_space<vmem>>
    %dma_wait3A_230 = arith.constant 0 : i32
    %dma_wait3A_231 = arith.constant 0 : i32
    %dma_wait3A_232 = tpu.memref_slice %arg2[%dma_wait3A_230, %dma_wait3A_231] : memref<262144x128xf32, #tpu.memory_space<hbm>> -> memref<262144x128xf32, #tpu.memory_space<hbm>>
    tpu.wait_indirect_dma semaphore(%arg17 : memref<!tpu.dma_semaphore, #tpu.memory_space<semaphore_mem>>) src(%dma_wait3A_232 : memref<262144x128xf32, #tpu.memory_space<hbm>>) dst(%arg10 : memref<128x128xf32, #tpu.memory_space<vmem>>)
    %iota3A_233 = tpu.iota {dimensions = array<i32: 0>} : vector<16xi32>
    %add3A_234 = arith.constant 1 : i32
    %add3A_235 = vector.broadcast %add3A_234 : i32 to vector<16xi32>
    %add3A_236 = arith.addi %iota3A_233, %add3A_235 : vector<16xi32>
    %min3A_237 = arith.constant 15 : i32
    %min3A_238 = vector.broadcast %min3A_237 : i32 to vector<16xi32>
    %min3A_239 = arith.minsi %add3A_236, %min3A_238 : vector<16xi32>
    %scan3A_240 = arith.constant 0 : i32
    %scan3A_241 = arith.constant 0 : i32
    %scan3A_242 = arith.constant 128 : i32
    %scan3A_243 = arith.addi %scan3A_241, %scan3A_242 : i32
    %scan3A_244 = arith.constant 1 : i32
    scf.for %scan3A_1994 = %scan3A_241 to %scan3A_243 step %scan3A_244  : i32 {
      %get3A = arith.index_cast %scan3A_1994 : i32 to index
      %get3A_1995 = arith.constant 1 : index
      %get3A_1996 = tpu.vector_load %arg10[%get3A, %get3A_1995] {strides = array<i32>} : memref<128x128xf32, #tpu.memory_space<vmem>>, vector<1x16xf32>,
      %get3A_1997 = vector.shape_cast %get3A_1996 : vector<1x16xf32> to vector<16xf32>
      %swap3A = arith.index_cast %scan3A_1994 : i32 to index
      %swap3A_1998 = arith.constant 0 : index
      %swap3A_1999 = tpu.vector_load %arg10[%swap3A, %swap3A_1998] {strides = array<i32>} : memref<128x128xf32, #tpu.memory_space<vmem>>, vector<1x16xf32>,
      %swap3A_2000 = vector.shape_cast %swap3A_1999 : vector<1x16xf32> to vector<16xf32>
      %swap3A_2001 = vector.shape_cast %get3A_1997 : vector<16xf32> to vector<1x16xf32>
      tpu.vector_store %arg10[%swap3A, %swap3A_1998], %swap3A_2001 {strides = array<i32>} : memref<128x128xf32, #tpu.memory_space<vmem>>, vector<1x16xf32>,
      %get3A_2002 = arith.index_cast %scan3A_1994 : i32 to index
      %get3A_2003 = arith.constant 17 : index
      %get3A_2004 = tpu.vector_load %arg10[%get3A_2002, %get3A_2003] {strides = array<i32>} : memref<128x128xf32, #tpu.memory_space<vmem>>, vector<1x16xf32>,
      %get3A_2005 = vector.shape_cast %get3A_2004 : vector<1x16xf32> to vector<16xf32>
      %swap3A_2006 = arith.index_cast %scan3A_1994 : i32 to index
      %swap3A_2007 = arith.constant 16 : index
      %swap3A_2008 = tpu.vector_load %arg10[%swap3A_2006, %swap3A_2007] {strides = array<i32>} : memref<128x128xf32, #tpu.memory_space<vmem>>, vector<1x16xf32>,
      %swap3A_2009 = vector.shape_cast %swap3A_2008 : vector<1x16xf32> to vector<16xf32>
      %swap3A_2010 = vector.shape_cast %get3A_2005 : vector<16xf32> to vector<1x16xf32>
      tpu.vector_store %arg10[%swap3A_2006, %swap3A_2007], %swap3A_2010 {strides = array<i32>} : memref<128x128xf32, #tpu.memory_space<vmem>>, vector<1x16xf32>,
      %get3A_2011 = arith.index_cast %scan3A_1994 : i32 to index
      %get3A_2012 = arith.constant 33 : index
      %get3A_2013 = tpu.vector_load %arg10[%get3A_2011, %get3A_2012] {strides = array<i32>} : memref<128x128xf32, #tpu.memory_space<vmem>>, vector<1x16xf32>,
      %get3A_2014 = vector.shape_cast %get3A_2013 : vector<1x16xf32> to vector<16xf32>
      %swap3A_2015 = arith.index_cast %scan3A_1994 : i32 to index
      %swap3A_2016 = arith.constant 32 : index
      %swap3A_2017 = tpu.vector_load %arg10[%swap3A_2015, %swap3A_2016] {strides = array<i32>} : memref<128x128xf32, #tpu.memory_space<vmem>>, vector<1x16xf32>,
      %swap3A_2018 = vector.shape_cast %swap3A_2017 : vector<1x16xf32> to vector<16xf32>
      %swap3A_2019 = vector.shape_cast %get3A_2014 : vector<16xf32> to vector<1x16xf32>
      tpu.vector_store %arg10[%swap3A_2015, %swap3A_2016], %swap3A_2019 {strides = array<i32>} : memref<128x128xf32, #tpu.memory_space<vmem>>, vector<1x16xf32>,
      %get3A_2020 = arith.index_cast %scan3A_1994 : i32 to index
      %get3A_2021 = arith.constant 49 : index
      %get3A_2022 = tpu.vector_load %arg10[%get3A_2020, %get3A_2021] {strides = array<i32>} : memref<128x128xf32, #tpu.memory_space<vmem>>, vector<1x16xf32>,
      %get3A_2023 = vector.shape_cast %get3A_2022 : vector<1x16xf32> to vector<16xf32>
      %swap3A_2024 = arith.index_cast %scan3A_1994 : i32 to index
      %swap3A_2025 = arith.constant 48 : index
      %swap3A_2026 = tpu.vector_load %arg10[%swap3A_2024, %swap3A_2025] {strides = array<i32>} : memref<128x128xf32, #tpu.memory_space<vmem>>, vector<1x16xf32>,
      %swap3A_2027 = vector.shape_cast %swap3A_2026 : vector<1x16xf32> to vector<16xf32>
      %swap3A_2028 = vector.shape_cast %get3A_2023 : vector<16xf32> to vector<1x16xf32>
      tpu.vector_store %arg10[%swap3A_2024, %swap3A_2025], %swap3A_2028 {strides = array<i32>} : memref<128x128xf32, #tpu.memory_space<vmem>>, vector<1x16xf32>,
      %get3A_2029 = arith.index_cast %scan3A_1994 : i32 to index
      %get3A_2030 = arith.constant 65 : index
      %get3A_2031 = tpu.vector_load %arg10[%get3A_2029, %get3A_2030] {strides = array<i32>} : memref<128x128xf32, #tpu.memory_space<vmem>>, vector<1x16xf32>,
      %get3A_2032 = vector.shape_cast %get3A_2031 : vector<1x16xf32> to vector<16xf32>
      %swap3A_2033 = arith.index_cast %scan3A_1994 : i32 to index
      %swap3A_2034 = arith.constant 64 : index
      %swap3A_2035 = tpu.vector_load %arg10[%swap3A_2033, %swap3A_2034] {strides = array<i32>} : memref<128x128xf32, #tpu.memory_space<vmem>>, vector<1x16xf32>,
      %swap3A_2036 = vector.shape_cast %swap3A_2035 : vector<1x16xf32> to vector<16xf32>
      %swap3A_2037 = vector.shape_cast %get3A_2032 : vector<16xf32> to vector<1x16xf32>
      tpu.vector_store %arg10[%swap3A_2033, %swap3A_2034], %swap3A_2037 {strides = array<i32>} : memref<128x128xf32, #tpu.memory_space<vmem>>, vector<1x16xf32>,
      %get3A_2038 = arith.index_cast %scan3A_1994 : i32 to index
      %get3A_2039 = arith.constant 81 : index
      %get3A_2040 = tpu.vector_load %arg10[%get3A_2038, %get3A_2039] {strides = array<i32>} : memref<128x128xf32, #tpu.memory_space<vmem>>, vector<1x16xf32>,
      %get3A_2041 = vector.shape_cast %get3A_2040 : vector<1x16xf32> to vector<16xf32>
      %swap3A_2042 = arith.index_cast %scan3A_1994 : i32 to index
      %swap3A_2043 = arith.constant 80 : index
      %swap3A_2044 = tpu.vector_load %arg10[%swap3A_2042, %swap3A_2043] {strides = array<i32>} : memref<128x128xf32, #tpu.memory_space<vmem>>, vector<1x16xf32>,
      %swap3A_2045 = vector.shape_cast %swap3A_2044 : vector<1x16xf32> to vector<16xf32>
      %swap3A_2046 = vector.shape_cast %get3A_2041 : vector<16xf32> to vector<1x16xf32>
      tpu.vector_store %arg10[%swap3A_2042, %swap3A_2043], %swap3A_2046 {strides = array<i32>} : memref<128x128xf32, #tpu.memory_space<vmem>>, vector<1x16xf32>,
      %get3A_2047 = arith.index_cast %scan3A_1994 : i32 to index
      %get3A_2048 = arith.constant 97 : index
      %get3A_2049 = tpu.vector_load %arg10[%get3A_2047, %get3A_2048] {strides = array<i32>} : memref<128x128xf32, #tpu.memory_space<vmem>>, vector<1x16xf32>,
      %get3A_2050 = vector.shape_cast %get3A_2049 : vector<1x16xf32> to vector<16xf32>
      %swap3A_2051 = arith.index_cast %scan3A_1994 : i32 to index
      %swap3A_2052 = arith.constant 96 : index
      %swap3A_2053 = tpu.vector_load %arg10[%swap3A_2051, %swap3A_2052] {strides = array<i32>} : memref<128x128xf32, #tpu.memory_space<vmem>>, vector<1x16xf32>,
      %swap3A_2054 = vector.shape_cast %swap3A_2053 : vector<1x16xf32> to vector<16xf32>
      %swap3A_2055 = vector.shape_cast %get3A_2050 : vector<16xf32> to vector<1x16xf32>
      tpu.vector_store %arg10[%swap3A_2051, %swap3A_2052], %swap3A_2055 {strides = array<i32>} : memref<128x128xf32, #tpu.memory_space<vmem>>, vector<1x16xf32>,
      %get3A_2056 = arith.index_cast %scan3A_1994 : i32 to index
      %get3A_2057 = arith.constant 112 : index
      %get3A_2058 = tpu.vector_load %arg10[%get3A_2056, %get3A_2057] {strides = array<i32>} : memref<128x128xf32, #tpu.memory_space<vmem>>, vector<1x16xf32>,
      %get3A_2059 = vector.shape_cast %get3A_2058 : vector<1x16xf32> to vector<16xf32>
      %broadcast_in_dim3A = vector.shape_cast %min3A_239 : vector<16xi32> to vector<16x1xi32>
      %gather3A = vector.shape_cast %broadcast_in_dim3A : vector<16x1xi32> to vector<16xi32>
      %gather3A_2060 = tpu.dynamic_gather %get3A_2059[%gather3A] in [0] : vector<16xf32>, vector<16xi32> -> vector<16xf32>
      %eq3A = arith.constant 15 : i32
      %eq3A_2061 = vector.broadcast %eq3A : i32 to vector<16xi32>
      %eq3A_2062 = arith.cmpi eq, %iota3A_233, %eq3A_2061 : vector<16xi32>
      %jit3A = arith.constant 0.000000e+00 : f32
      %broadcast_in_dim3A_2063 = vector.broadcast %jit3A : f32 to vector<16xf32>
      %select_n3A = arith.select %eq3A_2062, %broadcast_in_dim3A_2063, %gather3A_2060 : vector<16xi1>, vector<16xf32>
      %swap3A_2064 = arith.index_cast %scan3A_1994 : i32 to index
      %swap3A_2065 = arith.constant 112 : index
      %swap3A_2066 = tpu.vector_load %arg10[%swap3A_2064, %swap3A_2065] {strides = array<i32>} : memref<128x128xf32, #tpu.memory_space<vmem>>, vector<1x16xf32>,
      %swap3A_2067 = vector.shape_cast %swap3A_2066 : vector<1x16xf32> to vector<16xf32>
      %swap3A_2068 = vector.shape_cast %select_n3A : vector<16xf32> to vector<1x16xf32>
      tpu.vector_store %arg10[%swap3A_2064, %swap3A_2065], %swap3A_2068 {strides = array<i32>} : memref<128x128xf32, #tpu.memory_space<vmem>>, vector<1x16xf32>,
    }
    %scan3A_245 = arith.constant 128 : i32
    %dma_start3A_246 = arith.constant 1 : i32
    %dma_start3A_247 = arith.constant 0 : i32
    %dma_start3A_248 = tpu.memref_slice %arg7[%dma_start3A_246, %dma_start3A_247] : memref<8x128xi32, #tpu.memory_space<vmem>> -> memref<1x128xi32, #tpu.memory_space<vmem>>
    %dma_start3A_249 = tpu.memref_squeeze %dma_start3A_248 : memref<1x128xi32, #tpu.memory_space<vmem>> -> memref<128xi32, #tpu.memory_space<vmem>>
    %dma_start3A_250 = arith.constant 0 : i32
    %dma_start3A_251 = arith.constant 0 : i32
    %dma_start3A_252 = tpu.memref_slice %arg6[%dma_start3A_250, %dma_start3A_251] : memref<262144x128xf32, #tpu.memory_space<hbm>> -> memref<262144x128xf32, #tpu.memory_space<hbm>>
    tpu.enqueue_indirect_dma source(%arg10 : memref<128x128xf32, #tpu.memory_space<vmem>>) target(%dma_start3A_252 : memref<262144x128xf32, #tpu.memory_space<hbm>>) offsets(%dma_start3A_249 : memref<128xi32, #tpu.memory_space<vmem>>) semaphore(%arg24 : memref<!tpu.dma_semaphore, #tpu.memory_space<semaphore_mem>>)
    %dma_wait3A_253 = arith.constant 4 : i32
    %dma_wait3A_254 = arith.constant 0 : i32
    %dma_wait3A_255 = tpu.memref_slice %arg9[%dma_wait3A_253, %dma_wait3A_254] : memref<48x128xi32, #tpu.memory_space<vmem>> -> memref<1x128xi32, #tpu.memory_space<vmem>>
    %dma_wait3A_256 = tpu.memref_squeeze %dma_wait3A_255 : memref<1x128xi32, #tpu.memory_space<vmem>> -> memref<128xi32, #tpu.memory_space<vmem>>
    %dma_wait3A_257 = arith.constant 0 : i32
    %dma_wait3A_258 = arith.constant 0 : i32
    %dma_wait3A_259 = tpu.memref_slice %arg6[%dma_wait3A_257, %dma_wait3A_258] : memref<262144x128xf32, #tpu.memory_space<hbm>> -> memref<262144x128xf32, #tpu.memory_space<hbm>>
    tpu.wait_indirect_dma semaphore(%arg29 : memref<!tpu.dma_semaphore, #tpu.memory_space<semaphore_mem>>) src(%arg15 : memref<128x128xf32, #tpu.memory_space<vmem>>) dst(%dma_wait3A_259 : memref<262144x128xf32, #tpu.memory_space<hbm>>)
    %dma_start3A_260 = arith.constant 9 : i32
    %dma_start3A_261 = arith.constant 0 : i32
    %dma_start3A_262 = tpu.memref_slice %arg9[%dma_start3A_260, %dma_start3A_261] : memref<48x128xi32, #tpu.memory_space<vmem>> -> memref<1x128xi32, #tpu.memory_space<vmem>>
    %dma_start3A_263 = tpu.memref_squeeze %dma_start3A_262 : memref<1x128xi32, #tpu.memory_space<vmem>> -> memref<128xi32, #tpu.memory_space<vmem>>
    %dma_start3A_264 = arith.constant 0 : i32
    %dma_start3A_265 = arith.constant 0 : i32
    %dma_start3A_266 = tpu.memref_slice %arg2[%dma_start3A_264, %dma_start3A_265] : memref<262144x128xf32, #tpu.memory_space<hbm>> -> memref<262144x128xf32, #tpu.memory_space<hbm>>
    tpu.enqueue_indirect_dma source(%dma_start3A_266 : memref<262144x128xf32, #tpu.memory_space<hbm>>) target(%arg15 : memref<128x128xf32, #tpu.memory_space<vmem>>) offsets(%dma_start3A_263 : memref<128xi32, #tpu.memory_space<vmem>>) semaphore(%arg22 : memref<!tpu.dma_semaphore, #tpu.memory_space<semaphore_mem>>)
    %dma_wait3A_267 = arith.constant 6 : i32
    %dma_wait3A_268 = arith.constant 0 : i32
    %dma_wait3A_269 = tpu.memref_slice %arg9[%dma_wait3A_267, %dma_wait3A_268] : memref<48x128xi32, #tpu.memory_space<vmem>> -> memref<1x128xi32, #tpu.memory_space<vmem>>
    %dma_wait3A_270 = tpu.memref_squeeze %dma_wait3A_269 : memref<1x128xi32, #tpu.memory_space<vmem>> -> memref<128xi32, #tpu.memory_space<vmem>>
    %dma_wait3A_271 = arith.constant 0 : i32
    %dma_wait3A_272 = arith.constant 0 : i32
    %dma_wait3A_273 = tpu.memref_slice %arg2[%dma_wait3A_271, %dma_wait3A_272] : memref<262144x128xf32, #tpu.memory_space<hbm>> -> memref<262144x128xf32, #tpu.memory_space<hbm>>
    tpu.wait_indirect_dma semaphore(%arg18 : memref<!tpu.dma_semaphore, #tpu.memory_space<semaphore_mem>>) src(%dma_wait3A_273 : memref<262144x128xf32, #tpu.memory_space<hbm>>) dst(%arg11 : memref<128x128xf32, #tpu.memory_space<vmem>>)
    %dma_start3A_274 = arith.constant 6 : i32
    %dma_start3A_275 = arith.constant 0 : i32
    %dma_start3A_276 = tpu.memref_slice %arg9[%dma_start3A_274, %dma_start3A_275] : memref<48x128xi32, #tpu.memory_space<vmem>> -> memref<1x128xi32, #tpu.memory_space<vmem>>
    %dma_start3A_277 = tpu.memref_squeeze %dma_start3A_276 : memref<1x128xi32, #tpu.memory_space<vmem>> -> memref<128xi32, #tpu.memory_space<vmem>>
    %dma_start3A_278 = arith.constant 0 : i32
    %dma_start3A_279 = arith.constant 0 : i32
    %dma_start3A_280 = tpu.memref_slice %arg6[%dma_start3A_278, %dma_start3A_279] : memref<262144x128xf32, #tpu.memory_space<hbm>> -> memref<262144x128xf32, #tpu.memory_space<hbm>>
    tpu.enqueue_indirect_dma source(%arg11 : memref<128x128xf32, #tpu.memory_space<vmem>>) target(%dma_start3A_280 : memref<262144x128xf32, #tpu.memory_space<hbm>>) offsets(%dma_start3A_277 : memref<128xi32, #tpu.memory_space<vmem>>) semaphore(%arg25 : memref<!tpu.dma_semaphore, #tpu.memory_space<semaphore_mem>>)
    %dma_wait3A_281 = arith.constant 5 : i32
    %dma_wait3A_282 = arith.constant 0 : i32
    %dma_wait3A_283 = tpu.memref_slice %arg9[%dma_wait3A_281, %dma_wait3A_282] : memref<48x128xi32, #tpu.memory_space<vmem>> -> memref<1x128xi32, #tpu.memory_space<vmem>>
    %dma_wait3A_284 = tpu.memref_squeeze %dma_wait3A_283 : memref<1x128xi32, #tpu.memory_space<vmem>> -> memref<128xi32, #tpu.memory_space<vmem>>
    %dma_wait3A_285 = arith.constant 0 : i32
    %dma_wait3A_286 = arith.constant 0 : i32
    %dma_wait3A_287 = tpu.memref_slice %arg6[%dma_wait3A_285, %dma_wait3A_286] : memref<262144x128xf32, #tpu.memory_space<hbm>> -> memref<262144x128xf32, #tpu.memory_space<hbm>>
    tpu.wait_indirect_dma semaphore(%arg30 : memref<!tpu.dma_semaphore, #tpu.memory_space<semaphore_mem>>) src(%arg16 : memref<128x128xf32, #tpu.memory_space<vmem>>) dst(%dma_wait3A_287 : memref<262144x128xf32, #tpu.memory_space<hbm>>)
    %dma_start3A_288 = arith.constant 10 : i32
    %dma_start3A_289 = arith.constant 0 : i32
    %dma_start3A_290 = tpu.memref_slice %arg9[%dma_start3A_288, %dma_start3A_289] : memref<48x128xi32, #tpu.memory_space<vmem>> -> memref<1x128xi32, #tpu.memory_space<vmem>>
    %dma_start3A_291 = tpu.memref_squeeze %dma_start3A_290 : memref<1x128xi32, #tpu.memory_space<vmem>> -> memref<128xi32, #tpu.memory_space<vmem>>
    %dma_start3A_292 = arith.constant 0 : i32
    %dma_start3A_293 = arith.constant 0 : i32
    %dma_start3A_294 = tpu.memref_slice %arg2[%dma_start3A_292, %dma_start3A_293] : memref<262144x128xf32, #tpu.memory_space<hbm>> -> memref<262144x128xf32, #tpu.memory_space<hbm>>
    tpu.enqueue_indirect_dma source(%dma_start3A_294 : memref<262144x128xf32, #tpu.memory_space<hbm>>) target(%arg16 : memref<128x128xf32, #tpu.memory_space<vmem>>) offsets(%dma_start3A_291 : memref<128xi32, #tpu.memory_space<vmem>>) semaphore(%arg23 : memref<!tpu.dma_semaphore, #tpu.memory_space<semaphore_mem>>)
    %dma_wait3A_295 = arith.constant 7 : i32
    %dma_wait3A_296 = arith.constant 0 : i32
    %dma_wait3A_297 = tpu.memref_slice %arg9[%dma_wait3A_295, %dma_wait3A_296] : memref<48x128xi32, #tpu.memory_space<vmem>> -> memref<1x128xi32, #tpu.memory_space<vmem>>
    %dma_wait3A_298 = tpu.memref_squeeze %dma_wait3A_297 : memref<1x128xi32, #tpu.memory_space<vmem>> -> memref<128xi32, #tpu.memory_space<vmem>>
    %dma_wait3A_299 = arith.constant 0 : i32
    %dma_wait3A_300 = arith.constant 0 : i32
    %dma_wait3A_301 = tpu.memref_slice %arg2[%dma_wait3A_299, %dma_wait3A_300] : memref<262144x128xf32, #tpu.memory_space<hbm>> -> memref<262144x128xf32, #tpu.memory_space<hbm>>
    tpu.wait_indirect_dma semaphore(%arg19 : memref<!tpu.dma_semaphore, #tpu.memory_space<semaphore_mem>>) src(%dma_wait3A_301 : memref<262144x128xf32, #tpu.memory_space<hbm>>) dst(%arg12 : memref<128x128xf32, #tpu.memory_space<vmem>>)
    %dma_start3A_302 = arith.constant 7 : i32
    %dma_start3A_303 = arith.constant 0 : i32
    %dma_start3A_304 = tpu.memref_slice %arg9[%dma_start3A_302, %dma_start3A_303] : memref<48x128xi32, #tpu.memory_space<vmem>> -> memref<1x128xi32, #tpu.memory_space<vmem>>
    %dma_start3A_305 = tpu.memref_squeeze %dma_start3A_304 : memref<1x128xi32, #tpu.memory_space<vmem>> -> memref<128xi32, #tpu.memory_space<vmem>>
    %dma_start3A_306 = arith.constant 0 : i32
    %dma_start3A_307 = arith.constant 0 : i32
    %dma_start3A_308 = tpu.memref_slice %arg6[%dma_start3A_306, %dma_start3A_307] : memref<262144x128xf32, #tpu.memory_space<hbm>> -> memref<262144x128xf32, #tpu.memory_space<hbm>>
    tpu.enqueue_indirect_dma source(%arg12 : memref<128x128xf32, #tpu.memory_space<vmem>>) target(%dma_start3A_308 : memref<262144x128xf32, #tpu.memory_space<hbm>>) offsets(%dma_start3A_305 : memref<128xi32, #tpu.memory_space<vmem>>) semaphore(%arg26 : memref<!tpu.dma_semaphore, #tpu.memory_space<semaphore_mem>>)
    %dma_wait3A_309 = arith.constant 1 : i32
    %dma_wait3A_310 = arith.constant 0 : i32
    %dma_wait3A_311 = tpu.memref_slice %arg7[%dma_wait3A_309, %dma_wait3A_310] : memref<8x128xi32, #tpu.memory_space<vmem>> -> memref<1x128xi32, #tpu.memory_space<vmem>>
    %dma_wait3A_312 = tpu.memref_squeeze %dma_wait3A_311 : memref<1x128xi32, #tpu.memory_space<vmem>> -> memref<128xi32, #tpu.memory_space<vmem>>
    %dma_wait3A_313 = arith.constant 0 : i32
    %dma_wait3A_314 = arith.constant 0 : i32
    %dma_wait3A_315 = tpu.memref_slice %arg6[%dma_wait3A_313, %dma_wait3A_314] : memref<262144x128xf32, #tpu.memory_space<hbm>> -> memref<262144x128xf32, #tpu.memory_space<hbm>>
    tpu.wait_indirect_dma semaphore(%arg24 : memref<!tpu.dma_semaphore, #tpu.memory_space<semaphore_mem>>) src(%arg10 : memref<128x128xf32, #tpu.memory_space<vmem>>) dst(%dma_wait3A_315 : memref<262144x128xf32, #tpu.memory_space<hbm>>)
    %dma_start3A_316 = arith.constant 11 : i32
    %dma_start3A_317 = arith.constant 0 : i32
    %dma_start3A_318 = tpu.memref_slice %arg9[%dma_start3A_316, %dma_start3A_317] : memref<48x128xi32, #tpu.memory_space<vmem>> -> memref<1x128xi32, #tpu.memory_space<vmem>>
    %dma_start3A_319 = tpu.memref_squeeze %dma_start3A_318 : memref<1x128xi32, #tpu.memory_space<vmem>> -> memref<128xi32, #tpu.memory_space<vmem>>
    %dma_start3A_320 = arith.constant 0 : i32
    %dma_start3A_321 = arith.constant 0 : i32
    %dma_start3A_322 = tpu.memref_slice %arg2[%dma_start3A_320, %dma_start3A_321] : memref<262144x128xf32, #tpu.memory_space<hbm>> -> memref<262144x128xf32, #tpu.memory_space<hbm>>
    tpu.enqueue_indirect_dma source(%dma_start3A_322 : memref<262144x128xf32, #tpu.memory_space<hbm>>) target(%arg10 : memref<128x128xf32, #tpu.memory_space<vmem>>) offsets(%dma_start3A_319 : memref<128xi32, #tpu.memory_space<vmem>>) semaphore(%arg17 : memref<!tpu.dma_semaphore, #tpu.memory_space<semaphore_mem>>)
    %dma_wait3A_323 = arith.constant 8 : i32
    %dma_wait3A_324 = arith.constant 0 : i32
    %dma_wait3A_325 = tpu.memref_slice %arg9[%dma_wait3A_323, %dma_wait3A_324] : memref<48x128xi32, #tpu.memory_space<vmem>> -> memref<1x128xi32, #tpu.memory_space<vmem>>
    %dma_wait3A_326 = tpu.memref_squeeze %dma_wait3A_325 : memref<1x128xi32, #tpu.memory_space<vmem>> -> memref<128xi32, #tpu.memory_space<vmem>>
    %dma_wait3A_327 = arith.constant 0 : i32
    %dma_wait3A_328 = arith.constant 0 : i32
    %dma_wait3A_329 = tpu.memref_slice %arg2[%dma_wait3A_327, %dma_wait3A_328] : memref<262144x128xf32, #tpu.memory_space<hbm>> -> memref<262144x128xf32, #tpu.memory_space<hbm>>
    tpu.wait_indirect_dma semaphore(%arg20 : memref<!tpu.dma_semaphore, #tpu.memory_space<semaphore_mem>>) src(%dma_wait3A_329 : memref<262144x128xf32, #tpu.memory_space<hbm>>) dst(%arg13 : memref<128x128xf32, #tpu.memory_space<vmem>>)
    %dma_start3A_330 = arith.constant 8 : i32
    %dma_start3A_331 = arith.constant 0 : i32
    %dma_start3A_332 = tpu.memref_slice %arg9[%dma_start3A_330, %dma_start3A_331] : memref<48x128xi32, #tpu.memory_space<vmem>> -> memref<1x128xi32, #tpu.memory_space<vmem>>
    %dma_start3A_333 = tpu.memref_squeeze %dma_start3A_332 : memref<1x128xi32, #tpu.memory_space<vmem>> -> memref<128xi32, #tpu.memory_space<vmem>>
    %dma_start3A_334 = arith.constant 0 : i32
    %dma_start3A_335 = arith.constant 0 : i32
    %dma_start3A_336 = tpu.memref_slice %arg6[%dma_start3A_334, %dma_start3A_335] : memref<262144x128xf32, #tpu.memory_space<hbm>> -> memref<262144x128xf32, #tpu.memory_space<hbm>>
    tpu.enqueue_indirect_dma source(%arg13 : memref<128x128xf32, #tpu.memory_space<vmem>>) target(%dma_start3A_336 : memref<262144x128xf32, #tpu.memory_space<hbm>>) offsets(%dma_start3A_333 : memref<128xi32, #tpu.memory_space<vmem>>) semaphore(%arg27 : memref<!tpu.dma_semaphore, #tpu.memory_space<semaphore_mem>>)
    %dma_wait3A_337 = arith.constant 6 : i32
    %dma_wait3A_338 = arith.constant 0 : i32
    %dma_wait3A_339 = tpu.memref_slice %arg9[%dma_wait3A_337, %dma_wait3A_338] : memref<48x128xi32, #tpu.memory_space<vmem>> -> memref<1x128xi32, #tpu.memory_space<vmem>>
    %dma_wait3A_340 = tpu.memref_squeeze %dma_wait3A_339 : memref<1x128xi32, #tpu.memory_space<vmem>> -> memref<128xi32, #tpu.memory_space<vmem>>
    %dma_wait3A_341 = arith.constant 0 : i32
    %dma_wait3A_342 = arith.constant 0 : i32
    %dma_wait3A_343 = tpu.memref_slice %arg6[%dma_wait3A_341, %dma_wait3A_342] : memref<262144x128xf32, #tpu.memory_space<hbm>> -> memref<262144x128xf32, #tpu.memory_space<hbm>>
    tpu.wait_indirect_dma semaphore(%arg25 : memref<!tpu.dma_semaphore, #tpu.memory_space<semaphore_mem>>) src(%arg11 : memref<128x128xf32, #tpu.memory_space<vmem>>) dst(%dma_wait3A_343 : memref<262144x128xf32, #tpu.memory_space<hbm>>)
    %dma_start3A_344 = arith.constant 3 : i32
    %dma_start3A_345 = arith.constant 0 : i32
    %dma_start3A_346 = tpu.memref_slice %arg7[%dma_start3A_344, %dma_start3A_345] : memref<8x128xi32, #tpu.memory_space<vmem>> -> memref<1x128xi32, #tpu.memory_space<vmem>>
    %dma_start3A_347 = tpu.memref_squeeze %dma_start3A_346 : memref<1x128xi32, #tpu.memory_space<vmem>> -> memref<128xi32, #tpu.memory_space<vmem>>
    %dma_start3A_348 = arith.constant 0 : i32
    %dma_start3A_349 = arith.constant 0 : i32
    %dma_start3A_350 = tpu.memref_slice %arg2[%dma_start3A_348, %dma_start3A_349] : memref<262144x128xf32, #tpu.memory_space<hbm>> -> memref<262144x128xf32, #tpu.memory_space<hbm>>
    tpu.enqueue_indirect_dma source(%dma_start3A_350 : memref<262144x128xf32, #tpu.memory_space<hbm>>) target(%arg11 : memref<128x128xf32, #tpu.memory_space<vmem>>) offsets(%dma_start3A_347 : memref<128xi32, #tpu.memory_space<vmem>>) semaphore(%arg18 : memref<!tpu.dma_semaphore, #tpu.memory_space<semaphore_mem>>)
    %dma_wait3A_351 = arith.constant 2 : i32
    %dma_wait3A_352 = arith.constant 0 : i32
    %dma_wait3A_353 = tpu.memref_slice %arg7[%dma_wait3A_351, %dma_wait3A_352] : memref<8x128xi32, #tpu.memory_space<vmem>> -> memref<1x128xi32, #tpu.memory_space<vmem>>
    %dma_wait3A_354 = tpu.memref_squeeze %dma_wait3A_353 : memref<1x128xi32, #tpu.memory_space<vmem>> -> memref<128xi32, #tpu.memory_space<vmem>>
    %dma_wait3A_355 = arith.constant 0 : i32
    %dma_wait3A_356 = arith.constant 0 : i32
    %dma_wait3A_357 = tpu.memref_slice %arg2[%dma_wait3A_355, %dma_wait3A_356] : memref<262144x128xf32, #tpu.memory_space<hbm>> -> memref<262144x128xf32, #tpu.memory_space<hbm>>
    tpu.wait_indirect_dma semaphore(%arg21 : memref<!tpu.dma_semaphore, #tpu.memory_space<semaphore_mem>>) src(%dma_wait3A_357 : memref<262144x128xf32, #tpu.memory_space<hbm>>) dst(%arg14 : memref<128x128xf32, #tpu.memory_space<vmem>>)
    %iota3A_358 = tpu.iota {dimensions = array<i32: 0>} : vector<16xi32>
    %add3A_359 = arith.constant 1 : i32
    %add3A_360 = vector.broadcast %add3A_359 : i32 to vector<16xi32>
    %add3A_361 = arith.addi %iota3A_358, %add3A_360 : vector<16xi32>
    %min3A_362 = arith.constant 15 : i32
    %min3A_363 = vector.broadcast %min3A_362 : i32 to vector<16xi32>
    %min3A_364 = arith.minsi %add3A_361, %min3A_363 : vector<16xi32>
    %scan3A_365 = arith.constant 0 : i32
    %scan3A_366 = arith.constant 0 : i32
    %scan3A_367 = arith.constant 128 : i32
    %scan3A_368 = arith.addi %scan3A_366, %scan3A_367 : i32
    %scan3A_369 = arith.constant 1 : i32
    scf.for %scan3A_1994 = %scan3A_366 to %scan3A_368 step %scan3A_369  : i32 {
      %get3A = arith.index_cast %scan3A_1994 : i32 to index
      %get3A_1995 = arith.constant 1 : index
      %get3A_1996 = tpu.vector_load %arg14[%get3A, %get3A_1995] {strides = array<i32>} : memref<128x128xf32, #tpu.memory_space<vmem>>, vector<1x16xf32>,
      %get3A_1997 = vector.shape_cast %get3A_1996 : vector<1x16xf32> to vector<16xf32>
      %swap3A = arith.index_cast %scan3A_1994 : i32 to index
      %swap3A_1998 = arith.constant 0 : index
      %swap3A_1999 = tpu.vector_load %arg14[%swap3A, %swap3A_1998] {strides = array<i32>} : memref<128x128xf32, #tpu.memory_space<vmem>>, vector<1x16xf32>,
      %swap3A_2000 = vector.shape_cast %swap3A_1999 : vector<1x16xf32> to vector<16xf32>
      %swap3A_2001 = vector.shape_cast %get3A_1997 : vector<16xf32> to vector<1x16xf32>
      tpu.vector_store %arg14[%swap3A, %swap3A_1998], %swap3A_2001 {strides = array<i32>} : memref<128x128xf32, #tpu.memory_space<vmem>>, vector<1x16xf32>,
      %get3A_2002 = arith.index_cast %scan3A_1994 : i32 to index
      %get3A_2003 = arith.constant 17 : index
      %get3A_2004 = tpu.vector_load %arg14[%get3A_2002, %get3A_2003] {strides = array<i32>} : memref<128x128xf32, #tpu.memory_space<vmem>>, vector<1x16xf32>,
      %get3A_2005 = vector.shape_cast %get3A_2004 : vector<1x16xf32> to vector<16xf32>
      %swap3A_2006 = arith.index_cast %scan3A_1994 : i32 to index
      %swap3A_2007 = arith.constant 16 : index
      %swap3A_2008 = tpu.vector_load %arg14[%swap3A_2006, %swap3A_2007] {strides = array<i32>} : memref<128x128xf32, #tpu.memory_space<vmem>>, vector<1x16xf32>,
      %swap3A_2009 = vector.shape_cast %swap3A_2008 : vector<1x16xf32> to vector<16xf32>
      %swap3A_2010 = vector.shape_cast %get3A_2005 : vector<16xf32> to vector<1x16xf32>
      tpu.vector_store %arg14[%swap3A_2006, %swap3A_2007], %swap3A_2010 {strides = array<i32>} : memref<128x128xf32, #tpu.memory_space<vmem>>, vector<1x16xf32>,
      %get3A_2011 = arith.index_cast %scan3A_1994 : i32 to index
      %get3A_2012 = arith.constant 33 : index
      %get3A_2013 = tpu.vector_load %arg14[%get3A_2011, %get3A_2012] {strides = array<i32>} : memref<128x128xf32, #tpu.memory_space<vmem>>, vector<1x16xf32>,
      %get3A_2014 = vector.shape_cast %get3A_2013 : vector<1x16xf32> to vector<16xf32>
      %swap3A_2015 = arith.index_cast %scan3A_1994 : i32 to index
      %swap3A_2016 = arith.constant 32 : index
      %swap3A_2017 = tpu.vector_load %arg14[%swap3A_2015, %swap3A_2016] {strides = array<i32>} : memref<128x128xf32, #tpu.memory_space<vmem>>, vector<1x16xf32>,
      %swap3A_2018 = vector.shape_cast %swap3A_2017 : vector<1x16xf32> to vector<16xf32>
      %swap3A_2019 = vector.shape_cast %get3A_2014 : vector<16xf32> to vector<1x16xf32>
      tpu.vector_store %arg14[%swap3A_2015, %swap3A_2016], %swap3A_2019 {strides = array<i32>} : memref<128x128xf32, #tpu.memory_space<vmem>>, vector<1x16xf32>,
      %get3A_2020 = arith.index_cast %scan3A_1994 : i32 to index
      %get3A_2021 = arith.constant 49 : index
      %get3A_2022 = tpu.vector_load %arg14[%get3A_2020, %get3A_2021] {strides = array<i32>} : memref<128x128xf32, #tpu.memory_space<vmem>>, vector<1x16xf32>,
      %get3A_2023 = vector.shape_cast %get3A_2022 : vector<1x16xf32> to vector<16xf32>
      %swap3A_2024 = arith.index_cast %scan3A_1994 : i32 to index
      %swap3A_2025 = arith.constant 48 : index
      %swap3A_2026 = tpu.vector_load %arg14[%swap3A_2024, %swap3A_2025] {strides = array<i32>} : memref<128x128xf32, #tpu.memory_space<vmem>>, vector<1x16xf32>,
      %swap3A_2027 = vector.shape_cast %swap3A_2026 : vector<1x16xf32> to vector<16xf32>
      %swap3A_2028 = vector.shape_cast %get3A_2023 : vector<16xf32> to vector<1x16xf32>
      tpu.vector_store %arg14[%swap3A_2024, %swap3A_2025], %swap3A_2028 {strides = array<i32>} : memref<128x128xf32, #tpu.memory_space<vmem>>, vector<1x16xf32>,
      %get3A_2029 = arith.index_cast %scan3A_1994 : i32 to index
      %get3A_2030 = arith.constant 65 : index
      %get3A_2031 = tpu.vector_load %arg14[%get3A_2029, %get3A_2030] {strides = array<i32>} : memref<128x128xf32, #tpu.memory_space<vmem>>, vector<1x16xf32>,
      %get3A_2032 = vector.shape_cast %get3A_2031 : vector<1x16xf32> to vector<16xf32>
      %swap3A_2033 = arith.index_cast %scan3A_1994 : i32 to index
      %swap3A_2034 = arith.constant 64 : index
      %swap3A_2035 = tpu.vector_load %arg14[%swap3A_2033, %swap3A_2034] {strides = array<i32>} : memref<128x128xf32, #tpu.memory_space<vmem>>, vector<1x16xf32>,
      %swap3A_2036 = vector.shape_cast %swap3A_2035 : vector<1x16xf32> to vector<16xf32>
      %swap3A_2037 = vector.shape_cast %get3A_2032 : vector<16xf32> to vector<1x16xf32>
      tpu.vector_store %arg14[%swap3A_2033, %swap3A_2034], %swap3A_2037 {strides = array<i32>} : memref<128x128xf32, #tpu.memory_space<vmem>>, vector<1x16xf32>,
      %get3A_2038 = arith.index_cast %scan3A_1994 : i32 to index
      %get3A_2039 = arith.constant 81 : index
      %get3A_2040 = tpu.vector_load %arg14[%get3A_2038, %get3A_2039] {strides = array<i32>} : memref<128x128xf32, #tpu.memory_space<vmem>>, vector<1x16xf32>,
      %get3A_2041 = vector.shape_cast %get3A_2040 : vector<1x16xf32> to vector<16xf32>
      %swap3A_2042 = arith.index_cast %scan3A_1994 : i32 to index
      %swap3A_2043 = arith.constant 80 : index
      %swap3A_2044 = tpu.vector_load %arg14[%swap3A_2042, %swap3A_2043] {strides = array<i32>} : memref<128x128xf32, #tpu.memory_space<vmem>>, vector<1x16xf32>,
      %swap3A_2045 = vector.shape_cast %swap3A_2044 : vector<1x16xf32> to vector<16xf32>
      %swap3A_2046 = vector.shape_cast %get3A_2041 : vector<16xf32> to vector<1x16xf32>
      tpu.vector_store %arg14[%swap3A_2042, %swap3A_2043], %swap3A_2046 {strides = array<i32>} : memref<128x128xf32, #tpu.memory_space<vmem>>, vector<1x16xf32>,
      %get3A_2047 = arith.index_cast %scan3A_1994 : i32 to index
      %get3A_2048 = arith.constant 97 : index
      %get3A_2049 = tpu.vector_load %arg14[%get3A_2047, %get3A_2048] {strides = array<i32>} : memref<128x128xf32, #tpu.memory_space<vmem>>, vector<1x16xf32>,
      %get3A_2050 = vector.shape_cast %get3A_2049 : vector<1x16xf32> to vector<16xf32>
      %swap3A_2051 = arith.index_cast %scan3A_1994 : i32 to index
      %swap3A_2052 = arith.constant 96 : index
      %swap3A_2053 = tpu.vector_load %arg14[%swap3A_2051, %swap3A_2052] {strides = array<i32>} : memref<128x128xf32, #tpu.memory_space<vmem>>, vector<1x16xf32>,
      %swap3A_2054 = vector.shape_cast %swap3A_2053 : vector<1x16xf32> to vector<16xf32>
      %swap3A_2055 = vector.shape_cast %get3A_2050 : vector<16xf32> to vector<1x16xf32>
      tpu.vector_store %arg14[%swap3A_2051, %swap3A_2052], %swap3A_2055 {strides = array<i32>} : memref<128x128xf32, #tpu.memory_space<vmem>>, vector<1x16xf32>,
      %get3A_2056 = arith.index_cast %scan3A_1994 : i32 to index
      %get3A_2057 = arith.constant 112 : index
      %get3A_2058 = tpu.vector_load %arg14[%get3A_2056, %get3A_2057] {strides = array<i32>} : memref<128x128xf32, #tpu.memory_space<vmem>>, vector<1x16xf32>,
      %get3A_2059 = vector.shape_cast %get3A_2058 : vector<1x16xf32> to vector<16xf32>
      %broadcast_in_dim3A = vector.shape_cast %min3A_364 : vector<16xi32> to vector<16x1xi32>
      %gather3A = vector.shape_cast %broadcast_in_dim3A : vector<16x1xi32> to vector<16xi32>
      %gather3A_2060 = tpu.dynamic_gather %get3A_2059[%gather3A] in [0] : vector<16xf32>, vector<16xi32> -> vector<16xf32>
      %eq3A = arith.constant 15 : i32
      %eq3A_2061 = vector.broadcast %eq3A : i32 to vector<16xi32>
      %eq3A_2062 = arith.cmpi eq, %iota3A_358, %eq3A_2061 : vector<16xi32>
      %jit3A = arith.constant 0.000000e+00 : f32
      %broadcast_in_dim3A_2063 = vector.broadcast %jit3A : f32 to vector<16xf32>
      %select_n3A = arith.select %eq3A_2062, %broadcast_in_dim3A_2063, %gather3A_2060 : vector<16xi1>, vector<16xf32>
      %swap3A_2064 = arith.index_cast %scan3A_1994 : i32 to index
      %swap3A_2065 = arith.constant 112 : index
      %swap3A_2066 = tpu.vector_load %arg14[%swap3A_2064, %swap3A_2065] {strides = array<i32>} : memref<128x128xf32, #tpu.memory_space<vmem>>, vector<1x16xf32>,
      %swap3A_2067 = vector.shape_cast %swap3A_2066 : vector<1x16xf32> to vector<16xf32>
      %swap3A_2068 = vector.shape_cast %select_n3A : vector<16xf32> to vector<1x16xf32>
      tpu.vector_store %arg14[%swap3A_2064, %swap3A_2065], %swap3A_2068 {strides = array<i32>} : memref<128x128xf32, #tpu.memory_space<vmem>>, vector<1x16xf32>,
    }
    %scan3A_370 = arith.constant 128 : i32
    %dma_start3A_371 = arith.constant 2 : i32
    %dma_start3A_372 = arith.constant 0 : i32
    %dma_start3A_373 = tpu.memref_slice %arg7[%dma_start3A_371, %dma_start3A_372] : memref<8x128xi32, #tpu.memory_space<vmem>> -> memref<1x128xi32, #tpu.memory_space<vmem>>
    %dma_start3A_374 = tpu.memref_squeeze %dma_start3A_373 : memref<1x128xi32, #tpu.memory_space<vmem>> -> memref<128xi32, #tpu.memory_space<vmem>>
    %dma_start3A_375 = arith.constant 0 : i32
    %dma_start3A_376 = arith.constant 0 : i32
    %dma_start3A_377 = tpu.memref_slice %arg6[%dma_start3A_375, %dma_start3A_376] : memref<262144x128xf32, #tpu.memory_space<hbm>> -> memref<262144x128xf32, #tpu.memory_space<hbm>>
    tpu.enqueue_indirect_dma source(%arg14 : memref<128x128xf32, #tpu.memory_space<vmem>>) target(%dma_start3A_377 : memref<262144x128xf32, #tpu.memory_space<hbm>>) offsets(%dma_start3A_374 : memref<128xi32, #tpu.memory_space<vmem>>) semaphore(%arg28 : memref<!tpu.dma_semaphore, #tpu.memory_space<semaphore_mem>>)
    %dma_wait3A_378 = arith.constant 7 : i32
    %dma_wait3A_379 = arith.constant 0 : i32
    %dma_wait3A_380 = tpu.memref_slice %arg9[%dma_wait3A_378, %dma_wait3A_379] : memref<48x128xi32, #tpu.memory_space<vmem>> -> memref<1x128xi32, #tpu.memory_space<vmem>>
    %dma_wait3A_381 = tpu.memref_squeeze %dma_wait3A_380 : memref<1x128xi32, #tpu.memory_space<vmem>> -> memref<128xi32, #tpu.memory_space<vmem>>
    %dma_wait3A_382 = arith.constant 0 : i32
    %dma_wait3A_383 = arith.constant 0 : i32
    %dma_wait3A_384 = tpu.memref_slice %arg6[%dma_wait3A_382, %dma_wait3A_383] : memref<262144x128xf32, #tpu.memory_space<hbm>> -> memref<262144x128xf32, #tpu.memory_space<hbm>>
    tpu.wait_indirect_dma semaphore(%arg26 : memref<!tpu.dma_semaphore, #tpu.memory_space<semaphore_mem>>) src(%arg12 : memref<128x128xf32, #tpu.memory_space<vmem>>) dst(%dma_wait3A_384 : memref<262144x128xf32, #tpu.memory_space<hbm>>)
    %dma_start3A_385 = arith.constant 12 : i32
    %dma_start3A_386 = arith.constant 0 : i32
    %dma_start3A_387 = tpu.memref_slice %arg9[%dma_start3A_385, %dma_start3A_386] : memref<48x128xi32, #tpu.memory_space<vmem>> -> memref<1x128xi32, #tpu.memory_space<vmem>>
    %dma_start3A_388 = tpu.memref_squeeze %dma_start3A_387 : memref<1x128xi32, #tpu.memory_space<vmem>> -> memref<128xi32, #tpu.memory_space<vmem>>
    %dma_start3A_389 = arith.constant 0 : i32
    %dma_start3A_390 = arith.constant 0 : i32
    %dma_start3A_391 = tpu.memref_slice %arg2[%dma_start3A_389, %dma_start3A_390] : memref<262144x128xf32, #tpu.memory_space<hbm>> -> memref<262144x128xf32, #tpu.memory_space<hbm>>
    tpu.enqueue_indirect_dma source(%dma_start3A_391 : memref<262144x128xf32, #tpu.memory_space<hbm>>) target(%arg12 : memref<128x128xf32, #tpu.memory_space<vmem>>) offsets(%dma_start3A_388 : memref<128xi32, #tpu.memory_space<vmem>>) semaphore(%arg19 : memref<!tpu.dma_semaphore, #tpu.memory_space<semaphore_mem>>)
    %dma_wait3A_392 = arith.constant 9 : i32
    %dma_wait3A_393 = arith.constant 0 : i32
    %dma_wait3A_394 = tpu.memref_slice %arg9[%dma_wait3A_392, %dma_wait3A_393] : memref<48x128xi32, #tpu.memory_space<vmem>> -> memref<1x128xi32, #tpu.memory_space<vmem>>
    %dma_wait3A_395 = tpu.memref_squeeze %dma_wait3A_394 : memref<1x128xi32, #tpu.memory_space<vmem>> -> memref<128xi32, #tpu.memory_space<vmem>>
    %dma_wait3A_396 = arith.constant 0 : i32
    %dma_wait3A_397 = arith.constant 0 : i32
    %dma_wait3A_398 = tpu.memref_slice %arg2[%dma_wait3A_396, %dma_wait3A_397] : memref<262144x128xf32, #tpu.memory_space<hbm>> -> memref<262144x128xf32, #tpu.memory_space<hbm>>
    tpu.wait_indirect_dma semaphore(%arg22 : memref<!tpu.dma_semaphore, #tpu.memory_space<semaphore_mem>>) src(%dma_wait3A_398 : memref<262144x128xf32, #tpu.memory_space<hbm>>) dst(%arg15 : memref<128x128xf32, #tpu.memory_space<vmem>>)
    %dma_start3A_399 = arith.constant 9 : i32
    %dma_start3A_400 = arith.constant 0 : i32
    %dma_start3A_401 = tpu.memref_slice %arg9[%dma_start3A_399, %dma_start3A_400] : memref<48x128xi32, #tpu.memory_space<vmem>> -> memref<1x128xi32, #tpu.memory_space<vmem>>
    %dma_start3A_402 = tpu.memref_squeeze %dma_start3A_401 : memref<1x128xi32, #tpu.memory_space<vmem>> -> memref<128xi32, #tpu.memory_space<vmem>>
    %dma_start3A_403 = arith.constant 0 : i32
    %dma_start3A_404 = arith.constant 0 : i32
    %dma_start3A_405 = tpu.memref_slice %arg6[%dma_start3A_403, %dma_start3A_404] : memref<262144x128xf32, #tpu.memory_space<hbm>> -> memref<262144x128xf32, #tpu.memory_space<hbm>>
    tpu.enqueue_indirect_dma source(%arg15 : memref<128x128xf32, #tpu.memory_space<vmem>>) target(%dma_start3A_405 : memref<262144x128xf32, #tpu.memory_space<hbm>>) offsets(%dma_start3A_402 : memref<128xi32, #tpu.memory_space<vmem>>) semaphore(%arg29 : memref<!tpu.dma_semaphore, #tpu.memory_space<semaphore_mem>>)
    %dma_wait3A_406 = arith.constant 8 : i32
    %dma_wait3A_407 = arith.constant 0 : i32
    %dma_wait3A_408 = tpu.memref_slice %arg9[%dma_wait3A_406, %dma_wait3A_407] : memref<48x128xi32, #tpu.memory_space<vmem>> -> memref<1x128xi32, #tpu.memory_space<vmem>>
    %dma_wait3A_409 = tpu.memref_squeeze %dma_wait3A_408 : memref<1x128xi32, #tpu.memory_space<vmem>> -> memref<128xi32, #tpu.memory_space<vmem>>
    %dma_wait3A_410 = arith.constant 0 : i32
    %dma_wait3A_411 = arith.constant 0 : i32
    %dma_wait3A_412 = tpu.memref_slice %arg6[%dma_wait3A_410, %dma_wait3A_411] : memref<262144x128xf32, #tpu.memory_space<hbm>> -> memref<262144x128xf32, #tpu.memory_space<hbm>>
    tpu.wait_indirect_dma semaphore(%arg27 : memref<!tpu.dma_semaphore, #tpu.memory_space<semaphore_mem>>) src(%arg13 : memref<128x128xf32, #tpu.memory_space<vmem>>) dst(%dma_wait3A_412 : memref<262144x128xf32, #tpu.memory_space<hbm>>)
    %dma_start3A_413 = arith.constant 13 : i32
    %dma_start3A_414 = arith.constant 0 : i32
    %dma_start3A_415 = tpu.memref_slice %arg9[%dma_start3A_413, %dma_start3A_414] : memref<48x128xi32, #tpu.memory_space<vmem>> -> memref<1x128xi32, #tpu.memory_space<vmem>>
    %dma_start3A_416 = tpu.memref_squeeze %dma_start3A_415 : memref<1x128xi32, #tpu.memory_space<vmem>> -> memref<128xi32, #tpu.memory_space<vmem>>
    %dma_start3A_417 = arith.constant 0 : i32
    %dma_start3A_418 = arith.constant 0 : i32
    %dma_start3A_419 = tpu.memref_slice %arg2[%dma_start3A_417, %dma_start3A_418] : memref<262144x128xf32, #tpu.memory_space<hbm>> -> memref<262144x128xf32, #tpu.memory_space<hbm>>
    tpu.enqueue_indirect_dma source(%dma_start3A_419 : memref<262144x128xf32, #tpu.memory_space<hbm>>) target(%arg13 : memref<128x128xf32, #tpu.memory_space<vmem>>) offsets(%dma_start3A_416 : memref<128xi32, #tpu.memory_space<vmem>>) semaphore(%arg20 : memref<!tpu.dma_semaphore, #tpu.memory_space<semaphore_mem>>)
    %dma_wait3A_420 = arith.constant 10 : i32
    %dma_wait3A_421 = arith.constant 0 : i32
    %dma_wait3A_422 = tpu.memref_slice %arg9[%dma_wait3A_420, %dma_wait3A_421] : memref<48x128xi32, #tpu.memory_space<vmem>> -> memref<1x128xi32, #tpu.memory_space<vmem>>
    %dma_wait3A_423 = tpu.memref_squeeze %dma_wait3A_422 : memref<1x128xi32, #tpu.memory_space<vmem>> -> memref<128xi32, #tpu.memory_space<vmem>>
    %dma_wait3A_424 = arith.constant 0 : i32
    %dma_wait3A_425 = arith.constant 0 : i32
    %dma_wait3A_426 = tpu.memref_slice %arg2[%dma_wait3A_424, %dma_wait3A_425] : memref<262144x128xf32, #tpu.memory_space<hbm>> -> memref<262144x128xf32, #tpu.memory_space<hbm>>
    tpu.wait_indirect_dma semaphore(%arg23 : memref<!tpu.dma_semaphore, #tpu.memory_space<semaphore_mem>>) src(%dma_wait3A_426 : memref<262144x128xf32, #tpu.memory_space<hbm>>) dst(%arg16 : memref<128x128xf32, #tpu.memory_space<vmem>>)
    %dma_start3A_427 = arith.constant 10 : i32
    %dma_start3A_428 = arith.constant 0 : i32
    %dma_start3A_429 = tpu.memref_slice %arg9[%dma_start3A_427, %dma_start3A_428] : memref<48x128xi32, #tpu.memory_space<vmem>> -> memref<1x128xi32, #tpu.memory_space<vmem>>
    %dma_start3A_430 = tpu.memref_squeeze %dma_start3A_429 : memref<1x128xi32, #tpu.memory_space<vmem>> -> memref<128xi32, #tpu.memory_space<vmem>>
    %dma_start3A_431 = arith.constant 0 : i32
    %dma_start3A_432 = arith.constant 0 : i32
    %dma_start3A_433 = tpu.memref_slice %arg6[%dma_start3A_431, %dma_start3A_432] : memref<262144x128xf32, #tpu.memory_space<hbm>> -> memref<262144x128xf32, #tpu.memory_space<hbm>>
    tpu.enqueue_indirect_dma source(%arg16 : memref<128x128xf32, #tpu.memory_space<vmem>>) target(%dma_start3A_433 : memref<262144x128xf32, #tpu.memory_space<hbm>>) offsets(%dma_start3A_430 : memref<128xi32, #tpu.memory_space<vmem>>) semaphore(%arg30 : memref<!tpu.dma_semaphore, #tpu.memory_space<semaphore_mem>>)
    %dma_wait3A_434 = arith.constant 2 : i32
    %dma_wait3A_435 = arith.constant 0 : i32
    %dma_wait3A_436 = tpu.memref_slice %arg7[%dma_wait3A_434, %dma_wait3A_435] : memref<8x128xi32, #tpu.memory_space<vmem>> -> memref<1x128xi32, #tpu.memory_space<vmem>>
    %dma_wait3A_437 = tpu.memref_squeeze %dma_wait3A_436 : memref<1x128xi32, #tpu.memory_space<vmem>> -> memref<128xi32, #tpu.memory_space<vmem>>
    %dma_wait3A_438 = arith.constant 0 : i32
    %dma_wait3A_439 = arith.constant 0 : i32
    %dma_wait3A_440 = tpu.memref_slice %arg6[%dma_wait3A_438, %dma_wait3A_439] : memref<262144x128xf32, #tpu.memory_space<hbm>> -> memref<262144x128xf32, #tpu.memory_space<hbm>>
    tpu.wait_indirect_dma semaphore(%arg28 : memref<!tpu.dma_semaphore, #tpu.memory_space<semaphore_mem>>) src(%arg14 : memref<128x128xf32, #tpu.memory_space<vmem>>) dst(%dma_wait3A_440 : memref<262144x128xf32, #tpu.memory_space<hbm>>)
    %dma_start3A_441 = arith.constant 14 : i32
    %dma_start3A_442 = arith.constant 0 : i32
    %dma_start3A_443 = tpu.memref_slice %arg9[%dma_start3A_441, %dma_start3A_442] : memref<48x128xi32, #tpu.memory_space<vmem>> -> memref<1x128xi32, #tpu.memory_space<vmem>>
    %dma_start3A_444 = tpu.memref_squeeze %dma_start3A_443 : memref<1x128xi32, #tpu.memory_space<vmem>> -> memref<128xi32, #tpu.memory_space<vmem>>
    %dma_start3A_445 = arith.constant 0 : i32
    %dma_start3A_446 = arith.constant 0 : i32
    %dma_start3A_447 = tpu.memref_slice %arg2[%dma_start3A_445, %dma_start3A_446] : memref<262144x128xf32, #tpu.memory_space<hbm>> -> memref<262144x128xf32, #tpu.memory_space<hbm>>
    tpu.enqueue_indirect_dma source(%dma_start3A_447 : memref<262144x128xf32, #tpu.memory_space<hbm>>) target(%arg14 : memref<128x128xf32, #tpu.memory_space<vmem>>) offsets(%dma_start3A_444 : memref<128xi32, #tpu.memory_space<vmem>>) semaphore(%arg21 : memref<!tpu.dma_semaphore, #tpu.memory_space<semaphore_mem>>)
    %dma_wait3A_448 = arith.constant 11 : i32
    %dma_wait3A_449 = arith.constant 0 : i32
    %dma_wait3A_450 = tpu.memref_slice %arg9[%dma_wait3A_448, %dma_wait3A_449] : memref<48x128xi32, #tpu.memory_space<vmem>> -> memref<1x128xi32, #tpu.memory_space<vmem>>
    %dma_wait3A_451 = tpu.memref_squeeze %dma_wait3A_450 : memref<1x128xi32, #tpu.memory_space<vmem>> -> memref<128xi32, #tpu.memory_space<vmem>>
    %dma_wait3A_452 = arith.constant 0 : i32
    %dma_wait3A_453 = arith.constant 0 : i32
    %dma_wait3A_454 = tpu.memref_slice %arg2[%dma_wait3A_452, %dma_wait3A_453] : memref<262144x128xf32, #tpu.memory_space<hbm>> -> memref<262144x128xf32, #tpu.memory_space<hbm>>
    tpu.wait_indirect_dma semaphore(%arg17 : memref<!tpu.dma_semaphore, #tpu.memory_space<semaphore_mem>>) src(%dma_wait3A_454 : memref<262144x128xf32, #tpu.memory_space<hbm>>) dst(%arg10 : memref<128x128xf32, #tpu.memory_space<vmem>>)
    %dma_start3A_455 = arith.constant 11 : i32
    %dma_start3A_456 = arith.constant 0 : i32
    %dma_start3A_457 = tpu.memref_slice %arg9[%dma_start3A_455, %dma_start3A_456] : memref<48x128xi32, #tpu.memory_space<vmem>> -> memref<1x128xi32, #tpu.memory_space<vmem>>
    %dma_start3A_458 = tpu.memref_squeeze %dma_start3A_457 : memref<1x128xi32, #tpu.memory_space<vmem>> -> memref<128xi32, #tpu.memory_space<vmem>>
    %dma_start3A_459 = arith.constant 0 : i32
    %dma_start3A_460 = arith.constant 0 : i32
    %dma_start3A_461 = tpu.memref_slice %arg6[%dma_start3A_459, %dma_start3A_460] : memref<262144x128xf32, #tpu.memory_space<hbm>> -> memref<262144x128xf32, #tpu.memory_space<hbm>>
    tpu.enqueue_indirect_dma source(%arg10 : memref<128x128xf32, #tpu.memory_space<vmem>>) target(%dma_start3A_461 : memref<262144x128xf32, #tpu.memory_space<hbm>>) offsets(%dma_start3A_458 : memref<128xi32, #tpu.memory_space<vmem>>) semaphore(%arg24 : memref<!tpu.dma_semaphore, #tpu.memory_space<semaphore_mem>>)
    %dma_wait3A_462 = arith.constant 9 : i32
    %dma_wait3A_463 = arith.constant 0 : i32
    %dma_wait3A_464 = tpu.memref_slice %arg9[%dma_wait3A_462, %dma_wait3A_463] : memref<48x128xi32, #tpu.memory_space<vmem>> -> memref<1x128xi32, #tpu.memory_space<vmem>>
    %dma_wait3A_465 = tpu.memref_squeeze %dma_wait3A_464 : memref<1x128xi32, #tpu.memory_space<vmem>> -> memref<128xi32, #tpu.memory_space<vmem>>
    %dma_wait3A_466 = arith.constant 0 : i32
    %dma_wait3A_467 = arith.constant 0 : i32
    %dma_wait3A_468 = tpu.memref_slice %arg6[%dma_wait3A_466, %dma_wait3A_467] : memref<262144x128xf32, #tpu.memory_space<hbm>> -> memref<262144x128xf32, #tpu.memory_space<hbm>>
    tpu.wait_indirect_dma semaphore(%arg29 : memref<!tpu.dma_semaphore, #tpu.memory_space<semaphore_mem>>) src(%arg15 : memref<128x128xf32, #tpu.memory_space<vmem>>) dst(%dma_wait3A_468 : memref<262144x128xf32, #tpu.memory_space<hbm>>)
    %dma_start3A_469 = arith.constant 4 : i32
    %dma_start3A_470 = arith.constant 0 : i32
    %dma_start3A_471 = tpu.memref_slice %arg7[%dma_start3A_469, %dma_start3A_470] : memref<8x128xi32, #tpu.memory_space<vmem>> -> memref<1x128xi32, #tpu.memory_space<vmem>>
    %dma_start3A_472 = tpu.memref_squeeze %dma_start3A_471 : memref<1x128xi32, #tpu.memory_space<vmem>> -> memref<128xi32, #tpu.memory_space<vmem>>
    %dma_start3A_473 = arith.constant 0 : i32
    %dma_start3A_474 = arith.constant 0 : i32
    %dma_start3A_475 = tpu.memref_slice %arg2[%dma_start3A_473, %dma_start3A_474] : memref<262144x128xf32, #tpu.memory_space<hbm>> -> memref<262144x128xf32, #tpu.memory_space<hbm>>
    tpu.enqueue_indirect_dma source(%dma_start3A_475 : memref<262144x128xf32, #tpu.memory_space<hbm>>) target(%arg15 : memref<128x128xf32, #tpu.memory_space<vmem>>) offsets(%dma_start3A_472 : memref<128xi32, #tpu.memory_space<vmem>>) semaphore(%arg22 : memref<!tpu.dma_semaphore, #tpu.memory_space<semaphore_mem>>)
    %dma_wait3A_476 = arith.constant 3 : i32
    %dma_wait3A_477 = arith.constant 0 : i32
    %dma_wait3A_478 = tpu.memref_slice %arg7[%dma_wait3A_476, %dma_wait3A_477] : memref<8x128xi32, #tpu.memory_space<vmem>> -> memref<1x128xi32, #tpu.memory_space<vmem>>
    %dma_wait3A_479 = tpu.memref_squeeze %dma_wait3A_478 : memref<1x128xi32, #tpu.memory_space<vmem>> -> memref<128xi32, #tpu.memory_space<vmem>>
    %dma_wait3A_480 = arith.constant 0 : i32
    %dma_wait3A_481 = arith.constant 0 : i32
    %dma_wait3A_482 = tpu.memref_slice %arg2[%dma_wait3A_480, %dma_wait3A_481] : memref<262144x128xf32, #tpu.memory_space<hbm>> -> memref<262144x128xf32, #tpu.memory_space<hbm>>
    tpu.wait_indirect_dma semaphore(%arg18 : memref<!tpu.dma_semaphore, #tpu.memory_space<semaphore_mem>>) src(%dma_wait3A_482 : memref<262144x128xf32, #tpu.memory_space<hbm>>) dst(%arg11 : memref<128x128xf32, #tpu.memory_space<vmem>>)
    %iota3A_483 = tpu.iota {dimensions = array<i32: 0>} : vector<16xi32>
    %add3A_484 = arith.constant 1 : i32
    %add3A_485 = vector.broadcast %add3A_484 : i32 to vector<16xi32>
    %add3A_486 = arith.addi %iota3A_483, %add3A_485 : vector<16xi32>
    %min3A_487 = arith.constant 15 : i32
    %min3A_488 = vector.broadcast %min3A_487 : i32 to vector<16xi32>
    %min3A_489 = arith.minsi %add3A_486, %min3A_488 : vector<16xi32>
    %scan3A_490 = arith.constant 0 : i32
    %scan3A_491 = arith.constant 0 : i32
    %scan3A_492 = arith.constant 128 : i32
    %scan3A_493 = arith.addi %scan3A_491, %scan3A_492 : i32
    %scan3A_494 = arith.constant 1 : i32
    scf.for %scan3A_1994 = %scan3A_491 to %scan3A_493 step %scan3A_494  : i32 {
      %get3A = arith.index_cast %scan3A_1994 : i32 to index
      %get3A_1995 = arith.constant 1 : index
      %get3A_1996 = tpu.vector_load %arg11[%get3A, %get3A_1995] {strides = array<i32>} : memref<128x128xf32, #tpu.memory_space<vmem>>, vector<1x16xf32>,
      %get3A_1997 = vector.shape_cast %get3A_1996 : vector<1x16xf32> to vector<16xf32>
      %swap3A = arith.index_cast %scan3A_1994 : i32 to index
      %swap3A_1998 = arith.constant 0 : index
      %swap3A_1999 = tpu.vector_load %arg11[%swap3A, %swap3A_1998] {strides = array<i32>} : memref<128x128xf32, #tpu.memory_space<vmem>>, vector<1x16xf32>,
      %swap3A_2000 = vector.shape_cast %swap3A_1999 : vector<1x16xf32> to vector<16xf32>
      %swap3A_2001 = vector.shape_cast %get3A_1997 : vector<16xf32> to vector<1x16xf32>
      tpu.vector_store %arg11[%swap3A, %swap3A_1998], %swap3A_2001 {strides = array<i32>} : memref<128x128xf32, #tpu.memory_space<vmem>>, vector<1x16xf32>,
      %get3A_2002 = arith.index_cast %scan3A_1994 : i32 to index
      %get3A_2003 = arith.constant 17 : index
      %get3A_2004 = tpu.vector_load %arg11[%get3A_2002, %get3A_2003] {strides = array<i32>} : memref<128x128xf32, #tpu.memory_space<vmem>>, vector<1x16xf32>,
      %get3A_2005 = vector.shape_cast %get3A_2004 : vector<1x16xf32> to vector<16xf32>
      %swap3A_2006 = arith.index_cast %scan3A_1994 : i32 to index
      %swap3A_2007 = arith.constant 16 : index
      %swap3A_2008 = tpu.vector_load %arg11[%swap3A_2006, %swap3A_2007] {strides = array<i32>} : memref<128x128xf32, #tpu.memory_space<vmem>>, vector<1x16xf32>,
      %swap3A_2009 = vector.shape_cast %swap3A_2008 : vector<1x16xf32> to vector<16xf32>
      %swap3A_2010 = vector.shape_cast %get3A_2005 : vector<16xf32> to vector<1x16xf32>
      tpu.vector_store %arg11[%swap3A_2006, %swap3A_2007], %swap3A_2010 {strides = array<i32>} : memref<128x128xf32, #tpu.memory_space<vmem>>, vector<1x16xf32>,
      %get3A_2011 = arith.index_cast %scan3A_1994 : i32 to index
      %get3A_2012 = arith.constant 33 : index
      %get3A_2013 = tpu.vector_load %arg11[%get3A_2011, %get3A_2012] {strides = array<i32>} : memref<128x128xf32, #tpu.memory_space<vmem>>, vector<1x16xf32>,
      %get3A_2014 = vector.shape_cast %get3A_2013 : vector<1x16xf32> to vector<16xf32>
      %swap3A_2015 = arith.index_cast %scan3A_1994 : i32 to index
      %swap3A_2016 = arith.constant 32 : index
      %swap3A_2017 = tpu.vector_load %arg11[%swap3A_2015, %swap3A_2016] {strides = array<i32>} : memref<128x128xf32, #tpu.memory_space<vmem>>, vector<1x16xf32>,
      %swap3A_2018 = vector.shape_cast %swap3A_2017 : vector<1x16xf32> to vector<16xf32>
      %swap3A_2019 = vector.shape_cast %get3A_2014 : vector<16xf32> to vector<1x16xf32>
      tpu.vector_store %arg11[%swap3A_2015, %swap3A_2016], %swap3A_2019 {strides = array<i32>} : memref<128x128xf32, #tpu.memory_space<vmem>>, vector<1x16xf32>,
      %get3A_2020 = arith.index_cast %scan3A_1994 : i32 to index
      %get3A_2021 = arith.constant 49 : index
      %get3A_2022 = tpu.vector_load %arg11[%get3A_2020, %get3A_2021] {strides = array<i32>} : memref<128x128xf32, #tpu.memory_space<vmem>>, vector<1x16xf32>,
      %get3A_2023 = vector.shape_cast %get3A_2022 : vector<1x16xf32> to vector<16xf32>
      %swap3A_2024 = arith.index_cast %scan3A_1994 : i32 to index
      %swap3A_2025 = arith.constant 48 : index
      %swap3A_2026 = tpu.vector_load %arg11[%swap3A_2024, %swap3A_2025] {strides = array<i32>} : memref<128x128xf32, #tpu.memory_space<vmem>>, vector<1x16xf32>,
      %swap3A_2027 = vector.shape_cast %swap3A_2026 : vector<1x16xf32> to vector<16xf32>
      %swap3A_2028 = vector.shape_cast %get3A_2023 : vector<16xf32> to vector<1x16xf32>
      tpu.vector_store %arg11[%swap3A_2024, %swap3A_2025], %swap3A_2028 {strides = array<i32>} : memref<128x128xf32, #tpu.memory_space<vmem>>, vector<1x16xf32>,
      %get3A_2029 = arith.index_cast %scan3A_1994 : i32 to index
      %get3A_2030 = arith.constant 65 : index
      %get3A_2031 = tpu.vector_load %arg11[%get3A_2029, %get3A_2030] {strides = array<i32>} : memref<128x128xf32, #tpu.memory_space<vmem>>, vector<1x16xf32>,
      %get3A_2032 = vector.shape_cast %get3A_2031 : vector<1x16xf32> to vector<16xf32>
      %swap3A_2033 = arith.index_cast %scan3A_1994 : i32 to index
      %swap3A_2034 = arith.constant 64 : index
      %swap3A_2035 = tpu.vector_load %arg11[%swap3A_2033, %swap3A_2034] {strides = array<i32>} : memref<128x128xf32, #tpu.memory_space<vmem>>, vector<1x16xf32>,
      %swap3A_2036 = vector.shape_cast %swap3A_2035 : vector<1x16xf32> to vector<16xf32>
      %swap3A_2037 = vector.shape_cast %get3A_2032 : vector<16xf32> to vector<1x16xf32>
      tpu.vector_store %arg11[%swap3A_2033, %swap3A_2034], %swap3A_2037 {strides = array<i32>} : memref<128x128xf32, #tpu.memory_space<vmem>>, vector<1x16xf32>,
      %get3A_2038 = arith.index_cast %scan3A_1994 : i32 to index
      %get3A_2039 = arith.constant 81 : index
      %get3A_2040 = tpu.vector_load %arg11[%get3A_2038, %get3A_2039] {strides = array<i32>} : memref<128x128xf32, #tpu.memory_space<vmem>>, vector<1x16xf32>,
      %get3A_2041 = vector.shape_cast %get3A_2040 : vector<1x16xf32> to vector<16xf32>
      %swap3A_2042 = arith.index_cast %scan3A_1994 : i32 to index
      %swap3A_2043 = arith.constant 80 : index
      %swap3A_2044 = tpu.vector_load %arg11[%swap3A_2042, %swap3A_2043] {strides = array<i32>} : memref<128x128xf32, #tpu.memory_space<vmem>>, vector<1x16xf32>,
      %swap3A_2045 = vector.shape_cast %swap3A_2044 : vector<1x16xf32> to vector<16xf32>
      %swap3A_2046 = vector.shape_cast %get3A_2041 : vector<16xf32> to vector<1x16xf32>
      tpu.vector_store %arg11[%swap3A_2042, %swap3A_2043], %swap3A_2046 {strides = array<i32>} : memref<128x128xf32, #tpu.memory_space<vmem>>, vector<1x16xf32>,
      %get3A_2047 = arith.index_cast %scan3A_1994 : i32 to index
      %get3A_2048 = arith.constant 97 : index
      %get3A_2049 = tpu.vector_load %arg11[%get3A_2047, %get3A_2048] {strides = array<i32>} : memref<128x128xf32, #tpu.memory_space<vmem>>, vector<1x16xf32>,
      %get3A_2050 = vector.shape_cast %get3A_2049 : vector<1x16xf32> to vector<16xf32>
      %swap3A_2051 = arith.index_cast %scan3A_1994 : i32 to index
      %swap3A_2052 = arith.constant 96 : index
      %swap3A_2053 = tpu.vector_load %arg11[%swap3A_2051, %swap3A_2052] {strides = array<i32>} : memref<128x128xf32, #tpu.memory_space<vmem>>, vector<1x16xf32>,
      %swap3A_2054 = vector.shape_cast %swap3A_2053 : vector<1x16xf32> to vector<16xf32>
      %swap3A_2055 = vector.shape_cast %get3A_2050 : vector<16xf32> to vector<1x16xf32>
      tpu.vector_store %arg11[%swap3A_2051, %swap3A_2052], %swap3A_2055 {strides = array<i32>} : memref<128x128xf32, #tpu.memory_space<vmem>>, vector<1x16xf32>,
      %get3A_2056 = arith.index_cast %scan3A_1994 : i32 to index
      %get3A_2057 = arith.constant 112 : index
      %get3A_2058 = tpu.vector_load %arg11[%get3A_2056, %get3A_2057] {strides = array<i32>} : memref<128x128xf32, #tpu.memory_space<vmem>>, vector<1x16xf32>,
      %get3A_2059 = vector.shape_cast %get3A_2058 : vector<1x16xf32> to vector<16xf32>
      %broadcast_in_dim3A = vector.shape_cast %min3A_489 : vector<16xi32> to vector<16x1xi32>
      %gather3A = vector.shape_cast %broadcast_in_dim3A : vector<16x1xi32> to vector<16xi32>
      %gather3A_2060 = tpu.dynamic_gather %get3A_2059[%gather3A] in [0] : vector<16xf32>, vector<16xi32> -> vector<16xf32>
      %eq3A = arith.constant 15 : i32
      %eq3A_2061 = vector.broadcast %eq3A : i32 to vector<16xi32>
      %eq3A_2062 = arith.cmpi eq, %iota3A_483, %eq3A_2061 : vector<16xi32>
      %jit3A = arith.constant 0.000000e+00 : f32
      %broadcast_in_dim3A_2063 = vector.broadcast %jit3A : f32 to vector<16xf32>
      %select_n3A = arith.select %eq3A_2062, %broadcast_in_dim3A_2063, %gather3A_2060 : vector<16xi1>, vector<16xf32>
      %swap3A_2064 = arith.index_cast %scan3A_1994 : i32 to index
      %swap3A_2065 = arith.constant 112 : index
      %swap3A_2066 = tpu.vector_load %arg11[%swap3A_2064, %swap3A_2065] {strides = array<i32>} : memref<128x128xf32, #tpu.memory_space<vmem>>, vector<1x16xf32>,
      %swap3A_2067 = vector.shape_cast %swap3A_2066 : vector<1x16xf32> to vector<16xf32>
      %swap3A_2068 = vector.shape_cast %select_n3A : vector<16xf32> to vector<1x16xf32>
      tpu.vector_store %arg11[%swap3A_2064, %swap3A_2065], %swap3A_2068 {strides = array<i32>} : memref<128x128xf32, #tpu.memory_space<vmem>>, vector<1x16xf32>,
    }
    %scan3A_495 = arith.constant 128 : i32
    %dma_start3A_496 = arith.constant 3 : i32
    %dma_start3A_497 = arith.constant 0 : i32
    %dma_start3A_498 = tpu.memref_slice %arg7[%dma_start3A_496, %dma_start3A_497] : memref<8x128xi32, #tpu.memory_space<vmem>> -> memref<1x128xi32, #tpu.memory_space<vmem>>
    %dma_start3A_499 = tpu.memref_squeeze %dma_start3A_498 : memref<1x128xi32, #tpu.memory_space<vmem>> -> memref<128xi32, #tpu.memory_space<vmem>>
    %dma_start3A_500 = arith.constant 0 : i32
    %dma_start3A_501 = arith.constant 0 : i32
    %dma_start3A_502 = tpu.memref_slice %arg6[%dma_start3A_500, %dma_start3A_501] : memref<262144x128xf32, #tpu.memory_space<hbm>> -> memref<262144x128xf32, #tpu.memory_space<hbm>>
    tpu.enqueue_indirect_dma source(%arg11 : memref<128x128xf32, #tpu.memory_space<vmem>>) target(%dma_start3A_502 : memref<262144x128xf32, #tpu.memory_space<hbm>>) offsets(%dma_start3A_499 : memref<128xi32, #tpu.memory_space<vmem>>) semaphore(%arg25 : memref<!tpu.dma_semaphore, #tpu.memory_space<semaphore_mem>>)
    %dma_wait3A_503 = arith.constant 10 : i32
    %dma_wait3A_504 = arith.constant 0 : i32
    %dma_wait3A_505 = tpu.memref_slice %arg9[%dma_wait3A_503, %dma_wait3A_504] : memref<48x128xi32, #tpu.memory_space<vmem>> -> memref<1x128xi32, #tpu.memory_space<vmem>>
    %dma_wait3A_506 = tpu.memref_squeeze %dma_wait3A_505 : memref<1x128xi32, #tpu.memory_space<vmem>> -> memref<128xi32, #tpu.memory_space<vmem>>
    %dma_wait3A_507 = arith.constant 0 : i32
    %dma_wait3A_508 = arith.constant 0 : i32
    %dma_wait3A_509 = tpu.memref_slice %arg6[%dma_wait3A_507, %dma_wait3A_508] : memref<262144x128xf32, #tpu.memory_space<hbm>> -> memref<262144x128xf32, #tpu.memory_space<hbm>>
    tpu.wait_indirect_dma semaphore(%arg30 : memref<!tpu.dma_semaphore, #tpu.memory_space<semaphore_mem>>) src(%arg16 : memref<128x128xf32, #tpu.memory_space<vmem>>) dst(%dma_wait3A_509 : memref<262144x128xf32, #tpu.memory_space<hbm>>)
    %dma_start3A_510 = arith.constant 15 : i32
    %dma_start3A_511 = arith.constant 0 : i32
    %dma_start3A_512 = tpu.memref_slice %arg9[%dma_start3A_510, %dma_start3A_511] : memref<48x128xi32, #tpu.memory_space<vmem>> -> memref<1x128xi32, #tpu.memory_space<vmem>>
    %dma_start3A_513 = tpu.memref_squeeze %dma_start3A_512 : memref<1x128xi32, #tpu.memory_space<vmem>> -> memref<128xi32, #tpu.memory_space<vmem>>
    %dma_start3A_514 = arith.constant 0 : i32
    %dma_start3A_515 = arith.constant 0 : i32
    %dma_start3A_516 = tpu.memref_slice %arg2[%dma_start3A_514, %dma_start3A_515] : memref<262144x128xf32, #tpu.memory_space<hbm>> -> memref<262144x128xf32, #tpu.memory_space<hbm>>
    tpu.enqueue_indirect_dma source(%dma_start3A_516 : memref<262144x128xf32, #tpu.memory_space<hbm>>) target(%arg16 : memref<128x128xf32, #tpu.memory_space<vmem>>) offsets(%dma_start3A_513 : memref<128xi32, #tpu.memory_space<vmem>>) semaphore(%arg23 : memref<!tpu.dma_semaphore, #tpu.memory_space<semaphore_mem>>)
    %dma_wait3A_517 = arith.constant 12 : i32
    %dma_wait3A_518 = arith.constant 0 : i32
    %dma_wait3A_519 = tpu.memref_slice %arg9[%dma_wait3A_517, %dma_wait3A_518] : memref<48x128xi32, #tpu.memory_space<vmem>> -> memref<1x128xi32, #tpu.memory_space<vmem>>
    %dma_wait3A_520 = tpu.memref_squeeze %dma_wait3A_519 : memref<1x128xi32, #tpu.memory_space<vmem>> -> memref<128xi32, #tpu.memory_space<vmem>>
    %dma_wait3A_521 = arith.constant 0 : i32
    %dma_wait3A_522 = arith.constant 0 : i32
    %dma_wait3A_523 = tpu.memref_slice %arg2[%dma_wait3A_521, %dma_wait3A_522] : memref<262144x128xf32, #tpu.memory_space<hbm>> -> memref<262144x128xf32, #tpu.memory_space<hbm>>
    tpu.wait_indirect_dma semaphore(%arg19 : memref<!tpu.dma_semaphore, #tpu.memory_space<semaphore_mem>>) src(%dma_wait3A_523 : memref<262144x128xf32, #tpu.memory_space<hbm>>) dst(%arg12 : memref<128x128xf32, #tpu.memory_space<vmem>>)
    %dma_start3A_524 = arith.constant 12 : i32
    %dma_start3A_525 = arith.constant 0 : i32
    %dma_start3A_526 = tpu.memref_slice %arg9[%dma_start3A_524, %dma_start3A_525] : memref<48x128xi32, #tpu.memory_space<vmem>> -> memref<1x128xi32, #tpu.memory_space<vmem>>
    %dma_start3A_527 = tpu.memref_squeeze %dma_start3A_526 : memref<1x128xi32, #tpu.memory_space<vmem>> -> memref<128xi32, #tpu.memory_space<vmem>>
    %dma_start3A_528 = arith.constant 0 : i32
    %dma_start3A_529 = arith.constant 0 : i32
    %dma_start3A_530 = tpu.memref_slice %arg6[%dma_start3A_528, %dma_start3A_529] : memref<262144x128xf32, #tpu.memory_space<hbm>> -> memref<262144x128xf32, #tpu.memory_space<hbm>>
    tpu.enqueue_indirect_dma source(%arg12 : memref<128x128xf32, #tpu.memory_space<vmem>>) target(%dma_start3A_530 : memref<262144x128xf32, #tpu.memory_space<hbm>>) offsets(%dma_start3A_527 : memref<128xi32, #tpu.memory_space<vmem>>) semaphore(%arg26 : memref<!tpu.dma_semaphore, #tpu.memory_space<semaphore_mem>>)
    %dma_wait3A_531 = arith.constant 11 : i32
    %dma_wait3A_532 = arith.constant 0 : i32
    %dma_wait3A_533 = tpu.memref_slice %arg9[%dma_wait3A_531, %dma_wait3A_532] : memref<48x128xi32, #tpu.memory_space<vmem>> -> memref<1x128xi32, #tpu.memory_space<vmem>>
    %dma_wait3A_534 = tpu.memref_squeeze %dma_wait3A_533 : memref<1x128xi32, #tpu.memory_space<vmem>> -> memref<128xi32, #tpu.memory_space<vmem>>
    %dma_wait3A_535 = arith.constant 0 : i32
    %dma_wait3A_536 = arith.constant 0 : i32
    %dma_wait3A_537 = tpu.memref_slice %arg6[%dma_wait3A_535, %dma_wait3A_536] : memref<262144x128xf32, #tpu.memory_space<hbm>> -> memref<262144x128xf32, #tpu.memory_space<hbm>>
    tpu.wait_indirect_dma semaphore(%arg24 : memref<!tpu.dma_semaphore, #tpu.memory_space<semaphore_mem>>) src(%arg10 : memref<128x128xf32, #tpu.memory_space<vmem>>) dst(%dma_wait3A_537 : memref<262144x128xf32, #tpu.memory_space<hbm>>)
    %dma_start3A_538 = arith.constant 16 : i32
    %dma_start3A_539 = arith.constant 0 : i32
    %dma_start3A_540 = tpu.memref_slice %arg9[%dma_start3A_538, %dma_start3A_539] : memref<48x128xi32, #tpu.memory_space<vmem>> -> memref<1x128xi32, #tpu.memory_space<vmem>>
    %dma_start3A_541 = tpu.memref_squeeze %dma_start3A_540 : memref<1x128xi32, #tpu.memory_space<vmem>> -> memref<128xi32, #tpu.memory_space<vmem>>
    %dma_start3A_542 = arith.constant 0 : i32
    %dma_start3A_543 = arith.constant 0 : i32
    %dma_start3A_544 = tpu.memref_slice %arg2[%dma_start3A_542, %dma_start3A_543] : memref<262144x128xf32, #tpu.memory_space<hbm>> -> memref<262144x128xf32, #tpu.memory_space<hbm>>
    tpu.enqueue_indirect_dma source(%dma_start3A_544 : memref<262144x128xf32, #tpu.memory_space<hbm>>) target(%arg10 : memref<128x128xf32, #tpu.memory_space<vmem>>) offsets(%dma_start3A_541 : memref<128xi32, #tpu.memory_space<vmem>>) semaphore(%arg17 : memref<!tpu.dma_semaphore, #tpu.memory_space<semaphore_mem>>)
    %dma_wait3A_545 = arith.constant 13 : i32
    %dma_wait3A_546 = arith.constant 0 : i32
    %dma_wait3A_547 = tpu.memref_slice %arg9[%dma_wait3A_545, %dma_wait3A_546] : memref<48x128xi32, #tpu.memory_space<vmem>> -> memref<1x128xi32, #tpu.memory_space<vmem>>
    %dma_wait3A_548 = tpu.memref_squeeze %dma_wait3A_547 : memref<1x128xi32, #tpu.memory_space<vmem>> -> memref<128xi32, #tpu.memory_space<vmem>>
    %dma_wait3A_549 = arith.constant 0 : i32
    %dma_wait3A_550 = arith.constant 0 : i32
    %dma_wait3A_551 = tpu.memref_slice %arg2[%dma_wait3A_549, %dma_wait3A_550] : memref<262144x128xf32, #tpu.memory_space<hbm>> -> memref<262144x128xf32, #tpu.memory_space<hbm>>
    tpu.wait_indirect_dma semaphore(%arg20 : memref<!tpu.dma_semaphore, #tpu.memory_space<semaphore_mem>>) src(%dma_wait3A_551 : memref<262144x128xf32, #tpu.memory_space<hbm>>) dst(%arg13 : memref<128x128xf32, #tpu.memory_space<vmem>>)
    %dma_start3A_552 = arith.constant 13 : i32
    %dma_start3A_553 = arith.constant 0 : i32
    %dma_start3A_554 = tpu.memref_slice %arg9[%dma_start3A_552, %dma_start3A_553] : memref<48x128xi32, #tpu.memory_space<vmem>> -> memref<1x128xi32, #tpu.memory_space<vmem>>
    %dma_start3A_555 = tpu.memref_squeeze %dma_start3A_554 : memref<1x128xi32, #tpu.memory_space<vmem>> -> memref<128xi32, #tpu.memory_space<vmem>>
    %dma_start3A_556 = arith.constant 0 : i32
    %dma_start3A_557 = arith.constant 0 : i32
    %dma_start3A_558 = tpu.memref_slice %arg6[%dma_start3A_556, %dma_start3A_557] : memref<262144x128xf32, #tpu.memory_space<hbm>> -> memref<262144x128xf32, #tpu.memory_space<hbm>>
    tpu.enqueue_indirect_dma source(%arg13 : memref<128x128xf32, #tpu.memory_space<vmem>>) target(%dma_start3A_558 : memref<262144x128xf32, #tpu.memory_space<hbm>>) offsets(%dma_start3A_555 : memref<128xi32, #tpu.memory_space<vmem>>) semaphore(%arg27 : memref<!tpu.dma_semaphore, #tpu.memory_space<semaphore_mem>>)
    %dma_wait3A_559 = arith.constant 3 : i32
    %dma_wait3A_560 = arith.constant 0 : i32
    %dma_wait3A_561 = tpu.memref_slice %arg7[%dma_wait3A_559, %dma_wait3A_560] : memref<8x128xi32, #tpu.memory_space<vmem>> -> memref<1x128xi32, #tpu.memory_space<vmem>>
    %dma_wait3A_562 = tpu.memref_squeeze %dma_wait3A_561 : memref<1x128xi32, #tpu.memory_space<vmem>> -> memref<128xi32, #tpu.memory_space<vmem>>
    %dma_wait3A_563 = arith.constant 0 : i32
    %dma_wait3A_564 = arith.constant 0 : i32
    %dma_wait3A_565 = tpu.memref_slice %arg6[%dma_wait3A_563, %dma_wait3A_564] : memref<262144x128xf32, #tpu.memory_space<hbm>> -> memref<262144x128xf32, #tpu.memory_space<hbm>>
    tpu.wait_indirect_dma semaphore(%arg25 : memref<!tpu.dma_semaphore, #tpu.memory_space<semaphore_mem>>) src(%arg11 : memref<128x128xf32, #tpu.memory_space<vmem>>) dst(%dma_wait3A_565 : memref<262144x128xf32, #tpu.memory_space<hbm>>)
    %dma_start3A_566 = arith.constant 17 : i32
    %dma_start3A_567 = arith.constant 0 : i32
    %dma_start3A_568 = tpu.memref_slice %arg9[%dma_start3A_566, %dma_start3A_567] : memref<48x128xi32, #tpu.memory_space<vmem>> -> memref<1x128xi32, #tpu.memory_space<vmem>>
    %dma_start3A_569 = tpu.memref_squeeze %dma_start3A_568 : memref<1x128xi32, #tpu.memory_space<vmem>> -> memref<128xi32, #tpu.memory_space<vmem>>
    %dma_start3A_570 = arith.constant 0 : i32
    %dma_start3A_571 = arith.constant 0 : i32
    %dma_start3A_572 = tpu.memref_slice %arg2[%dma_start3A_570, %dma_start3A_571] : memref<262144x128xf32, #tpu.memory_space<hbm>> -> memref<262144x128xf32, #tpu.memory_space<hbm>>
    tpu.enqueue_indirect_dma source(%dma_start3A_572 : memref<262144x128xf32, #tpu.memory_space<hbm>>) target(%arg11 : memref<128x128xf32, #tpu.memory_space<vmem>>) offsets(%dma_start3A_569 : memref<128xi32, #tpu.memory_space<vmem>>) semaphore(%arg18 : memref<!tpu.dma_semaphore, #tpu.memory_space<semaphore_mem>>)
    %dma_wait3A_573 = arith.constant 14 : i32
    %dma_wait3A_574 = arith.constant 0 : i32
    %dma_wait3A_575 = tpu.memref_slice %arg9[%dma_wait3A_573, %dma_wait3A_574] : memref<48x128xi32, #tpu.memory_space<vmem>> -> memref<1x128xi32, #tpu.memory_space<vmem>>
    %dma_wait3A_576 = tpu.memref_squeeze %dma_wait3A_575 : memref<1x128xi32, #tpu.memory_space<vmem>> -> memref<128xi32, #tpu.memory_space<vmem>>
    %dma_wait3A_577 = arith.constant 0 : i32
    %dma_wait3A_578 = arith.constant 0 : i32
    %dma_wait3A_579 = tpu.memref_slice %arg2[%dma_wait3A_577, %dma_wait3A_578] : memref<262144x128xf32, #tpu.memory_space<hbm>> -> memref<262144x128xf32, #tpu.memory_space<hbm>>
    tpu.wait_indirect_dma semaphore(%arg21 : memref<!tpu.dma_semaphore, #tpu.memory_space<semaphore_mem>>) src(%dma_wait3A_579 : memref<262144x128xf32, #tpu.memory_space<hbm>>) dst(%arg14 : memref<128x128xf32, #tpu.memory_space<vmem>>)
    %dma_start3A_580 = arith.constant 14 : i32
    %dma_start3A_581 = arith.constant 0 : i32
    %dma_start3A_582 = tpu.memref_slice %arg9[%dma_start3A_580, %dma_start3A_581] : memref<48x128xi32, #tpu.memory_space<vmem>> -> memref<1x128xi32, #tpu.memory_space<vmem>>
    %dma_start3A_583 = tpu.memref_squeeze %dma_start3A_582 : memref<1x128xi32, #tpu.memory_space<vmem>> -> memref<128xi32, #tpu.memory_space<vmem>>
    %dma_start3A_584 = arith.constant 0 : i32
    %dma_start3A_585 = arith.constant 0 : i32
    %dma_start3A_586 = tpu.memref_slice %arg6[%dma_start3A_584, %dma_start3A_585] : memref<262144x128xf32, #tpu.memory_space<hbm>> -> memref<262144x128xf32, #tpu.memory_space<hbm>>
    tpu.enqueue_indirect_dma source(%arg14 : memref<128x128xf32, #tpu.memory_space<vmem>>) target(%dma_start3A_586 : memref<262144x128xf32, #tpu.memory_space<hbm>>) offsets(%dma_start3A_583 : memref<128xi32, #tpu.memory_space<vmem>>) semaphore(%arg28 : memref<!tpu.dma_semaphore, #tpu.memory_space<semaphore_mem>>)
    %dma_wait3A_587 = arith.constant 12 : i32
    %dma_wait3A_588 = arith.constant 0 : i32
    %dma_wait3A_589 = tpu.memref_slice %arg9[%dma_wait3A_587, %dma_wait3A_588] : memref<48x128xi32, #tpu.memory_space<vmem>> -> memref<1x128xi32, #tpu.memory_space<vmem>>
    %dma_wait3A_590 = tpu.memref_squeeze %dma_wait3A_589 : memref<1x128xi32, #tpu.memory_space<vmem>> -> memref<128xi32, #tpu.memory_space<vmem>>
    %dma_wait3A_591 = arith.constant 0 : i32
    %dma_wait3A_592 = arith.constant 0 : i32
    %dma_wait3A_593 = tpu.memref_slice %arg6[%dma_wait3A_591, %dma_wait3A_592] : memref<262144x128xf32, #tpu.memory_space<hbm>> -> memref<262144x128xf32, #tpu.memory_space<hbm>>
    tpu.wait_indirect_dma semaphore(%arg26 : memref<!tpu.dma_semaphore, #tpu.memory_space<semaphore_mem>>) src(%arg12 : memref<128x128xf32, #tpu.memory_space<vmem>>) dst(%dma_wait3A_593 : memref<262144x128xf32, #tpu.memory_space<hbm>>)
    %dma_start3A_594 = arith.constant 5 : i32
    %dma_start3A_595 = arith.constant 0 : i32
    %dma_start3A_596 = tpu.memref_slice %arg7[%dma_start3A_594, %dma_start3A_595] : memref<8x128xi32, #tpu.memory_space<vmem>> -> memref<1x128xi32, #tpu.memory_space<vmem>>
    %dma_start3A_597 = tpu.memref_squeeze %dma_start3A_596 : memref<1x128xi32, #tpu.memory_space<vmem>> -> memref<128xi32, #tpu.memory_space<vmem>>
    %dma_start3A_598 = arith.constant 0 : i32
    %dma_start3A_599 = arith.constant 0 : i32
    %dma_start3A_600 = tpu.memref_slice %arg2[%dma_start3A_598, %dma_start3A_599] : memref<262144x128xf32, #tpu.memory_space<hbm>> -> memref<262144x128xf32, #tpu.memory_space<hbm>>
    tpu.enqueue_indirect_dma source(%dma_start3A_600 : memref<262144x128xf32, #tpu.memory_space<hbm>>) target(%arg12 : memref<128x128xf32, #tpu.memory_space<vmem>>) offsets(%dma_start3A_597 : memref<128xi32, #tpu.memory_space<vmem>>) semaphore(%arg19 : memref<!tpu.dma_semaphore, #tpu.memory_space<semaphore_mem>>)
    %dma_wait3A_601 = arith.constant 4 : i32
    %dma_wait3A_602 = arith.constant 0 : i32
    %dma_wait3A_603 = tpu.memref_slice %arg7[%dma_wait3A_601, %dma_wait3A_602] : memref<8x128xi32, #tpu.memory_space<vmem>> -> memref<1x128xi32, #tpu.memory_space<vmem>>
    %dma_wait3A_604 = tpu.memref_squeeze %dma_wait3A_603 : memref<1x128xi32, #tpu.memory_space<vmem>> -> memref<128xi32, #tpu.memory_space<vmem>>
    %dma_wait3A_605 = arith.constant 0 : i32
    %dma_wait3A_606 = arith.constant 0 : i32
    %dma_wait3A_607 = tpu.memref_slice %arg2[%dma_wait3A_605, %dma_wait3A_606] : memref<262144x128xf32, #tpu.memory_space<hbm>> -> memref<262144x128xf32, #tpu.memory_space<hbm>>
    tpu.wait_indirect_dma semaphore(%arg22 : memref<!tpu.dma_semaphore, #tpu.memory_space<semaphore_mem>>) src(%dma_wait3A_607 : memref<262144x128xf32, #tpu.memory_space<hbm>>) dst(%arg15 : memref<128x128xf32, #tpu.memory_space<vmem>>)
    %iota3A_608 = tpu.iota {dimensions = array<i32: 0>} : vector<16xi32>
    %add3A_609 = arith.constant 1 : i32
    %add3A_610 = vector.broadcast %add3A_609 : i32 to vector<16xi32>
    %add3A_611 = arith.addi %iota3A_608, %add3A_610 : vector<16xi32>
    %min3A_612 = arith.constant 15 : i32
    %min3A_613 = vector.broadcast %min3A_612 : i32 to vector<16xi32>
    %min3A_614 = arith.minsi %add3A_611, %min3A_613 : vector<16xi32>
    %scan3A_615 = arith.constant 0 : i32
    %scan3A_616 = arith.constant 0 : i32
    %scan3A_617 = arith.constant 128 : i32
    %scan3A_618 = arith.addi %scan3A_616, %scan3A_617 : i32
    %scan3A_619 = arith.constant 1 : i32
    scf.for %scan3A_1994 = %scan3A_616 to %scan3A_618 step %scan3A_619  : i32 {
      %get3A = arith.index_cast %scan3A_1994 : i32 to index
      %get3A_1995 = arith.constant 1 : index
      %get3A_1996 = tpu.vector_load %arg15[%get3A, %get3A_1995] {strides = array<i32>} : memref<128x128xf32, #tpu.memory_space<vmem>>, vector<1x16xf32>,
      %get3A_1997 = vector.shape_cast %get3A_1996 : vector<1x16xf32> to vector<16xf32>
      %swap3A = arith.index_cast %scan3A_1994 : i32 to index
      %swap3A_1998 = arith.constant 0 : index
      %swap3A_1999 = tpu.vector_load %arg15[%swap3A, %swap3A_1998] {strides = array<i32>} : memref<128x128xf32, #tpu.memory_space<vmem>>, vector<1x16xf32>,
      %swap3A_2000 = vector.shape_cast %swap3A_1999 : vector<1x16xf32> to vector<16xf32>
      %swap3A_2001 = vector.shape_cast %get3A_1997 : vector<16xf32> to vector<1x16xf32>
      tpu.vector_store %arg15[%swap3A, %swap3A_1998], %swap3A_2001 {strides = array<i32>} : memref<128x128xf32, #tpu.memory_space<vmem>>, vector<1x16xf32>,
      %get3A_2002 = arith.index_cast %scan3A_1994 : i32 to index
      %get3A_2003 = arith.constant 17 : index
      %get3A_2004 = tpu.vector_load %arg15[%get3A_2002, %get3A_2003] {strides = array<i32>} : memref<128x128xf32, #tpu.memory_space<vmem>>, vector<1x16xf32>,
      %get3A_2005 = vector.shape_cast %get3A_2004 : vector<1x16xf32> to vector<16xf32>
      %swap3A_2006 = arith.index_cast %scan3A_1994 : i32 to index
      %swap3A_2007 = arith.constant 16 : index
      %swap3A_2008 = tpu.vector_load %arg15[%swap3A_2006, %swap3A_2007] {strides = array<i32>} : memref<128x128xf32, #tpu.memory_space<vmem>>, vector<1x16xf32>,
      %swap3A_2009 = vector.shape_cast %swap3A_2008 : vector<1x16xf32> to vector<16xf32>
      %swap3A_2010 = vector.shape_cast %get3A_2005 : vector<16xf32> to vector<1x16xf32>
      tpu.vector_store %arg15[%swap3A_2006, %swap3A_2007], %swap3A_2010 {strides = array<i32>} : memref<128x128xf32, #tpu.memory_space<vmem>>, vector<1x16xf32>,
      %get3A_2011 = arith.index_cast %scan3A_1994 : i32 to index
      %get3A_2012 = arith.constant 33 : index
      %get3A_2013 = tpu.vector_load %arg15[%get3A_2011, %get3A_2012] {strides = array<i32>} : memref<128x128xf32, #tpu.memory_space<vmem>>, vector<1x16xf32>,
      %get3A_2014 = vector.shape_cast %get3A_2013 : vector<1x16xf32> to vector<16xf32>
      %swap3A_2015 = arith.index_cast %scan3A_1994 : i32 to index
      %swap3A_2016 = arith.constant 32 : index
      %swap3A_2017 = tpu.vector_load %arg15[%swap3A_2015, %swap3A_2016] {strides = array<i32>} : memref<128x128xf32, #tpu.memory_space<vmem>>, vector<1x16xf32>,
      %swap3A_2018 = vector.shape_cast %swap3A_2017 : vector<1x16xf32> to vector<16xf32>
      %swap3A_2019 = vector.shape_cast %get3A_2014 : vector<16xf32> to vector<1x16xf32>
      tpu.vector_store %arg15[%swap3A_2015, %swap3A_2016], %swap3A_2019 {strides = array<i32>} : memref<128x128xf32, #tpu.memory_space<vmem>>, vector<1x16xf32>,
      %get3A_2020 = arith.index_cast %scan3A_1994 : i32 to index
      %get3A_2021 = arith.constant 49 : index
      %get3A_2022 = tpu.vector_load %arg15[%get3A_2020, %get3A_2021] {strides = array<i32>} : memref<128x128xf32, #tpu.memory_space<vmem>>, vector<1x16xf32>,
      %get3A_2023 = vector.shape_cast %get3A_2022 : vector<1x16xf32> to vector<16xf32>
      %swap3A_2024 = arith.index_cast %scan3A_1994 : i32 to index
      %swap3A_2025 = arith.constant 48 : index
      %swap3A_2026 = tpu.vector_load %arg15[%swap3A_2024, %swap3A_2025] {strides = array<i32>} : memref<128x128xf32, #tpu.memory_space<vmem>>, vector<1x16xf32>,
      %swap3A_2027 = vector.shape_cast %swap3A_2026 : vector<1x16xf32> to vector<16xf32>
      %swap3A_2028 = vector.shape_cast %get3A_2023 : vector<16xf32> to vector<1x16xf32>
      tpu.vector_store %arg15[%swap3A_2024, %swap3A_2025], %swap3A_2028 {strides = array<i32>} : memref<128x128xf32, #tpu.memory_space<vmem>>, vector<1x16xf32>,
      %get3A_2029 = arith.index_cast %scan3A_1994 : i32 to index
      %get3A_2030 = arith.constant 65 : index
      %get3A_2031 = tpu.vector_load %arg15[%get3A_2029, %get3A_2030] {strides = array<i32>} : memref<128x128xf32, #tpu.memory_space<vmem>>, vector<1x16xf32>,
      %get3A_2032 = vector.shape_cast %get3A_2031 : vector<1x16xf32> to vector<16xf32>
      %swap3A_2033 = arith.index_cast %scan3A_1994 : i32 to index
      %swap3A_2034 = arith.constant 64 : index
      %swap3A_2035 = tpu.vector_load %arg15[%swap3A_2033, %swap3A_2034] {strides = array<i32>} : memref<128x128xf32, #tpu.memory_space<vmem>>, vector<1x16xf32>,
      %swap3A_2036 = vector.shape_cast %swap3A_2035 : vector<1x16xf32> to vector<16xf32>
      %swap3A_2037 = vector.shape_cast %get3A_2032 : vector<16xf32> to vector<1x16xf32>
      tpu.vector_store %arg15[%swap3A_2033, %swap3A_2034], %swap3A_2037 {strides = array<i32>} : memref<128x128xf32, #tpu.memory_space<vmem>>, vector<1x16xf32>,
      %get3A_2038 = arith.index_cast %scan3A_1994 : i32 to index
      %get3A_2039 = arith.constant 81 : index
      %get3A_2040 = tpu.vector_load %arg15[%get3A_2038, %get3A_2039] {strides = array<i32>} : memref<128x128xf32, #tpu.memory_space<vmem>>, vector<1x16xf32>,
      %get3A_2041 = vector.shape_cast %get3A_2040 : vector<1x16xf32> to vector<16xf32>
      %swap3A_2042 = arith.index_cast %scan3A_1994 : i32 to index
      %swap3A_2043 = arith.constant 80 : index
      %swap3A_2044 = tpu.vector_load %arg15[%swap3A_2042, %swap3A_2043] {strides = array<i32>} : memref<128x128xf32, #tpu.memory_space<vmem>>, vector<1x16xf32>,
      %swap3A_2045 = vector.shape_cast %swap3A_2044 : vector<1x16xf32> to vector<16xf32>
      %swap3A_2046 = vector.shape_cast %get3A_2041 : vector<16xf32> to vector<1x16xf32>
      tpu.vector_store %arg15[%swap3A_2042, %swap3A_2043], %swap3A_2046 {strides = array<i32>} : memref<128x128xf32, #tpu.memory_space<vmem>>, vector<1x16xf32>,
      %get3A_2047 = arith.index_cast %scan3A_1994 : i32 to index
      %get3A_2048 = arith.constant 97 : index
      %get3A_2049 = tpu.vector_load %arg15[%get3A_2047, %get3A_2048] {strides = array<i32>} : memref<128x128xf32, #tpu.memory_space<vmem>>, vector<1x16xf32>,
      %get3A_2050 = vector.shape_cast %get3A_2049 : vector<1x16xf32> to vector<16xf32>
      %swap3A_2051 = arith.index_cast %scan3A_1994 : i32 to index
      %swap3A_2052 = arith.constant 96 : index
      %swap3A_2053 = tpu.vector_load %arg15[%swap3A_2051, %swap3A_2052] {strides = array<i32>} : memref<128x128xf32, #tpu.memory_space<vmem>>, vector<1x16xf32>,
      %swap3A_2054 = vector.shape_cast %swap3A_2053 : vector<1x16xf32> to vector<16xf32>
      %swap3A_2055 = vector.shape_cast %get3A_2050 : vector<16xf32> to vector<1x16xf32>
      tpu.vector_store %arg15[%swap3A_2051, %swap3A_2052], %swap3A_2055 {strides = array<i32>} : memref<128x128xf32, #tpu.memory_space<vmem>>, vector<1x16xf32>,
      %get3A_2056 = arith.index_cast %scan3A_1994 : i32 to index
      %get3A_2057 = arith.constant 112 : index
      %get3A_2058 = tpu.vector_load %arg15[%get3A_2056, %get3A_2057] {strides = array<i32>} : memref<128x128xf32, #tpu.memory_space<vmem>>, vector<1x16xf32>,
      %get3A_2059 = vector.shape_cast %get3A_2058 : vector<1x16xf32> to vector<16xf32>
      %broadcast_in_dim3A = vector.shape_cast %min3A_614 : vector<16xi32> to vector<16x1xi32>
      %gather3A = vector.shape_cast %broadcast_in_dim3A : vector<16x1xi32> to vector<16xi32>
      %gather3A_2060 = tpu.dynamic_gather %get3A_2059[%gather3A] in [0] : vector<16xf32>, vector<16xi32> -> vector<16xf32>
      %eq3A = arith.constant 15 : i32
      %eq3A_2061 = vector.broadcast %eq3A : i32 to vector<16xi32>
      %eq3A_2062 = arith.cmpi eq, %iota3A_608, %eq3A_2061 : vector<16xi32>
      %jit3A = arith.constant 0.000000e+00 : f32
      %broadcast_in_dim3A_2063 = vector.broadcast %jit3A : f32 to vector<16xf32>
      %select_n3A = arith.select %eq3A_2062, %broadcast_in_dim3A_2063, %gather3A_2060 : vector<16xi1>, vector<16xf32>
      %swap3A_2064 = arith.index_cast %scan3A_1994 : i32 to index
      %swap3A_2065 = arith.constant 112 : index
      %swap3A_2066 = tpu.vector_load %arg15[%swap3A_2064, %swap3A_2065] {strides = array<i32>} : memref<128x128xf32, #tpu.memory_space<vmem>>, vector<1x16xf32>,
      %swap3A_2067 = vector.shape_cast %swap3A_2066 : vector<1x16xf32> to vector<16xf32>
      %swap3A_2068 = vector.shape_cast %select_n3A : vector<16xf32> to vector<1x16xf32>
      tpu.vector_store %arg15[%swap3A_2064, %swap3A_2065], %swap3A_2068 {strides = array<i32>} : memref<128x128xf32, #tpu.memory_space<vmem>>, vector<1x16xf32>,
    }
    %scan3A_620 = arith.constant 128 : i32
    %dma_start3A_621 = arith.constant 4 : i32
    %dma_start3A_622 = arith.constant 0 : i32
    %dma_start3A_623 = tpu.memref_slice %arg7[%dma_start3A_621, %dma_start3A_622] : memref<8x128xi32, #tpu.memory_space<vmem>> -> memref<1x128xi32, #tpu.memory_space<vmem>>
    %dma_start3A_624 = tpu.memref_squeeze %dma_start3A_623 : memref<1x128xi32, #tpu.memory_space<vmem>> -> memref<128xi32, #tpu.memory_space<vmem>>
    %dma_start3A_625 = arith.constant 0 : i32
    %dma_start3A_626 = arith.constant 0 : i32
    %dma_start3A_627 = tpu.memref_slice %arg6[%dma_start3A_625, %dma_start3A_626] : memref<262144x128xf32, #tpu.memory_space<hbm>> -> memref<262144x128xf32, #tpu.memory_space<hbm>>
    tpu.enqueue_indirect_dma source(%arg15 : memref<128x128xf32, #tpu.memory_space<vmem>>) target(%dma_start3A_627 : memref<262144x128xf32, #tpu.memory_space<hbm>>) offsets(%dma_start3A_624 : memref<128xi32, #tpu.memory_space<vmem>>) semaphore(%arg29 : memref<!tpu.dma_semaphore, #tpu.memory_space<semaphore_mem>>)
    %dma_wait3A_628 = arith.constant 13 : i32
    %dma_wait3A_629 = arith.constant 0 : i32
    %dma_wait3A_630 = tpu.memref_slice %arg9[%dma_wait3A_628, %dma_wait3A_629] : memref<48x128xi32, #tpu.memory_space<vmem>> -> memref<1x128xi32, #tpu.memory_space<vmem>>
    %dma_wait3A_631 = tpu.memref_squeeze %dma_wait3A_630 : memref<1x128xi32, #tpu.memory_space<vmem>> -> memref<128xi32, #tpu.memory_space<vmem>>
    %dma_wait3A_632 = arith.constant 0 : i32
    %dma_wait3A_633 = arith.constant 0 : i32
    %dma_wait3A_634 = tpu.memref_slice %arg6[%dma_wait3A_632, %dma_wait3A_633] : memref<262144x128xf32, #tpu.memory_space<hbm>> -> memref<262144x128xf32, #tpu.memory_space<hbm>>
    tpu.wait_indirect_dma semaphore(%arg27 : memref<!tpu.dma_semaphore, #tpu.memory_space<semaphore_mem>>) src(%arg13 : memref<128x128xf32, #tpu.memory_space<vmem>>) dst(%dma_wait3A_634 : memref<262144x128xf32, #tpu.memory_space<hbm>>)
    %dma_start3A_635 = arith.constant 18 : i32
    %dma_start3A_636 = arith.constant 0 : i32
    %dma_start3A_637 = tpu.memref_slice %arg9[%dma_start3A_635, %dma_start3A_636] : memref<48x128xi32, #tpu.memory_space<vmem>> -> memref<1x128xi32, #tpu.memory_space<vmem>>
    %dma_start3A_638 = tpu.memref_squeeze %dma_start3A_637 : memref<1x128xi32, #tpu.memory_space<vmem>> -> memref<128xi32, #tpu.memory_space<vmem>>
    %dma_start3A_639 = arith.constant 0 : i32
    %dma_start3A_640 = arith.constant 0 : i32
    %dma_start3A_641 = tpu.memref_slice %arg2[%dma_start3A_639, %dma_start3A_640] : memref<262144x128xf32, #tpu.memory_space<hbm>> -> memref<262144x128xf32, #tpu.memory_space<hbm>>
    tpu.enqueue_indirect_dma source(%dma_start3A_641 : memref<262144x128xf32, #tpu.memory_space<hbm>>) target(%arg13 : memref<128x128xf32, #tpu.memory_space<vmem>>) offsets(%dma_start3A_638 : memref<128xi32, #tpu.memory_space<vmem>>) semaphore(%arg20 : memref<!tpu.dma_semaphore, #tpu.memory_space<semaphore_mem>>)
    %dma_wait3A_642 = arith.constant 15 : i32
    %dma_wait3A_643 = arith.constant 0 : i32
    %dma_wait3A_644 = tpu.memref_slice %arg9[%dma_wait3A_642, %dma_wait3A_643] : memref<48x128xi32, #tpu.memory_space<vmem>> -> memref<1x128xi32, #tpu.memory_space<vmem>>
    %dma_wait3A_645 = tpu.memref_squeeze %dma_wait3A_644 : memref<1x128xi32, #tpu.memory_space<vmem>> -> memref<128xi32, #tpu.memory_space<vmem>>
    %dma_wait3A_646 = arith.constant 0 : i32
    %dma_wait3A_647 = arith.constant 0 : i32
    %dma_wait3A_648 = tpu.memref_slice %arg2[%dma_wait3A_646, %dma_wait3A_647] : memref<262144x128xf32, #tpu.memory_space<hbm>> -> memref<262144x128xf32, #tpu.memory_space<hbm>>
    tpu.wait_indirect_dma semaphore(%arg23 : memref<!tpu.dma_semaphore, #tpu.memory_space<semaphore_mem>>) src(%dma_wait3A_648 : memref<262144x128xf32, #tpu.memory_space<hbm>>) dst(%arg16 : memref<128x128xf32, #tpu.memory_space<vmem>>)
    %dma_start3A_649 = arith.constant 15 : i32
    %dma_start3A_650 = arith.constant 0 : i32
    %dma_start3A_651 = tpu.memref_slice %arg9[%dma_start3A_649, %dma_start3A_650] : memref<48x128xi32, #tpu.memory_space<vmem>> -> memref<1x128xi32, #tpu.memory_space<vmem>>
    %dma_start3A_652 = tpu.memref_squeeze %dma_start3A_651 : memref<1x128xi32, #tpu.memory_space<vmem>> -> memref<128xi32, #tpu.memory_space<vmem>>
    %dma_start3A_653 = arith.constant 0 : i32
    %dma_start3A_654 = arith.constant 0 : i32
    %dma_start3A_655 = tpu.memref_slice %arg6[%dma_start3A_653, %dma_start3A_654] : memref<262144x128xf32, #tpu.memory_space<hbm>> -> memref<262144x128xf32, #tpu.memory_space<hbm>>
    tpu.enqueue_indirect_dma source(%arg16 : memref<128x128xf32, #tpu.memory_space<vmem>>) target(%dma_start3A_655 : memref<262144x128xf32, #tpu.memory_space<hbm>>) offsets(%dma_start3A_652 : memref<128xi32, #tpu.memory_space<vmem>>) semaphore(%arg30 : memref<!tpu.dma_semaphore, #tpu.memory_space<semaphore_mem>>)
    %dma_wait3A_656 = arith.constant 14 : i32
    %dma_wait3A_657 = arith.constant 0 : i32
    %dma_wait3A_658 = tpu.memref_slice %arg9[%dma_wait3A_656, %dma_wait3A_657] : memref<48x128xi32, #tpu.memory_space<vmem>> -> memref<1x128xi32, #tpu.memory_space<vmem>>
    %dma_wait3A_659 = tpu.memref_squeeze %dma_wait3A_658 : memref<1x128xi32, #tpu.memory_space<vmem>> -> memref<128xi32, #tpu.memory_space<vmem>>
    %dma_wait3A_660 = arith.constant 0 : i32
    %dma_wait3A_661 = arith.constant 0 : i32
    %dma_wait3A_662 = tpu.memref_slice %arg6[%dma_wait3A_660, %dma_wait3A_661] : memref<262144x128xf32, #tpu.memory_space<hbm>> -> memref<262144x128xf32, #tpu.memory_space<hbm>>
    tpu.wait_indirect_dma semaphore(%arg28 : memref<!tpu.dma_semaphore, #tpu.memory_space<semaphore_mem>>) src(%arg14 : memref<128x128xf32, #tpu.memory_space<vmem>>) dst(%dma_wait3A_662 : memref<262144x128xf32, #tpu.memory_space<hbm>>)
    %dma_start3A_663 = arith.constant 19 : i32
    %dma_start3A_664 = arith.constant 0 : i32
    %dma_start3A_665 = tpu.memref_slice %arg9[%dma_start3A_663, %dma_start3A_664] : memref<48x128xi32, #tpu.memory_space<vmem>> -> memref<1x128xi32, #tpu.memory_space<vmem>>
    %dma_start3A_666 = tpu.memref_squeeze %dma_start3A_665 : memref<1x128xi32, #tpu.memory_space<vmem>> -> memref<128xi32, #tpu.memory_space<vmem>>
    %dma_start3A_667 = arith.constant 0 : i32
    %dma_start3A_668 = arith.constant 0 : i32
    %dma_start3A_669 = tpu.memref_slice %arg2[%dma_start3A_667, %dma_start3A_668] : memref<262144x128xf32, #tpu.memory_space<hbm>> -> memref<262144x128xf32, #tpu.memory_space<hbm>>
    tpu.enqueue_indirect_dma source(%dma_start3A_669 : memref<262144x128xf32, #tpu.memory_space<hbm>>) target(%arg14 : memref<128x128xf32, #tpu.memory_space<vmem>>) offsets(%dma_start3A_666 : memref<128xi32, #tpu.memory_space<vmem>>) semaphore(%arg21 : memref<!tpu.dma_semaphore, #tpu.memory_space<semaphore_mem>>)
    %dma_wait3A_670 = arith.constant 16 : i32
    %dma_wait3A_671 = arith.constant 0 : i32
    %dma_wait3A_672 = tpu.memref_slice %arg9[%dma_wait3A_670, %dma_wait3A_671] : memref<48x128xi32, #tpu.memory_space<vmem>> -> memref<1x128xi32, #tpu.memory_space<vmem>>
    %dma_wait3A_673 = tpu.memref_squeeze %dma_wait3A_672 : memref<1x128xi32, #tpu.memory_space<vmem>> -> memref<128xi32, #tpu.memory_space<vmem>>
    %dma_wait3A_674 = arith.constant 0 : i32
    %dma_wait3A_675 = arith.constant 0 : i32
    %dma_wait3A_676 = tpu.memref_slice %arg2[%dma_wait3A_674, %dma_wait3A_675] : memref<262144x128xf32, #tpu.memory_space<hbm>> -> memref<262144x128xf32, #tpu.memory_space<hbm>>
    tpu.wait_indirect_dma semaphore(%arg17 : memref<!tpu.dma_semaphore, #tpu.memory_space<semaphore_mem>>) src(%dma_wait3A_676 : memref<262144x128xf32, #tpu.memory_space<hbm>>) dst(%arg10 : memref<128x128xf32, #tpu.memory_space<vmem>>)
    %dma_start3A_677 = arith.constant 16 : i32
    %dma_start3A_678 = arith.constant 0 : i32
    %dma_start3A_679 = tpu.memref_slice %arg9[%dma_start3A_677, %dma_start3A_678] : memref<48x128xi32, #tpu.memory_space<vmem>> -> memref<1x128xi32, #tpu.memory_space<vmem>>
    %dma_start3A_680 = tpu.memref_squeeze %dma_start3A_679 : memref<1x128xi32, #tpu.memory_space<vmem>> -> memref<128xi32, #tpu.memory_space<vmem>>
    %dma_start3A_681 = arith.constant 0 : i32
    %dma_start3A_682 = arith.constant 0 : i32
    %dma_start3A_683 = tpu.memref_slice %arg6[%dma_start3A_681, %dma_start3A_682] : memref<262144x128xf32, #tpu.memory_space<hbm>> -> memref<262144x128xf32, #tpu.memory_space<hbm>>
    tpu.enqueue_indirect_dma source(%arg10 : memref<128x128xf32, #tpu.memory_space<vmem>>) target(%dma_start3A_683 : memref<262144x128xf32, #tpu.memory_space<hbm>>) offsets(%dma_start3A_680 : memref<128xi32, #tpu.memory_space<vmem>>) semaphore(%arg24 : memref<!tpu.dma_semaphore, #tpu.memory_space<semaphore_mem>>)
    %dma_wait3A_684 = arith.constant 4 : i32
    %dma_wait3A_685 = arith.constant 0 : i32
    %dma_wait3A_686 = tpu.memref_slice %arg7[%dma_wait3A_684, %dma_wait3A_685] : memref<8x128xi32, #tpu.memory_space<vmem>> -> memref<1x128xi32, #tpu.memory_space<vmem>>
    %dma_wait3A_687 = tpu.memref_squeeze %dma_wait3A_686 : memref<1x128xi32, #tpu.memory_space<vmem>> -> memref<128xi32, #tpu.memory_space<vmem>>
    %dma_wait3A_688 = arith.constant 0 : i32
    %dma_wait3A_689 = arith.constant 0 : i32
    %dma_wait3A_690 = tpu.memref_slice %arg6[%dma_wait3A_688, %dma_wait3A_689] : memref<262144x128xf32, #tpu.memory_space<hbm>> -> memref<262144x128xf32, #tpu.memory_space<hbm>>
    tpu.wait_indirect_dma semaphore(%arg29 : memref<!tpu.dma_semaphore, #tpu.memory_space<semaphore_mem>>) src(%arg15 : memref<128x128xf32, #tpu.memory_space<vmem>>) dst(%dma_wait3A_690 : memref<262144x128xf32, #tpu.memory_space<hbm>>)
    %dma_start3A_691 = arith.constant 20 : i32
    %dma_start3A_692 = arith.constant 0 : i32
    %dma_start3A_693 = tpu.memref_slice %arg9[%dma_start3A_691, %dma_start3A_692] : memref<48x128xi32, #tpu.memory_space<vmem>> -> memref<1x128xi32, #tpu.memory_space<vmem>>
    %dma_start3A_694 = tpu.memref_squeeze %dma_start3A_693 : memref<1x128xi32, #tpu.memory_space<vmem>> -> memref<128xi32, #tpu.memory_space<vmem>>
    %dma_start3A_695 = arith.constant 0 : i32
    %dma_start3A_696 = arith.constant 0 : i32
    %dma_start3A_697 = tpu.memref_slice %arg2[%dma_start3A_695, %dma_start3A_696] : memref<262144x128xf32, #tpu.memory_space<hbm>> -> memref<262144x128xf32, #tpu.memory_space<hbm>>
    tpu.enqueue_indirect_dma source(%dma_start3A_697 : memref<262144x128xf32, #tpu.memory_space<hbm>>) target(%arg15 : memref<128x128xf32, #tpu.memory_space<vmem>>) offsets(%dma_start3A_694 : memref<128xi32, #tpu.memory_space<vmem>>) semaphore(%arg22 : memref<!tpu.dma_semaphore, #tpu.memory_space<semaphore_mem>>)
    %dma_wait3A_698 = arith.constant 17 : i32
    %dma_wait3A_699 = arith.constant 0 : i32
    %dma_wait3A_700 = tpu.memref_slice %arg9[%dma_wait3A_698, %dma_wait3A_699] : memref<48x128xi32, #tpu.memory_space<vmem>> -> memref<1x128xi32, #tpu.memory_space<vmem>>
    %dma_wait3A_701 = tpu.memref_squeeze %dma_wait3A_700 : memref<1x128xi32, #tpu.memory_space<vmem>> -> memref<128xi32, #tpu.memory_space<vmem>>
    %dma_wait3A_702 = arith.constant 0 : i32
    %dma_wait3A_703 = arith.constant 0 : i32
    %dma_wait3A_704 = tpu.memref_slice %arg2[%dma_wait3A_702, %dma_wait3A_703] : memref<262144x128xf32, #tpu.memory_space<hbm>> -> memref<262144x128xf32, #tpu.memory_space<hbm>>
    tpu.wait_indirect_dma semaphore(%arg18 : memref<!tpu.dma_semaphore, #tpu.memory_space<semaphore_mem>>) src(%dma_wait3A_704 : memref<262144x128xf32, #tpu.memory_space<hbm>>) dst(%arg11 : memref<128x128xf32, #tpu.memory_space<vmem>>)
    %dma_start3A_705 = arith.constant 17 : i32
    %dma_start3A_706 = arith.constant 0 : i32
    %dma_start3A_707 = tpu.memref_slice %arg9[%dma_start3A_705, %dma_start3A_706] : memref<48x128xi32, #tpu.memory_space<vmem>> -> memref<1x128xi32, #tpu.memory_space<vmem>>
    %dma_start3A_708 = tpu.memref_squeeze %dma_start3A_707 : memref<1x128xi32, #tpu.memory_space<vmem>> -> memref<128xi32, #tpu.memory_space<vmem>>
    %dma_start3A_709 = arith.constant 0 : i32
    %dma_start3A_710 = arith.constant 0 : i32
    %dma_start3A_711 = tpu.memref_slice %arg6[%dma_start3A_709, %dma_start3A_710] : memref<262144x128xf32, #tpu.memory_space<hbm>> -> memref<262144x128xf32, #tpu.memory_space<hbm>>
    tpu.enqueue_indirect_dma source(%arg11 : memref<128x128xf32, #tpu.memory_space<vmem>>) target(%dma_start3A_711 : memref<262144x128xf32, #tpu.memory_space<hbm>>) offsets(%dma_start3A_708 : memref<128xi32, #tpu.memory_space<vmem>>) semaphore(%arg25 : memref<!tpu.dma_semaphore, #tpu.memory_space<semaphore_mem>>)
    %dma_wait3A_712 = arith.constant 15 : i32
    %dma_wait3A_713 = arith.constant 0 : i32
    %dma_wait3A_714 = tpu.memref_slice %arg9[%dma_wait3A_712, %dma_wait3A_713] : memref<48x128xi32, #tpu.memory_space<vmem>> -> memref<1x128xi32, #tpu.memory_space<vmem>>
    %dma_wait3A_715 = tpu.memref_squeeze %dma_wait3A_714 : memref<1x128xi32, #tpu.memory_space<vmem>> -> memref<128xi32, #tpu.memory_space<vmem>>
    %dma_wait3A_716 = arith.constant 0 : i32
    %dma_wait3A_717 = arith.constant 0 : i32
    %dma_wait3A_718 = tpu.memref_slice %arg6[%dma_wait3A_716, %dma_wait3A_717] : memref<262144x128xf32, #tpu.memory_space<hbm>> -> memref<262144x128xf32, #tpu.memory_space<hbm>>
    tpu.wait_indirect_dma semaphore(%arg30 : memref<!tpu.dma_semaphore, #tpu.memory_space<semaphore_mem>>) src(%arg16 : memref<128x128xf32, #tpu.memory_space<vmem>>) dst(%dma_wait3A_718 : memref<262144x128xf32, #tpu.memory_space<hbm>>)
    %dma_start3A_719 = arith.constant 6 : i32
    %dma_start3A_720 = arith.constant 0 : i32
    %dma_start3A_721 = tpu.memref_slice %arg7[%dma_start3A_719, %dma_start3A_720] : memref<8x128xi32, #tpu.memory_space<vmem>> -> memref<1x128xi32, #tpu.memory_space<vmem>>
    %dma_start3A_722 = tpu.memref_squeeze %dma_start3A_721 : memref<1x128xi32, #tpu.memory_space<vmem>> -> memref<128xi32, #tpu.memory_space<vmem>>
    %dma_start3A_723 = arith.constant 0 : i32
    %dma_start3A_724 = arith.constant 0 : i32
    %dma_start3A_725 = tpu.memref_slice %arg2[%dma_start3A_723, %dma_start3A_724] : memref<262144x128xf32, #tpu.memory_space<hbm>> -> memref<262144x128xf32, #tpu.memory_space<hbm>>
    tpu.enqueue_indirect_dma source(%dma_start3A_725 : memref<262144x128xf32, #tpu.memory_space<hbm>>) target(%arg16 : memref<128x128xf32, #tpu.memory_space<vmem>>) offsets(%dma_start3A_722 : memref<128xi32, #tpu.memory_space<vmem>>) semaphore(%arg23 : memref<!tpu.dma_semaphore, #tpu.memory_space<semaphore_mem>>)
    %dma_wait3A_726 = arith.constant 5 : i32
    %dma_wait3A_727 = arith.constant 0 : i32
    %dma_wait3A_728 = tpu.memref_slice %arg7[%dma_wait3A_726, %dma_wait3A_727] : memref<8x128xi32, #tpu.memory_space<vmem>> -> memref<1x128xi32, #tpu.memory_space<vmem>>
    %dma_wait3A_729 = tpu.memref_squeeze %dma_wait3A_728 : memref<1x128xi32, #tpu.memory_space<vmem>> -> memref<128xi32, #tpu.memory_space<vmem>>
    %dma_wait3A_730 = arith.constant 0 : i32
    %dma_wait3A_731 = arith.constant 0 : i32
    %dma_wait3A_732 = tpu.memref_slice %arg2[%dma_wait3A_730, %dma_wait3A_731] : memref<262144x128xf32, #tpu.memory_space<hbm>> -> memref<262144x128xf32, #tpu.memory_space<hbm>>
    tpu.wait_indirect_dma semaphore(%arg19 : memref<!tpu.dma_semaphore, #tpu.memory_space<semaphore_mem>>) src(%dma_wait3A_732 : memref<262144x128xf32, #tpu.memory_space<hbm>>) dst(%arg12 : memref<128x128xf32, #tpu.memory_space<vmem>>)
    %iota3A_733 = tpu.iota {dimensions = array<i32: 0>} : vector<16xi32>
    %add3A_734 = arith.constant 1 : i32
    %add3A_735 = vector.broadcast %add3A_734 : i32 to vector<16xi32>
    %add3A_736 = arith.addi %iota3A_733, %add3A_735 : vector<16xi32>
    %min3A_737 = arith.constant 15 : i32
    %min3A_738 = vector.broadcast %min3A_737 : i32 to vector<16xi32>
    %min3A_739 = arith.minsi %add3A_736, %min3A_738 : vector<16xi32>
    %scan3A_740 = arith.constant 0 : i32
    %scan3A_741 = arith.constant 0 : i32
    %scan3A_742 = arith.constant 128 : i32
    %scan3A_743 = arith.addi %scan3A_741, %scan3A_742 : i32
    %scan3A_744 = arith.constant 1 : i32
    scf.for %scan3A_1994 = %scan3A_741 to %scan3A_743 step %scan3A_744  : i32 {
      %get3A = arith.index_cast %scan3A_1994 : i32 to index
      %get3A_1995 = arith.constant 1 : index
      %get3A_1996 = tpu.vector_load %arg12[%get3A, %get3A_1995] {strides = array<i32>} : memref<128x128xf32, #tpu.memory_space<vmem>>, vector<1x16xf32>,
      %get3A_1997 = vector.shape_cast %get3A_1996 : vector<1x16xf32> to vector<16xf32>
      %swap3A = arith.index_cast %scan3A_1994 : i32 to index
      %swap3A_1998 = arith.constant 0 : index
      %swap3A_1999 = tpu.vector_load %arg12[%swap3A, %swap3A_1998] {strides = array<i32>} : memref<128x128xf32, #tpu.memory_space<vmem>>, vector<1x16xf32>,
      %swap3A_2000 = vector.shape_cast %swap3A_1999 : vector<1x16xf32> to vector<16xf32>
      %swap3A_2001 = vector.shape_cast %get3A_1997 : vector<16xf32> to vector<1x16xf32>
      tpu.vector_store %arg12[%swap3A, %swap3A_1998], %swap3A_2001 {strides = array<i32>} : memref<128x128xf32, #tpu.memory_space<vmem>>, vector<1x16xf32>,
      %get3A_2002 = arith.index_cast %scan3A_1994 : i32 to index
      %get3A_2003 = arith.constant 17 : index
      %get3A_2004 = tpu.vector_load %arg12[%get3A_2002, %get3A_2003] {strides = array<i32>} : memref<128x128xf32, #tpu.memory_space<vmem>>, vector<1x16xf32>,
      %get3A_2005 = vector.shape_cast %get3A_2004 : vector<1x16xf32> to vector<16xf32>
      %swap3A_2006 = arith.index_cast %scan3A_1994 : i32 to index
      %swap3A_2007 = arith.constant 16 : index
      %swap3A_2008 = tpu.vector_load %arg12[%swap3A_2006, %swap3A_2007] {strides = array<i32>} : memref<128x128xf32, #tpu.memory_space<vmem>>, vector<1x16xf32>,
      %swap3A_2009 = vector.shape_cast %swap3A_2008 : vector<1x16xf32> to vector<16xf32>
      %swap3A_2010 = vector.shape_cast %get3A_2005 : vector<16xf32> to vector<1x16xf32>
      tpu.vector_store %arg12[%swap3A_2006, %swap3A_2007], %swap3A_2010 {strides = array<i32>} : memref<128x128xf32, #tpu.memory_space<vmem>>, vector<1x16xf32>,
      %get3A_2011 = arith.index_cast %scan3A_1994 : i32 to index
      %get3A_2012 = arith.constant 33 : index
      %get3A_2013 = tpu.vector_load %arg12[%get3A_2011, %get3A_2012] {strides = array<i32>} : memref<128x128xf32, #tpu.memory_space<vmem>>, vector<1x16xf32>,
      %get3A_2014 = vector.shape_cast %get3A_2013 : vector<1x16xf32> to vector<16xf32>
      %swap3A_2015 = arith.index_cast %scan3A_1994 : i32 to index
      %swap3A_2016 = arith.constant 32 : index
      %swap3A_2017 = tpu.vector_load %arg12[%swap3A_2015, %swap3A_2016] {strides = array<i32>} : memref<128x128xf32, #tpu.memory_space<vmem>>, vector<1x16xf32>,
      %swap3A_2018 = vector.shape_cast %swap3A_2017 : vector<1x16xf32> to vector<16xf32>
      %swap3A_2019 = vector.shape_cast %get3A_2014 : vector<16xf32> to vector<1x16xf32>
      tpu.vector_store %arg12[%swap3A_2015, %swap3A_2016], %swap3A_2019 {strides = array<i32>} : memref<128x128xf32, #tpu.memory_space<vmem>>, vector<1x16xf32>,
      %get3A_2020 = arith.index_cast %scan3A_1994 : i32 to index
      %get3A_2021 = arith.constant 49 : index
      %get3A_2022 = tpu.vector_load %arg12[%get3A_2020, %get3A_2021] {strides = array<i32>} : memref<128x128xf32, #tpu.memory_space<vmem>>, vector<1x16xf32>,
      %get3A_2023 = vector.shape_cast %get3A_2022 : vector<1x16xf32> to vector<16xf32>
      %swap3A_2024 = arith.index_cast %scan3A_1994 : i32 to index
      %swap3A_2025 = arith.constant 48 : index
      %swap3A_2026 = tpu.vector_load %arg12[%swap3A_2024, %swap3A_2025] {strides = array<i32>} : memref<128x128xf32, #tpu.memory_space<vmem>>, vector<1x16xf32>,
      %swap3A_2027 = vector.shape_cast %swap3A_2026 : vector<1x16xf32> to vector<16xf32>
      %swap3A_2028 = vector.shape_cast %get3A_2023 : vector<16xf32> to vector<1x16xf32>
      tpu.vector_store %arg12[%swap3A_2024, %swap3A_2025], %swap3A_2028 {strides = array<i32>} : memref<128x128xf32, #tpu.memory_space<vmem>>, vector<1x16xf32>,
      %get3A_2029 = arith.index_cast %scan3A_1994 : i32 to index
      %get3A_2030 = arith.constant 65 : index
      %get3A_2031 = tpu.vector_load %arg12[%get3A_2029, %get3A_2030] {strides = array<i32>} : memref<128x128xf32, #tpu.memory_space<vmem>>, vector<1x16xf32>,
      %get3A_2032 = vector.shape_cast %get3A_2031 : vector<1x16xf32> to vector<16xf32>
      %swap3A_2033 = arith.index_cast %scan3A_1994 : i32 to index
      %swap3A_2034 = arith.constant 64 : index
      %swap3A_2035 = tpu.vector_load %arg12[%swap3A_2033, %swap3A_2034] {strides = array<i32>} : memref<128x128xf32, #tpu.memory_space<vmem>>, vector<1x16xf32>,
      %swap3A_2036 = vector.shape_cast %swap3A_2035 : vector<1x16xf32> to vector<16xf32>
      %swap3A_2037 = vector.shape_cast %get3A_2032 : vector<16xf32> to vector<1x16xf32>
      tpu.vector_store %arg12[%swap3A_2033, %swap3A_2034], %swap3A_2037 {strides = array<i32>} : memref<128x128xf32, #tpu.memory_space<vmem>>, vector<1x16xf32>,
      %get3A_2038 = arith.index_cast %scan3A_1994 : i32 to index
      %get3A_2039 = arith.constant 81 : index
      %get3A_2040 = tpu.vector_load %arg12[%get3A_2038, %get3A_2039] {strides = array<i32>} : memref<128x128xf32, #tpu.memory_space<vmem>>, vector<1x16xf32>,
      %get3A_2041 = vector.shape_cast %get3A_2040 : vector<1x16xf32> to vector<16xf32>
      %swap3A_2042 = arith.index_cast %scan3A_1994 : i32 to index
      %swap3A_2043 = arith.constant 80 : index
      %swap3A_2044 = tpu.vector_load %arg12[%swap3A_2042, %swap3A_2043] {strides = array<i32>} : memref<128x128xf32, #tpu.memory_space<vmem>>, vector<1x16xf32>,
      %swap3A_2045 = vector.shape_cast %swap3A_2044 : vector<1x16xf32> to vector<16xf32>
      %swap3A_2046 = vector.shape_cast %get3A_2041 : vector<16xf32> to vector<1x16xf32>
      tpu.vector_store %arg12[%swap3A_2042, %swap3A_2043], %swap3A_2046 {strides = array<i32>} : memref<128x128xf32, #tpu.memory_space<vmem>>, vector<1x16xf32>,
      %get3A_2047 = arith.index_cast %scan3A_1994 : i32 to index
      %get3A_2048 = arith.constant 97 : index
      %get3A_2049 = tpu.vector_load %arg12[%get3A_2047, %get3A_2048] {strides = array<i32>} : memref<128x128xf32, #tpu.memory_space<vmem>>, vector<1x16xf32>,
      %get3A_2050 = vector.shape_cast %get3A_2049 : vector<1x16xf32> to vector<16xf32>
      %swap3A_2051 = arith.index_cast %scan3A_1994 : i32 to index
      %swap3A_2052 = arith.constant 96 : index
      %swap3A_2053 = tpu.vector_load %arg12[%swap3A_2051, %swap3A_2052] {strides = array<i32>} : memref<128x128xf32, #tpu.memory_space<vmem>>, vector<1x16xf32>,
      %swap3A_2054 = vector.shape_cast %swap3A_2053 : vector<1x16xf32> to vector<16xf32>
      %swap3A_2055 = vector.shape_cast %get3A_2050 : vector<16xf32> to vector<1x16xf32>
      tpu.vector_store %arg12[%swap3A_2051, %swap3A_2052], %swap3A_2055 {strides = array<i32>} : memref<128x128xf32, #tpu.memory_space<vmem>>, vector<1x16xf32>,
      %get3A_2056 = arith.index_cast %scan3A_1994 : i32 to index
      %get3A_2057 = arith.constant 112 : index
      %get3A_2058 = tpu.vector_load %arg12[%get3A_2056, %get3A_2057] {strides = array<i32>} : memref<128x128xf32, #tpu.memory_space<vmem>>, vector<1x16xf32>,
      %get3A_2059 = vector.shape_cast %get3A_2058 : vector<1x16xf32> to vector<16xf32>
      %broadcast_in_dim3A = vector.shape_cast %min3A_739 : vector<16xi32> to vector<16x1xi32>
      %gather3A = vector.shape_cast %broadcast_in_dim3A : vector<16x1xi32> to vector<16xi32>
      %gather3A_2060 = tpu.dynamic_gather %get3A_2059[%gather3A] in [0] : vector<16xf32>, vector<16xi32> -> vector<16xf32>
      %eq3A = arith.constant 15 : i32
      %eq3A_2061 = vector.broadcast %eq3A : i32 to vector<16xi32>
      %eq3A_2062 = arith.cmpi eq, %iota3A_733, %eq3A_2061 : vector<16xi32>
      %jit3A = arith.constant 0.000000e+00 : f32
      %broadcast_in_dim3A_2063 = vector.broadcast %jit3A : f32 to vector<16xf32>
      %select_n3A = arith.select %eq3A_2062, %broadcast_in_dim3A_2063, %gather3A_2060 : vector<16xi1>, vector<16xf32>
      %swap3A_2064 = arith.index_cast %scan3A_1994 : i32 to index
      %swap3A_2065 = arith.constant 112 : index
      %swap3A_2066 = tpu.vector_load %arg12[%swap3A_2064, %swap3A_2065] {strides = array<i32>} : memref<128x128xf32, #tpu.memory_space<vmem>>, vector<1x16xf32>,
      %swap3A_2067 = vector.shape_cast %swap3A_2066 : vector<1x16xf32> to vector<16xf32>
      %swap3A_2068 = vector.shape_cast %select_n3A : vector<16xf32> to vector<1x16xf32>
      tpu.vector_store %arg12[%swap3A_2064, %swap3A_2065], %swap3A_2068 {strides = array<i32>} : memref<128x128xf32, #tpu.memory_space<vmem>>, vector<1x16xf32>,
    }
    %scan3A_745 = arith.constant 128 : i32
    %dma_start3A_746 = arith.constant 5 : i32
    %dma_start3A_747 = arith.constant 0 : i32
    %dma_start3A_748 = tpu.memref_slice %arg7[%dma_start3A_746, %dma_start3A_747] : memref<8x128xi32, #tpu.memory_space<vmem>> -> memref<1x128xi32, #tpu.memory_space<vmem>>
    %dma_start3A_749 = tpu.memref_squeeze %dma_start3A_748 : memref<1x128xi32, #tpu.memory_space<vmem>> -> memref<128xi32, #tpu.memory_space<vmem>>
    %dma_start3A_750 = arith.constant 0 : i32
    %dma_start3A_751 = arith.constant 0 : i32
    %dma_start3A_752 = tpu.memref_slice %arg6[%dma_start3A_750, %dma_start3A_751] : memref<262144x128xf32, #tpu.memory_space<hbm>> -> memref<262144x128xf32, #tpu.memory_space<hbm>>
    tpu.enqueue_indirect_dma source(%arg12 : memref<128x128xf32, #tpu.memory_space<vmem>>) target(%dma_start3A_752 : memref<262144x128xf32, #tpu.memory_space<hbm>>) offsets(%dma_start3A_749 : memref<128xi32, #tpu.memory_space<vmem>>) semaphore(%arg26 : memref<!tpu.dma_semaphore, #tpu.memory_space<semaphore_mem>>)
    %dma_wait3A_753 = arith.constant 16 : i32
    %dma_wait3A_754 = arith.constant 0 : i32
    %dma_wait3A_755 = tpu.memref_slice %arg9[%dma_wait3A_753, %dma_wait3A_754] : memref<48x128xi32, #tpu.memory_space<vmem>> -> memref<1x128xi32, #tpu.memory_space<vmem>>
    %dma_wait3A_756 = tpu.memref_squeeze %dma_wait3A_755 : memref<1x128xi32, #tpu.memory_space<vmem>> -> memref<128xi32, #tpu.memory_space<vmem>>
    %dma_wait3A_757 = arith.constant 0 : i32
    %dma_wait3A_758 = arith.constant 0 : i32
    %dma_wait3A_759 = tpu.memref_slice %arg6[%dma_wait3A_757, %dma_wait3A_758] : memref<262144x128xf32, #tpu.memory_space<hbm>> -> memref<262144x128xf32, #tpu.memory_space<hbm>>
    tpu.wait_indirect_dma semaphore(%arg24 : memref<!tpu.dma_semaphore, #tpu.memory_space<semaphore_mem>>) src(%arg10 : memref<128x128xf32, #tpu.memory_space<vmem>>) dst(%dma_wait3A_759 : memref<262144x128xf32, #tpu.memory_space<hbm>>)
    %dma_start3A_760 = arith.constant 21 : i32
    %dma_start3A_761 = arith.constant 0 : i32
    %dma_start3A_762 = tpu.memref_slice %arg9[%dma_start3A_760, %dma_start3A_761] : memref<48x128xi32, #tpu.memory_space<vmem>> -> memref<1x128xi32, #tpu.memory_space<vmem>>
    %dma_start3A_763 = tpu.memref_squeeze %dma_start3A_762 : memref<1x128xi32, #tpu.memory_space<vmem>> -> memref<128xi32, #tpu.memory_space<vmem>>
    %dma_start3A_764 = arith.constant 0 : i32
    %dma_start3A_765 = arith.constant 0 : i32
    %dma_start3A_766 = tpu.memref_slice %arg2[%dma_start3A_764, %dma_start3A_765] : memref<262144x128xf32, #tpu.memory_space<hbm>> -> memref<262144x128xf32, #tpu.memory_space<hbm>>
    tpu.enqueue_indirect_dma source(%dma_start3A_766 : memref<262144x128xf32, #tpu.memory_space<hbm>>) target(%arg10 : memref<128x128xf32, #tpu.memory_space<vmem>>) offsets(%dma_start3A_763 : memref<128xi32, #tpu.memory_space<vmem>>) semaphore(%arg17 : memref<!tpu.dma_semaphore, #tpu.memory_space<semaphore_mem>>)
    %dma_wait3A_767 = arith.constant 18 : i32
    %dma_wait3A_768 = arith.constant 0 : i32
    %dma_wait3A_769 = tpu.memref_slice %arg9[%dma_wait3A_767, %dma_wait3A_768] : memref<48x128xi32, #tpu.memory_space<vmem>> -> memref<1x128xi32, #tpu.memory_space<vmem>>
    %dma_wait3A_770 = tpu.memref_squeeze %dma_wait3A_769 : memref<1x128xi32, #tpu.memory_space<vmem>> -> memref<128xi32, #tpu.memory_space<vmem>>
    %dma_wait3A_771 = arith.constant 0 : i32
    %dma_wait3A_772 = arith.constant 0 : i32
    %dma_wait3A_773 = tpu.memref_slice %arg2[%dma_wait3A_771, %dma_wait3A_772] : memref<262144x128xf32, #tpu.memory_space<hbm>> -> memref<262144x128xf32, #tpu.memory_space<hbm>>
    tpu.wait_indirect_dma semaphore(%arg20 : memref<!tpu.dma_semaphore, #tpu.memory_space<semaphore_mem>>) src(%dma_wait3A_773 : memref<262144x128xf32, #tpu.memory_space<hbm>>) dst(%arg13 : memref<128x128xf32, #tpu.memory_space<vmem>>)
    %dma_start3A_774 = arith.constant 18 : i32
    %dma_start3A_775 = arith.constant 0 : i32
    %dma_start3A_776 = tpu.memref_slice %arg9[%dma_start3A_774, %dma_start3A_775] : memref<48x128xi32, #tpu.memory_space<vmem>> -> memref<1x128xi32, #tpu.memory_space<vmem>>
    %dma_start3A_777 = tpu.memref_squeeze %dma_start3A_776 : memref<1x128xi32, #tpu.memory_space<vmem>> -> memref<128xi32, #tpu.memory_space<vmem>>
    %dma_start3A_778 = arith.constant 0 : i32
    %dma_start3A_779 = arith.constant 0 : i32
    %dma_start3A_780 = tpu.memref_slice %arg6[%dma_start3A_778, %dma_start3A_779] : memref<262144x128xf32, #tpu.memory_space<hbm>> -> memref<262144x128xf32, #tpu.memory_space<hbm>>
    tpu.enqueue_indirect_dma source(%arg13 : memref<128x128xf32, #tpu.memory_space<vmem>>) target(%dma_start3A_780 : memref<262144x128xf32, #tpu.memory_space<hbm>>) offsets(%dma_start3A_777 : memref<128xi32, #tpu.memory_space<vmem>>) semaphore(%arg27 : memref<!tpu.dma_semaphore, #tpu.memory_space<semaphore_mem>>)
    %dma_wait3A_781 = arith.constant 17 : i32
    %dma_wait3A_782 = arith.constant 0 : i32
    %dma_wait3A_783 = tpu.memref_slice %arg9[%dma_wait3A_781, %dma_wait3A_782] : memref<48x128xi32, #tpu.memory_space<vmem>> -> memref<1x128xi32, #tpu.memory_space<vmem>>
    %dma_wait3A_784 = tpu.memref_squeeze %dma_wait3A_783 : memref<1x128xi32, #tpu.memory_space<vmem>> -> memref<128xi32, #tpu.memory_space<vmem>>
    %dma_wait3A_785 = arith.constant 0 : i32
    %dma_wait3A_786 = arith.constant 0 : i32
    %dma_wait3A_787 = tpu.memref_slice %arg6[%dma_wait3A_785, %dma_wait3A_786] : memref<262144x128xf32, #tpu.memory_space<hbm>> -> memref<262144x128xf32, #tpu.memory_space<hbm>>
    tpu.wait_indirect_dma semaphore(%arg25 : memref<!tpu.dma_semaphore, #tpu.memory_space<semaphore_mem>>) src(%arg11 : memref<128x128xf32, #tpu.memory_space<vmem>>) dst(%dma_wait3A_787 : memref<262144x128xf32, #tpu.memory_space<hbm>>)
    %dma_start3A_788 = arith.constant 22 : i32
    %dma_start3A_789 = arith.constant 0 : i32
    %dma_start3A_790 = tpu.memref_slice %arg9[%dma_start3A_788, %dma_start3A_789] : memref<48x128xi32, #tpu.memory_space<vmem>> -> memref<1x128xi32, #tpu.memory_space<vmem>>
    %dma_start3A_791 = tpu.memref_squeeze %dma_start3A_790 : memref<1x128xi32, #tpu.memory_space<vmem>> -> memref<128xi32, #tpu.memory_space<vmem>>
    %dma_start3A_792 = arith.constant 0 : i32
    %dma_start3A_793 = arith.constant 0 : i32
    %dma_start3A_794 = tpu.memref_slice %arg2[%dma_start3A_792, %dma_start3A_793] : memref<262144x128xf32, #tpu.memory_space<hbm>> -> memref<262144x128xf32, #tpu.memory_space<hbm>>
    tpu.enqueue_indirect_dma source(%dma_start3A_794 : memref<262144x128xf32, #tpu.memory_space<hbm>>) target(%arg11 : memref<128x128xf32, #tpu.memory_space<vmem>>) offsets(%dma_start3A_791 : memref<128xi32, #tpu.memory_space<vmem>>) semaphore(%arg18 : memref<!tpu.dma_semaphore, #tpu.memory_space<semaphore_mem>>)
    %dma_wait3A_795 = arith.constant 19 : i32
    %dma_wait3A_796 = arith.constant 0 : i32
    %dma_wait3A_797 = tpu.memref_slice %arg9[%dma_wait3A_795, %dma_wait3A_796] : memref<48x128xi32, #tpu.memory_space<vmem>> -> memref<1x128xi32, #tpu.memory_space<vmem>>
    %dma_wait3A_798 = tpu.memref_squeeze %dma_wait3A_797 : memref<1x128xi32, #tpu.memory_space<vmem>> -> memref<128xi32, #tpu.memory_space<vmem>>
    %dma_wait3A_799 = arith.constant 0 : i32
    %dma_wait3A_800 = arith.constant 0 : i32
    %dma_wait3A_801 = tpu.memref_slice %arg2[%dma_wait3A_799, %dma_wait3A_800] : memref<262144x128xf32, #tpu.memory_space<hbm>> -> memref<262144x128xf32, #tpu.memory_space<hbm>>
    tpu.wait_indirect_dma semaphore(%arg21 : memref<!tpu.dma_semaphore, #tpu.memory_space<semaphore_mem>>) src(%dma_wait3A_801 : memref<262144x128xf32, #tpu.memory_space<hbm>>) dst(%arg14 : memref<128x128xf32, #tpu.memory_space<vmem>>)
    %dma_start3A_802 = arith.constant 19 : i32
    %dma_start3A_803 = arith.constant 0 : i32
    %dma_start3A_804 = tpu.memref_slice %arg9[%dma_start3A_802, %dma_start3A_803] : memref<48x128xi32, #tpu.memory_space<vmem>> -> memref<1x128xi32, #tpu.memory_space<vmem>>
    %dma_start3A_805 = tpu.memref_squeeze %dma_start3A_804 : memref<1x128xi32, #tpu.memory_space<vmem>> -> memref<128xi32, #tpu.memory_space<vmem>>
    %dma_start3A_806 = arith.constant 0 : i32
    %dma_start3A_807 = arith.constant 0 : i32
    %dma_start3A_808 = tpu.memref_slice %arg6[%dma_start3A_806, %dma_start3A_807] : memref<262144x128xf32, #tpu.memory_space<hbm>> -> memref<262144x128xf32, #tpu.memory_space<hbm>>
    tpu.enqueue_indirect_dma source(%arg14 : memref<128x128xf32, #tpu.memory_space<vmem>>) target(%dma_start3A_808 : memref<262144x128xf32, #tpu.memory_space<hbm>>) offsets(%dma_start3A_805 : memref<128xi32, #tpu.memory_space<vmem>>) semaphore(%arg28 : memref<!tpu.dma_semaphore, #tpu.memory_space<semaphore_mem>>)
    %dma_wait3A_809 = arith.constant 5 : i32
    %dma_wait3A_810 = arith.constant 0 : i32
    %dma_wait3A_811 = tpu.memref_slice %arg7[%dma_wait3A_809, %dma_wait3A_810] : memref<8x128xi32, #tpu.memory_space<vmem>> -> memref<1x128xi32, #tpu.memory_space<vmem>>
    %dma_wait3A_812 = tpu.memref_squeeze %dma_wait3A_811 : memref<1x128xi32, #tpu.memory_space<vmem>> -> memref<128xi32, #tpu.memory_space<vmem>>
    %dma_wait3A_813 = arith.constant 0 : i32
    %dma_wait3A_814 = arith.constant 0 : i32
    %dma_wait3A_815 = tpu.memref_slice %arg6[%dma_wait3A_813, %dma_wait3A_814] : memref<262144x128xf32, #tpu.memory_space<hbm>> -> memref<262144x128xf32, #tpu.memory_space<hbm>>
    tpu.wait_indirect_dma semaphore(%arg26 : memref<!tpu.dma_semaphore, #tpu.memory_space<semaphore_mem>>) src(%arg12 : memref<128x128xf32, #tpu.memory_space<vmem>>) dst(%dma_wait3A_815 : memref<262144x128xf32, #tpu.memory_space<hbm>>)
    %dma_start3A_816 = arith.constant 23 : i32
    %dma_start3A_817 = arith.constant 0 : i32
    %dma_start3A_818 = tpu.memref_slice %arg9[%dma_start3A_816, %dma_start3A_817] : memref<48x128xi32, #tpu.memory_space<vmem>> -> memref<1x128xi32, #tpu.memory_space<vmem>>
    %dma_start3A_819 = tpu.memref_squeeze %dma_start3A_818 : memref<1x128xi32, #tpu.memory_space<vmem>> -> memref<128xi32, #tpu.memory_space<vmem>>
    %dma_start3A_820 = arith.constant 0 : i32
    %dma_start3A_821 = arith.constant 0 : i32
    %dma_start3A_822 = tpu.memref_slice %arg2[%dma_start3A_820, %dma_start3A_821] : memref<262144x128xf32, #tpu.memory_space<hbm>> -> memref<262144x128xf32, #tpu.memory_space<hbm>>
    tpu.enqueue_indirect_dma source(%dma_start3A_822 : memref<262144x128xf32, #tpu.memory_space<hbm>>) target(%arg12 : memref<128x128xf32, #tpu.memory_space<vmem>>) offsets(%dma_start3A_819 : memref<128xi32, #tpu.memory_space<vmem>>) semaphore(%arg19 : memref<!tpu.dma_semaphore, #tpu.memory_space<semaphore_mem>>)
    %dma_wait3A_823 = arith.constant 20 : i32
    %dma_wait3A_824 = arith.constant 0 : i32
    %dma_wait3A_825 = tpu.memref_slice %arg9[%dma_wait3A_823, %dma_wait3A_824] : memref<48x128xi32, #tpu.memory_space<vmem>> -> memref<1x128xi32, #tpu.memory_space<vmem>>
    %dma_wait3A_826 = tpu.memref_squeeze %dma_wait3A_825 : memref<1x128xi32, #tpu.memory_space<vmem>> -> memref<128xi32, #tpu.memory_space<vmem>>
    %dma_wait3A_827 = arith.constant 0 : i32
    %dma_wait3A_828 = arith.constant 0 : i32
    %dma_wait3A_829 = tpu.memref_slice %arg2[%dma_wait3A_827, %dma_wait3A_828] : memref<262144x128xf32, #tpu.memory_space<hbm>> -> memref<262144x128xf32, #tpu.memory_space<hbm>>
    tpu.wait_indirect_dma semaphore(%arg22 : memref<!tpu.dma_semaphore, #tpu.memory_space<semaphore_mem>>) src(%dma_wait3A_829 : memref<262144x128xf32, #tpu.memory_space<hbm>>) dst(%arg15 : memref<128x128xf32, #tpu.memory_space<vmem>>)
    %dma_start3A_830 = arith.constant 20 : i32
    %dma_start3A_831 = arith.constant 0 : i32
    %dma_start3A_832 = tpu.memref_slice %arg9[%dma_start3A_830, %dma_start3A_831] : memref<48x128xi32, #tpu.memory_space<vmem>> -> memref<1x128xi32, #tpu.memory_space<vmem>>
    %dma_start3A_833 = tpu.memref_squeeze %dma_start3A_832 : memref<1x128xi32, #tpu.memory_space<vmem>> -> memref<128xi32, #tpu.memory_space<vmem>>
    %dma_start3A_834 = arith.constant 0 : i32
    %dma_start3A_835 = arith.constant 0 : i32
    %dma_start3A_836 = tpu.memref_slice %arg6[%dma_start3A_834, %dma_start3A_835] : memref<262144x128xf32, #tpu.memory_space<hbm>> -> memref<262144x128xf32, #tpu.memory_space<hbm>>
    tpu.enqueue_indirect_dma source(%arg15 : memref<128x128xf32, #tpu.memory_space<vmem>>) target(%dma_start3A_836 : memref<262144x128xf32, #tpu.memory_space<hbm>>) offsets(%dma_start3A_833 : memref<128xi32, #tpu.memory_space<vmem>>) semaphore(%arg29 : memref<!tpu.dma_semaphore, #tpu.memory_space<semaphore_mem>>)
    %dma_wait3A_837 = arith.constant 18 : i32
    %dma_wait3A_838 = arith.constant 0 : i32
    %dma_wait3A_839 = tpu.memref_slice %arg9[%dma_wait3A_837, %dma_wait3A_838] : memref<48x128xi32, #tpu.memory_space<vmem>> -> memref<1x128xi32, #tpu.memory_space<vmem>>
    %dma_wait3A_840 = tpu.memref_squeeze %dma_wait3A_839 : memref<1x128xi32, #tpu.memory_space<vmem>> -> memref<128xi32, #tpu.memory_space<vmem>>
    %dma_wait3A_841 = arith.constant 0 : i32
    %dma_wait3A_842 = arith.constant 0 : i32
    %dma_wait3A_843 = tpu.memref_slice %arg6[%dma_wait3A_841, %dma_wait3A_842] : memref<262144x128xf32, #tpu.memory_space<hbm>> -> memref<262144x128xf32, #tpu.memory_space<hbm>>
    tpu.wait_indirect_dma semaphore(%arg27 : memref<!tpu.dma_semaphore, #tpu.memory_space<semaphore_mem>>) src(%arg13 : memref<128x128xf32, #tpu.memory_space<vmem>>) dst(%dma_wait3A_843 : memref<262144x128xf32, #tpu.memory_space<hbm>>)
    %dma_start3A_844 = arith.constant 7 : i32
    %dma_start3A_845 = arith.constant 0 : i32
    %dma_start3A_846 = tpu.memref_slice %arg7[%dma_start3A_844, %dma_start3A_845] : memref<8x128xi32, #tpu.memory_space<vmem>> -> memref<1x128xi32, #tpu.memory_space<vmem>>
    %dma_start3A_847 = tpu.memref_squeeze %dma_start3A_846 : memref<1x128xi32, #tpu.memory_space<vmem>> -> memref<128xi32, #tpu.memory_space<vmem>>
    %dma_start3A_848 = arith.constant 0 : i32
    %dma_start3A_849 = arith.constant 0 : i32
    %dma_start3A_850 = tpu.memref_slice %arg2[%dma_start3A_848, %dma_start3A_849] : memref<262144x128xf32, #tpu.memory_space<hbm>> -> memref<262144x128xf32, #tpu.memory_space<hbm>>
    tpu.enqueue_indirect_dma source(%dma_start3A_850 : memref<262144x128xf32, #tpu.memory_space<hbm>>) target(%arg13 : memref<128x128xf32, #tpu.memory_space<vmem>>) offsets(%dma_start3A_847 : memref<128xi32, #tpu.memory_space<vmem>>) semaphore(%arg20 : memref<!tpu.dma_semaphore, #tpu.memory_space<semaphore_mem>>)
    %dma_wait3A_851 = arith.constant 6 : i32
    %dma_wait3A_852 = arith.constant 0 : i32
    %dma_wait3A_853 = tpu.memref_slice %arg7[%dma_wait3A_851, %dma_wait3A_852] : memref<8x128xi32, #tpu.memory_space<vmem>> -> memref<1x128xi32, #tpu.memory_space<vmem>>
    %dma_wait3A_854 = tpu.memref_squeeze %dma_wait3A_853 : memref<1x128xi32, #tpu.memory_space<vmem>> -> memref<128xi32, #tpu.memory_space<vmem>>
    %dma_wait3A_855 = arith.constant 0 : i32
    %dma_wait3A_856 = arith.constant 0 : i32
    %dma_wait3A_857 = tpu.memref_slice %arg2[%dma_wait3A_855, %dma_wait3A_856] : memref<262144x128xf32, #tpu.memory_space<hbm>> -> memref<262144x128xf32, #tpu.memory_space<hbm>>
    tpu.wait_indirect_dma semaphore(%arg23 : memref<!tpu.dma_semaphore, #tpu.memory_space<semaphore_mem>>) src(%dma_wait3A_857 : memref<262144x128xf32, #tpu.memory_space<hbm>>) dst(%arg16 : memref<128x128xf32, #tpu.memory_space<vmem>>)
    %iota3A_858 = tpu.iota {dimensions = array<i32: 0>} : vector<16xi32>
    %add3A_859 = arith.constant 1 : i32
    %add3A_860 = vector.broadcast %add3A_859 : i32 to vector<16xi32>
    %add3A_861 = arith.addi %iota3A_858, %add3A_860 : vector<16xi32>
    %min3A_862 = arith.constant 15 : i32
    %min3A_863 = vector.broadcast %min3A_862 : i32 to vector<16xi32>
    %min3A_864 = arith.minsi %add3A_861, %min3A_863 : vector<16xi32>
    %scan3A_865 = arith.constant 0 : i32
    %scan3A_866 = arith.constant 0 : i32
    %scan3A_867 = arith.constant 128 : i32
    %scan3A_868 = arith.addi %scan3A_866, %scan3A_867 : i32
    %scan3A_869 = arith.constant 1 : i32
    scf.for %scan3A_1994 = %scan3A_866 to %scan3A_868 step %scan3A_869  : i32 {
      %get3A = arith.index_cast %scan3A_1994 : i32 to index
      %get3A_1995 = arith.constant 1 : index
      %get3A_1996 = tpu.vector_load %arg16[%get3A, %get3A_1995] {strides = array<i32>} : memref<128x128xf32, #tpu.memory_space<vmem>>, vector<1x16xf32>,
      %get3A_1997 = vector.shape_cast %get3A_1996 : vector<1x16xf32> to vector<16xf32>
      %swap3A = arith.index_cast %scan3A_1994 : i32 to index
      %swap3A_1998 = arith.constant 0 : index
      %swap3A_1999 = tpu.vector_load %arg16[%swap3A, %swap3A_1998] {strides = array<i32>} : memref<128x128xf32, #tpu.memory_space<vmem>>, vector<1x16xf32>,
      %swap3A_2000 = vector.shape_cast %swap3A_1999 : vector<1x16xf32> to vector<16xf32>
      %swap3A_2001 = vector.shape_cast %get3A_1997 : vector<16xf32> to vector<1x16xf32>
      tpu.vector_store %arg16[%swap3A, %swap3A_1998], %swap3A_2001 {strides = array<i32>} : memref<128x128xf32, #tpu.memory_space<vmem>>, vector<1x16xf32>,
      %get3A_2002 = arith.index_cast %scan3A_1994 : i32 to index
      %get3A_2003 = arith.constant 17 : index
      %get3A_2004 = tpu.vector_load %arg16[%get3A_2002, %get3A_2003] {strides = array<i32>} : memref<128x128xf32, #tpu.memory_space<vmem>>, vector<1x16xf32>,
      %get3A_2005 = vector.shape_cast %get3A_2004 : vector<1x16xf32> to vector<16xf32>
      %swap3A_2006 = arith.index_cast %scan3A_1994 : i32 to index
      %swap3A_2007 = arith.constant 16 : index
      %swap3A_2008 = tpu.vector_load %arg16[%swap3A_2006, %swap3A_2007] {strides = array<i32>} : memref<128x128xf32, #tpu.memory_space<vmem>>, vector<1x16xf32>,
      %swap3A_2009 = vector.shape_cast %swap3A_2008 : vector<1x16xf32> to vector<16xf32>
      %swap3A_2010 = vector.shape_cast %get3A_2005 : vector<16xf32> to vector<1x16xf32>
      tpu.vector_store %arg16[%swap3A_2006, %swap3A_2007], %swap3A_2010 {strides = array<i32>} : memref<128x128xf32, #tpu.memory_space<vmem>>, vector<1x16xf32>,
      %get3A_2011 = arith.index_cast %scan3A_1994 : i32 to index
      %get3A_2012 = arith.constant 33 : index
      %get3A_2013 = tpu.vector_load %arg16[%get3A_2011, %get3A_2012] {strides = array<i32>} : memref<128x128xf32, #tpu.memory_space<vmem>>, vector<1x16xf32>,
      %get3A_2014 = vector.shape_cast %get3A_2013 : vector<1x16xf32> to vector<16xf32>
      %swap3A_2015 = arith.index_cast %scan3A_1994 : i32 to index
      %swap3A_2016 = arith.constant 32 : index
      %swap3A_2017 = tpu.vector_load %arg16[%swap3A_2015, %swap3A_2016] {strides = array<i32>} : memref<128x128xf32, #tpu.memory_space<vmem>>, vector<1x16xf32>,
      %swap3A_2018 = vector.shape_cast %swap3A_2017 : vector<1x16xf32> to vector<16xf32>
      %swap3A_2019 = vector.shape_cast %get3A_2014 : vector<16xf32> to vector<1x16xf32>
      tpu.vector_store %arg16[%swap3A_2015, %swap3A_2016], %swap3A_2019 {strides = array<i32>} : memref<128x128xf32, #tpu.memory_space<vmem>>, vector<1x16xf32>,
      %get3A_2020 = arith.index_cast %scan3A_1994 : i32 to index
      %get3A_2021 = arith.constant 49 : index
      %get3A_2022 = tpu.vector_load %arg16[%get3A_2020, %get3A_2021] {strides = array<i32>} : memref<128x128xf32, #tpu.memory_space<vmem>>, vector<1x16xf32>,
      %get3A_2023 = vector.shape_cast %get3A_2022 : vector<1x16xf32> to vector<16xf32>
      %swap3A_2024 = arith.index_cast %scan3A_1994 : i32 to index
      %swap3A_2025 = arith.constant 48 : index
      %swap3A_2026 = tpu.vector_load %arg16[%swap3A_2024, %swap3A_2025] {strides = array<i32>} : memref<128x128xf32, #tpu.memory_space<vmem>>, vector<1x16xf32>,
      %swap3A_2027 = vector.shape_cast %swap3A_2026 : vector<1x16xf32> to vector<16xf32>
      %swap3A_2028 = vector.shape_cast %get3A_2023 : vector<16xf32> to vector<1x16xf32>
      tpu.vector_store %arg16[%swap3A_2024, %swap3A_2025], %swap3A_2028 {strides = array<i32>} : memref<128x128xf32, #tpu.memory_space<vmem>>, vector<1x16xf32>,
      %get3A_2029 = arith.index_cast %scan3A_1994 : i32 to index
      %get3A_2030 = arith.constant 65 : index
      %get3A_2031 = tpu.vector_load %arg16[%get3A_2029, %get3A_2030] {strides = array<i32>} : memref<128x128xf32, #tpu.memory_space<vmem>>, vector<1x16xf32>,
      %get3A_2032 = vector.shape_cast %get3A_2031 : vector<1x16xf32> to vector<16xf32>
      %swap3A_2033 = arith.index_cast %scan3A_1994 : i32 to index
      %swap3A_2034 = arith.constant 64 : index
      %swap3A_2035 = tpu.vector_load %arg16[%swap3A_2033, %swap3A_2034] {strides = array<i32>} : memref<128x128xf32, #tpu.memory_space<vmem>>, vector<1x16xf32>,
      %swap3A_2036 = vector.shape_cast %swap3A_2035 : vector<1x16xf32> to vector<16xf32>
      %swap3A_2037 = vector.shape_cast %get3A_2032 : vector<16xf32> to vector<1x16xf32>
      tpu.vector_store %arg16[%swap3A_2033, %swap3A_2034], %swap3A_2037 {strides = array<i32>} : memref<128x128xf32, #tpu.memory_space<vmem>>, vector<1x16xf32>,
      %get3A_2038 = arith.index_cast %scan3A_1994 : i32 to index
      %get3A_2039 = arith.constant 81 : index
      %get3A_2040 = tpu.vector_load %arg16[%get3A_2038, %get3A_2039] {strides = array<i32>} : memref<128x128xf32, #tpu.memory_space<vmem>>, vector<1x16xf32>,
      %get3A_2041 = vector.shape_cast %get3A_2040 : vector<1x16xf32> to vector<16xf32>
      %swap3A_2042 = arith.index_cast %scan3A_1994 : i32 to index
      %swap3A_2043 = arith.constant 80 : index
      %swap3A_2044 = tpu.vector_load %arg16[%swap3A_2042, %swap3A_2043] {strides = array<i32>} : memref<128x128xf32, #tpu.memory_space<vmem>>, vector<1x16xf32>,
      %swap3A_2045 = vector.shape_cast %swap3A_2044 : vector<1x16xf32> to vector<16xf32>
      %swap3A_2046 = vector.shape_cast %get3A_2041 : vector<16xf32> to vector<1x16xf32>
      tpu.vector_store %arg16[%swap3A_2042, %swap3A_2043], %swap3A_2046 {strides = array<i32>} : memref<128x128xf32, #tpu.memory_space<vmem>>, vector<1x16xf32>,
      %get3A_2047 = arith.index_cast %scan3A_1994 : i32 to index
      %get3A_2048 = arith.constant 97 : index
      %get3A_2049 = tpu.vector_load %arg16[%get3A_2047, %get3A_2048] {strides = array<i32>} : memref<128x128xf32, #tpu.memory_space<vmem>>, vector<1x16xf32>,
      %get3A_2050 = vector.shape_cast %get3A_2049 : vector<1x16xf32> to vector<16xf32>
      %swap3A_2051 = arith.index_cast %scan3A_1994 : i32 to index
      %swap3A_2052 = arith.constant 96 : index
      %swap3A_2053 = tpu.vector_load %arg16[%swap3A_2051, %swap3A_2052] {strides = array<i32>} : memref<128x128xf32, #tpu.memory_space<vmem>>, vector<1x16xf32>,
      %swap3A_2054 = vector.shape_cast %swap3A_2053 : vector<1x16xf32> to vector<16xf32>
      %swap3A_2055 = vector.shape_cast %get3A_2050 : vector<16xf32> to vector<1x16xf32>
      tpu.vector_store %arg16[%swap3A_2051, %swap3A_2052], %swap3A_2055 {strides = array<i32>} : memref<128x128xf32, #tpu.memory_space<vmem>>, vector<1x16xf32>,
      %get3A_2056 = arith.index_cast %scan3A_1994 : i32 to index
      %get3A_2057 = arith.constant 112 : index
      %get3A_2058 = tpu.vector_load %arg16[%get3A_2056, %get3A_2057] {strides = array<i32>} : memref<128x128xf32, #tpu.memory_space<vmem>>, vector<1x16xf32>,
      %get3A_2059 = vector.shape_cast %get3A_2058 : vector<1x16xf32> to vector<16xf32>
      %broadcast_in_dim3A = vector.shape_cast %min3A_864 : vector<16xi32> to vector<16x1xi32>
      %gather3A = vector.shape_cast %broadcast_in_dim3A : vector<16x1xi32> to vector<16xi32>
      %gather3A_2060 = tpu.dynamic_gather %get3A_2059[%gather3A] in [0] : vector<16xf32>, vector<16xi32> -> vector<16xf32>
      %eq3A = arith.constant 15 : i32
      %eq3A_2061 = vector.broadcast %eq3A : i32 to vector<16xi32>
      %eq3A_2062 = arith.cmpi eq, %iota3A_858, %eq3A_2061 : vector<16xi32>
      %jit3A = arith.constant 0.000000e+00 : f32
      %broadcast_in_dim3A_2063 = vector.broadcast %jit3A : f32 to vector<16xf32>
      %select_n3A = arith.select %eq3A_2062, %broadcast_in_dim3A_2063, %gather3A_2060 : vector<16xi1>, vector<16xf32>
      %swap3A_2064 = arith.index_cast %scan3A_1994 : i32 to index
      %swap3A_2065 = arith.constant 112 : index
      %swap3A_2066 = tpu.vector_load %arg16[%swap3A_2064, %swap3A_2065] {strides = array<i32>} : memref<128x128xf32, #tpu.memory_space<vmem>>, vector<1x16xf32>,
      %swap3A_2067 = vector.shape_cast %swap3A_2066 : vector<1x16xf32> to vector<16xf32>
      %swap3A_2068 = vector.shape_cast %select_n3A : vector<16xf32> to vector<1x16xf32>
      tpu.vector_store %arg16[%swap3A_2064, %swap3A_2065], %swap3A_2068 {strides = array<i32>} : memref<128x128xf32, #tpu.memory_space<vmem>>, vector<1x16xf32>,
    }
    %scan3A_870 = arith.constant 128 : i32
    %dma_start3A_871 = arith.constant 6 : i32
    %dma_start3A_872 = arith.constant 0 : i32
    %dma_start3A_873 = tpu.memref_slice %arg7[%dma_start3A_871, %dma_start3A_872] : memref<8x128xi32, #tpu.memory_space<vmem>> -> memref<1x128xi32, #tpu.memory_space<vmem>>
    %dma_start3A_874 = tpu.memref_squeeze %dma_start3A_873 : memref<1x128xi32, #tpu.memory_space<vmem>> -> memref<128xi32, #tpu.memory_space<vmem>>
    %dma_start3A_875 = arith.constant 0 : i32
    %dma_start3A_876 = arith.constant 0 : i32
    %dma_start3A_877 = tpu.memref_slice %arg6[%dma_start3A_875, %dma_start3A_876] : memref<262144x128xf32, #tpu.memory_space<hbm>> -> memref<262144x128xf32, #tpu.memory_space<hbm>>
    tpu.enqueue_indirect_dma source(%arg16 : memref<128x128xf32, #tpu.memory_space<vmem>>) target(%dma_start3A_877 : memref<262144x128xf32, #tpu.memory_space<hbm>>) offsets(%dma_start3A_874 : memref<128xi32, #tpu.memory_space<vmem>>) semaphore(%arg30 : memref<!tpu.dma_semaphore, #tpu.memory_space<semaphore_mem>>)
    %dma_wait3A_878 = arith.constant 19 : i32
    %dma_wait3A_879 = arith.constant 0 : i32
    %dma_wait3A_880 = tpu.memref_slice %arg9[%dma_wait3A_878, %dma_wait3A_879] : memref<48x128xi32, #tpu.memory_space<vmem>> -> memref<1x128xi32, #tpu.memory_space<vmem>>
    %dma_wait3A_881 = tpu.memref_squeeze %dma_wait3A_880 : memref<1x128xi32, #tpu.memory_space<vmem>> -> memref<128xi32, #tpu.memory_space<vmem>>
    %dma_wait3A_882 = arith.constant 0 : i32
    %dma_wait3A_883 = arith.constant 0 : i32
    %dma_wait3A_884 = tpu.memref_slice %arg6[%dma_wait3A_882, %dma_wait3A_883] : memref<262144x128xf32, #tpu.memory_space<hbm>> -> memref<262144x128xf32, #tpu.memory_space<hbm>>
    tpu.wait_indirect_dma semaphore(%arg28 : memref<!tpu.dma_semaphore, #tpu.memory_space<semaphore_mem>>) src(%arg14 : memref<128x128xf32, #tpu.memory_space<vmem>>) dst(%dma_wait3A_884 : memref<262144x128xf32, #tpu.memory_space<hbm>>)
    %dma_start3A_885 = arith.constant 24 : i32
    %dma_start3A_886 = arith.constant 0 : i32
    %dma_start3A_887 = tpu.memref_slice %arg9[%dma_start3A_885, %dma_start3A_886] : memref<48x128xi32, #tpu.memory_space<vmem>> -> memref<1x128xi32, #tpu.memory_space<vmem>>
    %dma_start3A_888 = tpu.memref_squeeze %dma_start3A_887 : memref<1x128xi32, #tpu.memory_space<vmem>> -> memref<128xi32, #tpu.memory_space<vmem>>
    %dma_start3A_889 = arith.constant 0 : i32
    %dma_start3A_890 = arith.constant 0 : i32
    %dma_start3A_891 = tpu.memref_slice %arg2[%dma_start3A_889, %dma_start3A_890] : memref<262144x128xf32, #tpu.memory_space<hbm>> -> memref<262144x128xf32, #tpu.memory_space<hbm>>
    tpu.enqueue_indirect_dma source(%dma_start3A_891 : memref<262144x128xf32, #tpu.memory_space<hbm>>) target(%arg14 : memref<128x128xf32, #tpu.memory_space<vmem>>) offsets(%dma_start3A_888 : memref<128xi32, #tpu.memory_space<vmem>>) semaphore(%arg21 : memref<!tpu.dma_semaphore, #tpu.memory_space<semaphore_mem>>)
    %dma_wait3A_892 = arith.constant 21 : i32
    %dma_wait3A_893 = arith.constant 0 : i32
    %dma_wait3A_894 = tpu.memref_slice %arg9[%dma_wait3A_892, %dma_wait3A_893] : memref<48x128xi32, #tpu.memory_space<vmem>> -> memref<1x128xi32, #tpu.memory_space<vmem>>
    %dma_wait3A_895 = tpu.memref_squeeze %dma_wait3A_894 : memref<1x128xi32, #tpu.memory_space<vmem>> -> memref<128xi32, #tpu.memory_space<vmem>>
    %dma_wait3A_896 = arith.constant 0 : i32
    %dma_wait3A_897 = arith.constant 0 : i32
    %dma_wait3A_898 = tpu.memref_slice %arg2[%dma_wait3A_896, %dma_wait3A_897] : memref<262144x128xf32, #tpu.memory_space<hbm>> -> memref<262144x128xf32, #tpu.memory_space<hbm>>
    tpu.wait_indirect_dma semaphore(%arg17 : memref<!tpu.dma_semaphore, #tpu.memory_space<semaphore_mem>>) src(%dma_wait3A_898 : memref<262144x128xf32, #tpu.memory_space<hbm>>) dst(%arg10 : memref<128x128xf32, #tpu.memory_space<vmem>>)
    %dma_start3A_899 = arith.constant 21 : i32
    %dma_start3A_900 = arith.constant 0 : i32
    %dma_start3A_901 = tpu.memref_slice %arg9[%dma_start3A_899, %dma_start3A_900] : memref<48x128xi32, #tpu.memory_space<vmem>> -> memref<1x128xi32, #tpu.memory_space<vmem>>
    %dma_start3A_902 = tpu.memref_squeeze %dma_start3A_901 : memref<1x128xi32, #tpu.memory_space<vmem>> -> memref<128xi32, #tpu.memory_space<vmem>>
    %dma_start3A_903 = arith.constant 0 : i32
    %dma_start3A_904 = arith.constant 0 : i32
    %dma_start3A_905 = tpu.memref_slice %arg6[%dma_start3A_903, %dma_start3A_904] : memref<262144x128xf32, #tpu.memory_space<hbm>> -> memref<262144x128xf32, #tpu.memory_space<hbm>>
    tpu.enqueue_indirect_dma source(%arg10 : memref<128x128xf32, #tpu.memory_space<vmem>>) target(%dma_start3A_905 : memref<262144x128xf32, #tpu.memory_space<hbm>>) offsets(%dma_start3A_902 : memref<128xi32, #tpu.memory_space<vmem>>) semaphore(%arg24 : memref<!tpu.dma_semaphore, #tpu.memory_space<semaphore_mem>>)
    %dma_wait3A_906 = arith.constant 20 : i32
    %dma_wait3A_907 = arith.constant 0 : i32
    %dma_wait3A_908 = tpu.memref_slice %arg9[%dma_wait3A_906, %dma_wait3A_907] : memref<48x128xi32, #tpu.memory_space<vmem>> -> memref<1x128xi32, #tpu.memory_space<vmem>>
    %dma_wait3A_909 = tpu.memref_squeeze %dma_wait3A_908 : memref<1x128xi32, #tpu.memory_space<vmem>> -> memref<128xi32, #tpu.memory_space<vmem>>
    %dma_wait3A_910 = arith.constant 0 : i32
    %dma_wait3A_911 = arith.constant 0 : i32
    %dma_wait3A_912 = tpu.memref_slice %arg6[%dma_wait3A_910, %dma_wait3A_911] : memref<262144x128xf32, #tpu.memory_space<hbm>> -> memref<262144x128xf32, #tpu.memory_space<hbm>>
    tpu.wait_indirect_dma semaphore(%arg29 : memref<!tpu.dma_semaphore, #tpu.memory_space<semaphore_mem>>) src(%arg15 : memref<128x128xf32, #tpu.memory_space<vmem>>) dst(%dma_wait3A_912 : memref<262144x128xf32, #tpu.memory_space<hbm>>)
    %dma_start3A_913 = arith.constant 25 : i32
    %dma_start3A_914 = arith.constant 0 : i32
    %dma_start3A_915 = tpu.memref_slice %arg9[%dma_start3A_913, %dma_start3A_914] : memref<48x128xi32, #tpu.memory_space<vmem>> -> memref<1x128xi32, #tpu.memory_space<vmem>>
    %dma_start3A_916 = tpu.memref_squeeze %dma_start3A_915 : memref<1x128xi32, #tpu.memory_space<vmem>> -> memref<128xi32, #tpu.memory_space<vmem>>
    %dma_start3A_917 = arith.constant 0 : i32
    %dma_start3A_918 = arith.constant 0 : i32
    %dma_start3A_919 = tpu.memref_slice %arg2[%dma_start3A_917, %dma_start3A_918] : memref<262144x128xf32, #tpu.memory_space<hbm>> -> memref<262144x128xf32, #tpu.memory_space<hbm>>
    tpu.enqueue_indirect_dma source(%dma_start3A_919 : memref<262144x128xf32, #tpu.memory_space<hbm>>) target(%arg15 : memref<128x128xf32, #tpu.memory_space<vmem>>) offsets(%dma_start3A_916 : memref<128xi32, #tpu.memory_space<vmem>>) semaphore(%arg22 : memref<!tpu.dma_semaphore, #tpu.memory_space<semaphore_mem>>)
    %dma_wait3A_920 = arith.constant 22 : i32
    %dma_wait3A_921 = arith.constant 0 : i32
    %dma_wait3A_922 = tpu.memref_slice %arg9[%dma_wait3A_920, %dma_wait3A_921] : memref<48x128xi32, #tpu.memory_space<vmem>> -> memref<1x128xi32, #tpu.memory_space<vmem>>
    %dma_wait3A_923 = tpu.memref_squeeze %dma_wait3A_922 : memref<1x128xi32, #tpu.memory_space<vmem>> -> memref<128xi32, #tpu.memory_space<vmem>>
    %dma_wait3A_924 = arith.constant 0 : i32
    %dma_wait3A_925 = arith.constant 0 : i32
    %dma_wait3A_926 = tpu.memref_slice %arg2[%dma_wait3A_924, %dma_wait3A_925] : memref<262144x128xf32, #tpu.memory_space<hbm>> -> memref<262144x128xf32, #tpu.memory_space<hbm>>
    tpu.wait_indirect_dma semaphore(%arg18 : memref<!tpu.dma_semaphore, #tpu.memory_space<semaphore_mem>>) src(%dma_wait3A_926 : memref<262144x128xf32, #tpu.memory_space<hbm>>) dst(%arg11 : memref<128x128xf32, #tpu.memory_space<vmem>>)
    %dma_start3A_927 = arith.constant 22 : i32
    %dma_start3A_928 = arith.constant 0 : i32
    %dma_start3A_929 = tpu.memref_slice %arg9[%dma_start3A_927, %dma_start3A_928] : memref<48x128xi32, #tpu.memory_space<vmem>> -> memref<1x128xi32, #tpu.memory_space<vmem>>
    %dma_start3A_930 = tpu.memref_squeeze %dma_start3A_929 : memref<1x128xi32, #tpu.memory_space<vmem>> -> memref<128xi32, #tpu.memory_space<vmem>>
    %dma_start3A_931 = arith.constant 0 : i32
    %dma_start3A_932 = arith.constant 0 : i32
    %dma_start3A_933 = tpu.memref_slice %arg6[%dma_start3A_931, %dma_start3A_932] : memref<262144x128xf32, #tpu.memory_space<hbm>> -> memref<262144x128xf32, #tpu.memory_space<hbm>>
    tpu.enqueue_indirect_dma source(%arg11 : memref<128x128xf32, #tpu.memory_space<vmem>>) target(%dma_start3A_933 : memref<262144x128xf32, #tpu.memory_space<hbm>>) offsets(%dma_start3A_930 : memref<128xi32, #tpu.memory_space<vmem>>) semaphore(%arg25 : memref<!tpu.dma_semaphore, #tpu.memory_space<semaphore_mem>>)
    %dma_wait3A_934 = arith.constant 6 : i32
    %dma_wait3A_935 = arith.constant 0 : i32
    %dma_wait3A_936 = tpu.memref_slice %arg7[%dma_wait3A_934, %dma_wait3A_935] : memref<8x128xi32, #tpu.memory_space<vmem>> -> memref<1x128xi32, #tpu.memory_space<vmem>>
    %dma_wait3A_937 = tpu.memref_squeeze %dma_wait3A_936 : memref<1x128xi32, #tpu.memory_space<vmem>> -> memref<128xi32, #tpu.memory_space<vmem>>
    %dma_wait3A_938 = arith.constant 0 : i32
    %dma_wait3A_939 = arith.constant 0 : i32
    %dma_wait3A_940 = tpu.memref_slice %arg6[%dma_wait3A_938, %dma_wait3A_939] : memref<262144x128xf32, #tpu.memory_space<hbm>> -> memref<262144x128xf32, #tpu.memory_space<hbm>>
    tpu.wait_indirect_dma semaphore(%arg30 : memref<!tpu.dma_semaphore, #tpu.memory_space<semaphore_mem>>) src(%arg16 : memref<128x128xf32, #tpu.memory_space<vmem>>) dst(%dma_wait3A_940 : memref<262144x128xf32, #tpu.memory_space<hbm>>)
    %dma_start3A_941 = arith.constant 26 : i32
    %dma_start3A_942 = arith.constant 0 : i32
    %dma_start3A_943 = tpu.memref_slice %arg9[%dma_start3A_941, %dma_start3A_942] : memref<48x128xi32, #tpu.memory_space<vmem>> -> memref<1x128xi32, #tpu.memory_space<vmem>>
    %dma_start3A_944 = tpu.memref_squeeze %dma_start3A_943 : memref<1x128xi32, #tpu.memory_space<vmem>> -> memref<128xi32, #tpu.memory_space<vmem>>
    %dma_start3A_945 = arith.constant 0 : i32
    %dma_start3A_946 = arith.constant 0 : i32
    %dma_start3A_947 = tpu.memref_slice %arg2[%dma_start3A_945, %dma_start3A_946] : memref<262144x128xf32, #tpu.memory_space<hbm>> -> memref<262144x128xf32, #tpu.memory_space<hbm>>
    tpu.enqueue_indirect_dma source(%dma_start3A_947 : memref<262144x128xf32, #tpu.memory_space<hbm>>) target(%arg16 : memref<128x128xf32, #tpu.memory_space<vmem>>) offsets(%dma_start3A_944 : memref<128xi32, #tpu.memory_space<vmem>>) semaphore(%arg23 : memref<!tpu.dma_semaphore, #tpu.memory_space<semaphore_mem>>)
    %dma_wait3A_948 = arith.constant 23 : i32
    %dma_wait3A_949 = arith.constant 0 : i32
    %dma_wait3A_950 = tpu.memref_slice %arg9[%dma_wait3A_948, %dma_wait3A_949] : memref<48x128xi32, #tpu.memory_space<vmem>> -> memref<1x128xi32, #tpu.memory_space<vmem>>
    %dma_wait3A_951 = tpu.memref_squeeze %dma_wait3A_950 : memref<1x128xi32, #tpu.memory_space<vmem>> -> memref<128xi32, #tpu.memory_space<vmem>>
    %dma_wait3A_952 = arith.constant 0 : i32
    %dma_wait3A_953 = arith.constant 0 : i32
    %dma_wait3A_954 = tpu.memref_slice %arg2[%dma_wait3A_952, %dma_wait3A_953] : memref<262144x128xf32, #tpu.memory_space<hbm>> -> memref<262144x128xf32, #tpu.memory_space<hbm>>
    tpu.wait_indirect_dma semaphore(%arg19 : memref<!tpu.dma_semaphore, #tpu.memory_space<semaphore_mem>>) src(%dma_wait3A_954 : memref<262144x128xf32, #tpu.memory_space<hbm>>) dst(%arg12 : memref<128x128xf32, #tpu.memory_space<vmem>>)
    %dma_start3A_955 = arith.constant 23 : i32
    %dma_start3A_956 = arith.constant 0 : i32
    %dma_start3A_957 = tpu.memref_slice %arg9[%dma_start3A_955, %dma_start3A_956] : memref<48x128xi32, #tpu.memory_space<vmem>> -> memref<1x128xi32, #tpu.memory_space<vmem>>
    %dma_start3A_958 = tpu.memref_squeeze %dma_start3A_957 : memref<1x128xi32, #tpu.memory_space<vmem>> -> memref<128xi32, #tpu.memory_space<vmem>>
    %dma_start3A_959 = arith.constant 0 : i32
    %dma_start3A_960 = arith.constant 0 : i32
    %dma_start3A_961 = tpu.memref_slice %arg6[%dma_start3A_959, %dma_start3A_960] : memref<262144x128xf32, #tpu.memory_space<hbm>> -> memref<262144x128xf32, #tpu.memory_space<hbm>>
    tpu.enqueue_indirect_dma source(%arg12 : memref<128x128xf32, #tpu.memory_space<vmem>>) target(%dma_start3A_961 : memref<262144x128xf32, #tpu.memory_space<hbm>>) offsets(%dma_start3A_958 : memref<128xi32, #tpu.memory_space<vmem>>) semaphore(%arg26 : memref<!tpu.dma_semaphore, #tpu.memory_space<semaphore_mem>>)
    %dma_wait3A_962 = arith.constant 21 : i32
    %dma_wait3A_963 = arith.constant 0 : i32
    %dma_wait3A_964 = tpu.memref_slice %arg9[%dma_wait3A_962, %dma_wait3A_963] : memref<48x128xi32, #tpu.memory_space<vmem>> -> memref<1x128xi32, #tpu.memory_space<vmem>>
    %dma_wait3A_965 = tpu.memref_squeeze %dma_wait3A_964 : memref<1x128xi32, #tpu.memory_space<vmem>> -> memref<128xi32, #tpu.memory_space<vmem>>
    %dma_wait3A_966 = arith.constant 0 : i32
    %dma_wait3A_967 = arith.constant 0 : i32
    %dma_wait3A_968 = tpu.memref_slice %arg6[%dma_wait3A_966, %dma_wait3A_967] : memref<262144x128xf32, #tpu.memory_space<hbm>> -> memref<262144x128xf32, #tpu.memory_space<hbm>>
    tpu.wait_indirect_dma semaphore(%arg24 : memref<!tpu.dma_semaphore, #tpu.memory_space<semaphore_mem>>) src(%arg10 : memref<128x128xf32, #tpu.memory_space<vmem>>) dst(%dma_wait3A_968 : memref<262144x128xf32, #tpu.memory_space<hbm>>)
    %dma_start3A_969 = arith.constant 0 : i32
    %dma_start3A_970 = arith.constant 0 : i32
    %dma_start3A_971 = tpu.memref_slice %arg8[%dma_start3A_969, %dma_start3A_970] : memref<8x128xi32, #tpu.memory_space<vmem>> -> memref<1x128xi32, #tpu.memory_space<vmem>>
    %dma_start3A_972 = tpu.memref_squeeze %dma_start3A_971 : memref<1x128xi32, #tpu.memory_space<vmem>> -> memref<128xi32, #tpu.memory_space<vmem>>
    %dma_start3A_973 = arith.constant 0 : i32
    %dma_start3A_974 = arith.constant 0 : i32
    %dma_start3A_975 = tpu.memref_slice %arg2[%dma_start3A_973, %dma_start3A_974] : memref<262144x128xf32, #tpu.memory_space<hbm>> -> memref<262144x128xf32, #tpu.memory_space<hbm>>
    tpu.enqueue_indirect_dma source(%dma_start3A_975 : memref<262144x128xf32, #tpu.memory_space<hbm>>) target(%arg10 : memref<128x128xf32, #tpu.memory_space<vmem>>) offsets(%dma_start3A_972 : memref<128xi32, #tpu.memory_space<vmem>>) semaphore(%arg17 : memref<!tpu.dma_semaphore, #tpu.memory_space<semaphore_mem>>)
    %dma_wait3A_976 = arith.constant 7 : i32
    %dma_wait3A_977 = arith.constant 0 : i32
    %dma_wait3A_978 = tpu.memref_slice %arg7[%dma_wait3A_976, %dma_wait3A_977] : memref<8x128xi32, #tpu.memory_space<vmem>> -> memref<1x128xi32, #tpu.memory_space<vmem>>
    %dma_wait3A_979 = tpu.memref_squeeze %dma_wait3A_978 : memref<1x128xi32, #tpu.memory_space<vmem>> -> memref<128xi32, #tpu.memory_space<vmem>>
    %dma_wait3A_980 = arith.constant 0 : i32
    %dma_wait3A_981 = arith.constant 0 : i32
    %dma_wait3A_982 = tpu.memref_slice %arg2[%dma_wait3A_980, %dma_wait3A_981] : memref<262144x128xf32, #tpu.memory_space<hbm>> -> memref<262144x128xf32, #tpu.memory_space<hbm>>
    tpu.wait_indirect_dma semaphore(%arg20 : memref<!tpu.dma_semaphore, #tpu.memory_space<semaphore_mem>>) src(%dma_wait3A_982 : memref<262144x128xf32, #tpu.memory_space<hbm>>) dst(%arg13 : memref<128x128xf32, #tpu.memory_space<vmem>>)
    %iota3A_983 = tpu.iota {dimensions = array<i32: 0>} : vector<16xi32>
    %add3A_984 = arith.constant 1 : i32
    %add3A_985 = vector.broadcast %add3A_984 : i32 to vector<16xi32>
    %add3A_986 = arith.addi %iota3A_983, %add3A_985 : vector<16xi32>
    %min3A_987 = arith.constant 15 : i32
    %min3A_988 = vector.broadcast %min3A_987 : i32 to vector<16xi32>
    %min3A_989 = arith.minsi %add3A_986, %min3A_988 : vector<16xi32>
    %scan3A_990 = arith.constant 0 : i32
    %scan3A_991 = arith.constant 0 : i32
    %scan3A_992 = arith.constant 128 : i32
    %scan3A_993 = arith.addi %scan3A_991, %scan3A_992 : i32
    %scan3A_994 = arith.constant 1 : i32
    scf.for %scan3A_1994 = %scan3A_991 to %scan3A_993 step %scan3A_994  : i32 {
      %get3A = arith.index_cast %scan3A_1994 : i32 to index
      %get3A_1995 = arith.constant 1 : index
      %get3A_1996 = tpu.vector_load %arg13[%get3A, %get3A_1995] {strides = array<i32>} : memref<128x128xf32, #tpu.memory_space<vmem>>, vector<1x16xf32>,
      %get3A_1997 = vector.shape_cast %get3A_1996 : vector<1x16xf32> to vector<16xf32>
      %swap3A = arith.index_cast %scan3A_1994 : i32 to index
      %swap3A_1998 = arith.constant 0 : index
      %swap3A_1999 = tpu.vector_load %arg13[%swap3A, %swap3A_1998] {strides = array<i32>} : memref<128x128xf32, #tpu.memory_space<vmem>>, vector<1x16xf32>,
      %swap3A_2000 = vector.shape_cast %swap3A_1999 : vector<1x16xf32> to vector<16xf32>
      %swap3A_2001 = vector.shape_cast %get3A_1997 : vector<16xf32> to vector<1x16xf32>
      tpu.vector_store %arg13[%swap3A, %swap3A_1998], %swap3A_2001 {strides = array<i32>} : memref<128x128xf32, #tpu.memory_space<vmem>>, vector<1x16xf32>,
      %get3A_2002 = arith.index_cast %scan3A_1994 : i32 to index
      %get3A_2003 = arith.constant 17 : index
      %get3A_2004 = tpu.vector_load %arg13[%get3A_2002, %get3A_2003] {strides = array<i32>} : memref<128x128xf32, #tpu.memory_space<vmem>>, vector<1x16xf32>,
      %get3A_2005 = vector.shape_cast %get3A_2004 : vector<1x16xf32> to vector<16xf32>
      %swap3A_2006 = arith.index_cast %scan3A_1994 : i32 to index
      %swap3A_2007 = arith.constant 16 : index
      %swap3A_2008 = tpu.vector_load %arg13[%swap3A_2006, %swap3A_2007] {strides = array<i32>} : memref<128x128xf32, #tpu.memory_space<vmem>>, vector<1x16xf32>,
      %swap3A_2009 = vector.shape_cast %swap3A_2008 : vector<1x16xf32> to vector<16xf32>
      %swap3A_2010 = vector.shape_cast %get3A_2005 : vector<16xf32> to vector<1x16xf32>
      tpu.vector_store %arg13[%swap3A_2006, %swap3A_2007], %swap3A_2010 {strides = array<i32>} : memref<128x128xf32, #tpu.memory_space<vmem>>, vector<1x16xf32>,
      %get3A_2011 = arith.index_cast %scan3A_1994 : i32 to index
      %get3A_2012 = arith.constant 33 : index
      %get3A_2013 = tpu.vector_load %arg13[%get3A_2011, %get3A_2012] {strides = array<i32>} : memref<128x128xf32, #tpu.memory_space<vmem>>, vector<1x16xf32>,
      %get3A_2014 = vector.shape_cast %get3A_2013 : vector<1x16xf32> to vector<16xf32>
      %swap3A_2015 = arith.index_cast %scan3A_1994 : i32 to index
      %swap3A_2016 = arith.constant 32 : index
      %swap3A_2017 = tpu.vector_load %arg13[%swap3A_2015, %swap3A_2016] {strides = array<i32>} : memref<128x128xf32, #tpu.memory_space<vmem>>, vector<1x16xf32>,
      %swap3A_2018 = vector.shape_cast %swap3A_2017 : vector<1x16xf32> to vector<16xf32>
      %swap3A_2019 = vector.shape_cast %get3A_2014 : vector<16xf32> to vector<1x16xf32>
      tpu.vector_store %arg13[%swap3A_2015, %swap3A_2016], %swap3A_2019 {strides = array<i32>} : memref<128x128xf32, #tpu.memory_space<vmem>>, vector<1x16xf32>,
      %get3A_2020 = arith.index_cast %scan3A_1994 : i32 to index
      %get3A_2021 = arith.constant 49 : index
      %get3A_2022 = tpu.vector_load %arg13[%get3A_2020, %get3A_2021] {strides = array<i32>} : memref<128x128xf32, #tpu.memory_space<vmem>>, vector<1x16xf32>,
      %get3A_2023 = vector.shape_cast %get3A_2022 : vector<1x16xf32> to vector<16xf32>
      %swap3A_2024 = arith.index_cast %scan3A_1994 : i32 to index
      %swap3A_2025 = arith.constant 48 : index
      %swap3A_2026 = tpu.vector_load %arg13[%swap3A_2024, %swap3A_2025] {strides = array<i32>} : memref<128x128xf32, #tpu.memory_space<vmem>>, vector<1x16xf32>,
      %swap3A_2027 = vector.shape_cast %swap3A_2026 : vector<1x16xf32> to vector<16xf32>
      %swap3A_2028 = vector.shape_cast %get3A_2023 : vector<16xf32> to vector<1x16xf32>
      tpu.vector_store %arg13[%swap3A_2024, %swap3A_2025], %swap3A_2028 {strides = array<i32>} : memref<128x128xf32, #tpu.memory_space<vmem>>, vector<1x16xf32>,
      %get3A_2029 = arith.index_cast %scan3A_1994 : i32 to index
      %get3A_2030 = arith.constant 65 : index
      %get3A_2031 = tpu.vector_load %arg13[%get3A_2029, %get3A_2030] {strides = array<i32>} : memref<128x128xf32, #tpu.memory_space<vmem>>, vector<1x16xf32>,
      %get3A_2032 = vector.shape_cast %get3A_2031 : vector<1x16xf32> to vector<16xf32>
      %swap3A_2033 = arith.index_cast %scan3A_1994 : i32 to index
      %swap3A_2034 = arith.constant 64 : index
      %swap3A_2035 = tpu.vector_load %arg13[%swap3A_2033, %swap3A_2034] {strides = array<i32>} : memref<128x128xf32, #tpu.memory_space<vmem>>, vector<1x16xf32>,
      %swap3A_2036 = vector.shape_cast %swap3A_2035 : vector<1x16xf32> to vector<16xf32>
      %swap3A_2037 = vector.shape_cast %get3A_2032 : vector<16xf32> to vector<1x16xf32>
      tpu.vector_store %arg13[%swap3A_2033, %swap3A_2034], %swap3A_2037 {strides = array<i32>} : memref<128x128xf32, #tpu.memory_space<vmem>>, vector<1x16xf32>,
      %get3A_2038 = arith.index_cast %scan3A_1994 : i32 to index
      %get3A_2039 = arith.constant 81 : index
      %get3A_2040 = tpu.vector_load %arg13[%get3A_2038, %get3A_2039] {strides = array<i32>} : memref<128x128xf32, #tpu.memory_space<vmem>>, vector<1x16xf32>,
      %get3A_2041 = vector.shape_cast %get3A_2040 : vector<1x16xf32> to vector<16xf32>
      %swap3A_2042 = arith.index_cast %scan3A_1994 : i32 to index
      %swap3A_2043 = arith.constant 80 : index
      %swap3A_2044 = tpu.vector_load %arg13[%swap3A_2042, %swap3A_2043] {strides = array<i32>} : memref<128x128xf32, #tpu.memory_space<vmem>>, vector<1x16xf32>,
      %swap3A_2045 = vector.shape_cast %swap3A_2044 : vector<1x16xf32> to vector<16xf32>
      %swap3A_2046 = vector.shape_cast %get3A_2041 : vector<16xf32> to vector<1x16xf32>
      tpu.vector_store %arg13[%swap3A_2042, %swap3A_2043], %swap3A_2046 {strides = array<i32>} : memref<128x128xf32, #tpu.memory_space<vmem>>, vector<1x16xf32>,
      %get3A_2047 = arith.index_cast %scan3A_1994 : i32 to index
      %get3A_2048 = arith.constant 97 : index
      %get3A_2049 = tpu.vector_load %arg13[%get3A_2047, %get3A_2048] {strides = array<i32>} : memref<128x128xf32, #tpu.memory_space<vmem>>, vector<1x16xf32>,
      %get3A_2050 = vector.shape_cast %get3A_2049 : vector<1x16xf32> to vector<16xf32>
      %swap3A_2051 = arith.index_cast %scan3A_1994 : i32 to index
      %swap3A_2052 = arith.constant 96 : index
      %swap3A_2053 = tpu.vector_load %arg13[%swap3A_2051, %swap3A_2052] {strides = array<i32>} : memref<128x128xf32, #tpu.memory_space<vmem>>, vector<1x16xf32>,
      %swap3A_2054 = vector.shape_cast %swap3A_2053 : vector<1x16xf32> to vector<16xf32>
      %swap3A_2055 = vector.shape_cast %get3A_2050 : vector<16xf32> to vector<1x16xf32>
      tpu.vector_store %arg13[%swap3A_2051, %swap3A_2052], %swap3A_2055 {strides = array<i32>} : memref<128x128xf32, #tpu.memory_space<vmem>>, vector<1x16xf32>,
      %get3A_2056 = arith.index_cast %scan3A_1994 : i32 to index
      %get3A_2057 = arith.constant 112 : index
      %get3A_2058 = tpu.vector_load %arg13[%get3A_2056, %get3A_2057] {strides = array<i32>} : memref<128x128xf32, #tpu.memory_space<vmem>>, vector<1x16xf32>,
      %get3A_2059 = vector.shape_cast %get3A_2058 : vector<1x16xf32> to vector<16xf32>
      %broadcast_in_dim3A = vector.shape_cast %min3A_989 : vector<16xi32> to vector<16x1xi32>
      %gather3A = vector.shape_cast %broadcast_in_dim3A : vector<16x1xi32> to vector<16xi32>
      %gather3A_2060 = tpu.dynamic_gather %get3A_2059[%gather3A] in [0] : vector<16xf32>, vector<16xi32> -> vector<16xf32>
      %eq3A = arith.constant 15 : i32
      %eq3A_2061 = vector.broadcast %eq3A : i32 to vector<16xi32>
      %eq3A_2062 = arith.cmpi eq, %iota3A_983, %eq3A_2061 : vector<16xi32>
      %jit3A = arith.constant 0.000000e+00 : f32
      %broadcast_in_dim3A_2063 = vector.broadcast %jit3A : f32 to vector<16xf32>
      %select_n3A = arith.select %eq3A_2062, %broadcast_in_dim3A_2063, %gather3A_2060 : vector<16xi1>, vector<16xf32>
      %swap3A_2064 = arith.index_cast %scan3A_1994 : i32 to index
      %swap3A_2065 = arith.constant 112 : index
      %swap3A_2066 = tpu.vector_load %arg13[%swap3A_2064, %swap3A_2065] {strides = array<i32>} : memref<128x128xf32, #tpu.memory_space<vmem>>, vector<1x16xf32>,
      %swap3A_2067 = vector.shape_cast %swap3A_2066 : vector<1x16xf32> to vector<16xf32>
      %swap3A_2068 = vector.shape_cast %select_n3A : vector<16xf32> to vector<1x16xf32>
      tpu.vector_store %arg13[%swap3A_2064, %swap3A_2065], %swap3A_2068 {strides = array<i32>} : memref<128x128xf32, #tpu.memory_space<vmem>>, vector<1x16xf32>,
    }
    %scan3A_995 = arith.constant 128 : i32
    %dma_start3A_996 = arith.constant 7 : i32
    %dma_start3A_997 = arith.constant 0 : i32
    %dma_start3A_998 = tpu.memref_slice %arg7[%dma_start3A_996, %dma_start3A_997] : memref<8x128xi32, #tpu.memory_space<vmem>> -> memref<1x128xi32, #tpu.memory_space<vmem>>
    %dma_start3A_999 = tpu.memref_squeeze %dma_start3A_998 : memref<1x128xi32, #tpu.memory_space<vmem>> -> memref<128xi32, #tpu.memory_space<vmem>>
    %dma_start3A_1000 = arith.constant 0 : i32
    %dma_start3A_1001 = arith.constant 0 : i32
    %dma_start3A_1002 = tpu.memref_slice %arg6[%dma_start3A_1000, %dma_start3A_1001] : memref<262144x128xf32, #tpu.memory_space<hbm>> -> memref<262144x128xf32, #tpu.memory_space<hbm>>
    tpu.enqueue_indirect_dma source(%arg13 : memref<128x128xf32, #tpu.memory_space<vmem>>) target(%dma_start3A_1002 : memref<262144x128xf32, #tpu.memory_space<hbm>>) offsets(%dma_start3A_999 : memref<128xi32, #tpu.memory_space<vmem>>) semaphore(%arg27 : memref<!tpu.dma_semaphore, #tpu.memory_space<semaphore_mem>>)
    %dma_wait3A_1003 = arith.constant 22 : i32
    %dma_wait3A_1004 = arith.constant 0 : i32
    %dma_wait3A_1005 = tpu.memref_slice %arg9[%dma_wait3A_1003, %dma_wait3A_1004] : memref<48x128xi32, #tpu.memory_space<vmem>> -> memref<1x128xi32, #tpu.memory_space<vmem>>
    %dma_wait3A_1006 = tpu.memref_squeeze %dma_wait3A_1005 : memref<1x128xi32, #tpu.memory_space<vmem>> -> memref<128xi32, #tpu.memory_space<vmem>>
    %dma_wait3A_1007 = arith.constant 0 : i32
    %dma_wait3A_1008 = arith.constant 0 : i32
    %dma_wait3A_1009 = tpu.memref_slice %arg6[%dma_wait3A_1007, %dma_wait3A_1008] : memref<262144x128xf32, #tpu.memory_space<hbm>> -> memref<262144x128xf32, #tpu.memory_space<hbm>>
    tpu.wait_indirect_dma semaphore(%arg25 : memref<!tpu.dma_semaphore, #tpu.memory_space<semaphore_mem>>) src(%arg11 : memref<128x128xf32, #tpu.memory_space<vmem>>) dst(%dma_wait3A_1009 : memref<262144x128xf32, #tpu.memory_space<hbm>>)
    %dma_start3A_1010 = arith.constant 27 : i32
    %dma_start3A_1011 = arith.constant 0 : i32
    %dma_start3A_1012 = tpu.memref_slice %arg9[%dma_start3A_1010, %dma_start3A_1011] : memref<48x128xi32, #tpu.memory_space<vmem>> -> memref<1x128xi32, #tpu.memory_space<vmem>>
    %dma_start3A_1013 = tpu.memref_squeeze %dma_start3A_1012 : memref<1x128xi32, #tpu.memory_space<vmem>> -> memref<128xi32, #tpu.memory_space<vmem>>
    %dma_start3A_1014 = arith.constant 0 : i32
    %dma_start3A_1015 = arith.constant 0 : i32
    %dma_start3A_1016 = tpu.memref_slice %arg2[%dma_start3A_1014, %dma_start3A_1015] : memref<262144x128xf32, #tpu.memory_space<hbm>> -> memref<262144x128xf32, #tpu.memory_space<hbm>>
    tpu.enqueue_indirect_dma source(%dma_start3A_1016 : memref<262144x128xf32, #tpu.memory_space<hbm>>) target(%arg11 : memref<128x128xf32, #tpu.memory_space<vmem>>) offsets(%dma_start3A_1013 : memref<128xi32, #tpu.memory_space<vmem>>) semaphore(%arg18 : memref<!tpu.dma_semaphore, #tpu.memory_space<semaphore_mem>>)
    %dma_wait3A_1017 = arith.constant 24 : i32
    %dma_wait3A_1018 = arith.constant 0 : i32
    %dma_wait3A_1019 = tpu.memref_slice %arg9[%dma_wait3A_1017, %dma_wait3A_1018] : memref<48x128xi32, #tpu.memory_space<vmem>> -> memref<1x128xi32, #tpu.memory_space<vmem>>
    %dma_wait3A_1020 = tpu.memref_squeeze %dma_wait3A_1019 : memref<1x128xi32, #tpu.memory_space<vmem>> -> memref<128xi32, #tpu.memory_space<vmem>>
    %dma_wait3A_1021 = arith.constant 0 : i32
    %dma_wait3A_1022 = arith.constant 0 : i32
    %dma_wait3A_1023 = tpu.memref_slice %arg2[%dma_wait3A_1021, %dma_wait3A_1022] : memref<262144x128xf32, #tpu.memory_space<hbm>> -> memref<262144x128xf32, #tpu.memory_space<hbm>>
    tpu.wait_indirect_dma semaphore(%arg21 : memref<!tpu.dma_semaphore, #tpu.memory_space<semaphore_mem>>) src(%dma_wait3A_1023 : memref<262144x128xf32, #tpu.memory_space<hbm>>) dst(%arg14 : memref<128x128xf32, #tpu.memory_space<vmem>>)
    %dma_start3A_1024 = arith.constant 24 : i32
    %dma_start3A_1025 = arith.constant 0 : i32
    %dma_start3A_1026 = tpu.memref_slice %arg9[%dma_start3A_1024, %dma_start3A_1025] : memref<48x128xi32, #tpu.memory_space<vmem>> -> memref<1x128xi32, #tpu.memory_space<vmem>>
    %dma_start3A_1027 = tpu.memref_squeeze %dma_start3A_1026 : memref<1x128xi32, #tpu.memory_space<vmem>> -> memref<128xi32, #tpu.memory_space<vmem>>
    %dma_start3A_1028 = arith.constant 0 : i32
    %dma_start3A_1029 = arith.constant 0 : i32
    %dma_start3A_1030 = tpu.memref_slice %arg6[%dma_start3A_1028, %dma_start3A_1029] : memref<262144x128xf32, #tpu.memory_space<hbm>> -> memref<262144x128xf32, #tpu.memory_space<hbm>>
    tpu.enqueue_indirect_dma source(%arg14 : memref<128x128xf32, #tpu.memory_space<vmem>>) target(%dma_start3A_1030 : memref<262144x128xf32, #tpu.memory_space<hbm>>) offsets(%dma_start3A_1027 : memref<128xi32, #tpu.memory_space<vmem>>) semaphore(%arg28 : memref<!tpu.dma_semaphore, #tpu.memory_space<semaphore_mem>>)
    %dma_wait3A_1031 = arith.constant 23 : i32
    %dma_wait3A_1032 = arith.constant 0 : i32
    %dma_wait3A_1033 = tpu.memref_slice %arg9[%dma_wait3A_1031, %dma_wait3A_1032] : memref<48x128xi32, #tpu.memory_space<vmem>> -> memref<1x128xi32, #tpu.memory_space<vmem>>
    %dma_wait3A_1034 = tpu.memref_squeeze %dma_wait3A_1033 : memref<1x128xi32, #tpu.memory_space<vmem>> -> memref<128xi32, #tpu.memory_space<vmem>>
    %dma_wait3A_1035 = arith.constant 0 : i32
    %dma_wait3A_1036 = arith.constant 0 : i32
    %dma_wait3A_1037 = tpu.memref_slice %arg6[%dma_wait3A_1035, %dma_wait3A_1036] : memref<262144x128xf32, #tpu.memory_space<hbm>> -> memref<262144x128xf32, #tpu.memory_space<hbm>>
    tpu.wait_indirect_dma semaphore(%arg26 : memref<!tpu.dma_semaphore, #tpu.memory_space<semaphore_mem>>) src(%arg12 : memref<128x128xf32, #tpu.memory_space<vmem>>) dst(%dma_wait3A_1037 : memref<262144x128xf32, #tpu.memory_space<hbm>>)
    %dma_start3A_1038 = arith.constant 28 : i32
    %dma_start3A_1039 = arith.constant 0 : i32
    %dma_start3A_1040 = tpu.memref_slice %arg9[%dma_start3A_1038, %dma_start3A_1039] : memref<48x128xi32, #tpu.memory_space<vmem>> -> memref<1x128xi32, #tpu.memory_space<vmem>>
    %dma_start3A_1041 = tpu.memref_squeeze %dma_start3A_1040 : memref<1x128xi32, #tpu.memory_space<vmem>> -> memref<128xi32, #tpu.memory_space<vmem>>
    %dma_start3A_1042 = arith.constant 0 : i32
    %dma_start3A_1043 = arith.constant 0 : i32
    %dma_start3A_1044 = tpu.memref_slice %arg2[%dma_start3A_1042, %dma_start3A_1043] : memref<262144x128xf32, #tpu.memory_space<hbm>> -> memref<262144x128xf32, #tpu.memory_space<hbm>>
    tpu.enqueue_indirect_dma source(%dma_start3A_1044 : memref<262144x128xf32, #tpu.memory_space<hbm>>) target(%arg12 : memref<128x128xf32, #tpu.memory_space<vmem>>) offsets(%dma_start3A_1041 : memref<128xi32, #tpu.memory_space<vmem>>) semaphore(%arg19 : memref<!tpu.dma_semaphore, #tpu.memory_space<semaphore_mem>>)
    %dma_wait3A_1045 = arith.constant 25 : i32
    %dma_wait3A_1046 = arith.constant 0 : i32
    %dma_wait3A_1047 = tpu.memref_slice %arg9[%dma_wait3A_1045, %dma_wait3A_1046] : memref<48x128xi32, #tpu.memory_space<vmem>> -> memref<1x128xi32, #tpu.memory_space<vmem>>
    %dma_wait3A_1048 = tpu.memref_squeeze %dma_wait3A_1047 : memref<1x128xi32, #tpu.memory_space<vmem>> -> memref<128xi32, #tpu.memory_space<vmem>>
    %dma_wait3A_1049 = arith.constant 0 : i32
    %dma_wait3A_1050 = arith.constant 0 : i32
    %dma_wait3A_1051 = tpu.memref_slice %arg2[%dma_wait3A_1049, %dma_wait3A_1050] : memref<262144x128xf32, #tpu.memory_space<hbm>> -> memref<262144x128xf32, #tpu.memory_space<hbm>>
    tpu.wait_indirect_dma semaphore(%arg22 : memref<!tpu.dma_semaphore, #tpu.memory_space<semaphore_mem>>) src(%dma_wait3A_1051 : memref<262144x128xf32, #tpu.memory_space<hbm>>) dst(%arg15 : memref<128x128xf32, #tpu.memory_space<vmem>>)
    %dma_start3A_1052 = arith.constant 25 : i32
    %dma_start3A_1053 = arith.constant 0 : i32
    %dma_start3A_1054 = tpu.memref_slice %arg9[%dma_start3A_1052, %dma_start3A_1053] : memref<48x128xi32, #tpu.memory_space<vmem>> -> memref<1x128xi32, #tpu.memory_space<vmem>>
    %dma_start3A_1055 = tpu.memref_squeeze %dma_start3A_1054 : memref<1x128xi32, #tpu.memory_space<vmem>> -> memref<128xi32, #tpu.memory_space<vmem>>
    %dma_start3A_1056 = arith.constant 0 : i32
    %dma_start3A_1057 = arith.constant 0 : i32
    %dma_start3A_1058 = tpu.memref_slice %arg6[%dma_start3A_1056, %dma_start3A_1057] : memref<262144x128xf32, #tpu.memory_space<hbm>> -> memref<262144x128xf32, #tpu.memory_space<hbm>>
    tpu.enqueue_indirect_dma source(%arg15 : memref<128x128xf32, #tpu.memory_space<vmem>>) target(%dma_start3A_1058 : memref<262144x128xf32, #tpu.memory_space<hbm>>) offsets(%dma_start3A_1055 : memref<128xi32, #tpu.memory_space<vmem>>) semaphore(%arg29 : memref<!tpu.dma_semaphore, #tpu.memory_space<semaphore_mem>>)
    %dma_wait3A_1059 = arith.constant 7 : i32
    %dma_wait3A_1060 = arith.constant 0 : i32
    %dma_wait3A_1061 = tpu.memref_slice %arg7[%dma_wait3A_1059, %dma_wait3A_1060] : memref<8x128xi32, #tpu.memory_space<vmem>> -> memref<1x128xi32, #tpu.memory_space<vmem>>
    %dma_wait3A_1062 = tpu.memref_squeeze %dma_wait3A_1061 : memref<1x128xi32, #tpu.memory_space<vmem>> -> memref<128xi32, #tpu.memory_space<vmem>>
    %dma_wait3A_1063 = arith.constant 0 : i32
    %dma_wait3A_1064 = arith.constant 0 : i32
    %dma_wait3A_1065 = tpu.memref_slice %arg6[%dma_wait3A_1063, %dma_wait3A_1064] : memref<262144x128xf32, #tpu.memory_space<hbm>> -> memref<262144x128xf32, #tpu.memory_space<hbm>>
    tpu.wait_indirect_dma semaphore(%arg27 : memref<!tpu.dma_semaphore, #tpu.memory_space<semaphore_mem>>) src(%arg13 : memref<128x128xf32, #tpu.memory_space<vmem>>) dst(%dma_wait3A_1065 : memref<262144x128xf32, #tpu.memory_space<hbm>>)
    %dma_start3A_1066 = arith.constant 29 : i32
    %dma_start3A_1067 = arith.constant 0 : i32
    %dma_start3A_1068 = tpu.memref_slice %arg9[%dma_start3A_1066, %dma_start3A_1067] : memref<48x128xi32, #tpu.memory_space<vmem>> -> memref<1x128xi32, #tpu.memory_space<vmem>>
    %dma_start3A_1069 = tpu.memref_squeeze %dma_start3A_1068 : memref<1x128xi32, #tpu.memory_space<vmem>> -> memref<128xi32, #tpu.memory_space<vmem>>
    %dma_start3A_1070 = arith.constant 0 : i32
    %dma_start3A_1071 = arith.constant 0 : i32
    %dma_start3A_1072 = tpu.memref_slice %arg2[%dma_start3A_1070, %dma_start3A_1071] : memref<262144x128xf32, #tpu.memory_space<hbm>> -> memref<262144x128xf32, #tpu.memory_space<hbm>>
    tpu.enqueue_indirect_dma source(%dma_start3A_1072 : memref<262144x128xf32, #tpu.memory_space<hbm>>) target(%arg13 : memref<128x128xf32, #tpu.memory_space<vmem>>) offsets(%dma_start3A_1069 : memref<128xi32, #tpu.memory_space<vmem>>) semaphore(%arg20 : memref<!tpu.dma_semaphore, #tpu.memory_space<semaphore_mem>>)
    %dma_wait3A_1073 = arith.constant 26 : i32
    %dma_wait3A_1074 = arith.constant 0 : i32
    %dma_wait3A_1075 = tpu.memref_slice %arg9[%dma_wait3A_1073, %dma_wait3A_1074] : memref<48x128xi32, #tpu.memory_space<vmem>> -> memref<1x128xi32, #tpu.memory_space<vmem>>
    %dma_wait3A_1076 = tpu.memref_squeeze %dma_wait3A_1075 : memref<1x128xi32, #tpu.memory_space<vmem>> -> memref<128xi32, #tpu.memory_space<vmem>>
    %dma_wait3A_1077 = arith.constant 0 : i32
    %dma_wait3A_1078 = arith.constant 0 : i32
    %dma_wait3A_1079 = tpu.memref_slice %arg2[%dma_wait3A_1077, %dma_wait3A_1078] : memref<262144x128xf32, #tpu.memory_space<hbm>> -> memref<262144x128xf32, #tpu.memory_space<hbm>>
    tpu.wait_indirect_dma semaphore(%arg23 : memref<!tpu.dma_semaphore, #tpu.memory_space<semaphore_mem>>) src(%dma_wait3A_1079 : memref<262144x128xf32, #tpu.memory_space<hbm>>) dst(%arg16 : memref<128x128xf32, #tpu.memory_space<vmem>>)
    %dma_start3A_1080 = arith.constant 26 : i32
    %dma_start3A_1081 = arith.constant 0 : i32
    %dma_start3A_1082 = tpu.memref_slice %arg9[%dma_start3A_1080, %dma_start3A_1081] : memref<48x128xi32, #tpu.memory_space<vmem>> -> memref<1x128xi32, #tpu.memory_space<vmem>>
    %dma_start3A_1083 = tpu.memref_squeeze %dma_start3A_1082 : memref<1x128xi32, #tpu.memory_space<vmem>> -> memref<128xi32, #tpu.memory_space<vmem>>
    %dma_start3A_1084 = arith.constant 0 : i32
    %dma_start3A_1085 = arith.constant 0 : i32
    %dma_start3A_1086 = tpu.memref_slice %arg6[%dma_start3A_1084, %dma_start3A_1085] : memref<262144x128xf32, #tpu.memory_space<hbm>> -> memref<262144x128xf32, #tpu.memory_space<hbm>>
    tpu.enqueue_indirect_dma source(%arg16 : memref<128x128xf32, #tpu.memory_space<vmem>>) target(%dma_start3A_1086 : memref<262144x128xf32, #tpu.memory_space<hbm>>) offsets(%dma_start3A_1083 : memref<128xi32, #tpu.memory_space<vmem>>) semaphore(%arg30 : memref<!tpu.dma_semaphore, #tpu.memory_space<semaphore_mem>>)
    %dma_wait3A_1087 = arith.constant 24 : i32
    %dma_wait3A_1088 = arith.constant 0 : i32
    %dma_wait3A_1089 = tpu.memref_slice %arg9[%dma_wait3A_1087, %dma_wait3A_1088] : memref<48x128xi32, #tpu.memory_space<vmem>> -> memref<1x128xi32, #tpu.memory_space<vmem>>
    %dma_wait3A_1090 = tpu.memref_squeeze %dma_wait3A_1089 : memref<1x128xi32, #tpu.memory_space<vmem>> -> memref<128xi32, #tpu.memory_space<vmem>>
    %dma_wait3A_1091 = arith.constant 0 : i32
    %dma_wait3A_1092 = arith.constant 0 : i32
    %dma_wait3A_1093 = tpu.memref_slice %arg6[%dma_wait3A_1091, %dma_wait3A_1092] : memref<262144x128xf32, #tpu.memory_space<hbm>> -> memref<262144x128xf32, #tpu.memory_space<hbm>>
    tpu.wait_indirect_dma semaphore(%arg28 : memref<!tpu.dma_semaphore, #tpu.memory_space<semaphore_mem>>) src(%arg14 : memref<128x128xf32, #tpu.memory_space<vmem>>) dst(%dma_wait3A_1093 : memref<262144x128xf32, #tpu.memory_space<hbm>>)
    %dma_start3A_1094 = arith.constant 1 : i32
    %dma_start3A_1095 = arith.constant 0 : i32
    %dma_start3A_1096 = tpu.memref_slice %arg8[%dma_start3A_1094, %dma_start3A_1095] : memref<8x128xi32, #tpu.memory_space<vmem>> -> memref<1x128xi32, #tpu.memory_space<vmem>>
    %dma_start3A_1097 = tpu.memref_squeeze %dma_start3A_1096 : memref<1x128xi32, #tpu.memory_space<vmem>> -> memref<128xi32, #tpu.memory_space<vmem>>
    %dma_start3A_1098 = arith.constant 0 : i32
    %dma_start3A_1099 = arith.constant 0 : i32
    %dma_start3A_1100 = tpu.memref_slice %arg2[%dma_start3A_1098, %dma_start3A_1099] : memref<262144x128xf32, #tpu.memory_space<hbm>> -> memref<262144x128xf32, #tpu.memory_space<hbm>>
    tpu.enqueue_indirect_dma source(%dma_start3A_1100 : memref<262144x128xf32, #tpu.memory_space<hbm>>) target(%arg14 : memref<128x128xf32, #tpu.memory_space<vmem>>) offsets(%dma_start3A_1097 : memref<128xi32, #tpu.memory_space<vmem>>) semaphore(%arg21 : memref<!tpu.dma_semaphore, #tpu.memory_space<semaphore_mem>>)
    %dma_wait3A_1101 = arith.constant 0 : i32
    %dma_wait3A_1102 = arith.constant 0 : i32
    %dma_wait3A_1103 = tpu.memref_slice %arg8[%dma_wait3A_1101, %dma_wait3A_1102] : memref<8x128xi32, #tpu.memory_space<vmem>> -> memref<1x128xi32, #tpu.memory_space<vmem>>
    %dma_wait3A_1104 = tpu.memref_squeeze %dma_wait3A_1103 : memref<1x128xi32, #tpu.memory_space<vmem>> -> memref<128xi32, #tpu.memory_space<vmem>>
    %dma_wait3A_1105 = arith.constant 0 : i32
    %dma_wait3A_1106 = arith.constant 0 : i32
    %dma_wait3A_1107 = tpu.memref_slice %arg2[%dma_wait3A_1105, %dma_wait3A_1106] : memref<262144x128xf32, #tpu.memory_space<hbm>> -> memref<262144x128xf32, #tpu.memory_space<hbm>>
    tpu.wait_indirect_dma semaphore(%arg17 : memref<!tpu.dma_semaphore, #tpu.memory_space<semaphore_mem>>) src(%dma_wait3A_1107 : memref<262144x128xf32, #tpu.memory_space<hbm>>) dst(%arg10 : memref<128x128xf32, #tpu.memory_space<vmem>>)
    %iota3A_1108 = tpu.iota {dimensions = array<i32: 0>} : vector<16xi32>
    %sub3A = arith.constant 1 : i32
    %sub3A_1109 = vector.broadcast %sub3A : i32 to vector<16xi32>
    %sub3A_1110 = arith.subi %iota3A_1108, %sub3A_1109 : vector<16xi32>
    %max3A = arith.constant 0 : i32
    %max3A_1111 = vector.broadcast %max3A : i32 to vector<16xi32>
    %max3A_1112 = arith.maxsi %sub3A_1110, %max3A_1111 : vector<16xi32>
    %scan3A_1113 = arith.constant 0 : i32
    %scan3A_1114 = arith.constant 0 : i32
    %scan3A_1115 = arith.constant 128 : i32
    %scan3A_1116 = arith.addi %scan3A_1114, %scan3A_1115 : i32
    %scan3A_1117 = arith.constant 1 : i32
    scf.for %scan3A_1994 = %scan3A_1114 to %scan3A_1116 step %scan3A_1117  : i32 {
      %get3A = arith.index_cast %scan3A_1994 : i32 to index
      %get3A_1995 = arith.constant 111 : index
      %get3A_1996 = tpu.vector_load %arg10[%get3A, %get3A_1995] {strides = array<i32>} : memref<128x128xf32, #tpu.memory_space<vmem>>, vector<1x16xf32>,
      %get3A_1997 = vector.shape_cast %get3A_1996 : vector<1x16xf32> to vector<16xf32>
      %swap3A = arith.index_cast %scan3A_1994 : i32 to index
      %swap3A_1998 = arith.constant 112 : index
      %swap3A_1999 = tpu.vector_load %arg10[%swap3A, %swap3A_1998] {strides = array<i32>} : memref<128x128xf32, #tpu.memory_space<vmem>>, vector<1x16xf32>,
      %swap3A_2000 = vector.shape_cast %swap3A_1999 : vector<1x16xf32> to vector<16xf32>
      %swap3A_2001 = vector.shape_cast %get3A_1997 : vector<16xf32> to vector<1x16xf32>
      tpu.vector_store %arg10[%swap3A, %swap3A_1998], %swap3A_2001 {strides = array<i32>} : memref<128x128xf32, #tpu.memory_space<vmem>>, vector<1x16xf32>,
      %get3A_2002 = arith.index_cast %scan3A_1994 : i32 to index
      %get3A_2003 = arith.constant 95 : index
      %get3A_2004 = tpu.vector_load %arg10[%get3A_2002, %get3A_2003] {strides = array<i32>} : memref<128x128xf32, #tpu.memory_space<vmem>>, vector<1x16xf32>,
      %get3A_2005 = vector.shape_cast %get3A_2004 : vector<1x16xf32> to vector<16xf32>
      %swap3A_2006 = arith.index_cast %scan3A_1994 : i32 to index
      %swap3A_2007 = arith.constant 96 : index
      %swap3A_2008 = tpu.vector_load %arg10[%swap3A_2006, %swap3A_2007] {strides = array<i32>} : memref<128x128xf32, #tpu.memory_space<vmem>>, vector<1x16xf32>,
      %swap3A_2009 = vector.shape_cast %swap3A_2008 : vector<1x16xf32> to vector<16xf32>
      %swap3A_2010 = vector.shape_cast %get3A_2005 : vector<16xf32> to vector<1x16xf32>
      tpu.vector_store %arg10[%swap3A_2006, %swap3A_2007], %swap3A_2010 {strides = array<i32>} : memref<128x128xf32, #tpu.memory_space<vmem>>, vector<1x16xf32>,
      %get3A_2011 = arith.index_cast %scan3A_1994 : i32 to index
      %get3A_2012 = arith.constant 79 : index
      %get3A_2013 = tpu.vector_load %arg10[%get3A_2011, %get3A_2012] {strides = array<i32>} : memref<128x128xf32, #tpu.memory_space<vmem>>, vector<1x16xf32>,
      %get3A_2014 = vector.shape_cast %get3A_2013 : vector<1x16xf32> to vector<16xf32>
      %swap3A_2015 = arith.index_cast %scan3A_1994 : i32 to index
      %swap3A_2016 = arith.constant 80 : index
      %swap3A_2017 = tpu.vector_load %arg10[%swap3A_2015, %swap3A_2016] {strides = array<i32>} : memref<128x128xf32, #tpu.memory_space<vmem>>, vector<1x16xf32>,
      %swap3A_2018 = vector.shape_cast %swap3A_2017 : vector<1x16xf32> to vector<16xf32>
      %swap3A_2019 = vector.shape_cast %get3A_2014 : vector<16xf32> to vector<1x16xf32>
      tpu.vector_store %arg10[%swap3A_2015, %swap3A_2016], %swap3A_2019 {strides = array<i32>} : memref<128x128xf32, #tpu.memory_space<vmem>>, vector<1x16xf32>,
      %get3A_2020 = arith.index_cast %scan3A_1994 : i32 to index
      %get3A_2021 = arith.constant 63 : index
      %get3A_2022 = tpu.vector_load %arg10[%get3A_2020, %get3A_2021] {strides = array<i32>} : memref<128x128xf32, #tpu.memory_space<vmem>>, vector<1x16xf32>,
      %get3A_2023 = vector.shape_cast %get3A_2022 : vector<1x16xf32> to vector<16xf32>
      %swap3A_2024 = arith.index_cast %scan3A_1994 : i32 to index
      %swap3A_2025 = arith.constant 64 : index
      %swap3A_2026 = tpu.vector_load %arg10[%swap3A_2024, %swap3A_2025] {strides = array<i32>} : memref<128x128xf32, #tpu.memory_space<vmem>>, vector<1x16xf32>,
      %swap3A_2027 = vector.shape_cast %swap3A_2026 : vector<1x16xf32> to vector<16xf32>
      %swap3A_2028 = vector.shape_cast %get3A_2023 : vector<16xf32> to vector<1x16xf32>
      tpu.vector_store %arg10[%swap3A_2024, %swap3A_2025], %swap3A_2028 {strides = array<i32>} : memref<128x128xf32, #tpu.memory_space<vmem>>, vector<1x16xf32>,
      %get3A_2029 = arith.index_cast %scan3A_1994 : i32 to index
      %get3A_2030 = arith.constant 47 : index
      %get3A_2031 = tpu.vector_load %arg10[%get3A_2029, %get3A_2030] {strides = array<i32>} : memref<128x128xf32, #tpu.memory_space<vmem>>, vector<1x16xf32>,
      %get3A_2032 = vector.shape_cast %get3A_2031 : vector<1x16xf32> to vector<16xf32>
      %swap3A_2033 = arith.index_cast %scan3A_1994 : i32 to index
      %swap3A_2034 = arith.constant 48 : index
      %swap3A_2035 = tpu.vector_load %arg10[%swap3A_2033, %swap3A_2034] {strides = array<i32>} : memref<128x128xf32, #tpu.memory_space<vmem>>, vector<1x16xf32>,
      %swap3A_2036 = vector.shape_cast %swap3A_2035 : vector<1x16xf32> to vector<16xf32>
      %swap3A_2037 = vector.shape_cast %get3A_2032 : vector<16xf32> to vector<1x16xf32>
      tpu.vector_store %arg10[%swap3A_2033, %swap3A_2034], %swap3A_2037 {strides = array<i32>} : memref<128x128xf32, #tpu.memory_space<vmem>>, vector<1x16xf32>,
      %get3A_2038 = arith.index_cast %scan3A_1994 : i32 to index
      %get3A_2039 = arith.constant 31 : index
      %get3A_2040 = tpu.vector_load %arg10[%get3A_2038, %get3A_2039] {strides = array<i32>} : memref<128x128xf32, #tpu.memory_space<vmem>>, vector<1x16xf32>,
      %get3A_2041 = vector.shape_cast %get3A_2040 : vector<1x16xf32> to vector<16xf32>
      %swap3A_2042 = arith.index_cast %scan3A_1994 : i32 to index
      %swap3A_2043 = arith.constant 32 : index
      %swap3A_2044 = tpu.vector_load %arg10[%swap3A_2042, %swap3A_2043] {strides = array<i32>} : memref<128x128xf32, #tpu.memory_space<vmem>>, vector<1x16xf32>,
      %swap3A_2045 = vector.shape_cast %swap3A_2044 : vector<1x16xf32> to vector<16xf32>
      %swap3A_2046 = vector.shape_cast %get3A_2041 : vector<16xf32> to vector<1x16xf32>
      tpu.vector_store %arg10[%swap3A_2042, %swap3A_2043], %swap3A_2046 {strides = array<i32>} : memref<128x128xf32, #tpu.memory_space<vmem>>, vector<1x16xf32>,
      %get3A_2047 = arith.index_cast %scan3A_1994 : i32 to index
      %get3A_2048 = arith.constant 15 : index
      %get3A_2049 = tpu.vector_load %arg10[%get3A_2047, %get3A_2048] {strides = array<i32>} : memref<128x128xf32, #tpu.memory_space<vmem>>, vector<1x16xf32>,
      %get3A_2050 = vector.shape_cast %get3A_2049 : vector<1x16xf32> to vector<16xf32>
      %swap3A_2051 = arith.index_cast %scan3A_1994 : i32 to index
      %swap3A_2052 = arith.constant 16 : index
      %swap3A_2053 = tpu.vector_load %arg10[%swap3A_2051, %swap3A_2052] {strides = array<i32>} : memref<128x128xf32, #tpu.memory_space<vmem>>, vector<1x16xf32>,
      %swap3A_2054 = vector.shape_cast %swap3A_2053 : vector<1x16xf32> to vector<16xf32>
      %swap3A_2055 = vector.shape_cast %get3A_2050 : vector<16xf32> to vector<1x16xf32>
      tpu.vector_store %arg10[%swap3A_2051, %swap3A_2052], %swap3A_2055 {strides = array<i32>} : memref<128x128xf32, #tpu.memory_space<vmem>>, vector<1x16xf32>,
      %get3A_2056 = arith.index_cast %scan3A_1994 : i32 to index
      %get3A_2057 = arith.constant 0 : index
      %get3A_2058 = tpu.vector_load %arg10[%get3A_2056, %get3A_2057] {strides = array<i32>} : memref<128x128xf32, #tpu.memory_space<vmem>>, vector<1x16xf32>,
      %get3A_2059 = vector.shape_cast %get3A_2058 : vector<1x16xf32> to vector<16xf32>
      %broadcast_in_dim3A = vector.shape_cast %max3A_1112 : vector<16xi32> to vector<16x1xi32>
      %gather3A = vector.shape_cast %broadcast_in_dim3A : vector<16x1xi32> to vector<16xi32>
      %gather3A_2060 = tpu.dynamic_gather %get3A_2059[%gather3A] in [0] : vector<16xf32>, vector<16xi32> -> vector<16xf32>
      %eq3A = arith.constant 0 : i32
      %eq3A_2061 = vector.broadcast %eq3A : i32 to vector<16xi32>
      %eq3A_2062 = arith.cmpi eq, %iota3A_1108, %eq3A_2061 : vector<16xi32>
      %jit3A = arith.constant 0.000000e+00 : f32
      %broadcast_in_dim3A_2063 = vector.broadcast %jit3A : f32 to vector<16xf32>
      %select_n3A = arith.select %eq3A_2062, %broadcast_in_dim3A_2063, %gather3A_2060 : vector<16xi1>, vector<16xf32>
      %swap3A_2064 = arith.index_cast %scan3A_1994 : i32 to index
      %swap3A_2065 = arith.constant 0 : index
      %swap3A_2066 = tpu.vector_load %arg10[%swap3A_2064, %swap3A_2065] {strides = array<i32>} : memref<128x128xf32, #tpu.memory_space<vmem>>, vector<1x16xf32>,
      %swap3A_2067 = vector.shape_cast %swap3A_2066 : vector<1x16xf32> to vector<16xf32>
      %swap3A_2068 = vector.shape_cast %select_n3A : vector<16xf32> to vector<1x16xf32>
      tpu.vector_store %arg10[%swap3A_2064, %swap3A_2065], %swap3A_2068 {strides = array<i32>} : memref<128x128xf32, #tpu.memory_space<vmem>>, vector<1x16xf32>,
    }
    %scan3A_1118 = arith.constant 128 : i32
    %dma_start3A_1119 = arith.constant 0 : i32
    %dma_start3A_1120 = arith.constant 0 : i32
    %dma_start3A_1121 = tpu.memref_slice %arg8[%dma_start3A_1119, %dma_start3A_1120] : memref<8x128xi32, #tpu.memory_space<vmem>> -> memref<1x128xi32, #tpu.memory_space<vmem>>
    %dma_start3A_1122 = tpu.memref_squeeze %dma_start3A_1121 : memref<1x128xi32, #tpu.memory_space<vmem>> -> memref<128xi32, #tpu.memory_space<vmem>>
    %dma_start3A_1123 = arith.constant 0 : i32
    %dma_start3A_1124 = arith.constant 0 : i32
    %dma_start3A_1125 = tpu.memref_slice %arg6[%dma_start3A_1123, %dma_start3A_1124] : memref<262144x128xf32, #tpu.memory_space<hbm>> -> memref<262144x128xf32, #tpu.memory_space<hbm>>
    tpu.enqueue_indirect_dma source(%arg10 : memref<128x128xf32, #tpu.memory_space<vmem>>) target(%dma_start3A_1125 : memref<262144x128xf32, #tpu.memory_space<hbm>>) offsets(%dma_start3A_1122 : memref<128xi32, #tpu.memory_space<vmem>>) semaphore(%arg24 : memref<!tpu.dma_semaphore, #tpu.memory_space<semaphore_mem>>)
    %dma_wait3A_1126 = arith.constant 25 : i32
    %dma_wait3A_1127 = arith.constant 0 : i32
    %dma_wait3A_1128 = tpu.memref_slice %arg9[%dma_wait3A_1126, %dma_wait3A_1127] : memref<48x128xi32, #tpu.memory_space<vmem>> -> memref<1x128xi32, #tpu.memory_space<vmem>>
    %dma_wait3A_1129 = tpu.memref_squeeze %dma_wait3A_1128 : memref<1x128xi32, #tpu.memory_space<vmem>> -> memref<128xi32, #tpu.memory_space<vmem>>
    %dma_wait3A_1130 = arith.constant 0 : i32
    %dma_wait3A_1131 = arith.constant 0 : i32
    %dma_wait3A_1132 = tpu.memref_slice %arg6[%dma_wait3A_1130, %dma_wait3A_1131] : memref<262144x128xf32, #tpu.memory_space<hbm>> -> memref<262144x128xf32, #tpu.memory_space<hbm>>
    tpu.wait_indirect_dma semaphore(%arg29 : memref<!tpu.dma_semaphore, #tpu.memory_space<semaphore_mem>>) src(%arg15 : memref<128x128xf32, #tpu.memory_space<vmem>>) dst(%dma_wait3A_1132 : memref<262144x128xf32, #tpu.memory_space<hbm>>)
    %dma_start3A_1133 = arith.constant 30 : i32
    %dma_start3A_1134 = arith.constant 0 : i32
    %dma_start3A_1135 = tpu.memref_slice %arg9[%dma_start3A_1133, %dma_start3A_1134] : memref<48x128xi32, #tpu.memory_space<vmem>> -> memref<1x128xi32, #tpu.memory_space<vmem>>
    %dma_start3A_1136 = tpu.memref_squeeze %dma_start3A_1135 : memref<1x128xi32, #tpu.memory_space<vmem>> -> memref<128xi32, #tpu.memory_space<vmem>>
    %dma_start3A_1137 = arith.constant 0 : i32
    %dma_start3A_1138 = arith.constant 0 : i32
    %dma_start3A_1139 = tpu.memref_slice %arg2[%dma_start3A_1137, %dma_start3A_1138] : memref<262144x128xf32, #tpu.memory_space<hbm>> -> memref<262144x128xf32, #tpu.memory_space<hbm>>
    tpu.enqueue_indirect_dma source(%dma_start3A_1139 : memref<262144x128xf32, #tpu.memory_space<hbm>>) target(%arg15 : memref<128x128xf32, #tpu.memory_space<vmem>>) offsets(%dma_start3A_1136 : memref<128xi32, #tpu.memory_space<vmem>>) semaphore(%arg22 : memref<!tpu.dma_semaphore, #tpu.memory_space<semaphore_mem>>)
    %dma_wait3A_1140 = arith.constant 27 : i32
    %dma_wait3A_1141 = arith.constant 0 : i32
    %dma_wait3A_1142 = tpu.memref_slice %arg9[%dma_wait3A_1140, %dma_wait3A_1141] : memref<48x128xi32, #tpu.memory_space<vmem>> -> memref<1x128xi32, #tpu.memory_space<vmem>>
    %dma_wait3A_1143 = tpu.memref_squeeze %dma_wait3A_1142 : memref<1x128xi32, #tpu.memory_space<vmem>> -> memref<128xi32, #tpu.memory_space<vmem>>
    %dma_wait3A_1144 = arith.constant 0 : i32
    %dma_wait3A_1145 = arith.constant 0 : i32
    %dma_wait3A_1146 = tpu.memref_slice %arg2[%dma_wait3A_1144, %dma_wait3A_1145] : memref<262144x128xf32, #tpu.memory_space<hbm>> -> memref<262144x128xf32, #tpu.memory_space<hbm>>
    tpu.wait_indirect_dma semaphore(%arg18 : memref<!tpu.dma_semaphore, #tpu.memory_space<semaphore_mem>>) src(%dma_wait3A_1146 : memref<262144x128xf32, #tpu.memory_space<hbm>>) dst(%arg11 : memref<128x128xf32, #tpu.memory_space<vmem>>)
    %dma_start3A_1147 = arith.constant 27 : i32
    %dma_start3A_1148 = arith.constant 0 : i32
    %dma_start3A_1149 = tpu.memref_slice %arg9[%dma_start3A_1147, %dma_start3A_1148] : memref<48x128xi32, #tpu.memory_space<vmem>> -> memref<1x128xi32, #tpu.memory_space<vmem>>
    %dma_start3A_1150 = tpu.memref_squeeze %dma_start3A_1149 : memref<1x128xi32, #tpu.memory_space<vmem>> -> memref<128xi32, #tpu.memory_space<vmem>>
    %dma_start3A_1151 = arith.constant 0 : i32
    %dma_start3A_1152 = arith.constant 0 : i32
    %dma_start3A_1153 = tpu.memref_slice %arg6[%dma_start3A_1151, %dma_start3A_1152] : memref<262144x128xf32, #tpu.memory_space<hbm>> -> memref<262144x128xf32, #tpu.memory_space<hbm>>
    tpu.enqueue_indirect_dma source(%arg11 : memref<128x128xf32, #tpu.memory_space<vmem>>) target(%dma_start3A_1153 : memref<262144x128xf32, #tpu.memory_space<hbm>>) offsets(%dma_start3A_1150 : memref<128xi32, #tpu.memory_space<vmem>>) semaphore(%arg25 : memref<!tpu.dma_semaphore, #tpu.memory_space<semaphore_mem>>)
    %dma_wait3A_1154 = arith.constant 26 : i32
    %dma_wait3A_1155 = arith.constant 0 : i32
    %dma_wait3A_1156 = tpu.memref_slice %arg9[%dma_wait3A_1154, %dma_wait3A_1155] : memref<48x128xi32, #tpu.memory_space<vmem>> -> memref<1x128xi32, #tpu.memory_space<vmem>>
    %dma_wait3A_1157 = tpu.memref_squeeze %dma_wait3A_1156 : memref<1x128xi32, #tpu.memory_space<vmem>> -> memref<128xi32, #tpu.memory_space<vmem>>
    %dma_wait3A_1158 = arith.constant 0 : i32
    %dma_wait3A_1159 = arith.constant 0 : i32
    %dma_wait3A_1160 = tpu.memref_slice %arg6[%dma_wait3A_1158, %dma_wait3A_1159] : memref<262144x128xf32, #tpu.memory_space<hbm>> -> memref<262144x128xf32, #tpu.memory_space<hbm>>
    tpu.wait_indirect_dma semaphore(%arg30 : memref<!tpu.dma_semaphore, #tpu.memory_space<semaphore_mem>>) src(%arg16 : memref<128x128xf32, #tpu.memory_space<vmem>>) dst(%dma_wait3A_1160 : memref<262144x128xf32, #tpu.memory_space<hbm>>)
    %dma_start3A_1161 = arith.constant 31 : i32
    %dma_start3A_1162 = arith.constant 0 : i32
    %dma_start3A_1163 = tpu.memref_slice %arg9[%dma_start3A_1161, %dma_start3A_1162] : memref<48x128xi32, #tpu.memory_space<vmem>> -> memref<1x128xi32, #tpu.memory_space<vmem>>
    %dma_start3A_1164 = tpu.memref_squeeze %dma_start3A_1163 : memref<1x128xi32, #tpu.memory_space<vmem>> -> memref<128xi32, #tpu.memory_space<vmem>>
    %dma_start3A_1165 = arith.constant 0 : i32
    %dma_start3A_1166 = arith.constant 0 : i32
    %dma_start3A_1167 = tpu.memref_slice %arg2[%dma_start3A_1165, %dma_start3A_1166] : memref<262144x128xf32, #tpu.memory_space<hbm>> -> memref<262144x128xf32, #tpu.memory_space<hbm>>
    tpu.enqueue_indirect_dma source(%dma_start3A_1167 : memref<262144x128xf32, #tpu.memory_space<hbm>>) target(%arg16 : memref<128x128xf32, #tpu.memory_space<vmem>>) offsets(%dma_start3A_1164 : memref<128xi32, #tpu.memory_space<vmem>>) semaphore(%arg23 : memref<!tpu.dma_semaphore, #tpu.memory_space<semaphore_mem>>)
    %dma_wait3A_1168 = arith.constant 28 : i32
    %dma_wait3A_1169 = arith.constant 0 : i32
    %dma_wait3A_1170 = tpu.memref_slice %arg9[%dma_wait3A_1168, %dma_wait3A_1169] : memref<48x128xi32, #tpu.memory_space<vmem>> -> memref<1x128xi32, #tpu.memory_space<vmem>>
    %dma_wait3A_1171 = tpu.memref_squeeze %dma_wait3A_1170 : memref<1x128xi32, #tpu.memory_space<vmem>> -> memref<128xi32, #tpu.memory_space<vmem>>
    %dma_wait3A_1172 = arith.constant 0 : i32
    %dma_wait3A_1173 = arith.constant 0 : i32
    %dma_wait3A_1174 = tpu.memref_slice %arg2[%dma_wait3A_1172, %dma_wait3A_1173] : memref<262144x128xf32, #tpu.memory_space<hbm>> -> memref<262144x128xf32, #tpu.memory_space<hbm>>
    tpu.wait_indirect_dma semaphore(%arg19 : memref<!tpu.dma_semaphore, #tpu.memory_space<semaphore_mem>>) src(%dma_wait3A_1174 : memref<262144x128xf32, #tpu.memory_space<hbm>>) dst(%arg12 : memref<128x128xf32, #tpu.memory_space<vmem>>)
    %dma_start3A_1175 = arith.constant 28 : i32
    %dma_start3A_1176 = arith.constant 0 : i32
    %dma_start3A_1177 = tpu.memref_slice %arg9[%dma_start3A_1175, %dma_start3A_1176] : memref<48x128xi32, #tpu.memory_space<vmem>> -> memref<1x128xi32, #tpu.memory_space<vmem>>
    %dma_start3A_1178 = tpu.memref_squeeze %dma_start3A_1177 : memref<1x128xi32, #tpu.memory_space<vmem>> -> memref<128xi32, #tpu.memory_space<vmem>>
    %dma_start3A_1179 = arith.constant 0 : i32
    %dma_start3A_1180 = arith.constant 0 : i32
    %dma_start3A_1181 = tpu.memref_slice %arg6[%dma_start3A_1179, %dma_start3A_1180] : memref<262144x128xf32, #tpu.memory_space<hbm>> -> memref<262144x128xf32, #tpu.memory_space<hbm>>
    tpu.enqueue_indirect_dma source(%arg12 : memref<128x128xf32, #tpu.memory_space<vmem>>) target(%dma_start3A_1181 : memref<262144x128xf32, #tpu.memory_space<hbm>>) offsets(%dma_start3A_1178 : memref<128xi32, #tpu.memory_space<vmem>>) semaphore(%arg26 : memref<!tpu.dma_semaphore, #tpu.memory_space<semaphore_mem>>)
    %dma_wait3A_1182 = arith.constant 0 : i32
    %dma_wait3A_1183 = arith.constant 0 : i32
    %dma_wait3A_1184 = tpu.memref_slice %arg8[%dma_wait3A_1182, %dma_wait3A_1183] : memref<8x128xi32, #tpu.memory_space<vmem>> -> memref<1x128xi32, #tpu.memory_space<vmem>>
    %dma_wait3A_1185 = tpu.memref_squeeze %dma_wait3A_1184 : memref<1x128xi32, #tpu.memory_space<vmem>> -> memref<128xi32, #tpu.memory_space<vmem>>
    %dma_wait3A_1186 = arith.constant 0 : i32
    %dma_wait3A_1187 = arith.constant 0 : i32
    %dma_wait3A_1188 = tpu.memref_slice %arg6[%dma_wait3A_1186, %dma_wait3A_1187] : memref<262144x128xf32, #tpu.memory_space<hbm>> -> memref<262144x128xf32, #tpu.memory_space<hbm>>
    tpu.wait_indirect_dma semaphore(%arg24 : memref<!tpu.dma_semaphore, #tpu.memory_space<semaphore_mem>>) src(%arg10 : memref<128x128xf32, #tpu.memory_space<vmem>>) dst(%dma_wait3A_1188 : memref<262144x128xf32, #tpu.memory_space<hbm>>)
    %dma_start3A_1189 = arith.constant 32 : i32
    %dma_start3A_1190 = arith.constant 0 : i32
    %dma_start3A_1191 = tpu.memref_slice %arg9[%dma_start3A_1189, %dma_start3A_1190] : memref<48x128xi32, #tpu.memory_space<vmem>> -> memref<1x128xi32, #tpu.memory_space<vmem>>
    %dma_start3A_1192 = tpu.memref_squeeze %dma_start3A_1191 : memref<1x128xi32, #tpu.memory_space<vmem>> -> memref<128xi32, #tpu.memory_space<vmem>>
    %dma_start3A_1193 = arith.constant 0 : i32
    %dma_start3A_1194 = arith.constant 0 : i32
    %dma_start3A_1195 = tpu.memref_slice %arg2[%dma_start3A_1193, %dma_start3A_1194] : memref<262144x128xf32, #tpu.memory_space<hbm>> -> memref<262144x128xf32, #tpu.memory_space<hbm>>
    tpu.enqueue_indirect_dma source(%dma_start3A_1195 : memref<262144x128xf32, #tpu.memory_space<hbm>>) target(%arg10 : memref<128x128xf32, #tpu.memory_space<vmem>>) offsets(%dma_start3A_1192 : memref<128xi32, #tpu.memory_space<vmem>>) semaphore(%arg17 : memref<!tpu.dma_semaphore, #tpu.memory_space<semaphore_mem>>)
    %dma_wait3A_1196 = arith.constant 29 : i32
    %dma_wait3A_1197 = arith.constant 0 : i32
    %dma_wait3A_1198 = tpu.memref_slice %arg9[%dma_wait3A_1196, %dma_wait3A_1197] : memref<48x128xi32, #tpu.memory_space<vmem>> -> memref<1x128xi32, #tpu.memory_space<vmem>>
    %dma_wait3A_1199 = tpu.memref_squeeze %dma_wait3A_1198 : memref<1x128xi32, #tpu.memory_space<vmem>> -> memref<128xi32, #tpu.memory_space<vmem>>
    %dma_wait3A_1200 = arith.constant 0 : i32
    %dma_wait3A_1201 = arith.constant 0 : i32
    %dma_wait3A_1202 = tpu.memref_slice %arg2[%dma_wait3A_1200, %dma_wait3A_1201] : memref<262144x128xf32, #tpu.memory_space<hbm>> -> memref<262144x128xf32, #tpu.memory_space<hbm>>
    tpu.wait_indirect_dma semaphore(%arg20 : memref<!tpu.dma_semaphore, #tpu.memory_space<semaphore_mem>>) src(%dma_wait3A_1202 : memref<262144x128xf32, #tpu.memory_space<hbm>>) dst(%arg13 : memref<128x128xf32, #tpu.memory_space<vmem>>)
    %dma_start3A_1203 = arith.constant 29 : i32
    %dma_start3A_1204 = arith.constant 0 : i32
    %dma_start3A_1205 = tpu.memref_slice %arg9[%dma_start3A_1203, %dma_start3A_1204] : memref<48x128xi32, #tpu.memory_space<vmem>> -> memref<1x128xi32, #tpu.memory_space<vmem>>
    %dma_start3A_1206 = tpu.memref_squeeze %dma_start3A_1205 : memref<1x128xi32, #tpu.memory_space<vmem>> -> memref<128xi32, #tpu.memory_space<vmem>>
    %dma_start3A_1207 = arith.constant 0 : i32
    %dma_start3A_1208 = arith.constant 0 : i32
    %dma_start3A_1209 = tpu.memref_slice %arg6[%dma_start3A_1207, %dma_start3A_1208] : memref<262144x128xf32, #tpu.memory_space<hbm>> -> memref<262144x128xf32, #tpu.memory_space<hbm>>
    tpu.enqueue_indirect_dma source(%arg13 : memref<128x128xf32, #tpu.memory_space<vmem>>) target(%dma_start3A_1209 : memref<262144x128xf32, #tpu.memory_space<hbm>>) offsets(%dma_start3A_1206 : memref<128xi32, #tpu.memory_space<vmem>>) semaphore(%arg27 : memref<!tpu.dma_semaphore, #tpu.memory_space<semaphore_mem>>)
    %dma_wait3A_1210 = arith.constant 27 : i32
    %dma_wait3A_1211 = arith.constant 0 : i32
    %dma_wait3A_1212 = tpu.memref_slice %arg9[%dma_wait3A_1210, %dma_wait3A_1211] : memref<48x128xi32, #tpu.memory_space<vmem>> -> memref<1x128xi32, #tpu.memory_space<vmem>>
    %dma_wait3A_1213 = tpu.memref_squeeze %dma_wait3A_1212 : memref<1x128xi32, #tpu.memory_space<vmem>> -> memref<128xi32, #tpu.memory_space<vmem>>
    %dma_wait3A_1214 = arith.constant 0 : i32
    %dma_wait3A_1215 = arith.constant 0 : i32
    %dma_wait3A_1216 = tpu.memref_slice %arg6[%dma_wait3A_1214, %dma_wait3A_1215] : memref<262144x128xf32, #tpu.memory_space<hbm>> -> memref<262144x128xf32, #tpu.memory_space<hbm>>
    tpu.wait_indirect_dma semaphore(%arg25 : memref<!tpu.dma_semaphore, #tpu.memory_space<semaphore_mem>>) src(%arg11 : memref<128x128xf32, #tpu.memory_space<vmem>>) dst(%dma_wait3A_1216 : memref<262144x128xf32, #tpu.memory_space<hbm>>)
    %dma_start3A_1217 = arith.constant 2 : i32
    %dma_start3A_1218 = arith.constant 0 : i32
    %dma_start3A_1219 = tpu.memref_slice %arg8[%dma_start3A_1217, %dma_start3A_1218] : memref<8x128xi32, #tpu.memory_space<vmem>> -> memref<1x128xi32, #tpu.memory_space<vmem>>
    %dma_start3A_1220 = tpu.memref_squeeze %dma_start3A_1219 : memref<1x128xi32, #tpu.memory_space<vmem>> -> memref<128xi32, #tpu.memory_space<vmem>>
    %dma_start3A_1221 = arith.constant 0 : i32
    %dma_start3A_1222 = arith.constant 0 : i32
    %dma_start3A_1223 = tpu.memref_slice %arg2[%dma_start3A_1221, %dma_start3A_1222] : memref<262144x128xf32, #tpu.memory_space<hbm>> -> memref<262144x128xf32, #tpu.memory_space<hbm>>
    tpu.enqueue_indirect_dma source(%dma_start3A_1223 : memref<262144x128xf32, #tpu.memory_space<hbm>>) target(%arg11 : memref<128x128xf32, #tpu.memory_space<vmem>>) offsets(%dma_start3A_1220 : memref<128xi32, #tpu.memory_space<vmem>>) semaphore(%arg18 : memref<!tpu.dma_semaphore, #tpu.memory_space<semaphore_mem>>)
    %dma_wait3A_1224 = arith.constant 1 : i32
    %dma_wait3A_1225 = arith.constant 0 : i32
    %dma_wait3A_1226 = tpu.memref_slice %arg8[%dma_wait3A_1224, %dma_wait3A_1225] : memref<8x128xi32, #tpu.memory_space<vmem>> -> memref<1x128xi32, #tpu.memory_space<vmem>>
    %dma_wait3A_1227 = tpu.memref_squeeze %dma_wait3A_1226 : memref<1x128xi32, #tpu.memory_space<vmem>> -> memref<128xi32, #tpu.memory_space<vmem>>
    %dma_wait3A_1228 = arith.constant 0 : i32
    %dma_wait3A_1229 = arith.constant 0 : i32
    %dma_wait3A_1230 = tpu.memref_slice %arg2[%dma_wait3A_1228, %dma_wait3A_1229] : memref<262144x128xf32, #tpu.memory_space<hbm>> -> memref<262144x128xf32, #tpu.memory_space<hbm>>
    tpu.wait_indirect_dma semaphore(%arg21 : memref<!tpu.dma_semaphore, #tpu.memory_space<semaphore_mem>>) src(%dma_wait3A_1230 : memref<262144x128xf32, #tpu.memory_space<hbm>>) dst(%arg14 : memref<128x128xf32, #tpu.memory_space<vmem>>)
    %iota3A_1231 = tpu.iota {dimensions = array<i32: 0>} : vector<16xi32>
    %sub3A_1232 = arith.constant 1 : i32
    %sub3A_1233 = vector.broadcast %sub3A_1232 : i32 to vector<16xi32>
    %sub3A_1234 = arith.subi %iota3A_1231, %sub3A_1233 : vector<16xi32>
    %max3A_1235 = arith.constant 0 : i32
    %max3A_1236 = vector.broadcast %max3A_1235 : i32 to vector<16xi32>
    %max3A_1237 = arith.maxsi %sub3A_1234, %max3A_1236 : vector<16xi32>
    %scan3A_1238 = arith.constant 0 : i32
    %scan3A_1239 = arith.constant 0 : i32
    %scan3A_1240 = arith.constant 128 : i32
    %scan3A_1241 = arith.addi %scan3A_1239, %scan3A_1240 : i32
    %scan3A_1242 = arith.constant 1 : i32
    scf.for %scan3A_1994 = %scan3A_1239 to %scan3A_1241 step %scan3A_1242  : i32 {
      %get3A = arith.index_cast %scan3A_1994 : i32 to index
      %get3A_1995 = arith.constant 111 : index
      %get3A_1996 = tpu.vector_load %arg14[%get3A, %get3A_1995] {strides = array<i32>} : memref<128x128xf32, #tpu.memory_space<vmem>>, vector<1x16xf32>,
      %get3A_1997 = vector.shape_cast %get3A_1996 : vector<1x16xf32> to vector<16xf32>
      %swap3A = arith.index_cast %scan3A_1994 : i32 to index
      %swap3A_1998 = arith.constant 112 : index
      %swap3A_1999 = tpu.vector_load %arg14[%swap3A, %swap3A_1998] {strides = array<i32>} : memref<128x128xf32, #tpu.memory_space<vmem>>, vector<1x16xf32>,
      %swap3A_2000 = vector.shape_cast %swap3A_1999 : vector<1x16xf32> to vector<16xf32>
      %swap3A_2001 = vector.shape_cast %get3A_1997 : vector<16xf32> to vector<1x16xf32>
      tpu.vector_store %arg14[%swap3A, %swap3A_1998], %swap3A_2001 {strides = array<i32>} : memref<128x128xf32, #tpu.memory_space<vmem>>, vector<1x16xf32>,
      %get3A_2002 = arith.index_cast %scan3A_1994 : i32 to index
      %get3A_2003 = arith.constant 95 : index
      %get3A_2004 = tpu.vector_load %arg14[%get3A_2002, %get3A_2003] {strides = array<i32>} : memref<128x128xf32, #tpu.memory_space<vmem>>, vector<1x16xf32>,
      %get3A_2005 = vector.shape_cast %get3A_2004 : vector<1x16xf32> to vector<16xf32>
      %swap3A_2006 = arith.index_cast %scan3A_1994 : i32 to index
      %swap3A_2007 = arith.constant 96 : index
      %swap3A_2008 = tpu.vector_load %arg14[%swap3A_2006, %swap3A_2007] {strides = array<i32>} : memref<128x128xf32, #tpu.memory_space<vmem>>, vector<1x16xf32>,
      %swap3A_2009 = vector.shape_cast %swap3A_2008 : vector<1x16xf32> to vector<16xf32>
      %swap3A_2010 = vector.shape_cast %get3A_2005 : vector<16xf32> to vector<1x16xf32>
      tpu.vector_store %arg14[%swap3A_2006, %swap3A_2007], %swap3A_2010 {strides = array<i32>} : memref<128x128xf32, #tpu.memory_space<vmem>>, vector<1x16xf32>,
      %get3A_2011 = arith.index_cast %scan3A_1994 : i32 to index
      %get3A_2012 = arith.constant 79 : index
      %get3A_2013 = tpu.vector_load %arg14[%get3A_2011, %get3A_2012] {strides = array<i32>} : memref<128x128xf32, #tpu.memory_space<vmem>>, vector<1x16xf32>,
      %get3A_2014 = vector.shape_cast %get3A_2013 : vector<1x16xf32> to vector<16xf32>
      %swap3A_2015 = arith.index_cast %scan3A_1994 : i32 to index
      %swap3A_2016 = arith.constant 80 : index
      %swap3A_2017 = tpu.vector_load %arg14[%swap3A_2015, %swap3A_2016] {strides = array<i32>} : memref<128x128xf32, #tpu.memory_space<vmem>>, vector<1x16xf32>,
      %swap3A_2018 = vector.shape_cast %swap3A_2017 : vector<1x16xf32> to vector<16xf32>
      %swap3A_2019 = vector.shape_cast %get3A_2014 : vector<16xf32> to vector<1x16xf32>
      tpu.vector_store %arg14[%swap3A_2015, %swap3A_2016], %swap3A_2019 {strides = array<i32>} : memref<128x128xf32, #tpu.memory_space<vmem>>, vector<1x16xf32>,
      %get3A_2020 = arith.index_cast %scan3A_1994 : i32 to index
      %get3A_2021 = arith.constant 63 : index
      %get3A_2022 = tpu.vector_load %arg14[%get3A_2020, %get3A_2021] {strides = array<i32>} : memref<128x128xf32, #tpu.memory_space<vmem>>, vector<1x16xf32>,
      %get3A_2023 = vector.shape_cast %get3A_2022 : vector<1x16xf32> to vector<16xf32>
      %swap3A_2024 = arith.index_cast %scan3A_1994 : i32 to index
      %swap3A_2025 = arith.constant 64 : index
      %swap3A_2026 = tpu.vector_load %arg14[%swap3A_2024, %swap3A_2025] {strides = array<i32>} : memref<128x128xf32, #tpu.memory_space<vmem>>, vector<1x16xf32>,
      %swap3A_2027 = vector.shape_cast %swap3A_2026 : vector<1x16xf32> to vector<16xf32>
      %swap3A_2028 = vector.shape_cast %get3A_2023 : vector<16xf32> to vector<1x16xf32>
      tpu.vector_store %arg14[%swap3A_2024, %swap3A_2025], %swap3A_2028 {strides = array<i32>} : memref<128x128xf32, #tpu.memory_space<vmem>>, vector<1x16xf32>,
      %get3A_2029 = arith.index_cast %scan3A_1994 : i32 to index
      %get3A_2030 = arith.constant 47 : index
      %get3A_2031 = tpu.vector_load %arg14[%get3A_2029, %get3A_2030] {strides = array<i32>} : memref<128x128xf32, #tpu.memory_space<vmem>>, vector<1x16xf32>,
      %get3A_2032 = vector.shape_cast %get3A_2031 : vector<1x16xf32> to vector<16xf32>
      %swap3A_2033 = arith.index_cast %scan3A_1994 : i32 to index
      %swap3A_2034 = arith.constant 48 : index
      %swap3A_2035 = tpu.vector_load %arg14[%swap3A_2033, %swap3A_2034] {strides = array<i32>} : memref<128x128xf32, #tpu.memory_space<vmem>>, vector<1x16xf32>,
      %swap3A_2036 = vector.shape_cast %swap3A_2035 : vector<1x16xf32> to vector<16xf32>
      %swap3A_2037 = vector.shape_cast %get3A_2032 : vector<16xf32> to vector<1x16xf32>
      tpu.vector_store %arg14[%swap3A_2033, %swap3A_2034], %swap3A_2037 {strides = array<i32>} : memref<128x128xf32, #tpu.memory_space<vmem>>, vector<1x16xf32>,
      %get3A_2038 = arith.index_cast %scan3A_1994 : i32 to index
      %get3A_2039 = arith.constant 31 : index
      %get3A_2040 = tpu.vector_load %arg14[%get3A_2038, %get3A_2039] {strides = array<i32>} : memref<128x128xf32, #tpu.memory_space<vmem>>, vector<1x16xf32>,
      %get3A_2041 = vector.shape_cast %get3A_2040 : vector<1x16xf32> to vector<16xf32>
      %swap3A_2042 = arith.index_cast %scan3A_1994 : i32 to index
      %swap3A_2043 = arith.constant 32 : index
      %swap3A_2044 = tpu.vector_load %arg14[%swap3A_2042, %swap3A_2043] {strides = array<i32>} : memref<128x128xf32, #tpu.memory_space<vmem>>, vector<1x16xf32>,
      %swap3A_2045 = vector.shape_cast %swap3A_2044 : vector<1x16xf32> to vector<16xf32>
      %swap3A_2046 = vector.shape_cast %get3A_2041 : vector<16xf32> to vector<1x16xf32>
      tpu.vector_store %arg14[%swap3A_2042, %swap3A_2043], %swap3A_2046 {strides = array<i32>} : memref<128x128xf32, #tpu.memory_space<vmem>>, vector<1x16xf32>,
      %get3A_2047 = arith.index_cast %scan3A_1994 : i32 to index
      %get3A_2048 = arith.constant 15 : index
      %get3A_2049 = tpu.vector_load %arg14[%get3A_2047, %get3A_2048] {strides = array<i32>} : memref<128x128xf32, #tpu.memory_space<vmem>>, vector<1x16xf32>,
      %get3A_2050 = vector.shape_cast %get3A_2049 : vector<1x16xf32> to vector<16xf32>
      %swap3A_2051 = arith.index_cast %scan3A_1994 : i32 to index
      %swap3A_2052 = arith.constant 16 : index
      %swap3A_2053 = tpu.vector_load %arg14[%swap3A_2051, %swap3A_2052] {strides = array<i32>} : memref<128x128xf32, #tpu.memory_space<vmem>>, vector<1x16xf32>,
      %swap3A_2054 = vector.shape_cast %swap3A_2053 : vector<1x16xf32> to vector<16xf32>
      %swap3A_2055 = vector.shape_cast %get3A_2050 : vector<16xf32> to vector<1x16xf32>
      tpu.vector_store %arg14[%swap3A_2051, %swap3A_2052], %swap3A_2055 {strides = array<i32>} : memref<128x128xf32, #tpu.memory_space<vmem>>, vector<1x16xf32>,
      %get3A_2056 = arith.index_cast %scan3A_1994 : i32 to index
      %get3A_2057 = arith.constant 0 : index
      %get3A_2058 = tpu.vector_load %arg14[%get3A_2056, %get3A_2057] {strides = array<i32>} : memref<128x128xf32, #tpu.memory_space<vmem>>, vector<1x16xf32>,
      %get3A_2059 = vector.shape_cast %get3A_2058 : vector<1x16xf32> to vector<16xf32>
      %broadcast_in_dim3A = vector.shape_cast %max3A_1237 : vector<16xi32> to vector<16x1xi32>
      %gather3A = vector.shape_cast %broadcast_in_dim3A : vector<16x1xi32> to vector<16xi32>
      %gather3A_2060 = tpu.dynamic_gather %get3A_2059[%gather3A] in [0] : vector<16xf32>, vector<16xi32> -> vector<16xf32>
      %eq3A = arith.constant 0 : i32
      %eq3A_2061 = vector.broadcast %eq3A : i32 to vector<16xi32>
      %eq3A_2062 = arith.cmpi eq, %iota3A_1231, %eq3A_2061 : vector<16xi32>
      %jit3A = arith.constant 0.000000e+00 : f32
      %broadcast_in_dim3A_2063 = vector.broadcast %jit3A : f32 to vector<16xf32>
      %select_n3A = arith.select %eq3A_2062, %broadcast_in_dim3A_2063, %gather3A_2060 : vector<16xi1>, vector<16xf32>
      %swap3A_2064 = arith.index_cast %scan3A_1994 : i32 to index
      %swap3A_2065 = arith.constant 0 : index
      %swap3A_2066 = tpu.vector_load %arg14[%swap3A_2064, %swap3A_2065] {strides = array<i32>} : memref<128x128xf32, #tpu.memory_space<vmem>>, vector<1x16xf32>,
      %swap3A_2067 = vector.shape_cast %swap3A_2066 : vector<1x16xf32> to vector<16xf32>
      %swap3A_2068 = vector.shape_cast %select_n3A : vector<16xf32> to vector<1x16xf32>
      tpu.vector_store %arg14[%swap3A_2064, %swap3A_2065], %swap3A_2068 {strides = array<i32>} : memref<128x128xf32, #tpu.memory_space<vmem>>, vector<1x16xf32>,
    }
    %scan3A_1243 = arith.constant 128 : i32
    %dma_start3A_1244 = arith.constant 1 : i32
    %dma_start3A_1245 = arith.constant 0 : i32
    %dma_start3A_1246 = tpu.memref_slice %arg8[%dma_start3A_1244, %dma_start3A_1245] : memref<8x128xi32, #tpu.memory_space<vmem>> -> memref<1x128xi32, #tpu.memory_space<vmem>>
    %dma_start3A_1247 = tpu.memref_squeeze %dma_start3A_1246 : memref<1x128xi32, #tpu.memory_space<vmem>> -> memref<128xi32, #tpu.memory_space<vmem>>
    %dma_start3A_1248 = arith.constant 0 : i32
    %dma_start3A_1249 = arith.constant 0 : i32
    %dma_start3A_1250 = tpu.memref_slice %arg6[%dma_start3A_1248, %dma_start3A_1249] : memref<262144x128xf32, #tpu.memory_space<hbm>> -> memref<262144x128xf32, #tpu.memory_space<hbm>>
    tpu.enqueue_indirect_dma source(%arg14 : memref<128x128xf32, #tpu.memory_space<vmem>>) target(%dma_start3A_1250 : memref<262144x128xf32, #tpu.memory_space<hbm>>) offsets(%dma_start3A_1247 : memref<128xi32, #tpu.memory_space<vmem>>) semaphore(%arg28 : memref<!tpu.dma_semaphore, #tpu.memory_space<semaphore_mem>>)
    %dma_wait3A_1251 = arith.constant 28 : i32
    %dma_wait3A_1252 = arith.constant 0 : i32
    %dma_wait3A_1253 = tpu.memref_slice %arg9[%dma_wait3A_1251, %dma_wait3A_1252] : memref<48x128xi32, #tpu.memory_space<vmem>> -> memref<1x128xi32, #tpu.memory_space<vmem>>
    %dma_wait3A_1254 = tpu.memref_squeeze %dma_wait3A_1253 : memref<1x128xi32, #tpu.memory_space<vmem>> -> memref<128xi32, #tpu.memory_space<vmem>>
    %dma_wait3A_1255 = arith.constant 0 : i32
    %dma_wait3A_1256 = arith.constant 0 : i32
    %dma_wait3A_1257 = tpu.memref_slice %arg6[%dma_wait3A_1255, %dma_wait3A_1256] : memref<262144x128xf32, #tpu.memory_space<hbm>> -> memref<262144x128xf32, #tpu.memory_space<hbm>>
    tpu.wait_indirect_dma semaphore(%arg26 : memref<!tpu.dma_semaphore, #tpu.memory_space<semaphore_mem>>) src(%arg12 : memref<128x128xf32, #tpu.memory_space<vmem>>) dst(%dma_wait3A_1257 : memref<262144x128xf32, #tpu.memory_space<hbm>>)
    %dma_start3A_1258 = arith.constant 33 : i32
    %dma_start3A_1259 = arith.constant 0 : i32
    %dma_start3A_1260 = tpu.memref_slice %arg9[%dma_start3A_1258, %dma_start3A_1259] : memref<48x128xi32, #tpu.memory_space<vmem>> -> memref<1x128xi32, #tpu.memory_space<vmem>>
    %dma_start3A_1261 = tpu.memref_squeeze %dma_start3A_1260 : memref<1x128xi32, #tpu.memory_space<vmem>> -> memref<128xi32, #tpu.memory_space<vmem>>
    %dma_start3A_1262 = arith.constant 0 : i32
    %dma_start3A_1263 = arith.constant 0 : i32
    %dma_start3A_1264 = tpu.memref_slice %arg2[%dma_start3A_1262, %dma_start3A_1263] : memref<262144x128xf32, #tpu.memory_space<hbm>> -> memref<262144x128xf32, #tpu.memory_space<hbm>>
    tpu.enqueue_indirect_dma source(%dma_start3A_1264 : memref<262144x128xf32, #tpu.memory_space<hbm>>) target(%arg12 : memref<128x128xf32, #tpu.memory_space<vmem>>) offsets(%dma_start3A_1261 : memref<128xi32, #tpu.memory_space<vmem>>) semaphore(%arg19 : memref<!tpu.dma_semaphore, #tpu.memory_space<semaphore_mem>>)
    %dma_wait3A_1265 = arith.constant 30 : i32
    %dma_wait3A_1266 = arith.constant 0 : i32
    %dma_wait3A_1267 = tpu.memref_slice %arg9[%dma_wait3A_1265, %dma_wait3A_1266] : memref<48x128xi32, #tpu.memory_space<vmem>> -> memref<1x128xi32, #tpu.memory_space<vmem>>
    %dma_wait3A_1268 = tpu.memref_squeeze %dma_wait3A_1267 : memref<1x128xi32, #tpu.memory_space<vmem>> -> memref<128xi32, #tpu.memory_space<vmem>>
    %dma_wait3A_1269 = arith.constant 0 : i32
    %dma_wait3A_1270 = arith.constant 0 : i32
    %dma_wait3A_1271 = tpu.memref_slice %arg2[%dma_wait3A_1269, %dma_wait3A_1270] : memref<262144x128xf32, #tpu.memory_space<hbm>> -> memref<262144x128xf32, #tpu.memory_space<hbm>>
    tpu.wait_indirect_dma semaphore(%arg22 : memref<!tpu.dma_semaphore, #tpu.memory_space<semaphore_mem>>) src(%dma_wait3A_1271 : memref<262144x128xf32, #tpu.memory_space<hbm>>) dst(%arg15 : memref<128x128xf32, #tpu.memory_space<vmem>>)
    %dma_start3A_1272 = arith.constant 30 : i32
    %dma_start3A_1273 = arith.constant 0 : i32
    %dma_start3A_1274 = tpu.memref_slice %arg9[%dma_start3A_1272, %dma_start3A_1273] : memref<48x128xi32, #tpu.memory_space<vmem>> -> memref<1x128xi32, #tpu.memory_space<vmem>>
    %dma_start3A_1275 = tpu.memref_squeeze %dma_start3A_1274 : memref<1x128xi32, #tpu.memory_space<vmem>> -> memref<128xi32, #tpu.memory_space<vmem>>
    %dma_start3A_1276 = arith.constant 0 : i32
    %dma_start3A_1277 = arith.constant 0 : i32
    %dma_start3A_1278 = tpu.memref_slice %arg6[%dma_start3A_1276, %dma_start3A_1277] : memref<262144x128xf32, #tpu.memory_space<hbm>> -> memref<262144x128xf32, #tpu.memory_space<hbm>>
    tpu.enqueue_indirect_dma source(%arg15 : memref<128x128xf32, #tpu.memory_space<vmem>>) target(%dma_start3A_1278 : memref<262144x128xf32, #tpu.memory_space<hbm>>) offsets(%dma_start3A_1275 : memref<128xi32, #tpu.memory_space<vmem>>) semaphore(%arg29 : memref<!tpu.dma_semaphore, #tpu.memory_space<semaphore_mem>>)
    %dma_wait3A_1279 = arith.constant 29 : i32
    %dma_wait3A_1280 = arith.constant 0 : i32
    %dma_wait3A_1281 = tpu.memref_slice %arg9[%dma_wait3A_1279, %dma_wait3A_1280] : memref<48x128xi32, #tpu.memory_space<vmem>> -> memref<1x128xi32, #tpu.memory_space<vmem>>
    %dma_wait3A_1282 = tpu.memref_squeeze %dma_wait3A_1281 : memref<1x128xi32, #tpu.memory_space<vmem>> -> memref<128xi32, #tpu.memory_space<vmem>>
    %dma_wait3A_1283 = arith.constant 0 : i32
    %dma_wait3A_1284 = arith.constant 0 : i32
    %dma_wait3A_1285 = tpu.memref_slice %arg6[%dma_wait3A_1283, %dma_wait3A_1284] : memref<262144x128xf32, #tpu.memory_space<hbm>> -> memref<262144x128xf32, #tpu.memory_space<hbm>>
    tpu.wait_indirect_dma semaphore(%arg27 : memref<!tpu.dma_semaphore, #tpu.memory_space<semaphore_mem>>) src(%arg13 : memref<128x128xf32, #tpu.memory_space<vmem>>) dst(%dma_wait3A_1285 : memref<262144x128xf32, #tpu.memory_space<hbm>>)
    %dma_start3A_1286 = arith.constant 34 : i32
    %dma_start3A_1287 = arith.constant 0 : i32
    %dma_start3A_1288 = tpu.memref_slice %arg9[%dma_start3A_1286, %dma_start3A_1287] : memref<48x128xi32, #tpu.memory_space<vmem>> -> memref<1x128xi32, #tpu.memory_space<vmem>>
    %dma_start3A_1289 = tpu.memref_squeeze %dma_start3A_1288 : memref<1x128xi32, #tpu.memory_space<vmem>> -> memref<128xi32, #tpu.memory_space<vmem>>
    %dma_start3A_1290 = arith.constant 0 : i32
    %dma_start3A_1291 = arith.constant 0 : i32
    %dma_start3A_1292 = tpu.memref_slice %arg2[%dma_start3A_1290, %dma_start3A_1291] : memref<262144x128xf32, #tpu.memory_space<hbm>> -> memref<262144x128xf32, #tpu.memory_space<hbm>>
    tpu.enqueue_indirect_dma source(%dma_start3A_1292 : memref<262144x128xf32, #tpu.memory_space<hbm>>) target(%arg13 : memref<128x128xf32, #tpu.memory_space<vmem>>) offsets(%dma_start3A_1289 : memref<128xi32, #tpu.memory_space<vmem>>) semaphore(%arg20 : memref<!tpu.dma_semaphore, #tpu.memory_space<semaphore_mem>>)
    %dma_wait3A_1293 = arith.constant 31 : i32
    %dma_wait3A_1294 = arith.constant 0 : i32
    %dma_wait3A_1295 = tpu.memref_slice %arg9[%dma_wait3A_1293, %dma_wait3A_1294] : memref<48x128xi32, #tpu.memory_space<vmem>> -> memref<1x128xi32, #tpu.memory_space<vmem>>
    %dma_wait3A_1296 = tpu.memref_squeeze %dma_wait3A_1295 : memref<1x128xi32, #tpu.memory_space<vmem>> -> memref<128xi32, #tpu.memory_space<vmem>>
    %dma_wait3A_1297 = arith.constant 0 : i32
    %dma_wait3A_1298 = arith.constant 0 : i32
    %dma_wait3A_1299 = tpu.memref_slice %arg2[%dma_wait3A_1297, %dma_wait3A_1298] : memref<262144x128xf32, #tpu.memory_space<hbm>> -> memref<262144x128xf32, #tpu.memory_space<hbm>>
    tpu.wait_indirect_dma semaphore(%arg23 : memref<!tpu.dma_semaphore, #tpu.memory_space<semaphore_mem>>) src(%dma_wait3A_1299 : memref<262144x128xf32, #tpu.memory_space<hbm>>) dst(%arg16 : memref<128x128xf32, #tpu.memory_space<vmem>>)
    %dma_start3A_1300 = arith.constant 31 : i32
    %dma_start3A_1301 = arith.constant 0 : i32
    %dma_start3A_1302 = tpu.memref_slice %arg9[%dma_start3A_1300, %dma_start3A_1301] : memref<48x128xi32, #tpu.memory_space<vmem>> -> memref<1x128xi32, #tpu.memory_space<vmem>>
    %dma_start3A_1303 = tpu.memref_squeeze %dma_start3A_1302 : memref<1x128xi32, #tpu.memory_space<vmem>> -> memref<128xi32, #tpu.memory_space<vmem>>
    %dma_start3A_1304 = arith.constant 0 : i32
    %dma_start3A_1305 = arith.constant 0 : i32
    %dma_start3A_1306 = tpu.memref_slice %arg6[%dma_start3A_1304, %dma_start3A_1305] : memref<262144x128xf32, #tpu.memory_space<hbm>> -> memref<262144x128xf32, #tpu.memory_space<hbm>>
    tpu.enqueue_indirect_dma source(%arg16 : memref<128x128xf32, #tpu.memory_space<vmem>>) target(%dma_start3A_1306 : memref<262144x128xf32, #tpu.memory_space<hbm>>) offsets(%dma_start3A_1303 : memref<128xi32, #tpu.memory_space<vmem>>) semaphore(%arg30 : memref<!tpu.dma_semaphore, #tpu.memory_space<semaphore_mem>>)
    %dma_wait3A_1307 = arith.constant 1 : i32
    %dma_wait3A_1308 = arith.constant 0 : i32
    %dma_wait3A_1309 = tpu.memref_slice %arg8[%dma_wait3A_1307, %dma_wait3A_1308] : memref<8x128xi32, #tpu.memory_space<vmem>> -> memref<1x128xi32, #tpu.memory_space<vmem>>
    %dma_wait3A_1310 = tpu.memref_squeeze %dma_wait3A_1309 : memref<1x128xi32, #tpu.memory_space<vmem>> -> memref<128xi32, #tpu.memory_space<vmem>>
    %dma_wait3A_1311 = arith.constant 0 : i32
    %dma_wait3A_1312 = arith.constant 0 : i32
    %dma_wait3A_1313 = tpu.memref_slice %arg6[%dma_wait3A_1311, %dma_wait3A_1312] : memref<262144x128xf32, #tpu.memory_space<hbm>> -> memref<262144x128xf32, #tpu.memory_space<hbm>>
    tpu.wait_indirect_dma semaphore(%arg28 : memref<!tpu.dma_semaphore, #tpu.memory_space<semaphore_mem>>) src(%arg14 : memref<128x128xf32, #tpu.memory_space<vmem>>) dst(%dma_wait3A_1313 : memref<262144x128xf32, #tpu.memory_space<hbm>>)
    %dma_start3A_1314 = arith.constant 35 : i32
    %dma_start3A_1315 = arith.constant 0 : i32
    %dma_start3A_1316 = tpu.memref_slice %arg9[%dma_start3A_1314, %dma_start3A_1315] : memref<48x128xi32, #tpu.memory_space<vmem>> -> memref<1x128xi32, #tpu.memory_space<vmem>>
    %dma_start3A_1317 = tpu.memref_squeeze %dma_start3A_1316 : memref<1x128xi32, #tpu.memory_space<vmem>> -> memref<128xi32, #tpu.memory_space<vmem>>
    %dma_start3A_1318 = arith.constant 0 : i32
    %dma_start3A_1319 = arith.constant 0 : i32
    %dma_start3A_1320 = tpu.memref_slice %arg2[%dma_start3A_1318, %dma_start3A_1319] : memref<262144x128xf32, #tpu.memory_space<hbm>> -> memref<262144x128xf32, #tpu.memory_space<hbm>>
    tpu.enqueue_indirect_dma source(%dma_start3A_1320 : memref<262144x128xf32, #tpu.memory_space<hbm>>) target(%arg14 : memref<128x128xf32, #tpu.memory_space<vmem>>) offsets(%dma_start3A_1317 : memref<128xi32, #tpu.memory_space<vmem>>) semaphore(%arg21 : memref<!tpu.dma_semaphore, #tpu.memory_space<semaphore_mem>>)
    %dma_wait3A_1321 = arith.constant 32 : i32
    %dma_wait3A_1322 = arith.constant 0 : i32
    %dma_wait3A_1323 = tpu.memref_slice %arg9[%dma_wait3A_1321, %dma_wait3A_1322] : memref<48x128xi32, #tpu.memory_space<vmem>> -> memref<1x128xi32, #tpu.memory_space<vmem>>
    %dma_wait3A_1324 = tpu.memref_squeeze %dma_wait3A_1323 : memref<1x128xi32, #tpu.memory_space<vmem>> -> memref<128xi32, #tpu.memory_space<vmem>>
    %dma_wait3A_1325 = arith.constant 0 : i32
    %dma_wait3A_1326 = arith.constant 0 : i32
    %dma_wait3A_1327 = tpu.memref_slice %arg2[%dma_wait3A_1325, %dma_wait3A_1326] : memref<262144x128xf32, #tpu.memory_space<hbm>> -> memref<262144x128xf32, #tpu.memory_space<hbm>>
    tpu.wait_indirect_dma semaphore(%arg17 : memref<!tpu.dma_semaphore, #tpu.memory_space<semaphore_mem>>) src(%dma_wait3A_1327 : memref<262144x128xf32, #tpu.memory_space<hbm>>) dst(%arg10 : memref<128x128xf32, #tpu.memory_space<vmem>>)
    %dma_start3A_1328 = arith.constant 32 : i32
    %dma_start3A_1329 = arith.constant 0 : i32
    %dma_start3A_1330 = tpu.memref_slice %arg9[%dma_start3A_1328, %dma_start3A_1329] : memref<48x128xi32, #tpu.memory_space<vmem>> -> memref<1x128xi32, #tpu.memory_space<vmem>>
    %dma_start3A_1331 = tpu.memref_squeeze %dma_start3A_1330 : memref<1x128xi32, #tpu.memory_space<vmem>> -> memref<128xi32, #tpu.memory_space<vmem>>
    %dma_start3A_1332 = arith.constant 0 : i32
    %dma_start3A_1333 = arith.constant 0 : i32
    %dma_start3A_1334 = tpu.memref_slice %arg6[%dma_start3A_1332, %dma_start3A_1333] : memref<262144x128xf32, #tpu.memory_space<hbm>> -> memref<262144x128xf32, #tpu.memory_space<hbm>>
    tpu.enqueue_indirect_dma source(%arg10 : memref<128x128xf32, #tpu.memory_space<vmem>>) target(%dma_start3A_1334 : memref<262144x128xf32, #tpu.memory_space<hbm>>) offsets(%dma_start3A_1331 : memref<128xi32, #tpu.memory_space<vmem>>) semaphore(%arg24 : memref<!tpu.dma_semaphore, #tpu.memory_space<semaphore_mem>>)
    %dma_wait3A_1335 = arith.constant 30 : i32
    %dma_wait3A_1336 = arith.constant 0 : i32
    %dma_wait3A_1337 = tpu.memref_slice %arg9[%dma_wait3A_1335, %dma_wait3A_1336] : memref<48x128xi32, #tpu.memory_space<vmem>> -> memref<1x128xi32, #tpu.memory_space<vmem>>
    %dma_wait3A_1338 = tpu.memref_squeeze %dma_wait3A_1337 : memref<1x128xi32, #tpu.memory_space<vmem>> -> memref<128xi32, #tpu.memory_space<vmem>>
    %dma_wait3A_1339 = arith.constant 0 : i32
    %dma_wait3A_1340 = arith.constant 0 : i32
    %dma_wait3A_1341 = tpu.memref_slice %arg6[%dma_wait3A_1339, %dma_wait3A_1340] : memref<262144x128xf32, #tpu.memory_space<hbm>> -> memref<262144x128xf32, #tpu.memory_space<hbm>>
    tpu.wait_indirect_dma semaphore(%arg29 : memref<!tpu.dma_semaphore, #tpu.memory_space<semaphore_mem>>) src(%arg15 : memref<128x128xf32, #tpu.memory_space<vmem>>) dst(%dma_wait3A_1341 : memref<262144x128xf32, #tpu.memory_space<hbm>>)
    %dma_start3A_1342 = arith.constant 3 : i32
    %dma_start3A_1343 = arith.constant 0 : i32
    %dma_start3A_1344 = tpu.memref_slice %arg8[%dma_start3A_1342, %dma_start3A_1343] : memref<8x128xi32, #tpu.memory_space<vmem>> -> memref<1x128xi32, #tpu.memory_space<vmem>>
    %dma_start3A_1345 = tpu.memref_squeeze %dma_start3A_1344 : memref<1x128xi32, #tpu.memory_space<vmem>> -> memref<128xi32, #tpu.memory_space<vmem>>
    %dma_start3A_1346 = arith.constant 0 : i32
    %dma_start3A_1347 = arith.constant 0 : i32
    %dma_start3A_1348 = tpu.memref_slice %arg2[%dma_start3A_1346, %dma_start3A_1347] : memref<262144x128xf32, #tpu.memory_space<hbm>> -> memref<262144x128xf32, #tpu.memory_space<hbm>>
    tpu.enqueue_indirect_dma source(%dma_start3A_1348 : memref<262144x128xf32, #tpu.memory_space<hbm>>) target(%arg15 : memref<128x128xf32, #tpu.memory_space<vmem>>) offsets(%dma_start3A_1345 : memref<128xi32, #tpu.memory_space<vmem>>) semaphore(%arg22 : memref<!tpu.dma_semaphore, #tpu.memory_space<semaphore_mem>>)
    %dma_wait3A_1349 = arith.constant 2 : i32
    %dma_wait3A_1350 = arith.constant 0 : i32
    %dma_wait3A_1351 = tpu.memref_slice %arg8[%dma_wait3A_1349, %dma_wait3A_1350] : memref<8x128xi32, #tpu.memory_space<vmem>> -> memref<1x128xi32, #tpu.memory_space<vmem>>
    %dma_wait3A_1352 = tpu.memref_squeeze %dma_wait3A_1351 : memref<1x128xi32, #tpu.memory_space<vmem>> -> memref<128xi32, #tpu.memory_space<vmem>>
    %dma_wait3A_1353 = arith.constant 0 : i32
    %dma_wait3A_1354 = arith.constant 0 : i32
    %dma_wait3A_1355 = tpu.memref_slice %arg2[%dma_wait3A_1353, %dma_wait3A_1354] : memref<262144x128xf32, #tpu.memory_space<hbm>> -> memref<262144x128xf32, #tpu.memory_space<hbm>>
    tpu.wait_indirect_dma semaphore(%arg18 : memref<!tpu.dma_semaphore, #tpu.memory_space<semaphore_mem>>) src(%dma_wait3A_1355 : memref<262144x128xf32, #tpu.memory_space<hbm>>) dst(%arg11 : memref<128x128xf32, #tpu.memory_space<vmem>>)
    %iota3A_1356 = tpu.iota {dimensions = array<i32: 0>} : vector<16xi32>
    %sub3A_1357 = arith.constant 1 : i32
    %sub3A_1358 = vector.broadcast %sub3A_1357 : i32 to vector<16xi32>
    %sub3A_1359 = arith.subi %iota3A_1356, %sub3A_1358 : vector<16xi32>
    %max3A_1360 = arith.constant 0 : i32
    %max3A_1361 = vector.broadcast %max3A_1360 : i32 to vector<16xi32>
    %max3A_1362 = arith.maxsi %sub3A_1359, %max3A_1361 : vector<16xi32>
    %scan3A_1363 = arith.constant 0 : i32
    %scan3A_1364 = arith.constant 0 : i32
    %scan3A_1365 = arith.constant 128 : i32
    %scan3A_1366 = arith.addi %scan3A_1364, %scan3A_1365 : i32
    %scan3A_1367 = arith.constant 1 : i32
    scf.for %scan3A_1994 = %scan3A_1364 to %scan3A_1366 step %scan3A_1367  : i32 {
      %get3A = arith.index_cast %scan3A_1994 : i32 to index
      %get3A_1995 = arith.constant 111 : index
      %get3A_1996 = tpu.vector_load %arg11[%get3A, %get3A_1995] {strides = array<i32>} : memref<128x128xf32, #tpu.memory_space<vmem>>, vector<1x16xf32>,
      %get3A_1997 = vector.shape_cast %get3A_1996 : vector<1x16xf32> to vector<16xf32>
      %swap3A = arith.index_cast %scan3A_1994 : i32 to index
      %swap3A_1998 = arith.constant 112 : index
      %swap3A_1999 = tpu.vector_load %arg11[%swap3A, %swap3A_1998] {strides = array<i32>} : memref<128x128xf32, #tpu.memory_space<vmem>>, vector<1x16xf32>,
      %swap3A_2000 = vector.shape_cast %swap3A_1999 : vector<1x16xf32> to vector<16xf32>
      %swap3A_2001 = vector.shape_cast %get3A_1997 : vector<16xf32> to vector<1x16xf32>
      tpu.vector_store %arg11[%swap3A, %swap3A_1998], %swap3A_2001 {strides = array<i32>} : memref<128x128xf32, #tpu.memory_space<vmem>>, vector<1x16xf32>,
      %get3A_2002 = arith.index_cast %scan3A_1994 : i32 to index
      %get3A_2003 = arith.constant 95 : index
      %get3A_2004 = tpu.vector_load %arg11[%get3A_2002, %get3A_2003] {strides = array<i32>} : memref<128x128xf32, #tpu.memory_space<vmem>>, vector<1x16xf32>,
      %get3A_2005 = vector.shape_cast %get3A_2004 : vector<1x16xf32> to vector<16xf32>
      %swap3A_2006 = arith.index_cast %scan3A_1994 : i32 to index
      %swap3A_2007 = arith.constant 96 : index
      %swap3A_2008 = tpu.vector_load %arg11[%swap3A_2006, %swap3A_2007] {strides = array<i32>} : memref<128x128xf32, #tpu.memory_space<vmem>>, vector<1x16xf32>,
      %swap3A_2009 = vector.shape_cast %swap3A_2008 : vector<1x16xf32> to vector<16xf32>
      %swap3A_2010 = vector.shape_cast %get3A_2005 : vector<16xf32> to vector<1x16xf32>
      tpu.vector_store %arg11[%swap3A_2006, %swap3A_2007], %swap3A_2010 {strides = array<i32>} : memref<128x128xf32, #tpu.memory_space<vmem>>, vector<1x16xf32>,
      %get3A_2011 = arith.index_cast %scan3A_1994 : i32 to index
      %get3A_2012 = arith.constant 79 : index
      %get3A_2013 = tpu.vector_load %arg11[%get3A_2011, %get3A_2012] {strides = array<i32>} : memref<128x128xf32, #tpu.memory_space<vmem>>, vector<1x16xf32>,
      %get3A_2014 = vector.shape_cast %get3A_2013 : vector<1x16xf32> to vector<16xf32>
      %swap3A_2015 = arith.index_cast %scan3A_1994 : i32 to index
      %swap3A_2016 = arith.constant 80 : index
      %swap3A_2017 = tpu.vector_load %arg11[%swap3A_2015, %swap3A_2016] {strides = array<i32>} : memref<128x128xf32, #tpu.memory_space<vmem>>, vector<1x16xf32>,
      %swap3A_2018 = vector.shape_cast %swap3A_2017 : vector<1x16xf32> to vector<16xf32>
      %swap3A_2019 = vector.shape_cast %get3A_2014 : vector<16xf32> to vector<1x16xf32>
      tpu.vector_store %arg11[%swap3A_2015, %swap3A_2016], %swap3A_2019 {strides = array<i32>} : memref<128x128xf32, #tpu.memory_space<vmem>>, vector<1x16xf32>,
      %get3A_2020 = arith.index_cast %scan3A_1994 : i32 to index
      %get3A_2021 = arith.constant 63 : index
      %get3A_2022 = tpu.vector_load %arg11[%get3A_2020, %get3A_2021] {strides = array<i32>} : memref<128x128xf32, #tpu.memory_space<vmem>>, vector<1x16xf32>,
      %get3A_2023 = vector.shape_cast %get3A_2022 : vector<1x16xf32> to vector<16xf32>
      %swap3A_2024 = arith.index_cast %scan3A_1994 : i32 to index
      %swap3A_2025 = arith.constant 64 : index
      %swap3A_2026 = tpu.vector_load %arg11[%swap3A_2024, %swap3A_2025] {strides = array<i32>} : memref<128x128xf32, #tpu.memory_space<vmem>>, vector<1x16xf32>,
      %swap3A_2027 = vector.shape_cast %swap3A_2026 : vector<1x16xf32> to vector<16xf32>
      %swap3A_2028 = vector.shape_cast %get3A_2023 : vector<16xf32> to vector<1x16xf32>
      tpu.vector_store %arg11[%swap3A_2024, %swap3A_2025], %swap3A_2028 {strides = array<i32>} : memref<128x128xf32, #tpu.memory_space<vmem>>, vector<1x16xf32>,
      %get3A_2029 = arith.index_cast %scan3A_1994 : i32 to index
      %get3A_2030 = arith.constant 47 : index
      %get3A_2031 = tpu.vector_load %arg11[%get3A_2029, %get3A_2030] {strides = array<i32>} : memref<128x128xf32, #tpu.memory_space<vmem>>, vector<1x16xf32>,
      %get3A_2032 = vector.shape_cast %get3A_2031 : vector<1x16xf32> to vector<16xf32>
      %swap3A_2033 = arith.index_cast %scan3A_1994 : i32 to index
      %swap3A_2034 = arith.constant 48 : index
      %swap3A_2035 = tpu.vector_load %arg11[%swap3A_2033, %swap3A_2034] {strides = array<i32>} : memref<128x128xf32, #tpu.memory_space<vmem>>, vector<1x16xf32>,
      %swap3A_2036 = vector.shape_cast %swap3A_2035 : vector<1x16xf32> to vector<16xf32>
      %swap3A_2037 = vector.shape_cast %get3A_2032 : vector<16xf32> to vector<1x16xf32>
      tpu.vector_store %arg11[%swap3A_2033, %swap3A_2034], %swap3A_2037 {strides = array<i32>} : memref<128x128xf32, #tpu.memory_space<vmem>>, vector<1x16xf32>,
      %get3A_2038 = arith.index_cast %scan3A_1994 : i32 to index
      %get3A_2039 = arith.constant 31 : index
      %get3A_2040 = tpu.vector_load %arg11[%get3A_2038, %get3A_2039] {strides = array<i32>} : memref<128x128xf32, #tpu.memory_space<vmem>>, vector<1x16xf32>,
      %get3A_2041 = vector.shape_cast %get3A_2040 : vector<1x16xf32> to vector<16xf32>
      %swap3A_2042 = arith.index_cast %scan3A_1994 : i32 to index
      %swap3A_2043 = arith.constant 32 : index
      %swap3A_2044 = tpu.vector_load %arg11[%swap3A_2042, %swap3A_2043] {strides = array<i32>} : memref<128x128xf32, #tpu.memory_space<vmem>>, vector<1x16xf32>,
      %swap3A_2045 = vector.shape_cast %swap3A_2044 : vector<1x16xf32> to vector<16xf32>
      %swap3A_2046 = vector.shape_cast %get3A_2041 : vector<16xf32> to vector<1x16xf32>
      tpu.vector_store %arg11[%swap3A_2042, %swap3A_2043], %swap3A_2046 {strides = array<i32>} : memref<128x128xf32, #tpu.memory_space<vmem>>, vector<1x16xf32>,
      %get3A_2047 = arith.index_cast %scan3A_1994 : i32 to index
      %get3A_2048 = arith.constant 15 : index
      %get3A_2049 = tpu.vector_load %arg11[%get3A_2047, %get3A_2048] {strides = array<i32>} : memref<128x128xf32, #tpu.memory_space<vmem>>, vector<1x16xf32>,
      %get3A_2050 = vector.shape_cast %get3A_2049 : vector<1x16xf32> to vector<16xf32>
      %swap3A_2051 = arith.index_cast %scan3A_1994 : i32 to index
      %swap3A_2052 = arith.constant 16 : index
      %swap3A_2053 = tpu.vector_load %arg11[%swap3A_2051, %swap3A_2052] {strides = array<i32>} : memref<128x128xf32, #tpu.memory_space<vmem>>, vector<1x16xf32>,
      %swap3A_2054 = vector.shape_cast %swap3A_2053 : vector<1x16xf32> to vector<16xf32>
      %swap3A_2055 = vector.shape_cast %get3A_2050 : vector<16xf32> to vector<1x16xf32>
      tpu.vector_store %arg11[%swap3A_2051, %swap3A_2052], %swap3A_2055 {strides = array<i32>} : memref<128x128xf32, #tpu.memory_space<vmem>>, vector<1x16xf32>,
      %get3A_2056 = arith.index_cast %scan3A_1994 : i32 to index
      %get3A_2057 = arith.constant 0 : index
      %get3A_2058 = tpu.vector_load %arg11[%get3A_2056, %get3A_2057] {strides = array<i32>} : memref<128x128xf32, #tpu.memory_space<vmem>>, vector<1x16xf32>,
      %get3A_2059 = vector.shape_cast %get3A_2058 : vector<1x16xf32> to vector<16xf32>
      %broadcast_in_dim3A = vector.shape_cast %max3A_1362 : vector<16xi32> to vector<16x1xi32>
      %gather3A = vector.shape_cast %broadcast_in_dim3A : vector<16x1xi32> to vector<16xi32>
      %gather3A_2060 = tpu.dynamic_gather %get3A_2059[%gather3A] in [0] : vector<16xf32>, vector<16xi32> -> vector<16xf32>
      %eq3A = arith.constant 0 : i32
      %eq3A_2061 = vector.broadcast %eq3A : i32 to vector<16xi32>
      %eq3A_2062 = arith.cmpi eq, %iota3A_1356, %eq3A_2061 : vector<16xi32>
      %jit3A = arith.constant 0.000000e+00 : f32
      %broadcast_in_dim3A_2063 = vector.broadcast %jit3A : f32 to vector<16xf32>
      %select_n3A = arith.select %eq3A_2062, %broadcast_in_dim3A_2063, %gather3A_2060 : vector<16xi1>, vector<16xf32>
      %swap3A_2064 = arith.index_cast %scan3A_1994 : i32 to index
      %swap3A_2065 = arith.constant 0 : index
      %swap3A_2066 = tpu.vector_load %arg11[%swap3A_2064, %swap3A_2065] {strides = array<i32>} : memref<128x128xf32, #tpu.memory_space<vmem>>, vector<1x16xf32>,
      %swap3A_2067 = vector.shape_cast %swap3A_2066 : vector<1x16xf32> to vector<16xf32>
      %swap3A_2068 = vector.shape_cast %select_n3A : vector<16xf32> to vector<1x16xf32>
      tpu.vector_store %arg11[%swap3A_2064, %swap3A_2065], %swap3A_2068 {strides = array<i32>} : memref<128x128xf32, #tpu.memory_space<vmem>>, vector<1x16xf32>,
    }
    %scan3A_1368 = arith.constant 128 : i32
    %dma_start3A_1369 = arith.constant 2 : i32
    %dma_start3A_1370 = arith.constant 0 : i32
    %dma_start3A_1371 = tpu.memref_slice %arg8[%dma_start3A_1369, %dma_start3A_1370] : memref<8x128xi32, #tpu.memory_space<vmem>> -> memref<1x128xi32, #tpu.memory_space<vmem>>
    %dma_start3A_1372 = tpu.memref_squeeze %dma_start3A_1371 : memref<1x128xi32, #tpu.memory_space<vmem>> -> memref<128xi32, #tpu.memory_space<vmem>>
    %dma_start3A_1373 = arith.constant 0 : i32
    %dma_start3A_1374 = arith.constant 0 : i32
    %dma_start3A_1375 = tpu.memref_slice %arg6[%dma_start3A_1373, %dma_start3A_1374] : memref<262144x128xf32, #tpu.memory_space<hbm>> -> memref<262144x128xf32, #tpu.memory_space<hbm>>
    tpu.enqueue_indirect_dma source(%arg11 : memref<128x128xf32, #tpu.memory_space<vmem>>) target(%dma_start3A_1375 : memref<262144x128xf32, #tpu.memory_space<hbm>>) offsets(%dma_start3A_1372 : memref<128xi32, #tpu.memory_space<vmem>>) semaphore(%arg25 : memref<!tpu.dma_semaphore, #tpu.memory_space<semaphore_mem>>)
    %dma_wait3A_1376 = arith.constant 31 : i32
    %dma_wait3A_1377 = arith.constant 0 : i32
    %dma_wait3A_1378 = tpu.memref_slice %arg9[%dma_wait3A_1376, %dma_wait3A_1377] : memref<48x128xi32, #tpu.memory_space<vmem>> -> memref<1x128xi32, #tpu.memory_space<vmem>>
    %dma_wait3A_1379 = tpu.memref_squeeze %dma_wait3A_1378 : memref<1x128xi32, #tpu.memory_space<vmem>> -> memref<128xi32, #tpu.memory_space<vmem>>
    %dma_wait3A_1380 = arith.constant 0 : i32
    %dma_wait3A_1381 = arith.constant 0 : i32
    %dma_wait3A_1382 = tpu.memref_slice %arg6[%dma_wait3A_1380, %dma_wait3A_1381] : memref<262144x128xf32, #tpu.memory_space<hbm>> -> memref<262144x128xf32, #tpu.memory_space<hbm>>
    tpu.wait_indirect_dma semaphore(%arg30 : memref<!tpu.dma_semaphore, #tpu.memory_space<semaphore_mem>>) src(%arg16 : memref<128x128xf32, #tpu.memory_space<vmem>>) dst(%dma_wait3A_1382 : memref<262144x128xf32, #tpu.memory_space<hbm>>)
    %dma_start3A_1383 = arith.constant 36 : i32
    %dma_start3A_1384 = arith.constant 0 : i32
    %dma_start3A_1385 = tpu.memref_slice %arg9[%dma_start3A_1383, %dma_start3A_1384] : memref<48x128xi32, #tpu.memory_space<vmem>> -> memref<1x128xi32, #tpu.memory_space<vmem>>
    %dma_start3A_1386 = tpu.memref_squeeze %dma_start3A_1385 : memref<1x128xi32, #tpu.memory_space<vmem>> -> memref<128xi32, #tpu.memory_space<vmem>>
    %dma_start3A_1387 = arith.constant 0 : i32
    %dma_start3A_1388 = arith.constant 0 : i32
    %dma_start3A_1389 = tpu.memref_slice %arg2[%dma_start3A_1387, %dma_start3A_1388] : memref<262144x128xf32, #tpu.memory_space<hbm>> -> memref<262144x128xf32, #tpu.memory_space<hbm>>
    tpu.enqueue_indirect_dma source(%dma_start3A_1389 : memref<262144x128xf32, #tpu.memory_space<hbm>>) target(%arg16 : memref<128x128xf32, #tpu.memory_space<vmem>>) offsets(%dma_start3A_1386 : memref<128xi32, #tpu.memory_space<vmem>>) semaphore(%arg23 : memref<!tpu.dma_semaphore, #tpu.memory_space<semaphore_mem>>)
    %dma_wait3A_1390 = arith.constant 33 : i32
    %dma_wait3A_1391 = arith.constant 0 : i32
    %dma_wait3A_1392 = tpu.memref_slice %arg9[%dma_wait3A_1390, %dma_wait3A_1391] : memref<48x128xi32, #tpu.memory_space<vmem>> -> memref<1x128xi32, #tpu.memory_space<vmem>>
    %dma_wait3A_1393 = tpu.memref_squeeze %dma_wait3A_1392 : memref<1x128xi32, #tpu.memory_space<vmem>> -> memref<128xi32, #tpu.memory_space<vmem>>
    %dma_wait3A_1394 = arith.constant 0 : i32
    %dma_wait3A_1395 = arith.constant 0 : i32
    %dma_wait3A_1396 = tpu.memref_slice %arg2[%dma_wait3A_1394, %dma_wait3A_1395] : memref<262144x128xf32, #tpu.memory_space<hbm>> -> memref<262144x128xf32, #tpu.memory_space<hbm>>
    tpu.wait_indirect_dma semaphore(%arg19 : memref<!tpu.dma_semaphore, #tpu.memory_space<semaphore_mem>>) src(%dma_wait3A_1396 : memref<262144x128xf32, #tpu.memory_space<hbm>>) dst(%arg12 : memref<128x128xf32, #tpu.memory_space<vmem>>)
    %dma_start3A_1397 = arith.constant 33 : i32
    %dma_start3A_1398 = arith.constant 0 : i32
    %dma_start3A_1399 = tpu.memref_slice %arg9[%dma_start3A_1397, %dma_start3A_1398] : memref<48x128xi32, #tpu.memory_space<vmem>> -> memref<1x128xi32, #tpu.memory_space<vmem>>
    %dma_start3A_1400 = tpu.memref_squeeze %dma_start3A_1399 : memref<1x128xi32, #tpu.memory_space<vmem>> -> memref<128xi32, #tpu.memory_space<vmem>>
    %dma_start3A_1401 = arith.constant 0 : i32
    %dma_start3A_1402 = arith.constant 0 : i32
    %dma_start3A_1403 = tpu.memref_slice %arg6[%dma_start3A_1401, %dma_start3A_1402] : memref<262144x128xf32, #tpu.memory_space<hbm>> -> memref<262144x128xf32, #tpu.memory_space<hbm>>
    tpu.enqueue_indirect_dma source(%arg12 : memref<128x128xf32, #tpu.memory_space<vmem>>) target(%dma_start3A_1403 : memref<262144x128xf32, #tpu.memory_space<hbm>>) offsets(%dma_start3A_1400 : memref<128xi32, #tpu.memory_space<vmem>>) semaphore(%arg26 : memref<!tpu.dma_semaphore, #tpu.memory_space<semaphore_mem>>)
    %dma_wait3A_1404 = arith.constant 32 : i32
    %dma_wait3A_1405 = arith.constant 0 : i32
    %dma_wait3A_1406 = tpu.memref_slice %arg9[%dma_wait3A_1404, %dma_wait3A_1405] : memref<48x128xi32, #tpu.memory_space<vmem>> -> memref<1x128xi32, #tpu.memory_space<vmem>>
    %dma_wait3A_1407 = tpu.memref_squeeze %dma_wait3A_1406 : memref<1x128xi32, #tpu.memory_space<vmem>> -> memref<128xi32, #tpu.memory_space<vmem>>
    %dma_wait3A_1408 = arith.constant 0 : i32
    %dma_wait3A_1409 = arith.constant 0 : i32
    %dma_wait3A_1410 = tpu.memref_slice %arg6[%dma_wait3A_1408, %dma_wait3A_1409] : memref<262144x128xf32, #tpu.memory_space<hbm>> -> memref<262144x128xf32, #tpu.memory_space<hbm>>
    tpu.wait_indirect_dma semaphore(%arg24 : memref<!tpu.dma_semaphore, #tpu.memory_space<semaphore_mem>>) src(%arg10 : memref<128x128xf32, #tpu.memory_space<vmem>>) dst(%dma_wait3A_1410 : memref<262144x128xf32, #tpu.memory_space<hbm>>)
    %dma_start3A_1411 = arith.constant 37 : i32
    %dma_start3A_1412 = arith.constant 0 : i32
    %dma_start3A_1413 = tpu.memref_slice %arg9[%dma_start3A_1411, %dma_start3A_1412] : memref<48x128xi32, #tpu.memory_space<vmem>> -> memref<1x128xi32, #tpu.memory_space<vmem>>
    %dma_start3A_1414 = tpu.memref_squeeze %dma_start3A_1413 : memref<1x128xi32, #tpu.memory_space<vmem>> -> memref<128xi32, #tpu.memory_space<vmem>>
    %dma_start3A_1415 = arith.constant 0 : i32
    %dma_start3A_1416 = arith.constant 0 : i32
    %dma_start3A_1417 = tpu.memref_slice %arg2[%dma_start3A_1415, %dma_start3A_1416] : memref<262144x128xf32, #tpu.memory_space<hbm>> -> memref<262144x128xf32, #tpu.memory_space<hbm>>
    tpu.enqueue_indirect_dma source(%dma_start3A_1417 : memref<262144x128xf32, #tpu.memory_space<hbm>>) target(%arg10 : memref<128x128xf32, #tpu.memory_space<vmem>>) offsets(%dma_start3A_1414 : memref<128xi32, #tpu.memory_space<vmem>>) semaphore(%arg17 : memref<!tpu.dma_semaphore, #tpu.memory_space<semaphore_mem>>)
    %dma_wait3A_1418 = arith.constant 34 : i32
    %dma_wait3A_1419 = arith.constant 0 : i32
    %dma_wait3A_1420 = tpu.memref_slice %arg9[%dma_wait3A_1418, %dma_wait3A_1419] : memref<48x128xi32, #tpu.memory_space<vmem>> -> memref<1x128xi32, #tpu.memory_space<vmem>>
    %dma_wait3A_1421 = tpu.memref_squeeze %dma_wait3A_1420 : memref<1x128xi32, #tpu.memory_space<vmem>> -> memref<128xi32, #tpu.memory_space<vmem>>
    %dma_wait3A_1422 = arith.constant 0 : i32
    %dma_wait3A_1423 = arith.constant 0 : i32
    %dma_wait3A_1424 = tpu.memref_slice %arg2[%dma_wait3A_1422, %dma_wait3A_1423] : memref<262144x128xf32, #tpu.memory_space<hbm>> -> memref<262144x128xf32, #tpu.memory_space<hbm>>
    tpu.wait_indirect_dma semaphore(%arg20 : memref<!tpu.dma_semaphore, #tpu.memory_space<semaphore_mem>>) src(%dma_wait3A_1424 : memref<262144x128xf32, #tpu.memory_space<hbm>>) dst(%arg13 : memref<128x128xf32, #tpu.memory_space<vmem>>)
    %dma_start3A_1425 = arith.constant 34 : i32
    %dma_start3A_1426 = arith.constant 0 : i32
    %dma_start3A_1427 = tpu.memref_slice %arg9[%dma_start3A_1425, %dma_start3A_1426] : memref<48x128xi32, #tpu.memory_space<vmem>> -> memref<1x128xi32, #tpu.memory_space<vmem>>
    %dma_start3A_1428 = tpu.memref_squeeze %dma_start3A_1427 : memref<1x128xi32, #tpu.memory_space<vmem>> -> memref<128xi32, #tpu.memory_space<vmem>>
    %dma_start3A_1429 = arith.constant 0 : i32
    %dma_start3A_1430 = arith.constant 0 : i32
    %dma_start3A_1431 = tpu.memref_slice %arg6[%dma_start3A_1429, %dma_start3A_1430] : memref<262144x128xf32, #tpu.memory_space<hbm>> -> memref<262144x128xf32, #tpu.memory_space<hbm>>
    tpu.enqueue_indirect_dma source(%arg13 : memref<128x128xf32, #tpu.memory_space<vmem>>) target(%dma_start3A_1431 : memref<262144x128xf32, #tpu.memory_space<hbm>>) offsets(%dma_start3A_1428 : memref<128xi32, #tpu.memory_space<vmem>>) semaphore(%arg27 : memref<!tpu.dma_semaphore, #tpu.memory_space<semaphore_mem>>)
    %dma_wait3A_1432 = arith.constant 2 : i32
    %dma_wait3A_1433 = arith.constant 0 : i32
    %dma_wait3A_1434 = tpu.memref_slice %arg8[%dma_wait3A_1432, %dma_wait3A_1433] : memref<8x128xi32, #tpu.memory_space<vmem>> -> memref<1x128xi32, #tpu.memory_space<vmem>>
    %dma_wait3A_1435 = tpu.memref_squeeze %dma_wait3A_1434 : memref<1x128xi32, #tpu.memory_space<vmem>> -> memref<128xi32, #tpu.memory_space<vmem>>
    %dma_wait3A_1436 = arith.constant 0 : i32
    %dma_wait3A_1437 = arith.constant 0 : i32
    %dma_wait3A_1438 = tpu.memref_slice %arg6[%dma_wait3A_1436, %dma_wait3A_1437] : memref<262144x128xf32, #tpu.memory_space<hbm>> -> memref<262144x128xf32, #tpu.memory_space<hbm>>
    tpu.wait_indirect_dma semaphore(%arg25 : memref<!tpu.dma_semaphore, #tpu.memory_space<semaphore_mem>>) src(%arg11 : memref<128x128xf32, #tpu.memory_space<vmem>>) dst(%dma_wait3A_1438 : memref<262144x128xf32, #tpu.memory_space<hbm>>)
    %dma_start3A_1439 = arith.constant 38 : i32
    %dma_start3A_1440 = arith.constant 0 : i32
    %dma_start3A_1441 = tpu.memref_slice %arg9[%dma_start3A_1439, %dma_start3A_1440] : memref<48x128xi32, #tpu.memory_space<vmem>> -> memref<1x128xi32, #tpu.memory_space<vmem>>
    %dma_start3A_1442 = tpu.memref_squeeze %dma_start3A_1441 : memref<1x128xi32, #tpu.memory_space<vmem>> -> memref<128xi32, #tpu.memory_space<vmem>>
    %dma_start3A_1443 = arith.constant 0 : i32
    %dma_start3A_1444 = arith.constant 0 : i32
    %dma_start3A_1445 = tpu.memref_slice %arg2[%dma_start3A_1443, %dma_start3A_1444] : memref<262144x128xf32, #tpu.memory_space<hbm>> -> memref<262144x128xf32, #tpu.memory_space<hbm>>
    tpu.enqueue_indirect_dma source(%dma_start3A_1445 : memref<262144x128xf32, #tpu.memory_space<hbm>>) target(%arg11 : memref<128x128xf32, #tpu.memory_space<vmem>>) offsets(%dma_start3A_1442 : memref<128xi32, #tpu.memory_space<vmem>>) semaphore(%arg18 : memref<!tpu.dma_semaphore, #tpu.memory_space<semaphore_mem>>)
    %dma_wait3A_1446 = arith.constant 35 : i32
    %dma_wait3A_1447 = arith.constant 0 : i32
    %dma_wait3A_1448 = tpu.memref_slice %arg9[%dma_wait3A_1446, %dma_wait3A_1447] : memref<48x128xi32, #tpu.memory_space<vmem>> -> memref<1x128xi32, #tpu.memory_space<vmem>>
    %dma_wait3A_1449 = tpu.memref_squeeze %dma_wait3A_1448 : memref<1x128xi32, #tpu.memory_space<vmem>> -> memref<128xi32, #tpu.memory_space<vmem>>
    %dma_wait3A_1450 = arith.constant 0 : i32
    %dma_wait3A_1451 = arith.constant 0 : i32
    %dma_wait3A_1452 = tpu.memref_slice %arg2[%dma_wait3A_1450, %dma_wait3A_1451] : memref<262144x128xf32, #tpu.memory_space<hbm>> -> memref<262144x128xf32, #tpu.memory_space<hbm>>
    tpu.wait_indirect_dma semaphore(%arg21 : memref<!tpu.dma_semaphore, #tpu.memory_space<semaphore_mem>>) src(%dma_wait3A_1452 : memref<262144x128xf32, #tpu.memory_space<hbm>>) dst(%arg14 : memref<128x128xf32, #tpu.memory_space<vmem>>)
    %dma_start3A_1453 = arith.constant 35 : i32
    %dma_start3A_1454 = arith.constant 0 : i32
    %dma_start3A_1455 = tpu.memref_slice %arg9[%dma_start3A_1453, %dma_start3A_1454] : memref<48x128xi32, #tpu.memory_space<vmem>> -> memref<1x128xi32, #tpu.memory_space<vmem>>
    %dma_start3A_1456 = tpu.memref_squeeze %dma_start3A_1455 : memref<1x128xi32, #tpu.memory_space<vmem>> -> memref<128xi32, #tpu.memory_space<vmem>>
    %dma_start3A_1457 = arith.constant 0 : i32
    %dma_start3A_1458 = arith.constant 0 : i32
    %dma_start3A_1459 = tpu.memref_slice %arg6[%dma_start3A_1457, %dma_start3A_1458] : memref<262144x128xf32, #tpu.memory_space<hbm>> -> memref<262144x128xf32, #tpu.memory_space<hbm>>
    tpu.enqueue_indirect_dma source(%arg14 : memref<128x128xf32, #tpu.memory_space<vmem>>) target(%dma_start3A_1459 : memref<262144x128xf32, #tpu.memory_space<hbm>>) offsets(%dma_start3A_1456 : memref<128xi32, #tpu.memory_space<vmem>>) semaphore(%arg28 : memref<!tpu.dma_semaphore, #tpu.memory_space<semaphore_mem>>)
    %dma_wait3A_1460 = arith.constant 33 : i32
    %dma_wait3A_1461 = arith.constant 0 : i32
    %dma_wait3A_1462 = tpu.memref_slice %arg9[%dma_wait3A_1460, %dma_wait3A_1461] : memref<48x128xi32, #tpu.memory_space<vmem>> -> memref<1x128xi32, #tpu.memory_space<vmem>>
    %dma_wait3A_1463 = tpu.memref_squeeze %dma_wait3A_1462 : memref<1x128xi32, #tpu.memory_space<vmem>> -> memref<128xi32, #tpu.memory_space<vmem>>
    %dma_wait3A_1464 = arith.constant 0 : i32
    %dma_wait3A_1465 = arith.constant 0 : i32
    %dma_wait3A_1466 = tpu.memref_slice %arg6[%dma_wait3A_1464, %dma_wait3A_1465] : memref<262144x128xf32, #tpu.memory_space<hbm>> -> memref<262144x128xf32, #tpu.memory_space<hbm>>
    tpu.wait_indirect_dma semaphore(%arg26 : memref<!tpu.dma_semaphore, #tpu.memory_space<semaphore_mem>>) src(%arg12 : memref<128x128xf32, #tpu.memory_space<vmem>>) dst(%dma_wait3A_1466 : memref<262144x128xf32, #tpu.memory_space<hbm>>)
    %dma_start3A_1467 = arith.constant 4 : i32
    %dma_start3A_1468 = arith.constant 0 : i32
    %dma_start3A_1469 = tpu.memref_slice %arg8[%dma_start3A_1467, %dma_start3A_1468] : memref<8x128xi32, #tpu.memory_space<vmem>> -> memref<1x128xi32, #tpu.memory_space<vmem>>
    %dma_start3A_1470 = tpu.memref_squeeze %dma_start3A_1469 : memref<1x128xi32, #tpu.memory_space<vmem>> -> memref<128xi32, #tpu.memory_space<vmem>>
    %dma_start3A_1471 = arith.constant 0 : i32
    %dma_start3A_1472 = arith.constant 0 : i32
    %dma_start3A_1473 = tpu.memref_slice %arg2[%dma_start3A_1471, %dma_start3A_1472] : memref<262144x128xf32, #tpu.memory_space<hbm>> -> memref<262144x128xf32, #tpu.memory_space<hbm>>
    tpu.enqueue_indirect_dma source(%dma_start3A_1473 : memref<262144x128xf32, #tpu.memory_space<hbm>>) target(%arg12 : memref<128x128xf32, #tpu.memory_space<vmem>>) offsets(%dma_start3A_1470 : memref<128xi32, #tpu.memory_space<vmem>>) semaphore(%arg19 : memref<!tpu.dma_semaphore, #tpu.memory_space<semaphore_mem>>)
    %dma_wait3A_1474 = arith.constant 3 : i32
    %dma_wait3A_1475 = arith.constant 0 : i32
    %dma_wait3A_1476 = tpu.memref_slice %arg8[%dma_wait3A_1474, %dma_wait3A_1475] : memref<8x128xi32, #tpu.memory_space<vmem>> -> memref<1x128xi32, #tpu.memory_space<vmem>>
    %dma_wait3A_1477 = tpu.memref_squeeze %dma_wait3A_1476 : memref<1x128xi32, #tpu.memory_space<vmem>> -> memref<128xi32, #tpu.memory_space<vmem>>
    %dma_wait3A_1478 = arith.constant 0 : i32
    %dma_wait3A_1479 = arith.constant 0 : i32
    %dma_wait3A_1480 = tpu.memref_slice %arg2[%dma_wait3A_1478, %dma_wait3A_1479] : memref<262144x128xf32, #tpu.memory_space<hbm>> -> memref<262144x128xf32, #tpu.memory_space<hbm>>
    tpu.wait_indirect_dma semaphore(%arg22 : memref<!tpu.dma_semaphore, #tpu.memory_space<semaphore_mem>>) src(%dma_wait3A_1480 : memref<262144x128xf32, #tpu.memory_space<hbm>>) dst(%arg15 : memref<128x128xf32, #tpu.memory_space<vmem>>)
    %iota3A_1481 = tpu.iota {dimensions = array<i32: 0>} : vector<16xi32>
    %sub3A_1482 = arith.constant 1 : i32
    %sub3A_1483 = vector.broadcast %sub3A_1482 : i32 to vector<16xi32>
    %sub3A_1484 = arith.subi %iota3A_1481, %sub3A_1483 : vector<16xi32>
    %max3A_1485 = arith.constant 0 : i32
    %max3A_1486 = vector.broadcast %max3A_1485 : i32 to vector<16xi32>
    %max3A_1487 = arith.maxsi %sub3A_1484, %max3A_1486 : vector<16xi32>
    %scan3A_1488 = arith.constant 0 : i32
    %scan3A_1489 = arith.constant 0 : i32
    %scan3A_1490 = arith.constant 128 : i32
    %scan3A_1491 = arith.addi %scan3A_1489, %scan3A_1490 : i32
    %scan3A_1492 = arith.constant 1 : i32
    scf.for %scan3A_1994 = %scan3A_1489 to %scan3A_1491 step %scan3A_1492  : i32 {
      %get3A = arith.index_cast %scan3A_1994 : i32 to index
      %get3A_1995 = arith.constant 111 : index
      %get3A_1996 = tpu.vector_load %arg15[%get3A, %get3A_1995] {strides = array<i32>} : memref<128x128xf32, #tpu.memory_space<vmem>>, vector<1x16xf32>,
      %get3A_1997 = vector.shape_cast %get3A_1996 : vector<1x16xf32> to vector<16xf32>
      %swap3A = arith.index_cast %scan3A_1994 : i32 to index
      %swap3A_1998 = arith.constant 112 : index
      %swap3A_1999 = tpu.vector_load %arg15[%swap3A, %swap3A_1998] {strides = array<i32>} : memref<128x128xf32, #tpu.memory_space<vmem>>, vector<1x16xf32>,
      %swap3A_2000 = vector.shape_cast %swap3A_1999 : vector<1x16xf32> to vector<16xf32>
      %swap3A_2001 = vector.shape_cast %get3A_1997 : vector<16xf32> to vector<1x16xf32>
      tpu.vector_store %arg15[%swap3A, %swap3A_1998], %swap3A_2001 {strides = array<i32>} : memref<128x128xf32, #tpu.memory_space<vmem>>, vector<1x16xf32>,
      %get3A_2002 = arith.index_cast %scan3A_1994 : i32 to index
      %get3A_2003 = arith.constant 95 : index
      %get3A_2004 = tpu.vector_load %arg15[%get3A_2002, %get3A_2003] {strides = array<i32>} : memref<128x128xf32, #tpu.memory_space<vmem>>, vector<1x16xf32>,
      %get3A_2005 = vector.shape_cast %get3A_2004 : vector<1x16xf32> to vector<16xf32>
      %swap3A_2006 = arith.index_cast %scan3A_1994 : i32 to index
      %swap3A_2007 = arith.constant 96 : index
      %swap3A_2008 = tpu.vector_load %arg15[%swap3A_2006, %swap3A_2007] {strides = array<i32>} : memref<128x128xf32, #tpu.memory_space<vmem>>, vector<1x16xf32>,
      %swap3A_2009 = vector.shape_cast %swap3A_2008 : vector<1x16xf32> to vector<16xf32>
      %swap3A_2010 = vector.shape_cast %get3A_2005 : vector<16xf32> to vector<1x16xf32>
      tpu.vector_store %arg15[%swap3A_2006, %swap3A_2007], %swap3A_2010 {strides = array<i32>} : memref<128x128xf32, #tpu.memory_space<vmem>>, vector<1x16xf32>,
      %get3A_2011 = arith.index_cast %scan3A_1994 : i32 to index
      %get3A_2012 = arith.constant 79 : index
      %get3A_2013 = tpu.vector_load %arg15[%get3A_2011, %get3A_2012] {strides = array<i32>} : memref<128x128xf32, #tpu.memory_space<vmem>>, vector<1x16xf32>,
      %get3A_2014 = vector.shape_cast %get3A_2013 : vector<1x16xf32> to vector<16xf32>
      %swap3A_2015 = arith.index_cast %scan3A_1994 : i32 to index
      %swap3A_2016 = arith.constant 80 : index
      %swap3A_2017 = tpu.vector_load %arg15[%swap3A_2015, %swap3A_2016] {strides = array<i32>} : memref<128x128xf32, #tpu.memory_space<vmem>>, vector<1x16xf32>,
      %swap3A_2018 = vector.shape_cast %swap3A_2017 : vector<1x16xf32> to vector<16xf32>
      %swap3A_2019 = vector.shape_cast %get3A_2014 : vector<16xf32> to vector<1x16xf32>
      tpu.vector_store %arg15[%swap3A_2015, %swap3A_2016], %swap3A_2019 {strides = array<i32>} : memref<128x128xf32, #tpu.memory_space<vmem>>, vector<1x16xf32>,
      %get3A_2020 = arith.index_cast %scan3A_1994 : i32 to index
      %get3A_2021 = arith.constant 63 : index
      %get3A_2022 = tpu.vector_load %arg15[%get3A_2020, %get3A_2021] {strides = array<i32>} : memref<128x128xf32, #tpu.memory_space<vmem>>, vector<1x16xf32>,
      %get3A_2023 = vector.shape_cast %get3A_2022 : vector<1x16xf32> to vector<16xf32>
      %swap3A_2024 = arith.index_cast %scan3A_1994 : i32 to index
      %swap3A_2025 = arith.constant 64 : index
      %swap3A_2026 = tpu.vector_load %arg15[%swap3A_2024, %swap3A_2025] {strides = array<i32>} : memref<128x128xf32, #tpu.memory_space<vmem>>, vector<1x16xf32>,
      %swap3A_2027 = vector.shape_cast %swap3A_2026 : vector<1x16xf32> to vector<16xf32>
      %swap3A_2028 = vector.shape_cast %get3A_2023 : vector<16xf32> to vector<1x16xf32>
      tpu.vector_store %arg15[%swap3A_2024, %swap3A_2025], %swap3A_2028 {strides = array<i32>} : memref<128x128xf32, #tpu.memory_space<vmem>>, vector<1x16xf32>,
      %get3A_2029 = arith.index_cast %scan3A_1994 : i32 to index
      %get3A_2030 = arith.constant 47 : index
      %get3A_2031 = tpu.vector_load %arg15[%get3A_2029, %get3A_2030] {strides = array<i32>} : memref<128x128xf32, #tpu.memory_space<vmem>>, vector<1x16xf32>,
      %get3A_2032 = vector.shape_cast %get3A_2031 : vector<1x16xf32> to vector<16xf32>
      %swap3A_2033 = arith.index_cast %scan3A_1994 : i32 to index
      %swap3A_2034 = arith.constant 48 : index
      %swap3A_2035 = tpu.vector_load %arg15[%swap3A_2033, %swap3A_2034] {strides = array<i32>} : memref<128x128xf32, #tpu.memory_space<vmem>>, vector<1x16xf32>,
      %swap3A_2036 = vector.shape_cast %swap3A_2035 : vector<1x16xf32> to vector<16xf32>
      %swap3A_2037 = vector.shape_cast %get3A_2032 : vector<16xf32> to vector<1x16xf32>
      tpu.vector_store %arg15[%swap3A_2033, %swap3A_2034], %swap3A_2037 {strides = array<i32>} : memref<128x128xf32, #tpu.memory_space<vmem>>, vector<1x16xf32>,
      %get3A_2038 = arith.index_cast %scan3A_1994 : i32 to index
      %get3A_2039 = arith.constant 31 : index
      %get3A_2040 = tpu.vector_load %arg15[%get3A_2038, %get3A_2039] {strides = array<i32>} : memref<128x128xf32, #tpu.memory_space<vmem>>, vector<1x16xf32>,
      %get3A_2041 = vector.shape_cast %get3A_2040 : vector<1x16xf32> to vector<16xf32>
      %swap3A_2042 = arith.index_cast %scan3A_1994 : i32 to index
      %swap3A_2043 = arith.constant 32 : index
      %swap3A_2044 = tpu.vector_load %arg15[%swap3A_2042, %swap3A_2043] {strides = array<i32>} : memref<128x128xf32, #tpu.memory_space<vmem>>, vector<1x16xf32>,
      %swap3A_2045 = vector.shape_cast %swap3A_2044 : vector<1x16xf32> to vector<16xf32>
      %swap3A_2046 = vector.shape_cast %get3A_2041 : vector<16xf32> to vector<1x16xf32>
      tpu.vector_store %arg15[%swap3A_2042, %swap3A_2043], %swap3A_2046 {strides = array<i32>} : memref<128x128xf32, #tpu.memory_space<vmem>>, vector<1x16xf32>,
      %get3A_2047 = arith.index_cast %scan3A_1994 : i32 to index
      %get3A_2048 = arith.constant 15 : index
      %get3A_2049 = tpu.vector_load %arg15[%get3A_2047, %get3A_2048] {strides = array<i32>} : memref<128x128xf32, #tpu.memory_space<vmem>>, vector<1x16xf32>,
      %get3A_2050 = vector.shape_cast %get3A_2049 : vector<1x16xf32> to vector<16xf32>
      %swap3A_2051 = arith.index_cast %scan3A_1994 : i32 to index
      %swap3A_2052 = arith.constant 16 : index
      %swap3A_2053 = tpu.vector_load %arg15[%swap3A_2051, %swap3A_2052] {strides = array<i32>} : memref<128x128xf32, #tpu.memory_space<vmem>>, vector<1x16xf32>,
      %swap3A_2054 = vector.shape_cast %swap3A_2053 : vector<1x16xf32> to vector<16xf32>
      %swap3A_2055 = vector.shape_cast %get3A_2050 : vector<16xf32> to vector<1x16xf32>
      tpu.vector_store %arg15[%swap3A_2051, %swap3A_2052], %swap3A_2055 {strides = array<i32>} : memref<128x128xf32, #tpu.memory_space<vmem>>, vector<1x16xf32>,
      %get3A_2056 = arith.index_cast %scan3A_1994 : i32 to index
      %get3A_2057 = arith.constant 0 : index
      %get3A_2058 = tpu.vector_load %arg15[%get3A_2056, %get3A_2057] {strides = array<i32>} : memref<128x128xf32, #tpu.memory_space<vmem>>, vector<1x16xf32>,
      %get3A_2059 = vector.shape_cast %get3A_2058 : vector<1x16xf32> to vector<16xf32>
      %broadcast_in_dim3A = vector.shape_cast %max3A_1487 : vector<16xi32> to vector<16x1xi32>
      %gather3A = vector.shape_cast %broadcast_in_dim3A : vector<16x1xi32> to vector<16xi32>
      %gather3A_2060 = tpu.dynamic_gather %get3A_2059[%gather3A] in [0] : vector<16xf32>, vector<16xi32> -> vector<16xf32>
      %eq3A = arith.constant 0 : i32
      %eq3A_2061 = vector.broadcast %eq3A : i32 to vector<16xi32>
      %eq3A_2062 = arith.cmpi eq, %iota3A_1481, %eq3A_2061 : vector<16xi32>
      %jit3A = arith.constant 0.000000e+00 : f32
      %broadcast_in_dim3A_2063 = vector.broadcast %jit3A : f32 to vector<16xf32>
      %select_n3A = arith.select %eq3A_2062, %broadcast_in_dim3A_2063, %gather3A_2060 : vector<16xi1>, vector<16xf32>
      %swap3A_2064 = arith.index_cast %scan3A_1994 : i32 to index
      %swap3A_2065 = arith.constant 0 : index
      %swap3A_2066 = tpu.vector_load %arg15[%swap3A_2064, %swap3A_2065] {strides = array<i32>} : memref<128x128xf32, #tpu.memory_space<vmem>>, vector<1x16xf32>,
      %swap3A_2067 = vector.shape_cast %swap3A_2066 : vector<1x16xf32> to vector<16xf32>
      %swap3A_2068 = vector.shape_cast %select_n3A : vector<16xf32> to vector<1x16xf32>
      tpu.vector_store %arg15[%swap3A_2064, %swap3A_2065], %swap3A_2068 {strides = array<i32>} : memref<128x128xf32, #tpu.memory_space<vmem>>, vector<1x16xf32>,
    }
    %scan3A_1493 = arith.constant 128 : i32
    %dma_start3A_1494 = arith.constant 3 : i32
    %dma_start3A_1495 = arith.constant 0 : i32
    %dma_start3A_1496 = tpu.memref_slice %arg8[%dma_start3A_1494, %dma_start3A_1495] : memref<8x128xi32, #tpu.memory_space<vmem>> -> memref<1x128xi32, #tpu.memory_space<vmem>>
    %dma_start3A_1497 = tpu.memref_squeeze %dma_start3A_1496 : memref<1x128xi32, #tpu.memory_space<vmem>> -> memref<128xi32, #tpu.memory_space<vmem>>
    %dma_start3A_1498 = arith.constant 0 : i32
    %dma_start3A_1499 = arith.constant 0 : i32
    %dma_start3A_1500 = tpu.memref_slice %arg6[%dma_start3A_1498, %dma_start3A_1499] : memref<262144x128xf32, #tpu.memory_space<hbm>> -> memref<262144x128xf32, #tpu.memory_space<hbm>>
    tpu.enqueue_indirect_dma source(%arg15 : memref<128x128xf32, #tpu.memory_space<vmem>>) target(%dma_start3A_1500 : memref<262144x128xf32, #tpu.memory_space<hbm>>) offsets(%dma_start3A_1497 : memref<128xi32, #tpu.memory_space<vmem>>) semaphore(%arg29 : memref<!tpu.dma_semaphore, #tpu.memory_space<semaphore_mem>>)
    %dma_wait3A_1501 = arith.constant 34 : i32
    %dma_wait3A_1502 = arith.constant 0 : i32
    %dma_wait3A_1503 = tpu.memref_slice %arg9[%dma_wait3A_1501, %dma_wait3A_1502] : memref<48x128xi32, #tpu.memory_space<vmem>> -> memref<1x128xi32, #tpu.memory_space<vmem>>
    %dma_wait3A_1504 = tpu.memref_squeeze %dma_wait3A_1503 : memref<1x128xi32, #tpu.memory_space<vmem>> -> memref<128xi32, #tpu.memory_space<vmem>>
    %dma_wait3A_1505 = arith.constant 0 : i32
    %dma_wait3A_1506 = arith.constant 0 : i32
    %dma_wait3A_1507 = tpu.memref_slice %arg6[%dma_wait3A_1505, %dma_wait3A_1506] : memref<262144x128xf32, #tpu.memory_space<hbm>> -> memref<262144x128xf32, #tpu.memory_space<hbm>>
    tpu.wait_indirect_dma semaphore(%arg27 : memref<!tpu.dma_semaphore, #tpu.memory_space<semaphore_mem>>) src(%arg13 : memref<128x128xf32, #tpu.memory_space<vmem>>) dst(%dma_wait3A_1507 : memref<262144x128xf32, #tpu.memory_space<hbm>>)
    %dma_start3A_1508 = arith.constant 39 : i32
    %dma_start3A_1509 = arith.constant 0 : i32
    %dma_start3A_1510 = tpu.memref_slice %arg9[%dma_start3A_1508, %dma_start3A_1509] : memref<48x128xi32, #tpu.memory_space<vmem>> -> memref<1x128xi32, #tpu.memory_space<vmem>>
    %dma_start3A_1511 = tpu.memref_squeeze %dma_start3A_1510 : memref<1x128xi32, #tpu.memory_space<vmem>> -> memref<128xi32, #tpu.memory_space<vmem>>
    %dma_start3A_1512 = arith.constant 0 : i32
    %dma_start3A_1513 = arith.constant 0 : i32
    %dma_start3A_1514 = tpu.memref_slice %arg2[%dma_start3A_1512, %dma_start3A_1513] : memref<262144x128xf32, #tpu.memory_space<hbm>> -> memref<262144x128xf32, #tpu.memory_space<hbm>>
    tpu.enqueue_indirect_dma source(%dma_start3A_1514 : memref<262144x128xf32, #tpu.memory_space<hbm>>) target(%arg13 : memref<128x128xf32, #tpu.memory_space<vmem>>) offsets(%dma_start3A_1511 : memref<128xi32, #tpu.memory_space<vmem>>) semaphore(%arg20 : memref<!tpu.dma_semaphore, #tpu.memory_space<semaphore_mem>>)
    %dma_wait3A_1515 = arith.constant 36 : i32
    %dma_wait3A_1516 = arith.constant 0 : i32
    %dma_wait3A_1517 = tpu.memref_slice %arg9[%dma_wait3A_1515, %dma_wait3A_1516] : memref<48x128xi32, #tpu.memory_space<vmem>> -> memref<1x128xi32, #tpu.memory_space<vmem>>
    %dma_wait3A_1518 = tpu.memref_squeeze %dma_wait3A_1517 : memref<1x128xi32, #tpu.memory_space<vmem>> -> memref<128xi32, #tpu.memory_space<vmem>>
    %dma_wait3A_1519 = arith.constant 0 : i32
    %dma_wait3A_1520 = arith.constant 0 : i32
    %dma_wait3A_1521 = tpu.memref_slice %arg2[%dma_wait3A_1519, %dma_wait3A_1520] : memref<262144x128xf32, #tpu.memory_space<hbm>> -> memref<262144x128xf32, #tpu.memory_space<hbm>>
    tpu.wait_indirect_dma semaphore(%arg23 : memref<!tpu.dma_semaphore, #tpu.memory_space<semaphore_mem>>) src(%dma_wait3A_1521 : memref<262144x128xf32, #tpu.memory_space<hbm>>) dst(%arg16 : memref<128x128xf32, #tpu.memory_space<vmem>>)
    %dma_start3A_1522 = arith.constant 36 : i32
    %dma_start3A_1523 = arith.constant 0 : i32
    %dma_start3A_1524 = tpu.memref_slice %arg9[%dma_start3A_1522, %dma_start3A_1523] : memref<48x128xi32, #tpu.memory_space<vmem>> -> memref<1x128xi32, #tpu.memory_space<vmem>>
    %dma_start3A_1525 = tpu.memref_squeeze %dma_start3A_1524 : memref<1x128xi32, #tpu.memory_space<vmem>> -> memref<128xi32, #tpu.memory_space<vmem>>
    %dma_start3A_1526 = arith.constant 0 : i32
    %dma_start3A_1527 = arith.constant 0 : i32
    %dma_start3A_1528 = tpu.memref_slice %arg6[%dma_start3A_1526, %dma_start3A_1527] : memref<262144x128xf32, #tpu.memory_space<hbm>> -> memref<262144x128xf32, #tpu.memory_space<hbm>>
    tpu.enqueue_indirect_dma source(%arg16 : memref<128x128xf32, #tpu.memory_space<vmem>>) target(%dma_start3A_1528 : memref<262144x128xf32, #tpu.memory_space<hbm>>) offsets(%dma_start3A_1525 : memref<128xi32, #tpu.memory_space<vmem>>) semaphore(%arg30 : memref<!tpu.dma_semaphore, #tpu.memory_space<semaphore_mem>>)
    %dma_wait3A_1529 = arith.constant 35 : i32
    %dma_wait3A_1530 = arith.constant 0 : i32
    %dma_wait3A_1531 = tpu.memref_slice %arg9[%dma_wait3A_1529, %dma_wait3A_1530] : memref<48x128xi32, #tpu.memory_space<vmem>> -> memref<1x128xi32, #tpu.memory_space<vmem>>
    %dma_wait3A_1532 = tpu.memref_squeeze %dma_wait3A_1531 : memref<1x128xi32, #tpu.memory_space<vmem>> -> memref<128xi32, #tpu.memory_space<vmem>>
    %dma_wait3A_1533 = arith.constant 0 : i32
    %dma_wait3A_1534 = arith.constant 0 : i32
    %dma_wait3A_1535 = tpu.memref_slice %arg6[%dma_wait3A_1533, %dma_wait3A_1534] : memref<262144x128xf32, #tpu.memory_space<hbm>> -> memref<262144x128xf32, #tpu.memory_space<hbm>>
    tpu.wait_indirect_dma semaphore(%arg28 : memref<!tpu.dma_semaphore, #tpu.memory_space<semaphore_mem>>) src(%arg14 : memref<128x128xf32, #tpu.memory_space<vmem>>) dst(%dma_wait3A_1535 : memref<262144x128xf32, #tpu.memory_space<hbm>>)
    %dma_start3A_1536 = arith.constant 40 : i32
    %dma_start3A_1537 = arith.constant 0 : i32
    %dma_start3A_1538 = tpu.memref_slice %arg9[%dma_start3A_1536, %dma_start3A_1537] : memref<48x128xi32, #tpu.memory_space<vmem>> -> memref<1x128xi32, #tpu.memory_space<vmem>>
    %dma_start3A_1539 = tpu.memref_squeeze %dma_start3A_1538 : memref<1x128xi32, #tpu.memory_space<vmem>> -> memref<128xi32, #tpu.memory_space<vmem>>
    %dma_start3A_1540 = arith.constant 0 : i32
    %dma_start3A_1541 = arith.constant 0 : i32
    %dma_start3A_1542 = tpu.memref_slice %arg2[%dma_start3A_1540, %dma_start3A_1541] : memref<262144x128xf32, #tpu.memory_space<hbm>> -> memref<262144x128xf32, #tpu.memory_space<hbm>>
    tpu.enqueue_indirect_dma source(%dma_start3A_1542 : memref<262144x128xf32, #tpu.memory_space<hbm>>) target(%arg14 : memref<128x128xf32, #tpu.memory_space<vmem>>) offsets(%dma_start3A_1539 : memref<128xi32, #tpu.memory_space<vmem>>) semaphore(%arg21 : memref<!tpu.dma_semaphore, #tpu.memory_space<semaphore_mem>>)
    %dma_wait3A_1543 = arith.constant 37 : i32
    %dma_wait3A_1544 = arith.constant 0 : i32
    %dma_wait3A_1545 = tpu.memref_slice %arg9[%dma_wait3A_1543, %dma_wait3A_1544] : memref<48x128xi32, #tpu.memory_space<vmem>> -> memref<1x128xi32, #tpu.memory_space<vmem>>
    %dma_wait3A_1546 = tpu.memref_squeeze %dma_wait3A_1545 : memref<1x128xi32, #tpu.memory_space<vmem>> -> memref<128xi32, #tpu.memory_space<vmem>>
    %dma_wait3A_1547 = arith.constant 0 : i32
    %dma_wait3A_1548 = arith.constant 0 : i32
    %dma_wait3A_1549 = tpu.memref_slice %arg2[%dma_wait3A_1547, %dma_wait3A_1548] : memref<262144x128xf32, #tpu.memory_space<hbm>> -> memref<262144x128xf32, #tpu.memory_space<hbm>>
    tpu.wait_indirect_dma semaphore(%arg17 : memref<!tpu.dma_semaphore, #tpu.memory_space<semaphore_mem>>) src(%dma_wait3A_1549 : memref<262144x128xf32, #tpu.memory_space<hbm>>) dst(%arg10 : memref<128x128xf32, #tpu.memory_space<vmem>>)
    %dma_start3A_1550 = arith.constant 37 : i32
    %dma_start3A_1551 = arith.constant 0 : i32
    %dma_start3A_1552 = tpu.memref_slice %arg9[%dma_start3A_1550, %dma_start3A_1551] : memref<48x128xi32, #tpu.memory_space<vmem>> -> memref<1x128xi32, #tpu.memory_space<vmem>>
    %dma_start3A_1553 = tpu.memref_squeeze %dma_start3A_1552 : memref<1x128xi32, #tpu.memory_space<vmem>> -> memref<128xi32, #tpu.memory_space<vmem>>
    %dma_start3A_1554 = arith.constant 0 : i32
    %dma_start3A_1555 = arith.constant 0 : i32
    %dma_start3A_1556 = tpu.memref_slice %arg6[%dma_start3A_1554, %dma_start3A_1555] : memref<262144x128xf32, #tpu.memory_space<hbm>> -> memref<262144x128xf32, #tpu.memory_space<hbm>>
    tpu.enqueue_indirect_dma source(%arg10 : memref<128x128xf32, #tpu.memory_space<vmem>>) target(%dma_start3A_1556 : memref<262144x128xf32, #tpu.memory_space<hbm>>) offsets(%dma_start3A_1553 : memref<128xi32, #tpu.memory_space<vmem>>) semaphore(%arg24 : memref<!tpu.dma_semaphore, #tpu.memory_space<semaphore_mem>>)
    %dma_wait3A_1557 = arith.constant 3 : i32
    %dma_wait3A_1558 = arith.constant 0 : i32
    %dma_wait3A_1559 = tpu.memref_slice %arg8[%dma_wait3A_1557, %dma_wait3A_1558] : memref<8x128xi32, #tpu.memory_space<vmem>> -> memref<1x128xi32, #tpu.memory_space<vmem>>
    %dma_wait3A_1560 = tpu.memref_squeeze %dma_wait3A_1559 : memref<1x128xi32, #tpu.memory_space<vmem>> -> memref<128xi32, #tpu.memory_space<vmem>>
    %dma_wait3A_1561 = arith.constant 0 : i32
    %dma_wait3A_1562 = arith.constant 0 : i32
    %dma_wait3A_1563 = tpu.memref_slice %arg6[%dma_wait3A_1561, %dma_wait3A_1562] : memref<262144x128xf32, #tpu.memory_space<hbm>> -> memref<262144x128xf32, #tpu.memory_space<hbm>>
    tpu.wait_indirect_dma semaphore(%arg29 : memref<!tpu.dma_semaphore, #tpu.memory_space<semaphore_mem>>) src(%arg15 : memref<128x128xf32, #tpu.memory_space<vmem>>) dst(%dma_wait3A_1563 : memref<262144x128xf32, #tpu.memory_space<hbm>>)
    %dma_start3A_1564 = arith.constant 41 : i32
    %dma_start3A_1565 = arith.constant 0 : i32
    %dma_start3A_1566 = tpu.memref_slice %arg9[%dma_start3A_1564, %dma_start3A_1565] : memref<48x128xi32, #tpu.memory_space<vmem>> -> memref<1x128xi32, #tpu.memory_space<vmem>>
    %dma_start3A_1567 = tpu.memref_squeeze %dma_start3A_1566 : memref<1x128xi32, #tpu.memory_space<vmem>> -> memref<128xi32, #tpu.memory_space<vmem>>
    %dma_start3A_1568 = arith.constant 0 : i32
    %dma_start3A_1569 = arith.constant 0 : i32
    %dma_start3A_1570 = tpu.memref_slice %arg2[%dma_start3A_1568, %dma_start3A_1569] : memref<262144x128xf32, #tpu.memory_space<hbm>> -> memref<262144x128xf32, #tpu.memory_space<hbm>>
    tpu.enqueue_indirect_dma source(%dma_start3A_1570 : memref<262144x128xf32, #tpu.memory_space<hbm>>) target(%arg15 : memref<128x128xf32, #tpu.memory_space<vmem>>) offsets(%dma_start3A_1567 : memref<128xi32, #tpu.memory_space<vmem>>) semaphore(%arg22 : memref<!tpu.dma_semaphore, #tpu.memory_space<semaphore_mem>>)
    %dma_wait3A_1571 = arith.constant 38 : i32
    %dma_wait3A_1572 = arith.constant 0 : i32
    %dma_wait3A_1573 = tpu.memref_slice %arg9[%dma_wait3A_1571, %dma_wait3A_1572] : memref<48x128xi32, #tpu.memory_space<vmem>> -> memref<1x128xi32, #tpu.memory_space<vmem>>
    %dma_wait3A_1574 = tpu.memref_squeeze %dma_wait3A_1573 : memref<1x128xi32, #tpu.memory_space<vmem>> -> memref<128xi32, #tpu.memory_space<vmem>>
    %dma_wait3A_1575 = arith.constant 0 : i32
    %dma_wait3A_1576 = arith.constant 0 : i32
    %dma_wait3A_1577 = tpu.memref_slice %arg2[%dma_wait3A_1575, %dma_wait3A_1576] : memref<262144x128xf32, #tpu.memory_space<hbm>> -> memref<262144x128xf32, #tpu.memory_space<hbm>>
    tpu.wait_indirect_dma semaphore(%arg18 : memref<!tpu.dma_semaphore, #tpu.memory_space<semaphore_mem>>) src(%dma_wait3A_1577 : memref<262144x128xf32, #tpu.memory_space<hbm>>) dst(%arg11 : memref<128x128xf32, #tpu.memory_space<vmem>>)
    %dma_start3A_1578 = arith.constant 38 : i32
    %dma_start3A_1579 = arith.constant 0 : i32
    %dma_start3A_1580 = tpu.memref_slice %arg9[%dma_start3A_1578, %dma_start3A_1579] : memref<48x128xi32, #tpu.memory_space<vmem>> -> memref<1x128xi32, #tpu.memory_space<vmem>>
    %dma_start3A_1581 = tpu.memref_squeeze %dma_start3A_1580 : memref<1x128xi32, #tpu.memory_space<vmem>> -> memref<128xi32, #tpu.memory_space<vmem>>
    %dma_start3A_1582 = arith.constant 0 : i32
    %dma_start3A_1583 = arith.constant 0 : i32
    %dma_start3A_1584 = tpu.memref_slice %arg6[%dma_start3A_1582, %dma_start3A_1583] : memref<262144x128xf32, #tpu.memory_space<hbm>> -> memref<262144x128xf32, #tpu.memory_space<hbm>>
    tpu.enqueue_indirect_dma source(%arg11 : memref<128x128xf32, #tpu.memory_space<vmem>>) target(%dma_start3A_1584 : memref<262144x128xf32, #tpu.memory_space<hbm>>) offsets(%dma_start3A_1581 : memref<128xi32, #tpu.memory_space<vmem>>) semaphore(%arg25 : memref<!tpu.dma_semaphore, #tpu.memory_space<semaphore_mem>>)
    %dma_wait3A_1585 = arith.constant 36 : i32
    %dma_wait3A_1586 = arith.constant 0 : i32
    %dma_wait3A_1587 = tpu.memref_slice %arg9[%dma_wait3A_1585, %dma_wait3A_1586] : memref<48x128xi32, #tpu.memory_space<vmem>> -> memref<1x128xi32, #tpu.memory_space<vmem>>
    %dma_wait3A_1588 = tpu.memref_squeeze %dma_wait3A_1587 : memref<1x128xi32, #tpu.memory_space<vmem>> -> memref<128xi32, #tpu.memory_space<vmem>>
    %dma_wait3A_1589 = arith.constant 0 : i32
    %dma_wait3A_1590 = arith.constant 0 : i32
    %dma_wait3A_1591 = tpu.memref_slice %arg6[%dma_wait3A_1589, %dma_wait3A_1590] : memref<262144x128xf32, #tpu.memory_space<hbm>> -> memref<262144x128xf32, #tpu.memory_space<hbm>>
    tpu.wait_indirect_dma semaphore(%arg30 : memref<!tpu.dma_semaphore, #tpu.memory_space<semaphore_mem>>) src(%arg16 : memref<128x128xf32, #tpu.memory_space<vmem>>) dst(%dma_wait3A_1591 : memref<262144x128xf32, #tpu.memory_space<hbm>>)
    %dma_start3A_1592 = arith.constant 5 : i32
    %dma_start3A_1593 = arith.constant 0 : i32
    %dma_start3A_1594 = tpu.memref_slice %arg8[%dma_start3A_1592, %dma_start3A_1593] : memref<8x128xi32, #tpu.memory_space<vmem>> -> memref<1x128xi32, #tpu.memory_space<vmem>>
    %dma_start3A_1595 = tpu.memref_squeeze %dma_start3A_1594 : memref<1x128xi32, #tpu.memory_space<vmem>> -> memref<128xi32, #tpu.memory_space<vmem>>
    %dma_start3A_1596 = arith.constant 0 : i32
    %dma_start3A_1597 = arith.constant 0 : i32
    %dma_start3A_1598 = tpu.memref_slice %arg2[%dma_start3A_1596, %dma_start3A_1597] : memref<262144x128xf32, #tpu.memory_space<hbm>> -> memref<262144x128xf32, #tpu.memory_space<hbm>>
    tpu.enqueue_indirect_dma source(%dma_start3A_1598 : memref<262144x128xf32, #tpu.memory_space<hbm>>) target(%arg16 : memref<128x128xf32, #tpu.memory_space<vmem>>) offsets(%dma_start3A_1595 : memref<128xi32, #tpu.memory_space<vmem>>) semaphore(%arg23 : memref<!tpu.dma_semaphore, #tpu.memory_space<semaphore_mem>>)
    %dma_wait3A_1599 = arith.constant 4 : i32
    %dma_wait3A_1600 = arith.constant 0 : i32
    %dma_wait3A_1601 = tpu.memref_slice %arg8[%dma_wait3A_1599, %dma_wait3A_1600] : memref<8x128xi32, #tpu.memory_space<vmem>> -> memref<1x128xi32, #tpu.memory_space<vmem>>
    %dma_wait3A_1602 = tpu.memref_squeeze %dma_wait3A_1601 : memref<1x128xi32, #tpu.memory_space<vmem>> -> memref<128xi32, #tpu.memory_space<vmem>>
    %dma_wait3A_1603 = arith.constant 0 : i32
    %dma_wait3A_1604 = arith.constant 0 : i32
    %dma_wait3A_1605 = tpu.memref_slice %arg2[%dma_wait3A_1603, %dma_wait3A_1604] : memref<262144x128xf32, #tpu.memory_space<hbm>> -> memref<262144x128xf32, #tpu.memory_space<hbm>>
    tpu.wait_indirect_dma semaphore(%arg19 : memref<!tpu.dma_semaphore, #tpu.memory_space<semaphore_mem>>) src(%dma_wait3A_1605 : memref<262144x128xf32, #tpu.memory_space<hbm>>) dst(%arg12 : memref<128x128xf32, #tpu.memory_space<vmem>>)
    %iota3A_1606 = tpu.iota {dimensions = array<i32: 0>} : vector<16xi32>
    %sub3A_1607 = arith.constant 1 : i32
    %sub3A_1608 = vector.broadcast %sub3A_1607 : i32 to vector<16xi32>
    %sub3A_1609 = arith.subi %iota3A_1606, %sub3A_1608 : vector<16xi32>
    %max3A_1610 = arith.constant 0 : i32
    %max3A_1611 = vector.broadcast %max3A_1610 : i32 to vector<16xi32>
    %max3A_1612 = arith.maxsi %sub3A_1609, %max3A_1611 : vector<16xi32>
    %scan3A_1613 = arith.constant 0 : i32
    %scan3A_1614 = arith.constant 0 : i32
    %scan3A_1615 = arith.constant 128 : i32
    %scan3A_1616 = arith.addi %scan3A_1614, %scan3A_1615 : i32
    %scan3A_1617 = arith.constant 1 : i32
    scf.for %scan3A_1994 = %scan3A_1614 to %scan3A_1616 step %scan3A_1617  : i32 {
      %get3A = arith.index_cast %scan3A_1994 : i32 to index
      %get3A_1995 = arith.constant 111 : index
      %get3A_1996 = tpu.vector_load %arg12[%get3A, %get3A_1995] {strides = array<i32>} : memref<128x128xf32, #tpu.memory_space<vmem>>, vector<1x16xf32>,
      %get3A_1997 = vector.shape_cast %get3A_1996 : vector<1x16xf32> to vector<16xf32>
      %swap3A = arith.index_cast %scan3A_1994 : i32 to index
      %swap3A_1998 = arith.constant 112 : index
      %swap3A_1999 = tpu.vector_load %arg12[%swap3A, %swap3A_1998] {strides = array<i32>} : memref<128x128xf32, #tpu.memory_space<vmem>>, vector<1x16xf32>,
      %swap3A_2000 = vector.shape_cast %swap3A_1999 : vector<1x16xf32> to vector<16xf32>
      %swap3A_2001 = vector.shape_cast %get3A_1997 : vector<16xf32> to vector<1x16xf32>
      tpu.vector_store %arg12[%swap3A, %swap3A_1998], %swap3A_2001 {strides = array<i32>} : memref<128x128xf32, #tpu.memory_space<vmem>>, vector<1x16xf32>,
      %get3A_2002 = arith.index_cast %scan3A_1994 : i32 to index
      %get3A_2003 = arith.constant 95 : index
      %get3A_2004 = tpu.vector_load %arg12[%get3A_2002, %get3A_2003] {strides = array<i32>} : memref<128x128xf32, #tpu.memory_space<vmem>>, vector<1x16xf32>,
      %get3A_2005 = vector.shape_cast %get3A_2004 : vector<1x16xf32> to vector<16xf32>
      %swap3A_2006 = arith.index_cast %scan3A_1994 : i32 to index
      %swap3A_2007 = arith.constant 96 : index
      %swap3A_2008 = tpu.vector_load %arg12[%swap3A_2006, %swap3A_2007] {strides = array<i32>} : memref<128x128xf32, #tpu.memory_space<vmem>>, vector<1x16xf32>,
      %swap3A_2009 = vector.shape_cast %swap3A_2008 : vector<1x16xf32> to vector<16xf32>
      %swap3A_2010 = vector.shape_cast %get3A_2005 : vector<16xf32> to vector<1x16xf32>
      tpu.vector_store %arg12[%swap3A_2006, %swap3A_2007], %swap3A_2010 {strides = array<i32>} : memref<128x128xf32, #tpu.memory_space<vmem>>, vector<1x16xf32>,
      %get3A_2011 = arith.index_cast %scan3A_1994 : i32 to index
      %get3A_2012 = arith.constant 79 : index
      %get3A_2013 = tpu.vector_load %arg12[%get3A_2011, %get3A_2012] {strides = array<i32>} : memref<128x128xf32, #tpu.memory_space<vmem>>, vector<1x16xf32>,
      %get3A_2014 = vector.shape_cast %get3A_2013 : vector<1x16xf32> to vector<16xf32>
      %swap3A_2015 = arith.index_cast %scan3A_1994 : i32 to index
      %swap3A_2016 = arith.constant 80 : index
      %swap3A_2017 = tpu.vector_load %arg12[%swap3A_2015, %swap3A_2016] {strides = array<i32>} : memref<128x128xf32, #tpu.memory_space<vmem>>, vector<1x16xf32>,
      %swap3A_2018 = vector.shape_cast %swap3A_2017 : vector<1x16xf32> to vector<16xf32>
      %swap3A_2019 = vector.shape_cast %get3A_2014 : vector<16xf32> to vector<1x16xf32>
      tpu.vector_store %arg12[%swap3A_2015, %swap3A_2016], %swap3A_2019 {strides = array<i32>} : memref<128x128xf32, #tpu.memory_space<vmem>>, vector<1x16xf32>,
      %get3A_2020 = arith.index_cast %scan3A_1994 : i32 to index
      %get3A_2021 = arith.constant 63 : index
      %get3A_2022 = tpu.vector_load %arg12[%get3A_2020, %get3A_2021] {strides = array<i32>} : memref<128x128xf32, #tpu.memory_space<vmem>>, vector<1x16xf32>,
      %get3A_2023 = vector.shape_cast %get3A_2022 : vector<1x16xf32> to vector<16xf32>
      %swap3A_2024 = arith.index_cast %scan3A_1994 : i32 to index
      %swap3A_2025 = arith.constant 64 : index
      %swap3A_2026 = tpu.vector_load %arg12[%swap3A_2024, %swap3A_2025] {strides = array<i32>} : memref<128x128xf32, #tpu.memory_space<vmem>>, vector<1x16xf32>,
      %swap3A_2027 = vector.shape_cast %swap3A_2026 : vector<1x16xf32> to vector<16xf32>
      %swap3A_2028 = vector.shape_cast %get3A_2023 : vector<16xf32> to vector<1x16xf32>
      tpu.vector_store %arg12[%swap3A_2024, %swap3A_2025], %swap3A_2028 {strides = array<i32>} : memref<128x128xf32, #tpu.memory_space<vmem>>, vector<1x16xf32>,
      %get3A_2029 = arith.index_cast %scan3A_1994 : i32 to index
      %get3A_2030 = arith.constant 47 : index
      %get3A_2031 = tpu.vector_load %arg12[%get3A_2029, %get3A_2030] {strides = array<i32>} : memref<128x128xf32, #tpu.memory_space<vmem>>, vector<1x16xf32>,
      %get3A_2032 = vector.shape_cast %get3A_2031 : vector<1x16xf32> to vector<16xf32>
      %swap3A_2033 = arith.index_cast %scan3A_1994 : i32 to index
      %swap3A_2034 = arith.constant 48 : index
      %swap3A_2035 = tpu.vector_load %arg12[%swap3A_2033, %swap3A_2034] {strides = array<i32>} : memref<128x128xf32, #tpu.memory_space<vmem>>, vector<1x16xf32>,
      %swap3A_2036 = vector.shape_cast %swap3A_2035 : vector<1x16xf32> to vector<16xf32>
      %swap3A_2037 = vector.shape_cast %get3A_2032 : vector<16xf32> to vector<1x16xf32>
      tpu.vector_store %arg12[%swap3A_2033, %swap3A_2034], %swap3A_2037 {strides = array<i32>} : memref<128x128xf32, #tpu.memory_space<vmem>>, vector<1x16xf32>,
      %get3A_2038 = arith.index_cast %scan3A_1994 : i32 to index
      %get3A_2039 = arith.constant 31 : index
      %get3A_2040 = tpu.vector_load %arg12[%get3A_2038, %get3A_2039] {strides = array<i32>} : memref<128x128xf32, #tpu.memory_space<vmem>>, vector<1x16xf32>,
      %get3A_2041 = vector.shape_cast %get3A_2040 : vector<1x16xf32> to vector<16xf32>
      %swap3A_2042 = arith.index_cast %scan3A_1994 : i32 to index
      %swap3A_2043 = arith.constant 32 : index
      %swap3A_2044 = tpu.vector_load %arg12[%swap3A_2042, %swap3A_2043] {strides = array<i32>} : memref<128x128xf32, #tpu.memory_space<vmem>>, vector<1x16xf32>,
      %swap3A_2045 = vector.shape_cast %swap3A_2044 : vector<1x16xf32> to vector<16xf32>
      %swap3A_2046 = vector.shape_cast %get3A_2041 : vector<16xf32> to vector<1x16xf32>
      tpu.vector_store %arg12[%swap3A_2042, %swap3A_2043], %swap3A_2046 {strides = array<i32>} : memref<128x128xf32, #tpu.memory_space<vmem>>, vector<1x16xf32>,
      %get3A_2047 = arith.index_cast %scan3A_1994 : i32 to index
      %get3A_2048 = arith.constant 15 : index
      %get3A_2049 = tpu.vector_load %arg12[%get3A_2047, %get3A_2048] {strides = array<i32>} : memref<128x128xf32, #tpu.memory_space<vmem>>, vector<1x16xf32>,
      %get3A_2050 = vector.shape_cast %get3A_2049 : vector<1x16xf32> to vector<16xf32>
      %swap3A_2051 = arith.index_cast %scan3A_1994 : i32 to index
      %swap3A_2052 = arith.constant 16 : index
      %swap3A_2053 = tpu.vector_load %arg12[%swap3A_2051, %swap3A_2052] {strides = array<i32>} : memref<128x128xf32, #tpu.memory_space<vmem>>, vector<1x16xf32>,
      %swap3A_2054 = vector.shape_cast %swap3A_2053 : vector<1x16xf32> to vector<16xf32>
      %swap3A_2055 = vector.shape_cast %get3A_2050 : vector<16xf32> to vector<1x16xf32>
      tpu.vector_store %arg12[%swap3A_2051, %swap3A_2052], %swap3A_2055 {strides = array<i32>} : memref<128x128xf32, #tpu.memory_space<vmem>>, vector<1x16xf32>,
      %get3A_2056 = arith.index_cast %scan3A_1994 : i32 to index
      %get3A_2057 = arith.constant 0 : index
      %get3A_2058 = tpu.vector_load %arg12[%get3A_2056, %get3A_2057] {strides = array<i32>} : memref<128x128xf32, #tpu.memory_space<vmem>>, vector<1x16xf32>,
      %get3A_2059 = vector.shape_cast %get3A_2058 : vector<1x16xf32> to vector<16xf32>
      %broadcast_in_dim3A = vector.shape_cast %max3A_1612 : vector<16xi32> to vector<16x1xi32>
      %gather3A = vector.shape_cast %broadcast_in_dim3A : vector<16x1xi32> to vector<16xi32>
      %gather3A_2060 = tpu.dynamic_gather %get3A_2059[%gather3A] in [0] : vector<16xf32>, vector<16xi32> -> vector<16xf32>
      %eq3A = arith.constant 0 : i32
      %eq3A_2061 = vector.broadcast %eq3A : i32 to vector<16xi32>
      %eq3A_2062 = arith.cmpi eq, %iota3A_1606, %eq3A_2061 : vector<16xi32>
      %jit3A = arith.constant 0.000000e+00 : f32
      %broadcast_in_dim3A_2063 = vector.broadcast %jit3A : f32 to vector<16xf32>
      %select_n3A = arith.select %eq3A_2062, %broadcast_in_dim3A_2063, %gather3A_2060 : vector<16xi1>, vector<16xf32>
      %swap3A_2064 = arith.index_cast %scan3A_1994 : i32 to index
      %swap3A_2065 = arith.constant 0 : index
      %swap3A_2066 = tpu.vector_load %arg12[%swap3A_2064, %swap3A_2065] {strides = array<i32>} : memref<128x128xf32, #tpu.memory_space<vmem>>, vector<1x16xf32>,
      %swap3A_2067 = vector.shape_cast %swap3A_2066 : vector<1x16xf32> to vector<16xf32>
      %swap3A_2068 = vector.shape_cast %select_n3A : vector<16xf32> to vector<1x16xf32>
      tpu.vector_store %arg12[%swap3A_2064, %swap3A_2065], %swap3A_2068 {strides = array<i32>} : memref<128x128xf32, #tpu.memory_space<vmem>>, vector<1x16xf32>,
    }
    %scan3A_1618 = arith.constant 128 : i32
    %dma_start3A_1619 = arith.constant 4 : i32
    %dma_start3A_1620 = arith.constant 0 : i32
    %dma_start3A_1621 = tpu.memref_slice %arg8[%dma_start3A_1619, %dma_start3A_1620] : memref<8x128xi32, #tpu.memory_space<vmem>> -> memref<1x128xi32, #tpu.memory_space<vmem>>
    %dma_start3A_1622 = tpu.memref_squeeze %dma_start3A_1621 : memref<1x128xi32, #tpu.memory_space<vmem>> -> memref<128xi32, #tpu.memory_space<vmem>>
    %dma_start3A_1623 = arith.constant 0 : i32
    %dma_start3A_1624 = arith.constant 0 : i32
    %dma_start3A_1625 = tpu.memref_slice %arg6[%dma_start3A_1623, %dma_start3A_1624] : memref<262144x128xf32, #tpu.memory_space<hbm>> -> memref<262144x128xf32, #tpu.memory_space<hbm>>
    tpu.enqueue_indirect_dma source(%arg12 : memref<128x128xf32, #tpu.memory_space<vmem>>) target(%dma_start3A_1625 : memref<262144x128xf32, #tpu.memory_space<hbm>>) offsets(%dma_start3A_1622 : memref<128xi32, #tpu.memory_space<vmem>>) semaphore(%arg26 : memref<!tpu.dma_semaphore, #tpu.memory_space<semaphore_mem>>)
    %dma_wait3A_1626 = arith.constant 37 : i32
    %dma_wait3A_1627 = arith.constant 0 : i32
    %dma_wait3A_1628 = tpu.memref_slice %arg9[%dma_wait3A_1626, %dma_wait3A_1627] : memref<48x128xi32, #tpu.memory_space<vmem>> -> memref<1x128xi32, #tpu.memory_space<vmem>>
    %dma_wait3A_1629 = tpu.memref_squeeze %dma_wait3A_1628 : memref<1x128xi32, #tpu.memory_space<vmem>> -> memref<128xi32, #tpu.memory_space<vmem>>
    %dma_wait3A_1630 = arith.constant 0 : i32
    %dma_wait3A_1631 = arith.constant 0 : i32
    %dma_wait3A_1632 = tpu.memref_slice %arg6[%dma_wait3A_1630, %dma_wait3A_1631] : memref<262144x128xf32, #tpu.memory_space<hbm>> -> memref<262144x128xf32, #tpu.memory_space<hbm>>
    tpu.wait_indirect_dma semaphore(%arg24 : memref<!tpu.dma_semaphore, #tpu.memory_space<semaphore_mem>>) src(%arg10 : memref<128x128xf32, #tpu.memory_space<vmem>>) dst(%dma_wait3A_1632 : memref<262144x128xf32, #tpu.memory_space<hbm>>)
    %dma_start3A_1633 = arith.constant 42 : i32
    %dma_start3A_1634 = arith.constant 0 : i32
    %dma_start3A_1635 = tpu.memref_slice %arg9[%dma_start3A_1633, %dma_start3A_1634] : memref<48x128xi32, #tpu.memory_space<vmem>> -> memref<1x128xi32, #tpu.memory_space<vmem>>
    %dma_start3A_1636 = tpu.memref_squeeze %dma_start3A_1635 : memref<1x128xi32, #tpu.memory_space<vmem>> -> memref<128xi32, #tpu.memory_space<vmem>>
    %dma_start3A_1637 = arith.constant 0 : i32
    %dma_start3A_1638 = arith.constant 0 : i32
    %dma_start3A_1639 = tpu.memref_slice %arg2[%dma_start3A_1637, %dma_start3A_1638] : memref<262144x128xf32, #tpu.memory_space<hbm>> -> memref<262144x128xf32, #tpu.memory_space<hbm>>
    tpu.enqueue_indirect_dma source(%dma_start3A_1639 : memref<262144x128xf32, #tpu.memory_space<hbm>>) target(%arg10 : memref<128x128xf32, #tpu.memory_space<vmem>>) offsets(%dma_start3A_1636 : memref<128xi32, #tpu.memory_space<vmem>>) semaphore(%arg17 : memref<!tpu.dma_semaphore, #tpu.memory_space<semaphore_mem>>)
    %dma_wait3A_1640 = arith.constant 39 : i32
    %dma_wait3A_1641 = arith.constant 0 : i32
    %dma_wait3A_1642 = tpu.memref_slice %arg9[%dma_wait3A_1640, %dma_wait3A_1641] : memref<48x128xi32, #tpu.memory_space<vmem>> -> memref<1x128xi32, #tpu.memory_space<vmem>>
    %dma_wait3A_1643 = tpu.memref_squeeze %dma_wait3A_1642 : memref<1x128xi32, #tpu.memory_space<vmem>> -> memref<128xi32, #tpu.memory_space<vmem>>
    %dma_wait3A_1644 = arith.constant 0 : i32
    %dma_wait3A_1645 = arith.constant 0 : i32
    %dma_wait3A_1646 = tpu.memref_slice %arg2[%dma_wait3A_1644, %dma_wait3A_1645] : memref<262144x128xf32, #tpu.memory_space<hbm>> -> memref<262144x128xf32, #tpu.memory_space<hbm>>
    tpu.wait_indirect_dma semaphore(%arg20 : memref<!tpu.dma_semaphore, #tpu.memory_space<semaphore_mem>>) src(%dma_wait3A_1646 : memref<262144x128xf32, #tpu.memory_space<hbm>>) dst(%arg13 : memref<128x128xf32, #tpu.memory_space<vmem>>)
    %dma_start3A_1647 = arith.constant 39 : i32
    %dma_start3A_1648 = arith.constant 0 : i32
    %dma_start3A_1649 = tpu.memref_slice %arg9[%dma_start3A_1647, %dma_start3A_1648] : memref<48x128xi32, #tpu.memory_space<vmem>> -> memref<1x128xi32, #tpu.memory_space<vmem>>
    %dma_start3A_1650 = tpu.memref_squeeze %dma_start3A_1649 : memref<1x128xi32, #tpu.memory_space<vmem>> -> memref<128xi32, #tpu.memory_space<vmem>>
    %dma_start3A_1651 = arith.constant 0 : i32
    %dma_start3A_1652 = arith.constant 0 : i32
    %dma_start3A_1653 = tpu.memref_slice %arg6[%dma_start3A_1651, %dma_start3A_1652] : memref<262144x128xf32, #tpu.memory_space<hbm>> -> memref<262144x128xf32, #tpu.memory_space<hbm>>
    tpu.enqueue_indirect_dma source(%arg13 : memref<128x128xf32, #tpu.memory_space<vmem>>) target(%dma_start3A_1653 : memref<262144x128xf32, #tpu.memory_space<hbm>>) offsets(%dma_start3A_1650 : memref<128xi32, #tpu.memory_space<vmem>>) semaphore(%arg27 : memref<!tpu.dma_semaphore, #tpu.memory_space<semaphore_mem>>)
    %dma_wait3A_1654 = arith.constant 38 : i32
    %dma_wait3A_1655 = arith.constant 0 : i32
    %dma_wait3A_1656 = tpu.memref_slice %arg9[%dma_wait3A_1654, %dma_wait3A_1655] : memref<48x128xi32, #tpu.memory_space<vmem>> -> memref<1x128xi32, #tpu.memory_space<vmem>>
    %dma_wait3A_1657 = tpu.memref_squeeze %dma_wait3A_1656 : memref<1x128xi32, #tpu.memory_space<vmem>> -> memref<128xi32, #tpu.memory_space<vmem>>
    %dma_wait3A_1658 = arith.constant 0 : i32
    %dma_wait3A_1659 = arith.constant 0 : i32
    %dma_wait3A_1660 = tpu.memref_slice %arg6[%dma_wait3A_1658, %dma_wait3A_1659] : memref<262144x128xf32, #tpu.memory_space<hbm>> -> memref<262144x128xf32, #tpu.memory_space<hbm>>
    tpu.wait_indirect_dma semaphore(%arg25 : memref<!tpu.dma_semaphore, #tpu.memory_space<semaphore_mem>>) src(%arg11 : memref<128x128xf32, #tpu.memory_space<vmem>>) dst(%dma_wait3A_1660 : memref<262144x128xf32, #tpu.memory_space<hbm>>)
    %dma_start3A_1661 = arith.constant 43 : i32
    %dma_start3A_1662 = arith.constant 0 : i32
    %dma_start3A_1663 = tpu.memref_slice %arg9[%dma_start3A_1661, %dma_start3A_1662] : memref<48x128xi32, #tpu.memory_space<vmem>> -> memref<1x128xi32, #tpu.memory_space<vmem>>
    %dma_start3A_1664 = tpu.memref_squeeze %dma_start3A_1663 : memref<1x128xi32, #tpu.memory_space<vmem>> -> memref<128xi32, #tpu.memory_space<vmem>>
    %dma_start3A_1665 = arith.constant 0 : i32
    %dma_start3A_1666 = arith.constant 0 : i32
    %dma_start3A_1667 = tpu.memref_slice %arg2[%dma_start3A_1665, %dma_start3A_1666] : memref<262144x128xf32, #tpu.memory_space<hbm>> -> memref<262144x128xf32, #tpu.memory_space<hbm>>
    tpu.enqueue_indirect_dma source(%dma_start3A_1667 : memref<262144x128xf32, #tpu.memory_space<hbm>>) target(%arg11 : memref<128x128xf32, #tpu.memory_space<vmem>>) offsets(%dma_start3A_1664 : memref<128xi32, #tpu.memory_space<vmem>>) semaphore(%arg18 : memref<!tpu.dma_semaphore, #tpu.memory_space<semaphore_mem>>)
    %dma_wait3A_1668 = arith.constant 40 : i32
    %dma_wait3A_1669 = arith.constant 0 : i32
    %dma_wait3A_1670 = tpu.memref_slice %arg9[%dma_wait3A_1668, %dma_wait3A_1669] : memref<48x128xi32, #tpu.memory_space<vmem>> -> memref<1x128xi32, #tpu.memory_space<vmem>>
    %dma_wait3A_1671 = tpu.memref_squeeze %dma_wait3A_1670 : memref<1x128xi32, #tpu.memory_space<vmem>> -> memref<128xi32, #tpu.memory_space<vmem>>
    %dma_wait3A_1672 = arith.constant 0 : i32
    %dma_wait3A_1673 = arith.constant 0 : i32
    %dma_wait3A_1674 = tpu.memref_slice %arg2[%dma_wait3A_1672, %dma_wait3A_1673] : memref<262144x128xf32, #tpu.memory_space<hbm>> -> memref<262144x128xf32, #tpu.memory_space<hbm>>
    tpu.wait_indirect_dma semaphore(%arg21 : memref<!tpu.dma_semaphore, #tpu.memory_space<semaphore_mem>>) src(%dma_wait3A_1674 : memref<262144x128xf32, #tpu.memory_space<hbm>>) dst(%arg14 : memref<128x128xf32, #tpu.memory_space<vmem>>)
    %dma_start3A_1675 = arith.constant 40 : i32
    %dma_start3A_1676 = arith.constant 0 : i32
    %dma_start3A_1677 = tpu.memref_slice %arg9[%dma_start3A_1675, %dma_start3A_1676] : memref<48x128xi32, #tpu.memory_space<vmem>> -> memref<1x128xi32, #tpu.memory_space<vmem>>
    %dma_start3A_1678 = tpu.memref_squeeze %dma_start3A_1677 : memref<1x128xi32, #tpu.memory_space<vmem>> -> memref<128xi32, #tpu.memory_space<vmem>>
    %dma_start3A_1679 = arith.constant 0 : i32
    %dma_start3A_1680 = arith.constant 0 : i32
    %dma_start3A_1681 = tpu.memref_slice %arg6[%dma_start3A_1679, %dma_start3A_1680] : memref<262144x128xf32, #tpu.memory_space<hbm>> -> memref<262144x128xf32, #tpu.memory_space<hbm>>
    tpu.enqueue_indirect_dma source(%arg14 : memref<128x128xf32, #tpu.memory_space<vmem>>) target(%dma_start3A_1681 : memref<262144x128xf32, #tpu.memory_space<hbm>>) offsets(%dma_start3A_1678 : memref<128xi32, #tpu.memory_space<vmem>>) semaphore(%arg28 : memref<!tpu.dma_semaphore, #tpu.memory_space<semaphore_mem>>)
    %dma_wait3A_1682 = arith.constant 4 : i32
    %dma_wait3A_1683 = arith.constant 0 : i32
    %dma_wait3A_1684 = tpu.memref_slice %arg8[%dma_wait3A_1682, %dma_wait3A_1683] : memref<8x128xi32, #tpu.memory_space<vmem>> -> memref<1x128xi32, #tpu.memory_space<vmem>>
    %dma_wait3A_1685 = tpu.memref_squeeze %dma_wait3A_1684 : memref<1x128xi32, #tpu.memory_space<vmem>> -> memref<128xi32, #tpu.memory_space<vmem>>
    %dma_wait3A_1686 = arith.constant 0 : i32
    %dma_wait3A_1687 = arith.constant 0 : i32
    %dma_wait3A_1688 = tpu.memref_slice %arg6[%dma_wait3A_1686, %dma_wait3A_1687] : memref<262144x128xf32, #tpu.memory_space<hbm>> -> memref<262144x128xf32, #tpu.memory_space<hbm>>
    tpu.wait_indirect_dma semaphore(%arg26 : memref<!tpu.dma_semaphore, #tpu.memory_space<semaphore_mem>>) src(%arg12 : memref<128x128xf32, #tpu.memory_space<vmem>>) dst(%dma_wait3A_1688 : memref<262144x128xf32, #tpu.memory_space<hbm>>)
    %dma_start3A_1689 = arith.constant 44 : i32
    %dma_start3A_1690 = arith.constant 0 : i32
    %dma_start3A_1691 = tpu.memref_slice %arg9[%dma_start3A_1689, %dma_start3A_1690] : memref<48x128xi32, #tpu.memory_space<vmem>> -> memref<1x128xi32, #tpu.memory_space<vmem>>
    %dma_start3A_1692 = tpu.memref_squeeze %dma_start3A_1691 : memref<1x128xi32, #tpu.memory_space<vmem>> -> memref<128xi32, #tpu.memory_space<vmem>>
    %dma_start3A_1693 = arith.constant 0 : i32
    %dma_start3A_1694 = arith.constant 0 : i32
    %dma_start3A_1695 = tpu.memref_slice %arg2[%dma_start3A_1693, %dma_start3A_1694] : memref<262144x128xf32, #tpu.memory_space<hbm>> -> memref<262144x128xf32, #tpu.memory_space<hbm>>
    tpu.enqueue_indirect_dma source(%dma_start3A_1695 : memref<262144x128xf32, #tpu.memory_space<hbm>>) target(%arg12 : memref<128x128xf32, #tpu.memory_space<vmem>>) offsets(%dma_start3A_1692 : memref<128xi32, #tpu.memory_space<vmem>>) semaphore(%arg19 : memref<!tpu.dma_semaphore, #tpu.memory_space<semaphore_mem>>)
    %dma_wait3A_1696 = arith.constant 41 : i32
    %dma_wait3A_1697 = arith.constant 0 : i32
    %dma_wait3A_1698 = tpu.memref_slice %arg9[%dma_wait3A_1696, %dma_wait3A_1697] : memref<48x128xi32, #tpu.memory_space<vmem>> -> memref<1x128xi32, #tpu.memory_space<vmem>>
    %dma_wait3A_1699 = tpu.memref_squeeze %dma_wait3A_1698 : memref<1x128xi32, #tpu.memory_space<vmem>> -> memref<128xi32, #tpu.memory_space<vmem>>
    %dma_wait3A_1700 = arith.constant 0 : i32
    %dma_wait3A_1701 = arith.constant 0 : i32
    %dma_wait3A_1702 = tpu.memref_slice %arg2[%dma_wait3A_1700, %dma_wait3A_1701] : memref<262144x128xf32, #tpu.memory_space<hbm>> -> memref<262144x128xf32, #tpu.memory_space<hbm>>
    tpu.wait_indirect_dma semaphore(%arg22 : memref<!tpu.dma_semaphore, #tpu.memory_space<semaphore_mem>>) src(%dma_wait3A_1702 : memref<262144x128xf32, #tpu.memory_space<hbm>>) dst(%arg15 : memref<128x128xf32, #tpu.memory_space<vmem>>)
    %dma_start3A_1703 = arith.constant 41 : i32
    %dma_start3A_1704 = arith.constant 0 : i32
    %dma_start3A_1705 = tpu.memref_slice %arg9[%dma_start3A_1703, %dma_start3A_1704] : memref<48x128xi32, #tpu.memory_space<vmem>> -> memref<1x128xi32, #tpu.memory_space<vmem>>
    %dma_start3A_1706 = tpu.memref_squeeze %dma_start3A_1705 : memref<1x128xi32, #tpu.memory_space<vmem>> -> memref<128xi32, #tpu.memory_space<vmem>>
    %dma_start3A_1707 = arith.constant 0 : i32
    %dma_start3A_1708 = arith.constant 0 : i32
    %dma_start3A_1709 = tpu.memref_slice %arg6[%dma_start3A_1707, %dma_start3A_1708] : memref<262144x128xf32, #tpu.memory_space<hbm>> -> memref<262144x128xf32, #tpu.memory_space<hbm>>
    tpu.enqueue_indirect_dma source(%arg15 : memref<128x128xf32, #tpu.memory_space<vmem>>) target(%dma_start3A_1709 : memref<262144x128xf32, #tpu.memory_space<hbm>>) offsets(%dma_start3A_1706 : memref<128xi32, #tpu.memory_space<vmem>>) semaphore(%arg29 : memref<!tpu.dma_semaphore, #tpu.memory_space<semaphore_mem>>)
    %dma_wait3A_1710 = arith.constant 39 : i32
    %dma_wait3A_1711 = arith.constant 0 : i32
    %dma_wait3A_1712 = tpu.memref_slice %arg9[%dma_wait3A_1710, %dma_wait3A_1711] : memref<48x128xi32, #tpu.memory_space<vmem>> -> memref<1x128xi32, #tpu.memory_space<vmem>>
    %dma_wait3A_1713 = tpu.memref_squeeze %dma_wait3A_1712 : memref<1x128xi32, #tpu.memory_space<vmem>> -> memref<128xi32, #tpu.memory_space<vmem>>
    %dma_wait3A_1714 = arith.constant 0 : i32
    %dma_wait3A_1715 = arith.constant 0 : i32
    %dma_wait3A_1716 = tpu.memref_slice %arg6[%dma_wait3A_1714, %dma_wait3A_1715] : memref<262144x128xf32, #tpu.memory_space<hbm>> -> memref<262144x128xf32, #tpu.memory_space<hbm>>
    tpu.wait_indirect_dma semaphore(%arg27 : memref<!tpu.dma_semaphore, #tpu.memory_space<semaphore_mem>>) src(%arg13 : memref<128x128xf32, #tpu.memory_space<vmem>>) dst(%dma_wait3A_1716 : memref<262144x128xf32, #tpu.memory_space<hbm>>)
    %dma_start3A_1717 = arith.constant 6 : i32
    %dma_start3A_1718 = arith.constant 0 : i32
    %dma_start3A_1719 = tpu.memref_slice %arg8[%dma_start3A_1717, %dma_start3A_1718] : memref<8x128xi32, #tpu.memory_space<vmem>> -> memref<1x128xi32, #tpu.memory_space<vmem>>
    %dma_start3A_1720 = tpu.memref_squeeze %dma_start3A_1719 : memref<1x128xi32, #tpu.memory_space<vmem>> -> memref<128xi32, #tpu.memory_space<vmem>>
    %dma_start3A_1721 = arith.constant 0 : i32
    %dma_start3A_1722 = arith.constant 0 : i32
    %dma_start3A_1723 = tpu.memref_slice %arg2[%dma_start3A_1721, %dma_start3A_1722] : memref<262144x128xf32, #tpu.memory_space<hbm>> -> memref<262144x128xf32, #tpu.memory_space<hbm>>
    tpu.enqueue_indirect_dma source(%dma_start3A_1723 : memref<262144x128xf32, #tpu.memory_space<hbm>>) target(%arg13 : memref<128x128xf32, #tpu.memory_space<vmem>>) offsets(%dma_start3A_1720 : memref<128xi32, #tpu.memory_space<vmem>>) semaphore(%arg20 : memref<!tpu.dma_semaphore, #tpu.memory_space<semaphore_mem>>)
    %dma_wait3A_1724 = arith.constant 5 : i32
    %dma_wait3A_1725 = arith.constant 0 : i32
    %dma_wait3A_1726 = tpu.memref_slice %arg8[%dma_wait3A_1724, %dma_wait3A_1725] : memref<8x128xi32, #tpu.memory_space<vmem>> -> memref<1x128xi32, #tpu.memory_space<vmem>>
    %dma_wait3A_1727 = tpu.memref_squeeze %dma_wait3A_1726 : memref<1x128xi32, #tpu.memory_space<vmem>> -> memref<128xi32, #tpu.memory_space<vmem>>
    %dma_wait3A_1728 = arith.constant 0 : i32
    %dma_wait3A_1729 = arith.constant 0 : i32
    %dma_wait3A_1730 = tpu.memref_slice %arg2[%dma_wait3A_1728, %dma_wait3A_1729] : memref<262144x128xf32, #tpu.memory_space<hbm>> -> memref<262144x128xf32, #tpu.memory_space<hbm>>
    tpu.wait_indirect_dma semaphore(%arg23 : memref<!tpu.dma_semaphore, #tpu.memory_space<semaphore_mem>>) src(%dma_wait3A_1730 : memref<262144x128xf32, #tpu.memory_space<hbm>>) dst(%arg16 : memref<128x128xf32, #tpu.memory_space<vmem>>)
    %iota3A_1731 = tpu.iota {dimensions = array<i32: 0>} : vector<16xi32>
    %sub3A_1732 = arith.constant 1 : i32
    %sub3A_1733 = vector.broadcast %sub3A_1732 : i32 to vector<16xi32>
    %sub3A_1734 = arith.subi %iota3A_1731, %sub3A_1733 : vector<16xi32>
    %max3A_1735 = arith.constant 0 : i32
    %max3A_1736 = vector.broadcast %max3A_1735 : i32 to vector<16xi32>
    %max3A_1737 = arith.maxsi %sub3A_1734, %max3A_1736 : vector<16xi32>
    %scan3A_1738 = arith.constant 0 : i32
    %scan3A_1739 = arith.constant 0 : i32
    %scan3A_1740 = arith.constant 128 : i32
    %scan3A_1741 = arith.addi %scan3A_1739, %scan3A_1740 : i32
    %scan3A_1742 = arith.constant 1 : i32
    scf.for %scan3A_1994 = %scan3A_1739 to %scan3A_1741 step %scan3A_1742  : i32 {
      %get3A = arith.index_cast %scan3A_1994 : i32 to index
      %get3A_1995 = arith.constant 111 : index
      %get3A_1996 = tpu.vector_load %arg16[%get3A, %get3A_1995] {strides = array<i32>} : memref<128x128xf32, #tpu.memory_space<vmem>>, vector<1x16xf32>,
      %get3A_1997 = vector.shape_cast %get3A_1996 : vector<1x16xf32> to vector<16xf32>
      %swap3A = arith.index_cast %scan3A_1994 : i32 to index
      %swap3A_1998 = arith.constant 112 : index
      %swap3A_1999 = tpu.vector_load %arg16[%swap3A, %swap3A_1998] {strides = array<i32>} : memref<128x128xf32, #tpu.memory_space<vmem>>, vector<1x16xf32>,
      %swap3A_2000 = vector.shape_cast %swap3A_1999 : vector<1x16xf32> to vector<16xf32>
      %swap3A_2001 = vector.shape_cast %get3A_1997 : vector<16xf32> to vector<1x16xf32>
      tpu.vector_store %arg16[%swap3A, %swap3A_1998], %swap3A_2001 {strides = array<i32>} : memref<128x128xf32, #tpu.memory_space<vmem>>, vector<1x16xf32>,
      %get3A_2002 = arith.index_cast %scan3A_1994 : i32 to index
      %get3A_2003 = arith.constant 95 : index
      %get3A_2004 = tpu.vector_load %arg16[%get3A_2002, %get3A_2003] {strides = array<i32>} : memref<128x128xf32, #tpu.memory_space<vmem>>, vector<1x16xf32>,
      %get3A_2005 = vector.shape_cast %get3A_2004 : vector<1x16xf32> to vector<16xf32>
      %swap3A_2006 = arith.index_cast %scan3A_1994 : i32 to index
      %swap3A_2007 = arith.constant 96 : index
      %swap3A_2008 = tpu.vector_load %arg16[%swap3A_2006, %swap3A_2007] {strides = array<i32>} : memref<128x128xf32, #tpu.memory_space<vmem>>, vector<1x16xf32>,
      %swap3A_2009 = vector.shape_cast %swap3A_2008 : vector<1x16xf32> to vector<16xf32>
      %swap3A_2010 = vector.shape_cast %get3A_2005 : vector<16xf32> to vector<1x16xf32>
      tpu.vector_store %arg16[%swap3A_2006, %swap3A_2007], %swap3A_2010 {strides = array<i32>} : memref<128x128xf32, #tpu.memory_space<vmem>>, vector<1x16xf32>,
      %get3A_2011 = arith.index_cast %scan3A_1994 : i32 to index
      %get3A_2012 = arith.constant 79 : index
      %get3A_2013 = tpu.vector_load %arg16[%get3A_2011, %get3A_2012] {strides = array<i32>} : memref<128x128xf32, #tpu.memory_space<vmem>>, vector<1x16xf32>,
      %get3A_2014 = vector.shape_cast %get3A_2013 : vector<1x16xf32> to vector<16xf32>
      %swap3A_2015 = arith.index_cast %scan3A_1994 : i32 to index
      %swap3A_2016 = arith.constant 80 : index
      %swap3A_2017 = tpu.vector_load %arg16[%swap3A_2015, %swap3A_2016] {strides = array<i32>} : memref<128x128xf32, #tpu.memory_space<vmem>>, vector<1x16xf32>,
      %swap3A_2018 = vector.shape_cast %swap3A_2017 : vector<1x16xf32> to vector<16xf32>
      %swap3A_2019 = vector.shape_cast %get3A_2014 : vector<16xf32> to vector<1x16xf32>
      tpu.vector_store %arg16[%swap3A_2015, %swap3A_2016], %swap3A_2019 {strides = array<i32>} : memref<128x128xf32, #tpu.memory_space<vmem>>, vector<1x16xf32>,
      %get3A_2020 = arith.index_cast %scan3A_1994 : i32 to index
      %get3A_2021 = arith.constant 63 : index
      %get3A_2022 = tpu.vector_load %arg16[%get3A_2020, %get3A_2021] {strides = array<i32>} : memref<128x128xf32, #tpu.memory_space<vmem>>, vector<1x16xf32>,
      %get3A_2023 = vector.shape_cast %get3A_2022 : vector<1x16xf32> to vector<16xf32>
      %swap3A_2024 = arith.index_cast %scan3A_1994 : i32 to index
      %swap3A_2025 = arith.constant 64 : index
      %swap3A_2026 = tpu.vector_load %arg16[%swap3A_2024, %swap3A_2025] {strides = array<i32>} : memref<128x128xf32, #tpu.memory_space<vmem>>, vector<1x16xf32>,
      %swap3A_2027 = vector.shape_cast %swap3A_2026 : vector<1x16xf32> to vector<16xf32>
      %swap3A_2028 = vector.shape_cast %get3A_2023 : vector<16xf32> to vector<1x16xf32>
      tpu.vector_store %arg16[%swap3A_2024, %swap3A_2025], %swap3A_2028 {strides = array<i32>} : memref<128x128xf32, #tpu.memory_space<vmem>>, vector<1x16xf32>,
      %get3A_2029 = arith.index_cast %scan3A_1994 : i32 to index
      %get3A_2030 = arith.constant 47 : index
      %get3A_2031 = tpu.vector_load %arg16[%get3A_2029, %get3A_2030] {strides = array<i32>} : memref<128x128xf32, #tpu.memory_space<vmem>>, vector<1x16xf32>,
      %get3A_2032 = vector.shape_cast %get3A_2031 : vector<1x16xf32> to vector<16xf32>
      %swap3A_2033 = arith.index_cast %scan3A_1994 : i32 to index
      %swap3A_2034 = arith.constant 48 : index
      %swap3A_2035 = tpu.vector_load %arg16[%swap3A_2033, %swap3A_2034] {strides = array<i32>} : memref<128x128xf32, #tpu.memory_space<vmem>>, vector<1x16xf32>,
      %swap3A_2036 = vector.shape_cast %swap3A_2035 : vector<1x16xf32> to vector<16xf32>
      %swap3A_2037 = vector.shape_cast %get3A_2032 : vector<16xf32> to vector<1x16xf32>
      tpu.vector_store %arg16[%swap3A_2033, %swap3A_2034], %swap3A_2037 {strides = array<i32>} : memref<128x128xf32, #tpu.memory_space<vmem>>, vector<1x16xf32>,
      %get3A_2038 = arith.index_cast %scan3A_1994 : i32 to index
      %get3A_2039 = arith.constant 31 : index
      %get3A_2040 = tpu.vector_load %arg16[%get3A_2038, %get3A_2039] {strides = array<i32>} : memref<128x128xf32, #tpu.memory_space<vmem>>, vector<1x16xf32>,
      %get3A_2041 = vector.shape_cast %get3A_2040 : vector<1x16xf32> to vector<16xf32>
      %swap3A_2042 = arith.index_cast %scan3A_1994 : i32 to index
      %swap3A_2043 = arith.constant 32 : index
      %swap3A_2044 = tpu.vector_load %arg16[%swap3A_2042, %swap3A_2043] {strides = array<i32>} : memref<128x128xf32, #tpu.memory_space<vmem>>, vector<1x16xf32>,
      %swap3A_2045 = vector.shape_cast %swap3A_2044 : vector<1x16xf32> to vector<16xf32>
      %swap3A_2046 = vector.shape_cast %get3A_2041 : vector<16xf32> to vector<1x16xf32>
      tpu.vector_store %arg16[%swap3A_2042, %swap3A_2043], %swap3A_2046 {strides = array<i32>} : memref<128x128xf32, #tpu.memory_space<vmem>>, vector<1x16xf32>,
      %get3A_2047 = arith.index_cast %scan3A_1994 : i32 to index
      %get3A_2048 = arith.constant 15 : index
      %get3A_2049 = tpu.vector_load %arg16[%get3A_2047, %get3A_2048] {strides = array<i32>} : memref<128x128xf32, #tpu.memory_space<vmem>>, vector<1x16xf32>,
      %get3A_2050 = vector.shape_cast %get3A_2049 : vector<1x16xf32> to vector<16xf32>
      %swap3A_2051 = arith.index_cast %scan3A_1994 : i32 to index
      %swap3A_2052 = arith.constant 16 : index
      %swap3A_2053 = tpu.vector_load %arg16[%swap3A_2051, %swap3A_2052] {strides = array<i32>} : memref<128x128xf32, #tpu.memory_space<vmem>>, vector<1x16xf32>,
      %swap3A_2054 = vector.shape_cast %swap3A_2053 : vector<1x16xf32> to vector<16xf32>
      %swap3A_2055 = vector.shape_cast %get3A_2050 : vector<16xf32> to vector<1x16xf32>
      tpu.vector_store %arg16[%swap3A_2051, %swap3A_2052], %swap3A_2055 {strides = array<i32>} : memref<128x128xf32, #tpu.memory_space<vmem>>, vector<1x16xf32>,
      %get3A_2056 = arith.index_cast %scan3A_1994 : i32 to index
      %get3A_2057 = arith.constant 0 : index
      %get3A_2058 = tpu.vector_load %arg16[%get3A_2056, %get3A_2057] {strides = array<i32>} : memref<128x128xf32, #tpu.memory_space<vmem>>, vector<1x16xf32>,
      %get3A_2059 = vector.shape_cast %get3A_2058 : vector<1x16xf32> to vector<16xf32>
      %broadcast_in_dim3A = vector.shape_cast %max3A_1737 : vector<16xi32> to vector<16x1xi32>
      %gather3A = vector.shape_cast %broadcast_in_dim3A : vector<16x1xi32> to vector<16xi32>
      %gather3A_2060 = tpu.dynamic_gather %get3A_2059[%gather3A] in [0] : vector<16xf32>, vector<16xi32> -> vector<16xf32>
      %eq3A = arith.constant 0 : i32
      %eq3A_2061 = vector.broadcast %eq3A : i32 to vector<16xi32>
      %eq3A_2062 = arith.cmpi eq, %iota3A_1731, %eq3A_2061 : vector<16xi32>
      %jit3A = arith.constant 0.000000e+00 : f32
      %broadcast_in_dim3A_2063 = vector.broadcast %jit3A : f32 to vector<16xf32>
      %select_n3A = arith.select %eq3A_2062, %broadcast_in_dim3A_2063, %gather3A_2060 : vector<16xi1>, vector<16xf32>
      %swap3A_2064 = arith.index_cast %scan3A_1994 : i32 to index
      %swap3A_2065 = arith.constant 0 : index
      %swap3A_2066 = tpu.vector_load %arg16[%swap3A_2064, %swap3A_2065] {strides = array<i32>} : memref<128x128xf32, #tpu.memory_space<vmem>>, vector<1x16xf32>,
      %swap3A_2067 = vector.shape_cast %swap3A_2066 : vector<1x16xf32> to vector<16xf32>
      %swap3A_2068 = vector.shape_cast %select_n3A : vector<16xf32> to vector<1x16xf32>
      tpu.vector_store %arg16[%swap3A_2064, %swap3A_2065], %swap3A_2068 {strides = array<i32>} : memref<128x128xf32, #tpu.memory_space<vmem>>, vector<1x16xf32>,
    }
    %scan3A_1743 = arith.constant 128 : i32
    %dma_start3A_1744 = arith.constant 5 : i32
    %dma_start3A_1745 = arith.constant 0 : i32
    %dma_start3A_1746 = tpu.memref_slice %arg8[%dma_start3A_1744, %dma_start3A_1745] : memref<8x128xi32, #tpu.memory_space<vmem>> -> memref<1x128xi32, #tpu.memory_space<vmem>>
    %dma_start3A_1747 = tpu.memref_squeeze %dma_start3A_1746 : memref<1x128xi32, #tpu.memory_space<vmem>> -> memref<128xi32, #tpu.memory_space<vmem>>
    %dma_start3A_1748 = arith.constant 0 : i32
    %dma_start3A_1749 = arith.constant 0 : i32
    %dma_start3A_1750 = tpu.memref_slice %arg6[%dma_start3A_1748, %dma_start3A_1749] : memref<262144x128xf32, #tpu.memory_space<hbm>> -> memref<262144x128xf32, #tpu.memory_space<hbm>>
    tpu.enqueue_indirect_dma source(%arg16 : memref<128x128xf32, #tpu.memory_space<vmem>>) target(%dma_start3A_1750 : memref<262144x128xf32, #tpu.memory_space<hbm>>) offsets(%dma_start3A_1747 : memref<128xi32, #tpu.memory_space<vmem>>) semaphore(%arg30 : memref<!tpu.dma_semaphore, #tpu.memory_space<semaphore_mem>>)
    %dma_wait3A_1751 = arith.constant 40 : i32
    %dma_wait3A_1752 = arith.constant 0 : i32
    %dma_wait3A_1753 = tpu.memref_slice %arg9[%dma_wait3A_1751, %dma_wait3A_1752] : memref<48x128xi32, #tpu.memory_space<vmem>> -> memref<1x128xi32, #tpu.memory_space<vmem>>
    %dma_wait3A_1754 = tpu.memref_squeeze %dma_wait3A_1753 : memref<1x128xi32, #tpu.memory_space<vmem>> -> memref<128xi32, #tpu.memory_space<vmem>>
    %dma_wait3A_1755 = arith.constant 0 : i32
    %dma_wait3A_1756 = arith.constant 0 : i32
    %dma_wait3A_1757 = tpu.memref_slice %arg6[%dma_wait3A_1755, %dma_wait3A_1756] : memref<262144x128xf32, #tpu.memory_space<hbm>> -> memref<262144x128xf32, #tpu.memory_space<hbm>>
    tpu.wait_indirect_dma semaphore(%arg28 : memref<!tpu.dma_semaphore, #tpu.memory_space<semaphore_mem>>) src(%arg14 : memref<128x128xf32, #tpu.memory_space<vmem>>) dst(%dma_wait3A_1757 : memref<262144x128xf32, #tpu.memory_space<hbm>>)
    %dma_start3A_1758 = arith.constant 45 : i32
    %dma_start3A_1759 = arith.constant 0 : i32
    %dma_start3A_1760 = tpu.memref_slice %arg9[%dma_start3A_1758, %dma_start3A_1759] : memref<48x128xi32, #tpu.memory_space<vmem>> -> memref<1x128xi32, #tpu.memory_space<vmem>>
    %dma_start3A_1761 = tpu.memref_squeeze %dma_start3A_1760 : memref<1x128xi32, #tpu.memory_space<vmem>> -> memref<128xi32, #tpu.memory_space<vmem>>
    %dma_start3A_1762 = arith.constant 0 : i32
    %dma_start3A_1763 = arith.constant 0 : i32
    %dma_start3A_1764 = tpu.memref_slice %arg2[%dma_start3A_1762, %dma_start3A_1763] : memref<262144x128xf32, #tpu.memory_space<hbm>> -> memref<262144x128xf32, #tpu.memory_space<hbm>>
    tpu.enqueue_indirect_dma source(%dma_start3A_1764 : memref<262144x128xf32, #tpu.memory_space<hbm>>) target(%arg14 : memref<128x128xf32, #tpu.memory_space<vmem>>) offsets(%dma_start3A_1761 : memref<128xi32, #tpu.memory_space<vmem>>) semaphore(%arg21 : memref<!tpu.dma_semaphore, #tpu.memory_space<semaphore_mem>>)
    %dma_wait3A_1765 = arith.constant 42 : i32
    %dma_wait3A_1766 = arith.constant 0 : i32
    %dma_wait3A_1767 = tpu.memref_slice %arg9[%dma_wait3A_1765, %dma_wait3A_1766] : memref<48x128xi32, #tpu.memory_space<vmem>> -> memref<1x128xi32, #tpu.memory_space<vmem>>
    %dma_wait3A_1768 = tpu.memref_squeeze %dma_wait3A_1767 : memref<1x128xi32, #tpu.memory_space<vmem>> -> memref<128xi32, #tpu.memory_space<vmem>>
    %dma_wait3A_1769 = arith.constant 0 : i32
    %dma_wait3A_1770 = arith.constant 0 : i32
    %dma_wait3A_1771 = tpu.memref_slice %arg2[%dma_wait3A_1769, %dma_wait3A_1770] : memref<262144x128xf32, #tpu.memory_space<hbm>> -> memref<262144x128xf32, #tpu.memory_space<hbm>>
    tpu.wait_indirect_dma semaphore(%arg17 : memref<!tpu.dma_semaphore, #tpu.memory_space<semaphore_mem>>) src(%dma_wait3A_1771 : memref<262144x128xf32, #tpu.memory_space<hbm>>) dst(%arg10 : memref<128x128xf32, #tpu.memory_space<vmem>>)
    %dma_start3A_1772 = arith.constant 42 : i32
    %dma_start3A_1773 = arith.constant 0 : i32
    %dma_start3A_1774 = tpu.memref_slice %arg9[%dma_start3A_1772, %dma_start3A_1773] : memref<48x128xi32, #tpu.memory_space<vmem>> -> memref<1x128xi32, #tpu.memory_space<vmem>>
    %dma_start3A_1775 = tpu.memref_squeeze %dma_start3A_1774 : memref<1x128xi32, #tpu.memory_space<vmem>> -> memref<128xi32, #tpu.memory_space<vmem>>
    %dma_start3A_1776 = arith.constant 0 : i32
    %dma_start3A_1777 = arith.constant 0 : i32
    %dma_start3A_1778 = tpu.memref_slice %arg6[%dma_start3A_1776, %dma_start3A_1777] : memref<262144x128xf32, #tpu.memory_space<hbm>> -> memref<262144x128xf32, #tpu.memory_space<hbm>>
    tpu.enqueue_indirect_dma source(%arg10 : memref<128x128xf32, #tpu.memory_space<vmem>>) target(%dma_start3A_1778 : memref<262144x128xf32, #tpu.memory_space<hbm>>) offsets(%dma_start3A_1775 : memref<128xi32, #tpu.memory_space<vmem>>) semaphore(%arg24 : memref<!tpu.dma_semaphore, #tpu.memory_space<semaphore_mem>>)
    %dma_wait3A_1779 = arith.constant 41 : i32
    %dma_wait3A_1780 = arith.constant 0 : i32
    %dma_wait3A_1781 = tpu.memref_slice %arg9[%dma_wait3A_1779, %dma_wait3A_1780] : memref<48x128xi32, #tpu.memory_space<vmem>> -> memref<1x128xi32, #tpu.memory_space<vmem>>
    %dma_wait3A_1782 = tpu.memref_squeeze %dma_wait3A_1781 : memref<1x128xi32, #tpu.memory_space<vmem>> -> memref<128xi32, #tpu.memory_space<vmem>>
    %dma_wait3A_1783 = arith.constant 0 : i32
    %dma_wait3A_1784 = arith.constant 0 : i32
    %dma_wait3A_1785 = tpu.memref_slice %arg6[%dma_wait3A_1783, %dma_wait3A_1784] : memref<262144x128xf32, #tpu.memory_space<hbm>> -> memref<262144x128xf32, #tpu.memory_space<hbm>>
    tpu.wait_indirect_dma semaphore(%arg29 : memref<!tpu.dma_semaphore, #tpu.memory_space<semaphore_mem>>) src(%arg15 : memref<128x128xf32, #tpu.memory_space<vmem>>) dst(%dma_wait3A_1785 : memref<262144x128xf32, #tpu.memory_space<hbm>>)
    %dma_start3A_1786 = arith.constant 46 : i32
    %dma_start3A_1787 = arith.constant 0 : i32
    %dma_start3A_1788 = tpu.memref_slice %arg9[%dma_start3A_1786, %dma_start3A_1787] : memref<48x128xi32, #tpu.memory_space<vmem>> -> memref<1x128xi32, #tpu.memory_space<vmem>>
    %dma_start3A_1789 = tpu.memref_squeeze %dma_start3A_1788 : memref<1x128xi32, #tpu.memory_space<vmem>> -> memref<128xi32, #tpu.memory_space<vmem>>
    %dma_start3A_1790 = arith.constant 0 : i32
    %dma_start3A_1791 = arith.constant 0 : i32
    %dma_start3A_1792 = tpu.memref_slice %arg2[%dma_start3A_1790, %dma_start3A_1791] : memref<262144x128xf32, #tpu.memory_space<hbm>> -> memref<262144x128xf32, #tpu.memory_space<hbm>>
    tpu.enqueue_indirect_dma source(%dma_start3A_1792 : memref<262144x128xf32, #tpu.memory_space<hbm>>) target(%arg15 : memref<128x128xf32, #tpu.memory_space<vmem>>) offsets(%dma_start3A_1789 : memref<128xi32, #tpu.memory_space<vmem>>) semaphore(%arg22 : memref<!tpu.dma_semaphore, #tpu.memory_space<semaphore_mem>>)
    %dma_wait3A_1793 = arith.constant 43 : i32
    %dma_wait3A_1794 = arith.constant 0 : i32
    %dma_wait3A_1795 = tpu.memref_slice %arg9[%dma_wait3A_1793, %dma_wait3A_1794] : memref<48x128xi32, #tpu.memory_space<vmem>> -> memref<1x128xi32, #tpu.memory_space<vmem>>
    %dma_wait3A_1796 = tpu.memref_squeeze %dma_wait3A_1795 : memref<1x128xi32, #tpu.memory_space<vmem>> -> memref<128xi32, #tpu.memory_space<vmem>>
    %dma_wait3A_1797 = arith.constant 0 : i32
    %dma_wait3A_1798 = arith.constant 0 : i32
    %dma_wait3A_1799 = tpu.memref_slice %arg2[%dma_wait3A_1797, %dma_wait3A_1798] : memref<262144x128xf32, #tpu.memory_space<hbm>> -> memref<262144x128xf32, #tpu.memory_space<hbm>>
    tpu.wait_indirect_dma semaphore(%arg18 : memref<!tpu.dma_semaphore, #tpu.memory_space<semaphore_mem>>) src(%dma_wait3A_1799 : memref<262144x128xf32, #tpu.memory_space<hbm>>) dst(%arg11 : memref<128x128xf32, #tpu.memory_space<vmem>>)
    %dma_start3A_1800 = arith.constant 43 : i32
    %dma_start3A_1801 = arith.constant 0 : i32
    %dma_start3A_1802 = tpu.memref_slice %arg9[%dma_start3A_1800, %dma_start3A_1801] : memref<48x128xi32, #tpu.memory_space<vmem>> -> memref<1x128xi32, #tpu.memory_space<vmem>>
    %dma_start3A_1803 = tpu.memref_squeeze %dma_start3A_1802 : memref<1x128xi32, #tpu.memory_space<vmem>> -> memref<128xi32, #tpu.memory_space<vmem>>
    %dma_start3A_1804 = arith.constant 0 : i32
    %dma_start3A_1805 = arith.constant 0 : i32
    %dma_start3A_1806 = tpu.memref_slice %arg6[%dma_start3A_1804, %dma_start3A_1805] : memref<262144x128xf32, #tpu.memory_space<hbm>> -> memref<262144x128xf32, #tpu.memory_space<hbm>>
    tpu.enqueue_indirect_dma source(%arg11 : memref<128x128xf32, #tpu.memory_space<vmem>>) target(%dma_start3A_1806 : memref<262144x128xf32, #tpu.memory_space<hbm>>) offsets(%dma_start3A_1803 : memref<128xi32, #tpu.memory_space<vmem>>) semaphore(%arg25 : memref<!tpu.dma_semaphore, #tpu.memory_space<semaphore_mem>>)
    %dma_wait3A_1807 = arith.constant 5 : i32
    %dma_wait3A_1808 = arith.constant 0 : i32
    %dma_wait3A_1809 = tpu.memref_slice %arg8[%dma_wait3A_1807, %dma_wait3A_1808] : memref<8x128xi32, #tpu.memory_space<vmem>> -> memref<1x128xi32, #tpu.memory_space<vmem>>
    %dma_wait3A_1810 = tpu.memref_squeeze %dma_wait3A_1809 : memref<1x128xi32, #tpu.memory_space<vmem>> -> memref<128xi32, #tpu.memory_space<vmem>>
    %dma_wait3A_1811 = arith.constant 0 : i32
    %dma_wait3A_1812 = arith.constant 0 : i32
    %dma_wait3A_1813 = tpu.memref_slice %arg6[%dma_wait3A_1811, %dma_wait3A_1812] : memref<262144x128xf32, #tpu.memory_space<hbm>> -> memref<262144x128xf32, #tpu.memory_space<hbm>>
    tpu.wait_indirect_dma semaphore(%arg30 : memref<!tpu.dma_semaphore, #tpu.memory_space<semaphore_mem>>) src(%arg16 : memref<128x128xf32, #tpu.memory_space<vmem>>) dst(%dma_wait3A_1813 : memref<262144x128xf32, #tpu.memory_space<hbm>>)
    %dma_start3A_1814 = arith.constant 47 : i32
    %dma_start3A_1815 = arith.constant 0 : i32
    %dma_start3A_1816 = tpu.memref_slice %arg9[%dma_start3A_1814, %dma_start3A_1815] : memref<48x128xi32, #tpu.memory_space<vmem>> -> memref<1x128xi32, #tpu.memory_space<vmem>>
    %dma_start3A_1817 = tpu.memref_squeeze %dma_start3A_1816 : memref<1x128xi32, #tpu.memory_space<vmem>> -> memref<128xi32, #tpu.memory_space<vmem>>
    %dma_start3A_1818 = arith.constant 0 : i32
    %dma_start3A_1819 = arith.constant 0 : i32
    %dma_start3A_1820 = tpu.memref_slice %arg2[%dma_start3A_1818, %dma_start3A_1819] : memref<262144x128xf32, #tpu.memory_space<hbm>> -> memref<262144x128xf32, #tpu.memory_space<hbm>>
    tpu.enqueue_indirect_dma source(%dma_start3A_1820 : memref<262144x128xf32, #tpu.memory_space<hbm>>) target(%arg16 : memref<128x128xf32, #tpu.memory_space<vmem>>) offsets(%dma_start3A_1817 : memref<128xi32, #tpu.memory_space<vmem>>) semaphore(%arg23 : memref<!tpu.dma_semaphore, #tpu.memory_space<semaphore_mem>>)
    %dma_wait3A_1821 = arith.constant 44 : i32
    %dma_wait3A_1822 = arith.constant 0 : i32
    %dma_wait3A_1823 = tpu.memref_slice %arg9[%dma_wait3A_1821, %dma_wait3A_1822] : memref<48x128xi32, #tpu.memory_space<vmem>> -> memref<1x128xi32, #tpu.memory_space<vmem>>
    %dma_wait3A_1824 = tpu.memref_squeeze %dma_wait3A_1823 : memref<1x128xi32, #tpu.memory_space<vmem>> -> memref<128xi32, #tpu.memory_space<vmem>>
    %dma_wait3A_1825 = arith.constant 0 : i32
    %dma_wait3A_1826 = arith.constant 0 : i32
    %dma_wait3A_1827 = tpu.memref_slice %arg2[%dma_wait3A_1825, %dma_wait3A_1826] : memref<262144x128xf32, #tpu.memory_space<hbm>> -> memref<262144x128xf32, #tpu.memory_space<hbm>>
    tpu.wait_indirect_dma semaphore(%arg19 : memref<!tpu.dma_semaphore, #tpu.memory_space<semaphore_mem>>) src(%dma_wait3A_1827 : memref<262144x128xf32, #tpu.memory_space<hbm>>) dst(%arg12 : memref<128x128xf32, #tpu.memory_space<vmem>>)
    %dma_start3A_1828 = arith.constant 44 : i32
    %dma_start3A_1829 = arith.constant 0 : i32
    %dma_start3A_1830 = tpu.memref_slice %arg9[%dma_start3A_1828, %dma_start3A_1829] : memref<48x128xi32, #tpu.memory_space<vmem>> -> memref<1x128xi32, #tpu.memory_space<vmem>>
    %dma_start3A_1831 = tpu.memref_squeeze %dma_start3A_1830 : memref<1x128xi32, #tpu.memory_space<vmem>> -> memref<128xi32, #tpu.memory_space<vmem>>
    %dma_start3A_1832 = arith.constant 0 : i32
    %dma_start3A_1833 = arith.constant 0 : i32
    %dma_start3A_1834 = tpu.memref_slice %arg6[%dma_start3A_1832, %dma_start3A_1833] : memref<262144x128xf32, #tpu.memory_space<hbm>> -> memref<262144x128xf32, #tpu.memory_space<hbm>>
    tpu.enqueue_indirect_dma source(%arg12 : memref<128x128xf32, #tpu.memory_space<vmem>>) target(%dma_start3A_1834 : memref<262144x128xf32, #tpu.memory_space<hbm>>) offsets(%dma_start3A_1831 : memref<128xi32, #tpu.memory_space<vmem>>) semaphore(%arg26 : memref<!tpu.dma_semaphore, #tpu.memory_space<semaphore_mem>>)
    %dma_wait3A_1835 = arith.constant 42 : i32
    %dma_wait3A_1836 = arith.constant 0 : i32
    %dma_wait3A_1837 = tpu.memref_slice %arg9[%dma_wait3A_1835, %dma_wait3A_1836] : memref<48x128xi32, #tpu.memory_space<vmem>> -> memref<1x128xi32, #tpu.memory_space<vmem>>
    %dma_wait3A_1838 = tpu.memref_squeeze %dma_wait3A_1837 : memref<1x128xi32, #tpu.memory_space<vmem>> -> memref<128xi32, #tpu.memory_space<vmem>>
    %dma_wait3A_1839 = arith.constant 0 : i32
    %dma_wait3A_1840 = arith.constant 0 : i32
    %dma_wait3A_1841 = tpu.memref_slice %arg6[%dma_wait3A_1839, %dma_wait3A_1840] : memref<262144x128xf32, #tpu.memory_space<hbm>> -> memref<262144x128xf32, #tpu.memory_space<hbm>>
    tpu.wait_indirect_dma semaphore(%arg24 : memref<!tpu.dma_semaphore, #tpu.memory_space<semaphore_mem>>) src(%arg10 : memref<128x128xf32, #tpu.memory_space<vmem>>) dst(%dma_wait3A_1841 : memref<262144x128xf32, #tpu.memory_space<hbm>>)
    %dma_start3A_1842 = arith.constant 7 : i32
    %dma_start3A_1843 = arith.constant 0 : i32
    %dma_start3A_1844 = tpu.memref_slice %arg8[%dma_start3A_1842, %dma_start3A_1843] : memref<8x128xi32, #tpu.memory_space<vmem>> -> memref<1x128xi32, #tpu.memory_space<vmem>>
    %dma_start3A_1845 = tpu.memref_squeeze %dma_start3A_1844 : memref<1x128xi32, #tpu.memory_space<vmem>> -> memref<128xi32, #tpu.memory_space<vmem>>
    %dma_start3A_1846 = arith.constant 0 : i32
    %dma_start3A_1847 = arith.constant 0 : i32
    %dma_start3A_1848 = tpu.memref_slice %arg2[%dma_start3A_1846, %dma_start3A_1847] : memref<262144x128xf32, #tpu.memory_space<hbm>> -> memref<262144x128xf32, #tpu.memory_space<hbm>>
    tpu.enqueue_indirect_dma source(%dma_start3A_1848 : memref<262144x128xf32, #tpu.memory_space<hbm>>) target(%arg10 : memref<128x128xf32, #tpu.memory_space<vmem>>) offsets(%dma_start3A_1845 : memref<128xi32, #tpu.memory_space<vmem>>) semaphore(%arg17 : memref<!tpu.dma_semaphore, #tpu.memory_space<semaphore_mem>>)
    %dma_wait3A_1849 = arith.constant 6 : i32
    %dma_wait3A_1850 = arith.constant 0 : i32
    %dma_wait3A_1851 = tpu.memref_slice %arg8[%dma_wait3A_1849, %dma_wait3A_1850] : memref<8x128xi32, #tpu.memory_space<vmem>> -> memref<1x128xi32, #tpu.memory_space<vmem>>
    %dma_wait3A_1852 = tpu.memref_squeeze %dma_wait3A_1851 : memref<1x128xi32, #tpu.memory_space<vmem>> -> memref<128xi32, #tpu.memory_space<vmem>>
    %dma_wait3A_1853 = arith.constant 0 : i32
    %dma_wait3A_1854 = arith.constant 0 : i32
    %dma_wait3A_1855 = tpu.memref_slice %arg2[%dma_wait3A_1853, %dma_wait3A_1854] : memref<262144x128xf32, #tpu.memory_space<hbm>> -> memref<262144x128xf32, #tpu.memory_space<hbm>>
    tpu.wait_indirect_dma semaphore(%arg20 : memref<!tpu.dma_semaphore, #tpu.memory_space<semaphore_mem>>) src(%dma_wait3A_1855 : memref<262144x128xf32, #tpu.memory_space<hbm>>) dst(%arg13 : memref<128x128xf32, #tpu.memory_space<vmem>>)
    %iota3A_1856 = tpu.iota {dimensions = array<i32: 0>} : vector<16xi32>
    %sub3A_1857 = arith.constant 1 : i32
    %sub3A_1858 = vector.broadcast %sub3A_1857 : i32 to vector<16xi32>
    %sub3A_1859 = arith.subi %iota3A_1856, %sub3A_1858 : vector<16xi32>
    %max3A_1860 = arith.constant 0 : i32
    %max3A_1861 = vector.broadcast %max3A_1860 : i32 to vector<16xi32>
    %max3A_1862 = arith.maxsi %sub3A_1859, %max3A_1861 : vector<16xi32>
    %scan3A_1863 = arith.constant 0 : i32
    %scan3A_1864 = arith.constant 0 : i32
    %scan3A_1865 = arith.constant 128 : i32
    %scan3A_1866 = arith.addi %scan3A_1864, %scan3A_1865 : i32
    %scan3A_1867 = arith.constant 1 : i32
    scf.for %scan3A_1994 = %scan3A_1864 to %scan3A_1866 step %scan3A_1867  : i32 {
      %get3A = arith.index_cast %scan3A_1994 : i32 to index
      %get3A_1995 = arith.constant 111 : index
      %get3A_1996 = tpu.vector_load %arg13[%get3A, %get3A_1995] {strides = array<i32>} : memref<128x128xf32, #tpu.memory_space<vmem>>, vector<1x16xf32>,
      %get3A_1997 = vector.shape_cast %get3A_1996 : vector<1x16xf32> to vector<16xf32>
      %swap3A = arith.index_cast %scan3A_1994 : i32 to index
      %swap3A_1998 = arith.constant 112 : index
      %swap3A_1999 = tpu.vector_load %arg13[%swap3A, %swap3A_1998] {strides = array<i32>} : memref<128x128xf32, #tpu.memory_space<vmem>>, vector<1x16xf32>,
      %swap3A_2000 = vector.shape_cast %swap3A_1999 : vector<1x16xf32> to vector<16xf32>
      %swap3A_2001 = vector.shape_cast %get3A_1997 : vector<16xf32> to vector<1x16xf32>
      tpu.vector_store %arg13[%swap3A, %swap3A_1998], %swap3A_2001 {strides = array<i32>} : memref<128x128xf32, #tpu.memory_space<vmem>>, vector<1x16xf32>,
      %get3A_2002 = arith.index_cast %scan3A_1994 : i32 to index
      %get3A_2003 = arith.constant 95 : index
      %get3A_2004 = tpu.vector_load %arg13[%get3A_2002, %get3A_2003] {strides = array<i32>} : memref<128x128xf32, #tpu.memory_space<vmem>>, vector<1x16xf32>,
      %get3A_2005 = vector.shape_cast %get3A_2004 : vector<1x16xf32> to vector<16xf32>
      %swap3A_2006 = arith.index_cast %scan3A_1994 : i32 to index
      %swap3A_2007 = arith.constant 96 : index
      %swap3A_2008 = tpu.vector_load %arg13[%swap3A_2006, %swap3A_2007] {strides = array<i32>} : memref<128x128xf32, #tpu.memory_space<vmem>>, vector<1x16xf32>,
      %swap3A_2009 = vector.shape_cast %swap3A_2008 : vector<1x16xf32> to vector<16xf32>
      %swap3A_2010 = vector.shape_cast %get3A_2005 : vector<16xf32> to vector<1x16xf32>
      tpu.vector_store %arg13[%swap3A_2006, %swap3A_2007], %swap3A_2010 {strides = array<i32>} : memref<128x128xf32, #tpu.memory_space<vmem>>, vector<1x16xf32>,
      %get3A_2011 = arith.index_cast %scan3A_1994 : i32 to index
      %get3A_2012 = arith.constant 79 : index
      %get3A_2013 = tpu.vector_load %arg13[%get3A_2011, %get3A_2012] {strides = array<i32>} : memref<128x128xf32, #tpu.memory_space<vmem>>, vector<1x16xf32>,
      %get3A_2014 = vector.shape_cast %get3A_2013 : vector<1x16xf32> to vector<16xf32>
      %swap3A_2015 = arith.index_cast %scan3A_1994 : i32 to index
      %swap3A_2016 = arith.constant 80 : index
      %swap3A_2017 = tpu.vector_load %arg13[%swap3A_2015, %swap3A_2016] {strides = array<i32>} : memref<128x128xf32, #tpu.memory_space<vmem>>, vector<1x16xf32>,
      %swap3A_2018 = vector.shape_cast %swap3A_2017 : vector<1x16xf32> to vector<16xf32>
      %swap3A_2019 = vector.shape_cast %get3A_2014 : vector<16xf32> to vector<1x16xf32>
      tpu.vector_store %arg13[%swap3A_2015, %swap3A_2016], %swap3A_2019 {strides = array<i32>} : memref<128x128xf32, #tpu.memory_space<vmem>>, vector<1x16xf32>,
      %get3A_2020 = arith.index_cast %scan3A_1994 : i32 to index
      %get3A_2021 = arith.constant 63 : index
      %get3A_2022 = tpu.vector_load %arg13[%get3A_2020, %get3A_2021] {strides = array<i32>} : memref<128x128xf32, #tpu.memory_space<vmem>>, vector<1x16xf32>,
      %get3A_2023 = vector.shape_cast %get3A_2022 : vector<1x16xf32> to vector<16xf32>
      %swap3A_2024 = arith.index_cast %scan3A_1994 : i32 to index
      %swap3A_2025 = arith.constant 64 : index
      %swap3A_2026 = tpu.vector_load %arg13[%swap3A_2024, %swap3A_2025] {strides = array<i32>} : memref<128x128xf32, #tpu.memory_space<vmem>>, vector<1x16xf32>,
      %swap3A_2027 = vector.shape_cast %swap3A_2026 : vector<1x16xf32> to vector<16xf32>
      %swap3A_2028 = vector.shape_cast %get3A_2023 : vector<16xf32> to vector<1x16xf32>
      tpu.vector_store %arg13[%swap3A_2024, %swap3A_2025], %swap3A_2028 {strides = array<i32>} : memref<128x128xf32, #tpu.memory_space<vmem>>, vector<1x16xf32>,
      %get3A_2029 = arith.index_cast %scan3A_1994 : i32 to index
      %get3A_2030 = arith.constant 47 : index
      %get3A_2031 = tpu.vector_load %arg13[%get3A_2029, %get3A_2030] {strides = array<i32>} : memref<128x128xf32, #tpu.memory_space<vmem>>, vector<1x16xf32>,
      %get3A_2032 = vector.shape_cast %get3A_2031 : vector<1x16xf32> to vector<16xf32>
      %swap3A_2033 = arith.index_cast %scan3A_1994 : i32 to index
      %swap3A_2034 = arith.constant 48 : index
      %swap3A_2035 = tpu.vector_load %arg13[%swap3A_2033, %swap3A_2034] {strides = array<i32>} : memref<128x128xf32, #tpu.memory_space<vmem>>, vector<1x16xf32>,
      %swap3A_2036 = vector.shape_cast %swap3A_2035 : vector<1x16xf32> to vector<16xf32>
      %swap3A_2037 = vector.shape_cast %get3A_2032 : vector<16xf32> to vector<1x16xf32>
      tpu.vector_store %arg13[%swap3A_2033, %swap3A_2034], %swap3A_2037 {strides = array<i32>} : memref<128x128xf32, #tpu.memory_space<vmem>>, vector<1x16xf32>,
      %get3A_2038 = arith.index_cast %scan3A_1994 : i32 to index
      %get3A_2039 = arith.constant 31 : index
      %get3A_2040 = tpu.vector_load %arg13[%get3A_2038, %get3A_2039] {strides = array<i32>} : memref<128x128xf32, #tpu.memory_space<vmem>>, vector<1x16xf32>,
      %get3A_2041 = vector.shape_cast %get3A_2040 : vector<1x16xf32> to vector<16xf32>
      %swap3A_2042 = arith.index_cast %scan3A_1994 : i32 to index
      %swap3A_2043 = arith.constant 32 : index
      %swap3A_2044 = tpu.vector_load %arg13[%swap3A_2042, %swap3A_2043] {strides = array<i32>} : memref<128x128xf32, #tpu.memory_space<vmem>>, vector<1x16xf32>,
      %swap3A_2045 = vector.shape_cast %swap3A_2044 : vector<1x16xf32> to vector<16xf32>
      %swap3A_2046 = vector.shape_cast %get3A_2041 : vector<16xf32> to vector<1x16xf32>
      tpu.vector_store %arg13[%swap3A_2042, %swap3A_2043], %swap3A_2046 {strides = array<i32>} : memref<128x128xf32, #tpu.memory_space<vmem>>, vector<1x16xf32>,
      %get3A_2047 = arith.index_cast %scan3A_1994 : i32 to index
      %get3A_2048 = arith.constant 15 : index
      %get3A_2049 = tpu.vector_load %arg13[%get3A_2047, %get3A_2048] {strides = array<i32>} : memref<128x128xf32, #tpu.memory_space<vmem>>, vector<1x16xf32>,
      %get3A_2050 = vector.shape_cast %get3A_2049 : vector<1x16xf32> to vector<16xf32>
      %swap3A_2051 = arith.index_cast %scan3A_1994 : i32 to index
      %swap3A_2052 = arith.constant 16 : index
      %swap3A_2053 = tpu.vector_load %arg13[%swap3A_2051, %swap3A_2052] {strides = array<i32>} : memref<128x128xf32, #tpu.memory_space<vmem>>, vector<1x16xf32>,
      %swap3A_2054 = vector.shape_cast %swap3A_2053 : vector<1x16xf32> to vector<16xf32>
      %swap3A_2055 = vector.shape_cast %get3A_2050 : vector<16xf32> to vector<1x16xf32>
      tpu.vector_store %arg13[%swap3A_2051, %swap3A_2052], %swap3A_2055 {strides = array<i32>} : memref<128x128xf32, #tpu.memory_space<vmem>>, vector<1x16xf32>,
      %get3A_2056 = arith.index_cast %scan3A_1994 : i32 to index
      %get3A_2057 = arith.constant 0 : index
      %get3A_2058 = tpu.vector_load %arg13[%get3A_2056, %get3A_2057] {strides = array<i32>} : memref<128x128xf32, #tpu.memory_space<vmem>>, vector<1x16xf32>,
      %get3A_2059 = vector.shape_cast %get3A_2058 : vector<1x16xf32> to vector<16xf32>
      %broadcast_in_dim3A = vector.shape_cast %max3A_1862 : vector<16xi32> to vector<16x1xi32>
      %gather3A = vector.shape_cast %broadcast_in_dim3A : vector<16x1xi32> to vector<16xi32>
      %gather3A_2060 = tpu.dynamic_gather %get3A_2059[%gather3A] in [0] : vector<16xf32>, vector<16xi32> -> vector<16xf32>
      %eq3A = arith.constant 0 : i32
      %eq3A_2061 = vector.broadcast %eq3A : i32 to vector<16xi32>
      %eq3A_2062 = arith.cmpi eq, %iota3A_1856, %eq3A_2061 : vector<16xi32>
      %jit3A = arith.constant 0.000000e+00 : f32
      %broadcast_in_dim3A_2063 = vector.broadcast %jit3A : f32 to vector<16xf32>
      %select_n3A = arith.select %eq3A_2062, %broadcast_in_dim3A_2063, %gather3A_2060 : vector<16xi1>, vector<16xf32>
      %swap3A_2064 = arith.index_cast %scan3A_1994 : i32 to index
      %swap3A_2065 = arith.constant 0 : index
      %swap3A_2066 = tpu.vector_load %arg13[%swap3A_2064, %swap3A_2065] {strides = array<i32>} : memref<128x128xf32, #tpu.memory_space<vmem>>, vector<1x16xf32>,
      %swap3A_2067 = vector.shape_cast %swap3A_2066 : vector<1x16xf32> to vector<16xf32>
      %swap3A_2068 = vector.shape_cast %select_n3A : vector<16xf32> to vector<1x16xf32>
      tpu.vector_store %arg13[%swap3A_2064, %swap3A_2065], %swap3A_2068 {strides = array<i32>} : memref<128x128xf32, #tpu.memory_space<vmem>>, vector<1x16xf32>,
    }
    %scan3A_1868 = arith.constant 128 : i32
    %dma_start3A_1869 = arith.constant 6 : i32
    %dma_start3A_1870 = arith.constant 0 : i32
    %dma_start3A_1871 = tpu.memref_slice %arg8[%dma_start3A_1869, %dma_start3A_1870] : memref<8x128xi32, #tpu.memory_space<vmem>> -> memref<1x128xi32, #tpu.memory_space<vmem>>
    %dma_start3A_1872 = tpu.memref_squeeze %dma_start3A_1871 : memref<1x128xi32, #tpu.memory_space<vmem>> -> memref<128xi32, #tpu.memory_space<vmem>>
    %dma_start3A_1873 = arith.constant 0 : i32
    %dma_start3A_1874 = arith.constant 0 : i32
    %dma_start3A_1875 = tpu.memref_slice %arg6[%dma_start3A_1873, %dma_start3A_1874] : memref<262144x128xf32, #tpu.memory_space<hbm>> -> memref<262144x128xf32, #tpu.memory_space<hbm>>
    tpu.enqueue_indirect_dma source(%arg13 : memref<128x128xf32, #tpu.memory_space<vmem>>) target(%dma_start3A_1875 : memref<262144x128xf32, #tpu.memory_space<hbm>>) offsets(%dma_start3A_1872 : memref<128xi32, #tpu.memory_space<vmem>>) semaphore(%arg27 : memref<!tpu.dma_semaphore, #tpu.memory_space<semaphore_mem>>)
    %dma_wait3A_1876 = arith.constant 45 : i32
    %dma_wait3A_1877 = arith.constant 0 : i32
    %dma_wait3A_1878 = tpu.memref_slice %arg9[%dma_wait3A_1876, %dma_wait3A_1877] : memref<48x128xi32, #tpu.memory_space<vmem>> -> memref<1x128xi32, #tpu.memory_space<vmem>>
    %dma_wait3A_1879 = tpu.memref_squeeze %dma_wait3A_1878 : memref<1x128xi32, #tpu.memory_space<vmem>> -> memref<128xi32, #tpu.memory_space<vmem>>
    %dma_wait3A_1880 = arith.constant 0 : i32
    %dma_wait3A_1881 = arith.constant 0 : i32
    %dma_wait3A_1882 = tpu.memref_slice %arg2[%dma_wait3A_1880, %dma_wait3A_1881] : memref<262144x128xf32, #tpu.memory_space<hbm>> -> memref<262144x128xf32, #tpu.memory_space<hbm>>
    tpu.wait_indirect_dma semaphore(%arg21 : memref<!tpu.dma_semaphore, #tpu.memory_space<semaphore_mem>>) src(%dma_wait3A_1882 : memref<262144x128xf32, #tpu.memory_space<hbm>>) dst(%arg14 : memref<128x128xf32, #tpu.memory_space<vmem>>)
    %dma_start3A_1883 = arith.constant 45 : i32
    %dma_start3A_1884 = arith.constant 0 : i32
    %dma_start3A_1885 = tpu.memref_slice %arg9[%dma_start3A_1883, %dma_start3A_1884] : memref<48x128xi32, #tpu.memory_space<vmem>> -> memref<1x128xi32, #tpu.memory_space<vmem>>
    %dma_start3A_1886 = tpu.memref_squeeze %dma_start3A_1885 : memref<1x128xi32, #tpu.memory_space<vmem>> -> memref<128xi32, #tpu.memory_space<vmem>>
    %dma_start3A_1887 = arith.constant 0 : i32
    %dma_start3A_1888 = arith.constant 0 : i32
    %dma_start3A_1889 = tpu.memref_slice %arg6[%dma_start3A_1887, %dma_start3A_1888] : memref<262144x128xf32, #tpu.memory_space<hbm>> -> memref<262144x128xf32, #tpu.memory_space<hbm>>
    tpu.enqueue_indirect_dma source(%arg14 : memref<128x128xf32, #tpu.memory_space<vmem>>) target(%dma_start3A_1889 : memref<262144x128xf32, #tpu.memory_space<hbm>>) offsets(%dma_start3A_1886 : memref<128xi32, #tpu.memory_space<vmem>>) semaphore(%arg28 : memref<!tpu.dma_semaphore, #tpu.memory_space<semaphore_mem>>)
    %dma_wait3A_1890 = arith.constant 46 : i32
    %dma_wait3A_1891 = arith.constant 0 : i32
    %dma_wait3A_1892 = tpu.memref_slice %arg9[%dma_wait3A_1890, %dma_wait3A_1891] : memref<48x128xi32, #tpu.memory_space<vmem>> -> memref<1x128xi32, #tpu.memory_space<vmem>>
    %dma_wait3A_1893 = tpu.memref_squeeze %dma_wait3A_1892 : memref<1x128xi32, #tpu.memory_space<vmem>> -> memref<128xi32, #tpu.memory_space<vmem>>
    %dma_wait3A_1894 = arith.constant 0 : i32
    %dma_wait3A_1895 = arith.constant 0 : i32
    %dma_wait3A_1896 = tpu.memref_slice %arg2[%dma_wait3A_1894, %dma_wait3A_1895] : memref<262144x128xf32, #tpu.memory_space<hbm>> -> memref<262144x128xf32, #tpu.memory_space<hbm>>
    tpu.wait_indirect_dma semaphore(%arg22 : memref<!tpu.dma_semaphore, #tpu.memory_space<semaphore_mem>>) src(%dma_wait3A_1896 : memref<262144x128xf32, #tpu.memory_space<hbm>>) dst(%arg15 : memref<128x128xf32, #tpu.memory_space<vmem>>)
    %dma_start3A_1897 = arith.constant 46 : i32
    %dma_start3A_1898 = arith.constant 0 : i32
    %dma_start3A_1899 = tpu.memref_slice %arg9[%dma_start3A_1897, %dma_start3A_1898] : memref<48x128xi32, #tpu.memory_space<vmem>> -> memref<1x128xi32, #tpu.memory_space<vmem>>
    %dma_start3A_1900 = tpu.memref_squeeze %dma_start3A_1899 : memref<1x128xi32, #tpu.memory_space<vmem>> -> memref<128xi32, #tpu.memory_space<vmem>>
    %dma_start3A_1901 = arith.constant 0 : i32
    %dma_start3A_1902 = arith.constant 0 : i32
    %dma_start3A_1903 = tpu.memref_slice %arg6[%dma_start3A_1901, %dma_start3A_1902] : memref<262144x128xf32, #tpu.memory_space<hbm>> -> memref<262144x128xf32, #tpu.memory_space<hbm>>
    tpu.enqueue_indirect_dma source(%arg15 : memref<128x128xf32, #tpu.memory_space<vmem>>) target(%dma_start3A_1903 : memref<262144x128xf32, #tpu.memory_space<hbm>>) offsets(%dma_start3A_1900 : memref<128xi32, #tpu.memory_space<vmem>>) semaphore(%arg29 : memref<!tpu.dma_semaphore, #tpu.memory_space<semaphore_mem>>)
    %dma_wait3A_1904 = arith.constant 47 : i32
    %dma_wait3A_1905 = arith.constant 0 : i32
    %dma_wait3A_1906 = tpu.memref_slice %arg9[%dma_wait3A_1904, %dma_wait3A_1905] : memref<48x128xi32, #tpu.memory_space<vmem>> -> memref<1x128xi32, #tpu.memory_space<vmem>>
    %dma_wait3A_1907 = tpu.memref_squeeze %dma_wait3A_1906 : memref<1x128xi32, #tpu.memory_space<vmem>> -> memref<128xi32, #tpu.memory_space<vmem>>
    %dma_wait3A_1908 = arith.constant 0 : i32
    %dma_wait3A_1909 = arith.constant 0 : i32
    %dma_wait3A_1910 = tpu.memref_slice %arg2[%dma_wait3A_1908, %dma_wait3A_1909] : memref<262144x128xf32, #tpu.memory_space<hbm>> -> memref<262144x128xf32, #tpu.memory_space<hbm>>
    tpu.wait_indirect_dma semaphore(%arg23 : memref<!tpu.dma_semaphore, #tpu.memory_space<semaphore_mem>>) src(%dma_wait3A_1910 : memref<262144x128xf32, #tpu.memory_space<hbm>>) dst(%arg16 : memref<128x128xf32, #tpu.memory_space<vmem>>)
    %dma_start3A_1911 = arith.constant 47 : i32
    %dma_start3A_1912 = arith.constant 0 : i32
    %dma_start3A_1913 = tpu.memref_slice %arg9[%dma_start3A_1911, %dma_start3A_1912] : memref<48x128xi32, #tpu.memory_space<vmem>> -> memref<1x128xi32, #tpu.memory_space<vmem>>
    %dma_start3A_1914 = tpu.memref_squeeze %dma_start3A_1913 : memref<1x128xi32, #tpu.memory_space<vmem>> -> memref<128xi32, #tpu.memory_space<vmem>>
    %dma_start3A_1915 = arith.constant 0 : i32
    %dma_start3A_1916 = arith.constant 0 : i32
    %dma_start3A_1917 = tpu.memref_slice %arg6[%dma_start3A_1915, %dma_start3A_1916] : memref<262144x128xf32, #tpu.memory_space<hbm>> -> memref<262144x128xf32, #tpu.memory_space<hbm>>
    tpu.enqueue_indirect_dma source(%arg16 : memref<128x128xf32, #tpu.memory_space<vmem>>) target(%dma_start3A_1917 : memref<262144x128xf32, #tpu.memory_space<hbm>>) offsets(%dma_start3A_1914 : memref<128xi32, #tpu.memory_space<vmem>>) semaphore(%arg30 : memref<!tpu.dma_semaphore, #tpu.memory_space<semaphore_mem>>)
    %dma_wait3A_1918 = arith.constant 7 : i32
    %dma_wait3A_1919 = arith.constant 0 : i32
    %dma_wait3A_1920 = tpu.memref_slice %arg8[%dma_wait3A_1918, %dma_wait3A_1919] : memref<8x128xi32, #tpu.memory_space<vmem>> -> memref<1x128xi32, #tpu.memory_space<vmem>>
    %dma_wait3A_1921 = tpu.memref_squeeze %dma_wait3A_1920 : memref<1x128xi32, #tpu.memory_space<vmem>> -> memref<128xi32, #tpu.memory_space<vmem>>
    %dma_wait3A_1922 = arith.constant 0 : i32
    %dma_wait3A_1923 = arith.constant 0 : i32
    %dma_wait3A_1924 = tpu.memref_slice %arg2[%dma_wait3A_1922, %dma_wait3A_1923] : memref<262144x128xf32, #tpu.memory_space<hbm>> -> memref<262144x128xf32, #tpu.memory_space<hbm>>
    tpu.wait_indirect_dma semaphore(%arg17 : memref<!tpu.dma_semaphore, #tpu.memory_space<semaphore_mem>>) src(%dma_wait3A_1924 : memref<262144x128xf32, #tpu.memory_space<hbm>>) dst(%arg10 : memref<128x128xf32, #tpu.memory_space<vmem>>)
    %iota3A_1925 = tpu.iota {dimensions = array<i32: 0>} : vector<16xi32>
    %sub3A_1926 = arith.constant 1 : i32
    %sub3A_1927 = vector.broadcast %sub3A_1926 : i32 to vector<16xi32>
    %sub3A_1928 = arith.subi %iota3A_1925, %sub3A_1927 : vector<16xi32>
    %max3A_1929 = arith.constant 0 : i32
    %max3A_1930 = vector.broadcast %max3A_1929 : i32 to vector<16xi32>
    %max3A_1931 = arith.maxsi %sub3A_1928, %max3A_1930 : vector<16xi32>
    %scan3A_1932 = arith.constant 0 : i32
    %scan3A_1933 = arith.constant 0 : i32
    %scan3A_1934 = arith.constant 128 : i32
    %scan3A_1935 = arith.addi %scan3A_1933, %scan3A_1934 : i32
    %scan3A_1936 = arith.constant 1 : i32
    scf.for %scan3A_1994 = %scan3A_1933 to %scan3A_1935 step %scan3A_1936  : i32 {
      %get3A = arith.index_cast %scan3A_1994 : i32 to index
      %get3A_1995 = arith.constant 111 : index
      %get3A_1996 = tpu.vector_load %arg10[%get3A, %get3A_1995] {strides = array<i32>} : memref<128x128xf32, #tpu.memory_space<vmem>>, vector<1x16xf32>,
      %get3A_1997 = vector.shape_cast %get3A_1996 : vector<1x16xf32> to vector<16xf32>
      %swap3A = arith.index_cast %scan3A_1994 : i32 to index
      %swap3A_1998 = arith.constant 112 : index
      %swap3A_1999 = tpu.vector_load %arg10[%swap3A, %swap3A_1998] {strides = array<i32>} : memref<128x128xf32, #tpu.memory_space<vmem>>, vector<1x16xf32>,
      %swap3A_2000 = vector.shape_cast %swap3A_1999 : vector<1x16xf32> to vector<16xf32>
      %swap3A_2001 = vector.shape_cast %get3A_1997 : vector<16xf32> to vector<1x16xf32>
      tpu.vector_store %arg10[%swap3A, %swap3A_1998], %swap3A_2001 {strides = array<i32>} : memref<128x128xf32, #tpu.memory_space<vmem>>, vector<1x16xf32>,
      %get3A_2002 = arith.index_cast %scan3A_1994 : i32 to index
      %get3A_2003 = arith.constant 95 : index
      %get3A_2004 = tpu.vector_load %arg10[%get3A_2002, %get3A_2003] {strides = array<i32>} : memref<128x128xf32, #tpu.memory_space<vmem>>, vector<1x16xf32>,
      %get3A_2005 = vector.shape_cast %get3A_2004 : vector<1x16xf32> to vector<16xf32>
      %swap3A_2006 = arith.index_cast %scan3A_1994 : i32 to index
      %swap3A_2007 = arith.constant 96 : index
      %swap3A_2008 = tpu.vector_load %arg10[%swap3A_2006, %swap3A_2007] {strides = array<i32>} : memref<128x128xf32, #tpu.memory_space<vmem>>, vector<1x16xf32>,
      %swap3A_2009 = vector.shape_cast %swap3A_2008 : vector<1x16xf32> to vector<16xf32>
      %swap3A_2010 = vector.shape_cast %get3A_2005 : vector<16xf32> to vector<1x16xf32>
      tpu.vector_store %arg10[%swap3A_2006, %swap3A_2007], %swap3A_2010 {strides = array<i32>} : memref<128x128xf32, #tpu.memory_space<vmem>>, vector<1x16xf32>,
      %get3A_2011 = arith.index_cast %scan3A_1994 : i32 to index
      %get3A_2012 = arith.constant 79 : index
      %get3A_2013 = tpu.vector_load %arg10[%get3A_2011, %get3A_2012] {strides = array<i32>} : memref<128x128xf32, #tpu.memory_space<vmem>>, vector<1x16xf32>,
      %get3A_2014 = vector.shape_cast %get3A_2013 : vector<1x16xf32> to vector<16xf32>
      %swap3A_2015 = arith.index_cast %scan3A_1994 : i32 to index
      %swap3A_2016 = arith.constant 80 : index
      %swap3A_2017 = tpu.vector_load %arg10[%swap3A_2015, %swap3A_2016] {strides = array<i32>} : memref<128x128xf32, #tpu.memory_space<vmem>>, vector<1x16xf32>,
      %swap3A_2018 = vector.shape_cast %swap3A_2017 : vector<1x16xf32> to vector<16xf32>
      %swap3A_2019 = vector.shape_cast %get3A_2014 : vector<16xf32> to vector<1x16xf32>
      tpu.vector_store %arg10[%swap3A_2015, %swap3A_2016], %swap3A_2019 {strides = array<i32>} : memref<128x128xf32, #tpu.memory_space<vmem>>, vector<1x16xf32>,
      %get3A_2020 = arith.index_cast %scan3A_1994 : i32 to index
      %get3A_2021 = arith.constant 63 : index
      %get3A_2022 = tpu.vector_load %arg10[%get3A_2020, %get3A_2021] {strides = array<i32>} : memref<128x128xf32, #tpu.memory_space<vmem>>, vector<1x16xf32>,
      %get3A_2023 = vector.shape_cast %get3A_2022 : vector<1x16xf32> to vector<16xf32>
      %swap3A_2024 = arith.index_cast %scan3A_1994 : i32 to index
      %swap3A_2025 = arith.constant 64 : index
      %swap3A_2026 = tpu.vector_load %arg10[%swap3A_2024, %swap3A_2025] {strides = array<i32>} : memref<128x128xf32, #tpu.memory_space<vmem>>, vector<1x16xf32>,
      %swap3A_2027 = vector.shape_cast %swap3A_2026 : vector<1x16xf32> to vector<16xf32>
      %swap3A_2028 = vector.shape_cast %get3A_2023 : vector<16xf32> to vector<1x16xf32>
      tpu.vector_store %arg10[%swap3A_2024, %swap3A_2025], %swap3A_2028 {strides = array<i32>} : memref<128x128xf32, #tpu.memory_space<vmem>>, vector<1x16xf32>,
      %get3A_2029 = arith.index_cast %scan3A_1994 : i32 to index
      %get3A_2030 = arith.constant 47 : index
      %get3A_2031 = tpu.vector_load %arg10[%get3A_2029, %get3A_2030] {strides = array<i32>} : memref<128x128xf32, #tpu.memory_space<vmem>>, vector<1x16xf32>,
      %get3A_2032 = vector.shape_cast %get3A_2031 : vector<1x16xf32> to vector<16xf32>
      %swap3A_2033 = arith.index_cast %scan3A_1994 : i32 to index
      %swap3A_2034 = arith.constant 48 : index
      %swap3A_2035 = tpu.vector_load %arg10[%swap3A_2033, %swap3A_2034] {strides = array<i32>} : memref<128x128xf32, #tpu.memory_space<vmem>>, vector<1x16xf32>,
      %swap3A_2036 = vector.shape_cast %swap3A_2035 : vector<1x16xf32> to vector<16xf32>
      %swap3A_2037 = vector.shape_cast %get3A_2032 : vector<16xf32> to vector<1x16xf32>
      tpu.vector_store %arg10[%swap3A_2033, %swap3A_2034], %swap3A_2037 {strides = array<i32>} : memref<128x128xf32, #tpu.memory_space<vmem>>, vector<1x16xf32>,
      %get3A_2038 = arith.index_cast %scan3A_1994 : i32 to index
      %get3A_2039 = arith.constant 31 : index
      %get3A_2040 = tpu.vector_load %arg10[%get3A_2038, %get3A_2039] {strides = array<i32>} : memref<128x128xf32, #tpu.memory_space<vmem>>, vector<1x16xf32>,
      %get3A_2041 = vector.shape_cast %get3A_2040 : vector<1x16xf32> to vector<16xf32>
      %swap3A_2042 = arith.index_cast %scan3A_1994 : i32 to index
      %swap3A_2043 = arith.constant 32 : index
      %swap3A_2044 = tpu.vector_load %arg10[%swap3A_2042, %swap3A_2043] {strides = array<i32>} : memref<128x128xf32, #tpu.memory_space<vmem>>, vector<1x16xf32>,
      %swap3A_2045 = vector.shape_cast %swap3A_2044 : vector<1x16xf32> to vector<16xf32>
      %swap3A_2046 = vector.shape_cast %get3A_2041 : vector<16xf32> to vector<1x16xf32>
      tpu.vector_store %arg10[%swap3A_2042, %swap3A_2043], %swap3A_2046 {strides = array<i32>} : memref<128x128xf32, #tpu.memory_space<vmem>>, vector<1x16xf32>,
      %get3A_2047 = arith.index_cast %scan3A_1994 : i32 to index
      %get3A_2048 = arith.constant 15 : index
      %get3A_2049 = tpu.vector_load %arg10[%get3A_2047, %get3A_2048] {strides = array<i32>} : memref<128x128xf32, #tpu.memory_space<vmem>>, vector<1x16xf32>,
      %get3A_2050 = vector.shape_cast %get3A_2049 : vector<1x16xf32> to vector<16xf32>
      %swap3A_2051 = arith.index_cast %scan3A_1994 : i32 to index
      %swap3A_2052 = arith.constant 16 : index
      %swap3A_2053 = tpu.vector_load %arg10[%swap3A_2051, %swap3A_2052] {strides = array<i32>} : memref<128x128xf32, #tpu.memory_space<vmem>>, vector<1x16xf32>,
      %swap3A_2054 = vector.shape_cast %swap3A_2053 : vector<1x16xf32> to vector<16xf32>
      %swap3A_2055 = vector.shape_cast %get3A_2050 : vector<16xf32> to vector<1x16xf32>
      tpu.vector_store %arg10[%swap3A_2051, %swap3A_2052], %swap3A_2055 {strides = array<i32>} : memref<128x128xf32, #tpu.memory_space<vmem>>, vector<1x16xf32>,
      %get3A_2056 = arith.index_cast %scan3A_1994 : i32 to index
      %get3A_2057 = arith.constant 0 : index
      %get3A_2058 = tpu.vector_load %arg10[%get3A_2056, %get3A_2057] {strides = array<i32>} : memref<128x128xf32, #tpu.memory_space<vmem>>, vector<1x16xf32>,
      %get3A_2059 = vector.shape_cast %get3A_2058 : vector<1x16xf32> to vector<16xf32>
      %broadcast_in_dim3A = vector.shape_cast %max3A_1931 : vector<16xi32> to vector<16x1xi32>
      %gather3A = vector.shape_cast %broadcast_in_dim3A : vector<16x1xi32> to vector<16xi32>
      %gather3A_2060 = tpu.dynamic_gather %get3A_2059[%gather3A] in [0] : vector<16xf32>, vector<16xi32> -> vector<16xf32>
      %eq3A = arith.constant 0 : i32
      %eq3A_2061 = vector.broadcast %eq3A : i32 to vector<16xi32>
      %eq3A_2062 = arith.cmpi eq, %iota3A_1925, %eq3A_2061 : vector<16xi32>
      %jit3A = arith.constant 0.000000e+00 : f32
      %broadcast_in_dim3A_2063 = vector.broadcast %jit3A : f32 to vector<16xf32>
      %select_n3A = arith.select %eq3A_2062, %broadcast_in_dim3A_2063, %gather3A_2060 : vector<16xi1>, vector<16xf32>
      %swap3A_2064 = arith.index_cast %scan3A_1994 : i32 to index
      %swap3A_2065 = arith.constant 0 : index
      %swap3A_2066 = tpu.vector_load %arg10[%swap3A_2064, %swap3A_2065] {strides = array<i32>} : memref<128x128xf32, #tpu.memory_space<vmem>>, vector<1x16xf32>,
      %swap3A_2067 = vector.shape_cast %swap3A_2066 : vector<1x16xf32> to vector<16xf32>
      %swap3A_2068 = vector.shape_cast %select_n3A : vector<16xf32> to vector<1x16xf32>
      tpu.vector_store %arg10[%swap3A_2064, %swap3A_2065], %swap3A_2068 {strides = array<i32>} : memref<128x128xf32, #tpu.memory_space<vmem>>, vector<1x16xf32>,
    }
    %scan3A_1937 = arith.constant 128 : i32
    %dma_start3A_1938 = arith.constant 7 : i32
    %dma_start3A_1939 = arith.constant 0 : i32
    %dma_start3A_1940 = tpu.memref_slice %arg8[%dma_start3A_1938, %dma_start3A_1939] : memref<8x128xi32, #tpu.memory_space<vmem>> -> memref<1x128xi32, #tpu.memory_space<vmem>>
    %dma_start3A_1941 = tpu.memref_squeeze %dma_start3A_1940 : memref<1x128xi32, #tpu.memory_space<vmem>> -> memref<128xi32, #tpu.memory_space<vmem>>
    %dma_start3A_1942 = arith.constant 0 : i32
    %dma_start3A_1943 = arith.constant 0 : i32
    %dma_start3A_1944 = tpu.memref_slice %arg6[%dma_start3A_1942, %dma_start3A_1943] : memref<262144x128xf32, #tpu.memory_space<hbm>> -> memref<262144x128xf32, #tpu.memory_space<hbm>>
    tpu.enqueue_indirect_dma source(%arg10 : memref<128x128xf32, #tpu.memory_space<vmem>>) target(%dma_start3A_1944 : memref<262144x128xf32, #tpu.memory_space<hbm>>) offsets(%dma_start3A_1941 : memref<128xi32, #tpu.memory_space<vmem>>) semaphore(%arg24 : memref<!tpu.dma_semaphore, #tpu.memory_space<semaphore_mem>>)
    %dma_wait3A_1945 = arith.constant 7 : i32
    %dma_wait3A_1946 = arith.constant 0 : i32
    %dma_wait3A_1947 = tpu.memref_slice %arg8[%dma_wait3A_1945, %dma_wait3A_1946] : memref<8x128xi32, #tpu.memory_space<vmem>> -> memref<1x128xi32, #tpu.memory_space<vmem>>
    %dma_wait3A_1948 = tpu.memref_squeeze %dma_wait3A_1947 : memref<1x128xi32, #tpu.memory_space<vmem>> -> memref<128xi32, #tpu.memory_space<vmem>>
    %dma_wait3A_1949 = arith.constant 0 : i32
    %dma_wait3A_1950 = arith.constant 0 : i32
    %dma_wait3A_1951 = tpu.memref_slice %arg6[%dma_wait3A_1949, %dma_wait3A_1950] : memref<262144x128xf32, #tpu.memory_space<hbm>> -> memref<262144x128xf32, #tpu.memory_space<hbm>>
    tpu.wait_indirect_dma semaphore(%arg24 : memref<!tpu.dma_semaphore, #tpu.memory_space<semaphore_mem>>) src(%arg10 : memref<128x128xf32, #tpu.memory_space<vmem>>) dst(%dma_wait3A_1951 : memref<262144x128xf32, #tpu.memory_space<hbm>>)
    %dma_wait3A_1952 = arith.constant 43 : i32
    %dma_wait3A_1953 = arith.constant 0 : i32
    %dma_wait3A_1954 = tpu.memref_slice %arg9[%dma_wait3A_1952, %dma_wait3A_1953] : memref<48x128xi32, #tpu.memory_space<vmem>> -> memref<1x128xi32, #tpu.memory_space<vmem>>
    %dma_wait3A_1955 = tpu.memref_squeeze %dma_wait3A_1954 : memref<1x128xi32, #tpu.memory_space<vmem>> -> memref<128xi32, #tpu.memory_space<vmem>>
    %dma_wait3A_1956 = arith.constant 0 : i32
    %dma_wait3A_1957 = arith.constant 0 : i32
    %dma_wait3A_1958 = tpu.memref_slice %arg6[%dma_wait3A_1956, %dma_wait3A_1957] : memref<262144x128xf32, #tpu.memory_space<hbm>> -> memref<262144x128xf32, #tpu.memory_space<hbm>>
    tpu.wait_indirect_dma semaphore(%arg25 : memref<!tpu.dma_semaphore, #tpu.memory_space<semaphore_mem>>) src(%arg11 : memref<128x128xf32, #tpu.memory_space<vmem>>) dst(%dma_wait3A_1958 : memref<262144x128xf32, #tpu.memory_space<hbm>>)
    %dma_wait3A_1959 = arith.constant 44 : i32
    %dma_wait3A_1960 = arith.constant 0 : i32
    %dma_wait3A_1961 = tpu.memref_slice %arg9[%dma_wait3A_1959, %dma_wait3A_1960] : memref<48x128xi32, #tpu.memory_space<vmem>> -> memref<1x128xi32, #tpu.memory_space<vmem>>
    %dma_wait3A_1962 = tpu.memref_squeeze %dma_wait3A_1961 : memref<1x128xi32, #tpu.memory_space<vmem>> -> memref<128xi32, #tpu.memory_space<vmem>>
    %dma_wait3A_1963 = arith.constant 0 : i32
    %dma_wait3A_1964 = arith.constant 0 : i32
    %dma_wait3A_1965 = tpu.memref_slice %arg6[%dma_wait3A_1963, %dma_wait3A_1964] : memref<262144x128xf32, #tpu.memory_space<hbm>> -> memref<262144x128xf32, #tpu.memory_space<hbm>>
    tpu.wait_indirect_dma semaphore(%arg26 : memref<!tpu.dma_semaphore, #tpu.memory_space<semaphore_mem>>) src(%arg12 : memref<128x128xf32, #tpu.memory_space<vmem>>) dst(%dma_wait3A_1965 : memref<262144x128xf32, #tpu.memory_space<hbm>>)
    %dma_wait3A_1966 = arith.constant 6 : i32
    %dma_wait3A_1967 = arith.constant 0 : i32
    %dma_wait3A_1968 = tpu.memref_slice %arg8[%dma_wait3A_1966, %dma_wait3A_1967] : memref<8x128xi32, #tpu.memory_space<vmem>> -> memref<1x128xi32, #tpu.memory_space<vmem>>
    %dma_wait3A_1969 = tpu.memref_squeeze %dma_wait3A_1968 : memref<1x128xi32, #tpu.memory_space<vmem>> -> memref<128xi32, #tpu.memory_space<vmem>>
    %dma_wait3A_1970 = arith.constant 0 : i32
    %dma_wait3A_1971 = arith.constant 0 : i32
    %dma_wait3A_1972 = tpu.memref_slice %arg6[%dma_wait3A_1970, %dma_wait3A_1971] : memref<262144x128xf32, #tpu.memory_space<hbm>> -> memref<262144x128xf32, #tpu.memory_space<hbm>>
    tpu.wait_indirect_dma semaphore(%arg27 : memref<!tpu.dma_semaphore, #tpu.memory_space<semaphore_mem>>) src(%arg13 : memref<128x128xf32, #tpu.memory_space<vmem>>) dst(%dma_wait3A_1972 : memref<262144x128xf32, #tpu.memory_space<hbm>>)
    %dma_wait3A_1973 = arith.constant 45 : i32
    %dma_wait3A_1974 = arith.constant 0 : i32
    %dma_wait3A_1975 = tpu.memref_slice %arg9[%dma_wait3A_1973, %dma_wait3A_1974] : memref<48x128xi32, #tpu.memory_space<vmem>> -> memref<1x128xi32, #tpu.memory_space<vmem>>
    %dma_wait3A_1976 = tpu.memref_squeeze %dma_wait3A_1975 : memref<1x128xi32, #tpu.memory_space<vmem>> -> memref<128xi32, #tpu.memory_space<vmem>>
    %dma_wait3A_1977 = arith.constant 0 : i32
    %dma_wait3A_1978 = arith.constant 0 : i32
    %dma_wait3A_1979 = tpu.memref_slice %arg6[%dma_wait3A_1977, %dma_wait3A_1978] : memref<262144x128xf32, #tpu.memory_space<hbm>> -> memref<262144x128xf32, #tpu.memory_space<hbm>>
    tpu.wait_indirect_dma semaphore(%arg28 : memref<!tpu.dma_semaphore, #tpu.memory_space<semaphore_mem>>) src(%arg14 : memref<128x128xf32, #tpu.memory_space<vmem>>) dst(%dma_wait3A_1979 : memref<262144x128xf32, #tpu.memory_space<hbm>>)
    %dma_wait3A_1980 = arith.constant 46 : i32
    %dma_wait3A_1981 = arith.constant 0 : i32
    %dma_wait3A_1982 = tpu.memref_slice %arg9[%dma_wait3A_1980, %dma_wait3A_1981] : memref<48x128xi32, #tpu.memory_space<vmem>> -> memref<1x128xi32, #tpu.memory_space<vmem>>
    %dma_wait3A_1983 = tpu.memref_squeeze %dma_wait3A_1982 : memref<1x128xi32, #tpu.memory_space<vmem>> -> memref<128xi32, #tpu.memory_space<vmem>>
    %dma_wait3A_1984 = arith.constant 0 : i32
    %dma_wait3A_1985 = arith.constant 0 : i32
    %dma_wait3A_1986 = tpu.memref_slice %arg6[%dma_wait3A_1984, %dma_wait3A_1985] : memref<262144x128xf32, #tpu.memory_space<hbm>> -> memref<262144x128xf32, #tpu.memory_space<hbm>>
    tpu.wait_indirect_dma semaphore(%arg29 : memref<!tpu.dma_semaphore, #tpu.memory_space<semaphore_mem>>) src(%arg15 : memref<128x128xf32, #tpu.memory_space<vmem>>) dst(%dma_wait3A_1986 : memref<262144x128xf32, #tpu.memory_space<hbm>>)
    %dma_wait3A_1987 = arith.constant 47 : i32
    %dma_wait3A_1988 = arith.constant 0 : i32
    %dma_wait3A_1989 = tpu.memref_slice %arg9[%dma_wait3A_1987, %dma_wait3A_1988] : memref<48x128xi32, #tpu.memory_space<vmem>> -> memref<1x128xi32, #tpu.memory_space<vmem>>
    %dma_wait3A_1990 = tpu.memref_squeeze %dma_wait3A_1989 : memref<1x128xi32, #tpu.memory_space<vmem>> -> memref<128xi32, #tpu.memory_space<vmem>>
    %dma_wait3A_1991 = arith.constant 0 : i32
    %dma_wait3A_1992 = arith.constant 0 : i32
    %dma_wait3A_1993 = tpu.memref_slice %arg6[%dma_wait3A_1991, %dma_wait3A_1992] : memref<262144x128xf32, #tpu.memory_space<hbm>> -> memref<262144x128xf32, #tpu.memory_space<hbm>>
    tpu.wait_indirect_dma semaphore(%arg30 : memref<!tpu.dma_semaphore, #tpu.memory_space<semaphore_mem>>) src(%arg16 : memref<128x128xf32, #tpu.memory_space<vmem>>) dst(%dma_wait3A_1993 : memref<262144x128xf32, #tpu.memory_space<hbm>>)
    return
  }
}

</mosaic_0001>

<sc_bundles>
// kernel: _run.3.cloned.1.call-start
scs
__scs_entry_jumppad:
0x0: {  	(pc) =	sbr.rel $0x88, $3  }
0x1: {  	(tag) =	ssettag $0x0;
	lr =	simm.s32 $0x1  }
0x2: {  	[smem:$0x3F9D] =	sst lr;
	_ =	strace $0xD0000000  }
0x3: {  	_ = 	snop  }
0x4: {  	_ = 	snop  }
0x5: {  	_ = 	snop  }
0x6: {  	_ = 	snop  }
0x7: {  	_ = 	snop  }
__scs_overlays_trampoline_lowered:
0x8: {  	[smem:$0x3FAC] =	sst s0  }
0x9: {  	[smem:$0x3FAD] =	sst s1  }
0xa: {  	[smem:$0x3FAE] =	sst s2  }
0xb: {  	[smem:$0x3FAF] =	sst s3  }
0xc: {  	[smem:$0x3FB0] =	sst s4  }
0xd: {  	[smem:$0x3FB1] =	sst s5  }
0xe: {  	[smem:$0x3FB2] =	sst s6  }
0xf: {  	[smem:$0x3FB3] =	sst s7  }
0x10: {  	[smem:$0x3FB4] =	sst s8  }
0x11: {  	[smem:$0x3FB5] =	sst s9;
	s0 =	simm.s32 @!p0 $0x0  }
0x12: {  	s1 =	sld [smem:$0x3F9B];
	s0 =	simm.s32 @p0 $0x1  }
0x13: {  	[smem:$0x3FB6] =	sst s0;
	s0 =	simm.s32 @!p1 $0x0  }
0x14: {  	s2 =	sld [smem:$0x3F9A];
	s0 =	simm.s32 @p1 $0x1  }
0x15: {  	[smem:$0x3FB7] =	sst s0;
	s0 =	simm.s32 @!p2 $0x0  }
0x16: {  	s3 =	sld [smem:$0x3FDB];
	s0 =	simm.s32 @p2 $0x1  }
0x17: {  	s4 =	simm.s32 $0x1BF5;
	[smem:$0x3FB9] =	sst s0  }
0x18: {  	s0 =	sld [smem:$0x3F9C];
	_ =	swait.ge [sflag:s4], $0x0  }
0x19: {  	s7 =	sld [smem:$0x3F9D]  }
0x1a: {  	s8 =	sadd.s32 $0xFFFFE003, lr  }
0x1b: {  	s9 =	sadd.s32 $0xFFFFFEF7, lr;
	s5 =	simm.s32 $0xFFFFFFFF;
	p2 =	slt.u32 s8, $0xFFFFF086  }
0x1c: {  	p1 =	slt.u32 s9, $0xF7A;
	s5 =	simm.s32 @!p2 $0x0  }
0x1d: {  	s5 =	simm.s32 @p1 $0x1;
	p0 =	seq.s32 s7, s2  }
0x1e: {  	s7 =	smul.u32 @!p0 $0xF7A, s2;
	p2 =	seq.s32 @!p0 s5, $0x0  }
0x1f: {  	s9 =	smul.u32 $0xF7A, s1;
	s8 =	simm.s32 @!p0 $0x1BF5;
	p2 =	por !p2, p0  }
0x20: {  	[sflag:s8] =	ssyncset.s32 @!p0 $0xFFFFF086;
	s6 =	sadd.s32 @!p0 s3, s7;
	s7 =	simm.s32 @!p0 $0x108  }
0x21: {  	s3 =	sadd.s32 s3, s9;
	s6 =	sadd.s32 @!p0 $0x88, s6;
	s7 =	simm.s32 @p2 $0x1082  }
0x22: {  	[simem:s7], [sflag:s8] =	dma.local @!p0 [hbm:s6], $0xF7A  }
0x23: {  	s9 =	sor.u32 $0xD0000000, s2;
	s6 =	simm.s32 $0x108;
	_ =	swait.ge @!p0 [sflag:s8], $0x0  }
0x24: {  	s3 =	sadd.s32 $0x88, s3;
	s6 =	simm.s32 @!p1 $0x1082;
	[sflag:s4] =	ssyncset.s32 $0xFFFFF086  }
0x25: {  	[simem:s6], [sflag:s4] =	dma.local [hbm:s3], $0xF7A  }
0x26: {  	[smem:$0x3F9D] =	sst s1;
	(tag) =	ssettag s2;
	_ =	strace s9  }
0x27: {  	s1 =	sld [smem:$0x3FAD]  }
0x28: {  	s2 =	sld [smem:$0x3FAE]  }
0x29: {  	s4 =	sld [smem:$0x3FB0]  }
0x2a: {  	p0 =	seq.s32 s5, $0x0;
	s5 =	sld [smem:$0x3FB1]  }
0x2b: {  	s6 =	sld [smem:$0x3FB2]  }
0x2c: {  	s7 =	sld [smem:$0x3FB3]  }
0x2d: {  	s3 =	simm.s32 $0x108;
	s8 =	sld [smem:$0x3FB4]  }
0x2e: {  	s3 =	simm.s32 @!p0 $0x1082;
	s9 =	sld [smem:$0x3FB5]  }
0x2f: {  	lr =	sadd.s32 s0, s3;
	s0 =	sld [smem:$0x3FAC]  }
0x30: {  	s3 =	sld [smem:$0x3FAF]  }
0x31: {  	[smem:$0x3FB8] =	sst s10  }
0x32: {  	s10 =	sld [smem:$0x3FB6];
	_ =	sdelay $0x3  }
0x33: {  	p0 =	seq.s32 s10, $0x1;
	s10 =	sld [smem:$0x3FB8];
	_ =	sdelay $0x3  }
0x34: {  	[smem:$0x3FB8] =	sst s10  }
0x35: {  	s10 =	sld [smem:$0x3FB7];
	_ =	sdelay $0x3  }
0x36: {  	p1 =	seq.s32 s10, $0x1;
	s10 =	sld [smem:$0x3FB8];
	_ =	sdelay $0x3  }
0x37: {  	[smem:$0x3FB8] =	sst s10  }
0x38: {  	s10 =	sld [smem:$0x3FB9]  }
0x39: {  	_ = 	snop;
	(pc) =	sbr.ind lr, $3  }
0x3a: {  	_ = 	snop  }
0x3b: {  	_ = 	snop  }
0x3c: {  	p2 =	seq.s32 s10, $0x1;
	s10 =	sld [smem:$0x3FB8]  }
0x3d: {  	_ =	shalt  }
0x3e: {  	_ =	shalt  }
0x3f: {  	_ =	shalt  }
0x40: {  	_ =	shalt  }
0x41: {  	_ =	shalt  }
0x42: {  	_ =	shalt  }
0x43: {  	_ =	shalt  }
0x44: {  	_ =	shalt  }
0x45: {  	_ =	shalt  }
0x46: {  	_ =	shalt  }
0x47: {  	_ =	shalt  }
0x48: {  	_ =	shalt  }
0x49: {  	_ =	shalt  }
0x4a: {  	_ =	shalt  }
0x4b: {  	_ =	shalt  }
0x4c: {  	_ =	shalt  }
0x4d: {  	_ =	shalt  }
0x4e: {  	_ =	shalt  }
0x4f: {  	_ =	shalt  }
0x50: {  	_ =	shalt  }
0x51: {  	_ =	shalt  }
0x52: {  	_ =	shalt  }
0x53: {  	_ =	shalt  }
0x54: {  	_ =	shalt  }
0x55: {  	_ =	shalt  }
0x56: {  	_ =	shalt  }
0x57: {  	_ =	shalt  }
0x58: {  	_ =	shalt  }
0x59: {  	_ =	shalt  }
0x5a: {  	_ =	shalt  }
0x5b: {  	_ =	shalt  }
0x5c: {  	_ =	shalt  }
0x5d: {  	_ =	shalt  }
0x5e: {  	_ =	shalt  }
0x5f: {  	_ =	shalt  }
0x60: {  	_ =	shalt  }
0x61: {  	_ =	shalt  }
0x62: {  	_ =	shalt  }
0x63: {  	_ =	shalt  }
0x64: {  	_ =	shalt  }
0x65: {  	_ =	shalt  }
0x66: {  	_ =	shalt  }
0x67: {  	_ =	shalt  }
0x68: {  	_ =	shalt  }
0x69: {  	_ =	shalt  }
0x6a: {  	_ =	shalt  }
0x6b: {  	_ =	shalt  }
0x6c: {  	_ =	shalt  }
0x6d: {  	_ =	shalt  }
0x6e: {  	_ =	shalt  }
0x6f: {  	_ =	shalt  }
0x70: {  	_ =	shalt  }
0x71: {  	_ =	shalt  }
0x72: {  	_ =	shalt  }
0x73: {  	_ =	shalt  }
0x74: {  	_ =	shalt  }
0x75: {  	_ =	shalt  }
0x76: {  	_ =	shalt  }
0x77: {  	_ =	shalt  }
0x78: {  	_ =	shalt  }
0x79: {  	_ =	shalt  }
0x7a: {  	_ =	shalt  }
0x7b: {  	_ =	shalt  }
0x7c: {  	_ =	shalt  }
0x7d: {  	_ =	shalt  }
0x7e: {  	_ =	shalt  }
0x7f: {  	_ =	shalt  }
0x80: {  	_ =	shalt  }
0x81: {  	_ =	shalt  }
0x82: {  	_ =	shalt  }
0x83: {  	_ =	shalt  }
0x84: {  	_ =	shalt  }
0x85: {  	_ =	shalt  }
0x86: {  	_ =	shalt  }
0x87: {  	_ =	shalt  }
.Lfunc_end0:
.L_simem_size_0:
called_computation_lowered:
.L_overlay_start_0:
0x88: {  	s2 =	sld [smem:$0x3FD9]  }
0x89: {  	s3 =	sld [smem:$0x3FFE];
	_ =	sdelay $0x1  }
0x8a: {  	s1 =	srdreg.scid  }
0x8b: {  	s0 =	sand.u32 $0x1, s1  }
0x8c: {  	s18 =	sshll.u32 s0, $0xA;
	s2 =	sadd.s32 s3, s2  }
0x8d: {  	s2 =	sadd.s32 s2, s18  }
0x8e: {  	[smem:$0x3FC4] =	sst s2  }
0x8f: {  	_ = 	snop  }
0x90: {  	s2 =	sld [smem:$0x3FC9]  }
0x91: {  	s19 =	sld [smem:$0x3FC8]  }
0x92: {  	s4 =	sld [smem:$0x3FC7]  }
0x93: {  	s5 =	sld [smem:$0x3FC6]  }
0x94: {  	s6 =	sld [smem:$0x3FD0];
	(tm) =	ssettm $0x1  }
0x95: {  	s7 =	sld [smem:$0x3FFB];
	_ =	sdelay $0x3  }
0x96: {  	_ =	strace s7  }
0x97: {  	s7 =	sld [smem:$0x3FFC];
	_ =	sdelay $0x3  }
0x98: {  	_ =	strace s7  }
0x99: {  	s7 =	sld [smem:$0x3FFD];
	_ =	sdelay $0x3  }
0x9a: {  	_ =	strace s7  }
0x9b: {  	_ =	strace $0x8FFFFFFF  }
0x9c: {  	s20 =	sld [smem:$0x3FDB];
	_ =	sdelay $0x1  }
0x9d: {  	s8 =	simm.s32 $_scs_section_size  }
0x9e: {  	s9 =	simm.s32 $_size__tile_overlayer_lowered;
	s10 =	simm.s32 $_tile_overlayer_lowered  }
0x9f: {  	s23 =	simm.s32 $0x1BFF;
	s22 =	sshll.u32 s10, $0x1;
	s7 =	sadd.s32 s8, s20  }
0xa0: {  	s11 =	simm.s32 $0x0;
	s21 =	sshll.u32 s9, $0x1;
	s9 =	sadd.s32 s22, s7  }
0xa1: {  	[timem:s11], [sflag:s23] =	dma.local [hbm:s9], s21  }
0xa2: {  	_ =	swait.ge [sflag:s23], s21  }
0xa3: {  	s8 =	ssub.s32 $0x0, s21;
	[sflag:s23] =	ssyncset.done $0x0  }
0xa4: {  	[sflag:s23] =	ssyncadd.s32 s8;
	_ =	sdelay $0x1  }
0xa5: {  	s24 =	simm.s32 $0x1B8B  }
0xa6: {  	_ =	swait.ge [sflag:s24], $0x1  }
0xa7: {  	[sflag:s24] =	ssyncset.done $0x0  }
0xa8: {  	s25 =	simm.s32 $0x1B8E;
	[sflag:s24] =	ssyncadd.s32 $0xFFFFFFFF  }
0xa9: {  	s26 =	simm.s32 $execute0_lowered;
	[smem:$0x3FD2] =	sst s25  }
0xaa: {  	s8 =	sshll.u32 s26, $0x1;
	_ =	strace $0x80000046;
	[dreg:$0x1] =	wrdreg $0xFFFFFFFF  }
0xab: {  	s28 =	simm.s32 $_size_execute0_lowered;
	s7 =	sadd.s32 s7, s8;
	[dreg:$0x0] =	wrdreg $0x0  }
0xac: {  	s8 =	sshll.u32 s28, $0x1;
	[dreg:$0x2] =	wrdreg s7  }
0xad: {  	[dreg:$0x3] =	wrdreg s8  }
0xae: {  	[dreg:$0x4] =	wrdreg $0xC0  }
0xaf: {  	_ =	task [dreg:s11], $0x5FFFF  }
0xb0: {  	[dreg:$0x1] =	wrdreg $0xFFFFFFFF  }
0xb1: {  	[dreg:$0x0] =	wrdreg $0x60  }
0xb2: {  	[dreg:$0x2] =	wrdreg s2  }
0xb3: {  	[dreg:$0x3] =	wrdreg s19  }
0xb4: {  	[dreg:$0x4] =	wrdreg s4  }
0xb5: {  	[dreg:$0x5] =	wrdreg s5  }
0xb6: {  	[dreg:$0x6] =	wrdreg s6  }
0xb7: {  	[dreg:$0x7] =	wrdreg $0x9  }
0xb8: {  	_ =	task.clear_ibuf [dreg:s11], $0x8FFFF;
	_ =	strace $0x90000046  }
0xb9: {  	s29 =	simm.s32 $0x9;
	_ =	strace $0x80000048  }
0xba: {  	_ =	swait.ge [sflag:s29], $0x1  }
0xbb: {  	[sflag:s29] =	ssyncadd.s32 $0xFFFFFFFF  }
0xbc: {  	_ =	strace $0x90000048  }
0xbd: {  	_ =	sfence  }
0xbe: {  	s30 =	sld [smem:$0x0];
	_ =	sdelay $0x2  }
0xbf: {  	s31 =	sshll.u32 s1, $0xD;
	s1 =	sshrl.u32 s1, $0x2  }
0xc0: {  	s3 =	sand.u32 $0x4000, s31;
	s1 =	sadd.s32 s1, s30  }
0xc1: {  	s0 =	sor.u32 s3, s0;
	s1 =	sshll.u32 s1, $0x11  }
0xc2: {  	s0 =	sor.u32 s1, s0  }
0xc3: {  	s0 =	sadd.s32 $0x8F2B, s0  }
0xc4: {  	[sflag:s0] =	ssyncadd.remote.s32 $0x1  }
0xc5: {  	_ =	sfence.sel $0xFFFF  }
0xc6: {  	[dreg:$0x0] =	wrdreg $0xFFFFFFFF;
	(pc) =	sbr.abs _section_cstart, $3  }
0xc7: {  	[dreg:$0x1] =	wrdreg $0xFFFFFFFF  }
0xc8: {  	_ =	task.clear_ibuf [dreg:s11], $0x2FFFF;
	_ =	strace $0x9FFFFFFF  }
0xc9: {  	(tm) =	ssettm $0x7FFFFFFF  }
tec
execute0_lowered:
.L_overlay_start_1:
0x0: {  	(tag) =	ssettag $0x1  }
0x1: {  	s0 =	rddreg [dreg:$0x0]  }
0x2: {  	s1 =	rddreg [dreg:$0x1]  }
0x3: {  	s2 =	rddreg [dreg:$0x2]  }
0x4: {  	s5 =	rddreg [dreg:$0x3]  }
0x5: {  	s3 =	rddreg [dreg:$0x4]  }
0x6: {  	s4 =	srdreg.scid;
	s7 =	stileid.u32;
	s12 =	simm.s32 $0x80  }
0x7: {  	s13 =	simm.s32 $0x2000;
	s15 =	simm.s32 $0x6000;
	s17 =	simm.s32 $0xA000  }
0x8: {  	s18 =	simm.s32 $0xE000;
	s20 =	simm.s32 $0x12000;
	s21 =	simm.s32 $0x1  }
0x9: {  	s28 =	simm.s32 $0x3;
	s29 =	simm.s32 $0x8;
	s30 =	simm.s32 $0x4  }
0xa: {  	s31 =	simm.s32 $0x9;
	s14 =	simm.s32 $0xA;
	s19 =	simm.s32 $0x6  }
0xb: {  	s22 =	simm.s32 $0xB;
	s6 =	sand.u32 $0x1, s4;
	s7 =	sshll.u32 s7, $0x1  }
0xc: {  	s4 =	simm.s32 $0x0;
	s8 =	ssub.s32 $0x2, s6;
	s6 =	sor.u32 s6, s7  }
0xd: {  	[smem:$0x7FF] =	sst s4;
	s23 =	sshrl.u32 s8, $0x1;
	s9 =	smul.u32 $0x300, s6  }
0xe: {  	v0 =	vimm.s32 $0xFFEDCBA9;
	v2 =	vimm.s32 $0xEDCBA987;
	_ =	strace $0x80000047;
	s6 =	sshll.u32 s6, $0x7;
	s7 =	ssub.s32 s8, s23  }
0xf: {  	v1 =	vimm.s32 $0x87654321;
	v3 =	vimm.s32 $0x65432100;
	v2 =	vunpack.c.l.s4.s8 v2;
	s1 =	sadd.s32 s1, s6;
	s24 =	sadd.s32 s2, s6;
	s23 =	simm.s32 $0x16000  }
0x10: {  	v0 =	vunpack.c.l.s4.s8 v0;
	v1 =	vunpack.c.l.s4.s8 v1;
	v3 =	vunpack.c.l.s4.s8 v3;
	s2 =	simm.s32 $0x5;
	s6 =	simm.s32 $0xD;
	[dreg:$0x6] =	wrdreg s1  }
0x11: {  	v2 =	vunpack.c.0.s8.s32 v2;
	s8 =	simm.s32 $0xE;
	[dreg:$0x7] =	wrdreg s24;
	s25 =	sadd.s32 s5, s9  }
0x12: {  	v0 =	vunpack.c.0.s8.s32 v0;
	v1 =	vunpack.c.0.s8.s32 v1;
	v3 =	vunpack.c.0.s8.s32 v3;
	s26 =	smax.u32 s7, $0x1;
	s9 =	simm.s32 $0xF;
	s24 =	simm.s32 $0x2  }
0x13: {  	s1 =	simm.s32 $0x7;
	s5 =	simm.s32 $0xC;
	v2 =	vand.u32 $0xF, v2;
	[dreg:$0x8] =	wrdreg s25  }
0x14: {  	v0 =	vcombine.low v1, v0;
	v1 =	vlaneseq.u32;
	s7 =	simm.s32 $0x0;
	[dreg:$0x9] =	wrdreg s26;
	s26 =	simm.s32 $0x1A000;
	v2 =	vcombine.low v3, v2  }
.LBB2_1:
0x15: {  	s10 =	rddreg [dreg:$0x6]  }
0x16: {  	[tilespmem:s4], [sflag:$0xF] =	stream.linear.gather [hbm4b:s10+s4], $0x400, $0x38;
	[tilespmem:$0x1E000] =	vst v63  }
0x17: {  	_ =	swait.ge [sflag:s9], $0x400  }
0x18: {  	[sflag:s9] =	ssyncset.done $0x0  }
0x19: {  	s11 =	simm.s32 $0x400;
	s25 =	rddreg [dreg:$0x7];
	[sflag:s9] =	ssyncadd.s32 $0xFFFFFC00  }
0x1a: {  	[tilespmem:s11], [sflag:$0xF] =	stream.linear.gather [hbm4b:s25+s4], $0x400, $0x38;
	[tilespmem:$0x1E000] =	vst v63  }
0x1b: {  	_ =	swait.ge [sflag:s9], $0x400  }
0x1c: {  	[sflag:s9] =	ssyncset.done $0x0  }
0x1d: {  	s11 =	simm.s32 $0x800;
	s16 =	rddreg [dreg:$0x8];
	[sflag:s9] =	ssyncadd.s32 $0xFFFFFC00  }
0x1e: {  	[tilespmem:s11], [sflag:$0xF] =	stream.linear.gather [hbm4b:s16+s4], $0x1800, $0x38;
	[tilespmem:$0x1E000] =	vst v63  }
0x1f: {  	_ =	swait.ge [sflag:s9], $0x1800  }
0x20: {  	[sflag:s9] =	ssyncset.done $0x0  }
0x21: {  	[sflag:s9] =	ssyncadd.s32 $0xFFFFE800  }
0x22: {  	[tilespmem:s13], [sflag:$0x1] =	stream.indirect.gather [hbm4b:s0+s12], $0x80, s11, s12, $0xb8;
	[tilespmem:$0x1E000] =	vst v63  }
0x23: {  	s10 =	simm.s32 $0x880  }
0x24: {  	[tilespmem:s15], [sflag:$0x2] =	stream.indirect.gather [hbm4b:s0+s12], $0x80, s10, s12, $0xb8;
	[tilespmem:$0x1E000] =	vst v63  }
0x25: {  	s16 =	simm.s32 $0x900  }
0x26: {  	[tilespmem:s17], [sflag:$0x3] =	stream.indirect.gather [hbm4b:s0+s12], $0x80, s16, s12, $0xb8;
	[tilespmem:$0x1E000] =	vst v63  }
0x27: {  	_ = 	snop  }
0x28: {  	[tilespmem:s18], [sflag:$0x4] =	stream.indirect.gather [hbm4b:s0+s12], $0x80, s4, s12, $0xb8;
	[tilespmem:$0x1E000] =	vst v63  }
0x29: {  	s25 =	simm.s32 $0x980  }
0x2a: {  	[tilespmem:s20], [sflag:$0x5] =	stream.indirect.gather [hbm4b:s0+s12], $0x80, s25, s12, $0xb8;
	[tilespmem:$0x1E000] =	vst v63  }
0x2b: {  	_ =	swait.ge [sflag:s21], $0x4000  }
0x2c: {  	[sflag:s21] =	ssyncset.done $0x0  }
0x2d: {  	[sflag:s21] =	ssyncadd.s32 $0xFFFFC000  }
0x2e: {  	[hbm4b:s3+s12] =	stream.indirect.scatter [tilespmem:s13], [sflag:$0x8], $0x80, s11, s12, $0xb8;
	[tilespmem:$0x1E000] =	vst v63  }
0x2f: {  	s25 =	simm.s32 $0xA00  }
0x30: {  	[tilespmem:s23], [sflag:$0x6] =	stream.indirect.gather [hbm4b:s0+s12], $0x80, s25, s12, $0xb8;
	[tilespmem:$0x1E000] =	vst v63  }
0x31: {  	_ =	swait.ge [sflag:s24], $0x4000  }
0x32: {  	[sflag:s24] =	ssyncset.done $0x0  }
0x33: {  	[sflag:s24] =	ssyncadd.s32 $0xFFFFC000  }
0x34: {  	[hbm4b:s3+s12] =	stream.indirect.scatter [tilespmem:s15], [sflag:$0x9], $0x80, s10, s12, $0xb8;
	[tilespmem:$0x1E000] =	vst v63  }
0x35: {  	s25 =	simm.s32 $0xA80  }
0x36: {  	[tilespmem:s26], [sflag:$0x7] =	stream.indirect.gather [hbm4b:s0+s12], $0x80, s25, s12, $0xb8;
	[tilespmem:$0x1E000] =	vst v63  }
0x37: {  	_ =	swait.ge [sflag:s28], $0x4000  }
0x38: {  	[sflag:s28] =	ssyncset.done $0x0  }
0x39: {  	[sflag:s28] =	ssyncadd.s32 $0xFFFFC000  }
0x3a: {  	[hbm4b:s3+s12] =	stream.indirect.scatter [tilespmem:s17], [sflag:$0xA], $0x80, s16, s12, $0xb8;
	[tilespmem:$0x1E000] =	vst v63  }
0x3b: {  	_ =	swait.ge [sflag:s29], $0x4000  }
0x3c: {  	[sflag:s29] =	ssyncset.done $0x0  }
0x3d: {  	[sflag:s29] =	ssyncadd.s32 $0xFFFFC000  }
0x3e: {  	[tilespmem:s13], [sflag:$0x1] =	stream.indirect.gather [hbm4b:s0+s12], $0x80, s12, s12, $0xb8;
	[tilespmem:$0x1E000] =	vst v63  }
0x3f: {  	_ =	swait.ge [sflag:s30], $0x4000  }
0x40: {  	[sflag:s30] =	ssyncset.done $0x0  }
0x41: {  	s25 =	simm.s32 $0x0;
	[sflag:s30] =	ssyncadd.s32 $0xFFFFC000  }
0x42: {  	v7 =	vld [tilespmem:s25+$0xE001]  }
0x43: {  	v6 =	vld [tilespmem:s25+$0xE011]  }
0x44: {  	v3 =	vld [tilespmem:s25+$0xE021]  }
0x45: {  	v4 =	vld [tilespmem:s25+$0xE051]  }
0x46: {  	v5 =	vld [tilespmem:s25+$0xE031]  }
0x47: {  	s10 =	simm.s32 $0x400;
	s16 =	simm.s32 $0x200;
	v8 =	vld [tilespmem:s25+$0xE070]  }
.LBB2_2:
0x48: {  	p0 =	sne.s32 s10, $0xFE00  }
0x49: {  	s11 =	sshra.s32 s16, $0x2;
	[tilespmem:s25+$0xE000] =	vst v7;
	v9 =	vld [tilespmem:s25+$0xE061];
	s16 =	smov.u32 s10;
	s10 =	sadd.s32 $0x200, s10  }
0x4a: {  	[tilespmem:s25+$0xE010] =	vst v6;
	v10 =	vld [tilespmem:s25+$0xE041]  }
0x4b: {  	v7 =	vld [tilespmem:s11+$0xE001];
	[tilespmem:s25+$0xE020] =	vst v3  }
0x4c: {  	[tilespmem:s25+$0xE050] =	vst v4  }
.Ltmp0:
0x4d: {  	vm0 =	veq.s32 v1, $0xF;
	v6 =	vld [tilespmem:s11+$0xE011];
	[tilespmem:s25+$0xE030] =	vst v5;
	v5 =	vperm.xlane v8, v0;
	(pc) =	sbr.rel @p0 .LBB2_2-.Ltmp0, $4  }
0x4e: {  	v3 =	vld [tilespmem:s11+$0xE021];
	[tilespmem:s25+$0xE060] =	vst v9  }
0x4f: {  	v4 =	vld [tilespmem:s11+$0xE051];
	[tilespmem:s25+$0xE040] =	vst v10;
	v8 =	vsel vm0, $0x0, v5  }
0x50: {  	v5 =	vld [tilespmem:s11+$0xE031];
	[tilespmem:s25+$0xE070] =	vst v8;
	s25 =	smov.u32 s11  }
0x51: {  	v8 =	vld [tilespmem:s25+$0xE070]  }
0x52: {  	[tilespmem:s25+$0xE000] =	vst v7;
	v7 =	vld [tilespmem:s25+$0xE061]  }
0x53: {  	[tilespmem:s25+$0xE010] =	vst v6;
	s10 =	sshra.s32 s16, $0x2;
	v6 =	vld [tilespmem:s25+$0xE041]  }
0x54: {  	v9 =	vld [tilespmem:s10+$0xE001];
	[tilespmem:s25+$0xE020] =	vst v3  }
0x55: {  	[tilespmem:s25+$0xE050] =	vst v4  }
0x56: {  	v3 =	vld [tilespmem:s10+$0xE011];
	[tilespmem:s25+$0xE030] =	vst v5;
	v5 =	vperm.xlane v8, v0  }
0x57: {  	v4 =	vld [tilespmem:s10+$0xE021];
	[tilespmem:s25+$0xE060] =	vst v7  }
0x58: {  	v7 =	vld [tilespmem:s10+$0xE051];
	[tilespmem:s25+$0xE040] =	vst v6;
	v5 =	vsel vm0, $0x0, v5  }
0x59: {  	v6 =	vld [tilespmem:s10+$0xE031];
	[tilespmem:s25+$0xE070] =	vst v5  }
0x5a: {  	v5 =	vld [tilespmem:s10+$0xE070]  }
0x5b: {  	[tilespmem:s10+$0xE000] =	vst v9;
	v8 =	vld [tilespmem:s10+$0xE061]  }
0x5c: {  	[tilespmem:s10+$0xE010] =	vst v3;
	v3 =	vld [tilespmem:s10+$0xE041]  }
0x5d: {  	[tilespmem:s10+$0xE020] =	vst v4  }
0x5e: {  	[tilespmem:s10+$0xE050] =	vst v7  }
0x5f: {  	[tilespmem:s10+$0xE030] =	vst v6;
	v4 =	vperm.xlane v5, v0  }
0x60: {  	[tilespmem:s10+$0xE060] =	vst v8  }
0x61: {  	[tilespmem:s10+$0xE040] =	vst v3;
	v3 =	vsel vm0, $0x0, v4  }
0x62: {  	s16 =	simm.s32 $0x0;
	[tilespmem:s10+$0xE070] =	vst v3  }
0x63: {  	[hbm4b:s3+s12] =	stream.indirect.scatter [tilespmem:s18], [sflag:$0xB], $0x80, s16, s12, $0xb8;
	[tilespmem:$0x1E000] =	vst v63  }
0x64: {  	_ =	swait.ge [sflag:s31], $0x4000  }
0x65: {  	[sflag:s31] =	ssyncset.done $0x0  }
0x66: {  	s25 =	simm.s32 $0xB00;
	[sflag:s31] =	ssyncadd.s32 $0xFFFFC000  }
0x67: {  	[tilespmem:s15], [sflag:$0x2] =	stream.indirect.gather [hbm4b:s0+s12], $0x80, s25, s12, $0xb8;
	[tilespmem:$0x1E000] =	vst v63  }
0x68: {  	_ =	swait.ge [sflag:s2], $0x4000  }
0x69: {  	[sflag:s2] =	ssyncset.done $0x0  }
0x6a: {  	s11 =	simm.s32 $0x980;
	[sflag:s2] =	ssyncadd.s32 $0xFFFFC000  }
0x6b: {  	[hbm4b:s3+s12] =	stream.indirect.scatter [tilespmem:s20], [sflag:$0xC], $0x80, s11, s12, $0xb8;
	[tilespmem:$0x1E000] =	vst v63  }
0x6c: {  	_ =	swait.ge [sflag:s14], $0x4000  }
0x6d: {  	[sflag:s14] =	ssyncset.done $0x0  }
0x6e: {  	s16 =	simm.s32 $0xB80;
	[sflag:s14] =	ssyncadd.s32 $0xFFFFC000  }
0x6f: {  	[tilespmem:s17], [sflag:$0x3] =	stream.indirect.gather [hbm4b:s0+s12], $0x80, s16, s12, $0xb8;
	[tilespmem:$0x1E000] =	vst v63  }
0x70: {  	_ =	swait.ge [sflag:s19], $0x4000  }
0x71: {  	[sflag:s19] =	ssyncset.done $0x0  }
0x72: {  	s25 =	simm.s32 $0xA00;
	[sflag:s19] =	ssyncadd.s32 $0xFFFFC000  }
0x73: {  	[hbm4b:s3+s12] =	stream.indirect.scatter [tilespmem:s23], [sflag:$0xD], $0x80, s25, s12, $0xb8;
	[tilespmem:$0x1E000] =	vst v63  }
0x74: {  	_ =	swait.ge [sflag:s22], $0x4000  }
0x75: {  	[sflag:s22] =	ssyncset.done $0x0  }
0x76: {  	s11 =	simm.s32 $0xC00;
	[sflag:s22] =	ssyncadd.s32 $0xFFFFC000  }
0x77: {  	[tilespmem:s18], [sflag:$0x4] =	stream.indirect.gather [hbm4b:s0+s12], $0x80, s11, s12, $0xb8;
	[tilespmem:$0x1E000] =	vst v63  }
0x78: {  	_ =	swait.ge [sflag:s1], $0x4000  }
0x79: {  	[sflag:s1] =	ssyncset.done $0x0  }
0x7a: {  	s16 =	simm.s32 $0xA80;
	[sflag:s1] =	ssyncadd.s32 $0xFFFFC000  }
0x7b: {  	[hbm4b:s3+s12] =	stream.indirect.scatter [tilespmem:s26], [sflag:$0xE], $0x80, s16, s12, $0xb8;
	[tilespmem:$0x1E000] =	vst v63  }
0x7c: {  	_ =	swait.ge [sflag:s5], $0x4000  }
0x7d: {  	[sflag:s5] =	ssyncset.done $0x0  }
0x7e: {  	s25 =	simm.s32 $0x100;
	[sflag:s5] =	ssyncadd.s32 $0xFFFFC000  }
0x7f: {  	[tilespmem:s20], [sflag:$0x5] =	stream.indirect.gather [hbm4b:s0+s12], $0x80, s25, s12, $0xb8;
	[tilespmem:$0x1E000] =	vst v63  }
0x80: {  	_ =	swait.ge [sflag:s21], $0x4000  }
0x81: {  	[sflag:s21] =	ssyncset.done $0x0  }
0x82: {  	s25 =	simm.s32 $0x0;
	[sflag:s21] =	ssyncadd.s32 $0xFFFFC000  }
0x83: {  	v7 =	vld [tilespmem:s25+$0x2001]  }
0x84: {  	v6 =	vld [tilespmem:s25+$0x2011]  }
0x85: {  	v3 =	vld [tilespmem:s25+$0x2021]  }
0x86: {  	v4 =	vld [tilespmem:s25+$0x2051]  }
0x87: {  	v5 =	vld [tilespmem:s25+$0x2031]  }
0x88: {  	s10 =	simm.s32 $0x400;
	s16 =	simm.s32 $0x200;
	v8 =	vld [tilespmem:s25+$0x2070]  }
.LBB2_4:
0x89: {  	p0 =	sne.s32 s10, $0xFE00  }
0x8a: {  	s11 =	sshra.s32 s16, $0x2;
	[tilespmem:s25+$0x2000] =	vst v7;
	v9 =	vld [tilespmem:s25+$0x2061];
	s16 =	smov.u32 s10;
	s10 =	sadd.s32 $0x200, s10  }
0x8b: {  	[tilespmem:s25+$0x2010] =	vst v6;
	v10 =	vld [tilespmem:s25+$0x2041]  }
0x8c: {  	v7 =	vld [tilespmem:s11+$0x2001];
	[tilespmem:s25+$0x2020] =	vst v3  }
0x8d: {  	[tilespmem:s25+$0x2050] =	vst v4  }
.Ltmp1:
0x8e: {  	vm0 =	veq.s32 v1, $0xF;
	v6 =	vld [tilespmem:s11+$0x2011];
	[tilespmem:s25+$0x2030] =	vst v5;
	v5 =	vperm.xlane v8, v0;
	(pc) =	sbr.rel @p0 .LBB2_4-.Ltmp1, $4  }
0x8f: {  	v3 =	vld [tilespmem:s11+$0x2021];
	[tilespmem:s25+$0x2060] =	vst v9  }
0x90: {  	v4 =	vld [tilespmem:s11+$0x2051];
	[tilespmem:s25+$0x2040] =	vst v10;
	v8 =	vsel vm0, $0x0, v5  }
0x91: {  	v5 =	vld [tilespmem:s11+$0x2031];
	[tilespmem:s25+$0x2070] =	vst v8;
	s25 =	smov.u32 s11  }
0x92: {  	v8 =	vld [tilespmem:s25+$0x2070]  }
0x93: {  	[tilespmem:s25+$0x2000] =	vst v7;
	v7 =	vld [tilespmem:s25+$0x2061]  }
0x94: {  	[tilespmem:s25+$0x2010] =	vst v6;
	s10 =	sshra.s32 s16, $0x2;
	v6 =	vld [tilespmem:s25+$0x2041]  }
0x95: {  	v9 =	vld [tilespmem:s10+$0x2001];
	[tilespmem:s25+$0x2020] =	vst v3  }
0x96: {  	[tilespmem:s25+$0x2050] =	vst v4  }
0x97: {  	v3 =	vld [tilespmem:s10+$0x2011];
	[tilespmem:s25+$0x2030] =	vst v5;
	v5 =	vperm.xlane v8, v0  }
0x98: {  	v4 =	vld [tilespmem:s10+$0x2021];
	[tilespmem:s25+$0x2060] =	vst v7  }
0x99: {  	v7 =	vld [tilespmem:s10+$0x2051];
	[tilespmem:s25+$0x2040] =	vst v6;
	v5 =	vsel vm0, $0x0, v5  }
0x9a: {  	v6 =	vld [tilespmem:s10+$0x2031];
	[tilespmem:s25+$0x2070] =	vst v5  }
0x9b: {  	v5 =	vld [tilespmem:s10+$0x2070]  }
0x9c: {  	[tilespmem:s10+$0x2000] =	vst v9;
	v8 =	vld [tilespmem:s10+$0x2061]  }
0x9d: {  	[tilespmem:s10+$0x2010] =	vst v3;
	v3 =	vld [tilespmem:s10+$0x2041]  }
0x9e: {  	[tilespmem:s10+$0x2020] =	vst v4  }
0x9f: {  	[tilespmem:s10+$0x2050] =	vst v7  }
0xa0: {  	[tilespmem:s10+$0x2030] =	vst v6;
	v4 =	vperm.xlane v5, v0  }
0xa1: {  	[tilespmem:s10+$0x2060] =	vst v8  }
0xa2: {  	[tilespmem:s10+$0x2040] =	vst v3;
	v3 =	vsel vm0, $0x0, v4  }
0xa3: {  	[tilespmem:s10+$0x2070] =	vst v3  }
0xa4: {  	[hbm4b:s3+s12] =	stream.indirect.scatter [tilespmem:s13], [sflag:$0x8], $0x80, s12, s12, $0xb8;
	[tilespmem:$0x1E000] =	vst v63  }
0xa5: {  	_ =	swait.ge [sflag:s6], $0x4000  }
0xa6: {  	[sflag:s6] =	ssyncset.done $0x0  }
0xa7: {  	s25 =	simm.s32 $0xC80;
	[sflag:s6] =	ssyncadd.s32 $0xFFFFC000  }
0xa8: {  	[tilespmem:s23], [sflag:$0x6] =	stream.indirect.gather [hbm4b:s0+s12], $0x80, s25, s12, $0xb8;
	[tilespmem:$0x1E000] =	vst v63  }
0xa9: {  	_ =	swait.ge [sflag:s24], $0x4000  }
0xaa: {  	[sflag:s24] =	ssyncset.done $0x0  }
0xab: {  	s11 =	simm.s32 $0xB00;
	[sflag:s24] =	ssyncadd.s32 $0xFFFFC000  }
0xac: {  	[hbm4b:s3+s12] =	stream.indirect.scatter [tilespmem:s15], [sflag:$0x9], $0x80, s11, s12, $0xb8;
	[tilespmem:$0x1E000] =	vst v63  }
0xad: {  	_ =	swait.ge [sflag:s8], $0x4000  }
0xae: {  	[sflag:s8] =	ssyncset.done $0x0  }
0xaf: {  	s16 =	simm.s32 $0xD00;
	[sflag:s8] =	ssyncadd.s32 $0xFFFFC000  }
0xb0: {  	[tilespmem:s26], [sflag:$0x7] =	stream.indirect.gather [hbm4b:s0+s12], $0x80, s16, s12, $0xb8;
	[tilespmem:$0x1E000] =	vst v63  }
0xb1: {  	_ =	swait.ge [sflag:s28], $0x4000  }
0xb2: {  	[sflag:s28] =	ssyncset.done $0x0  }
0xb3: {  	s25 =	simm.s32 $0xB80;
	[sflag:s28] =	ssyncadd.s32 $0xFFFFC000  }
0xb4: {  	[hbm4b:s3+s12] =	stream.indirect.scatter [tilespmem:s17], [sflag:$0xA], $0x80, s25, s12, $0xb8;
	[tilespmem:$0x1E000] =	vst v63  }
0xb5: {  	_ =	swait.ge [sflag:s29], $0x4000  }
0xb6: {  	[sflag:s29] =	ssyncset.done $0x0  }
0xb7: {  	s11 =	simm.s32 $0xD80;
	[sflag:s29] =	ssyncadd.s32 $0xFFFFC000  }
0xb8: {  	[tilespmem:s13], [sflag:$0x1] =	stream.indirect.gather [hbm4b:s0+s12], $0x80, s11, s12, $0xb8;
	[tilespmem:$0x1E000] =	vst v63  }
0xb9: {  	_ =	swait.ge [sflag:s30], $0x4000  }
0xba: {  	[sflag:s30] =	ssyncset.done $0x0  }
0xbb: {  	s16 =	simm.s32 $0xC00;
	[sflag:s30] =	ssyncadd.s32 $0xFFFFC000  }
0xbc: {  	[hbm4b:s3+s12] =	stream.indirect.scatter [tilespmem:s18], [sflag:$0xB], $0x80, s16, s12, $0xb8;
	[tilespmem:$0x1E000] =	vst v63  }
0xbd: {  	_ =	swait.ge [sflag:s31], $0x4000  }
0xbe: {  	[sflag:s31] =	ssyncset.done $0x0  }
0xbf: {  	s25 =	simm.s32 $0x180;
	[sflag:s31] =	ssyncadd.s32 $0xFFFFC000  }
0xc0: {  	[tilespmem:s15], [sflag:$0x2] =	stream.indirect.gather [hbm4b:s0+s12], $0x80, s25, s12, $0xb8;
	[tilespmem:$0x1E000] =	vst v63  }
0xc1: {  	_ =	swait.ge [sflag:s2], $0x4000  }
0xc2: {  	[sflag:s2] =	ssyncset.done $0x0  }
0xc3: {  	s25 =	simm.s32 $0x0;
	[sflag:s2] =	ssyncadd.s32 $0xFFFFC000  }
0xc4: {  	v7 =	vld [tilespmem:s25+$0x12001]  }
0xc5: {  	v6 =	vld [tilespmem:s25+$0x12011]  }
0xc6: {  	v3 =	vld [tilespmem:s25+$0x12021]  }
0xc7: {  	v4 =	vld [tilespmem:s25+$0x12051]  }
0xc8: {  	v5 =	vld [tilespmem:s25+$0x12031]  }
0xc9: {  	s10 =	simm.s32 $0x400;
	s16 =	simm.s32 $0x200;
	v8 =	vld [tilespmem:s25+$0x12070]  }
.LBB2_6:
0xca: {  	p0 =	sne.s32 s10, $0xFE00  }
0xcb: {  	s11 =	sshra.s32 s16, $0x2;
	[tilespmem:s25+$0x12000] =	vst v7;
	v9 =	vld [tilespmem:s25+$0x12061];
	s16 =	smov.u32 s10;
	s10 =	sadd.s32 $0x200, s10  }
0xcc: {  	[tilespmem:s25+$0x12010] =	vst v6;
	v10 =	vld [tilespmem:s25+$0x12041]  }
0xcd: {  	v7 =	vld [tilespmem:s11+$0x12001];
	[tilespmem:s25+$0x12020] =	vst v3  }
0xce: {  	[tilespmem:s25+$0x12050] =	vst v4  }
.Ltmp2:
0xcf: {  	vm0 =	veq.s32 v1, $0xF;
	v6 =	vld [tilespmem:s11+$0x12011];
	[tilespmem:s25+$0x12030] =	vst v5;
	v5 =	vperm.xlane v8, v0;
	(pc) =	sbr.rel @p0 .LBB2_6-.Ltmp2, $4  }
0xd0: {  	v3 =	vld [tilespmem:s11+$0x12021];
	[tilespmem:s25+$0x12060] =	vst v9  }
0xd1: {  	v4 =	vld [tilespmem:s11+$0x12051];
	[tilespmem:s25+$0x12040] =	vst v10;
	v8 =	vsel vm0, $0x0, v5  }
0xd2: {  	v5 =	vld [tilespmem:s11+$0x12031];
	[tilespmem:s25+$0x12070] =	vst v8;
	s25 =	smov.u32 s11  }
0xd3: {  	v8 =	vld [tilespmem:s25+$0x12070]  }
0xd4: {  	[tilespmem:s25+$0x12000] =	vst v7;
	v7 =	vld [tilespmem:s25+$0x12061]  }
0xd5: {  	[tilespmem:s25+$0x12010] =	vst v6;
	s10 =	sshra.s32 s16, $0x2;
	v6 =	vld [tilespmem:s25+$0x12041]  }
0xd6: {  	v9 =	vld [tilespmem:s10+$0x12001];
	[tilespmem:s25+$0x12020] =	vst v3  }
0xd7: {  	[tilespmem:s25+$0x12050] =	vst v4  }
0xd8: {  	v3 =	vld [tilespmem:s10+$0x12011];
	[tilespmem:s25+$0x12030] =	vst v5;
	v5 =	vperm.xlane v8, v0  }
0xd9: {  	v4 =	vld [tilespmem:s10+$0x12021];
	[tilespmem:s25+$0x12060] =	vst v7  }
0xda: {  	v7 =	vld [tilespmem:s10+$0x12051];
	[tilespmem:s25+$0x12040] =	vst v6;
	v5 =	vsel vm0, $0x0, v5  }
0xdb: {  	v6 =	vld [tilespmem:s10+$0x12031];
	[tilespmem:s25+$0x12070] =	vst v5  }
0xdc: {  	v5 =	vld [tilespmem:s10+$0x12070]  }
0xdd: {  	[tilespmem:s10+$0x12000] =	vst v9;
	v8 =	vld [tilespmem:s10+$0x12061]  }
0xde: {  	[tilespmem:s10+$0x12010] =	vst v3;
	v3 =	vld [tilespmem:s10+$0x12041]  }
0xdf: {  	[tilespmem:s10+$0x12020] =	vst v4  }
0xe0: {  	[tilespmem:s10+$0x12050] =	vst v7  }
0xe1: {  	[tilespmem:s10+$0x12030] =	vst v6;
	v4 =	vperm.xlane v5, v0  }
0xe2: {  	[tilespmem:s10+$0x12060] =	vst v8  }
0xe3: {  	[tilespmem:s10+$0x12040] =	vst v3;
	v3 =	vsel vm0, $0x0, v4  }
0xe4: {  	s16 =	simm.s32 $0x100;
	[tilespmem:s10+$0x12070] =	vst v3  }
0xe5: {  	[hbm4b:s3+s12] =	stream.indirect.scatter [tilespmem:s20], [sflag:$0xC], $0x80, s16, s12, $0xb8;
	[tilespmem:$0x1E000] =	vst v63  }
0xe6: {  	_ =	swait.ge [sflag:s14], $0x4000  }
0xe7: {  	[sflag:s14] =	ssyncset.done $0x0  }
0xe8: {  	s25 =	simm.s32 $0xE00;
	[sflag:s14] =	ssyncadd.s32 $0xFFFFC000  }
0xe9: {  	[tilespmem:s17], [sflag:$0x3] =	stream.indirect.gather [hbm4b:s0+s12], $0x80, s25, s12, $0xb8;
	[tilespmem:$0x1E000] =	vst v63  }
0xea: {  	_ =	swait.ge [sflag:s19], $0x4000  }
0xeb: {  	[sflag:s19] =	ssyncset.done $0x0  }
0xec: {  	s11 =	simm.s32 $0xC80;
	[sflag:s19] =	ssyncadd.s32 $0xFFFFC000  }
0xed: {  	[hbm4b:s3+s12] =	stream.indirect.scatter [tilespmem:s23], [sflag:$0xD], $0x80, s11, s12, $0xb8;
	[tilespmem:$0x1E000] =	vst v63  }
0xee: {  	_ =	swait.ge [sflag:s22], $0x4000  }
0xef: {  	[sflag:s22] =	ssyncset.done $0x0  }
0xf0: {  	s16 =	simm.s32 $0xE80;
	[sflag:s22] =	ssyncadd.s32 $0xFFFFC000  }
0xf1: {  	[tilespmem:s18], [sflag:$0x4] =	stream.indirect.gather [hbm4b:s0+s12], $0x80, s16, s12, $0xb8;
	[tilespmem:$0x1E000] =	vst v63  }
0xf2: {  	_ =	swait.ge [sflag:s1], $0x4000  }
0xf3: {  	[sflag:s1] =	ssyncset.done $0x0  }
0xf4: {  	s25 =	simm.s32 $0xD00;
	[sflag:s1] =	ssyncadd.s32 $0xFFFFC000  }
0xf5: {  	[hbm4b:s3+s12] =	stream.indirect.scatter [tilespmem:s26], [sflag:$0xE], $0x80, s25, s12, $0xb8;
	[tilespmem:$0x1E000] =	vst v63  }
0xf6: {  	_ =	swait.ge [sflag:s5], $0x4000  }
0xf7: {  	[sflag:s5] =	ssyncset.done $0x0  }
0xf8: {  	s11 =	simm.s32 $0xF00;
	[sflag:s5] =	ssyncadd.s32 $0xFFFFC000  }
0xf9: {  	[tilespmem:s20], [sflag:$0x5] =	stream.indirect.gather [hbm4b:s0+s12], $0x80, s11, s12, $0xb8;
	[tilespmem:$0x1E000] =	vst v63  }
0xfa: {  	_ =	swait.ge [sflag:s21], $0x4000  }
0xfb: {  	[sflag:s21] =	ssyncset.done $0x0  }
0xfc: {  	s16 =	simm.s32 $0xD80;
	[sflag:s21] =	ssyncadd.s32 $0xFFFFC000  }
0xfd: {  	[hbm4b:s3+s12] =	stream.indirect.scatter [tilespmem:s13], [sflag:$0x8], $0x80, s16, s12, $0xb8;
	[tilespmem:$0x1E000] =	vst v63  }
0xfe: {  	_ =	swait.ge [sflag:s6], $0x4000  }
0xff: {  	[sflag:s6] =	ssyncset.done $0x0  }
0x100: {  	s25 =	simm.s32 $0x200;
	[sflag:s6] =	ssyncadd.s32 $0xFFFFC000  }
0x101: {  	[tilespmem:s23], [sflag:$0x6] =	stream.indirect.gather [hbm4b:s0+s12], $0x80, s25, s12, $0xb8;
	[tilespmem:$0x1E000] =	vst v63  }
0x102: {  	_ =	swait.ge [sflag:s24], $0x4000  }
0x103: {  	[sflag:s24] =	ssyncset.done $0x0  }
0x104: {  	s25 =	simm.s32 $0x0;
	[sflag:s24] =	ssyncadd.s32 $0xFFFFC000  }
0x105: {  	v7 =	vld [tilespmem:s25+$0x6001]  }
0x106: {  	v6 =	vld [tilespmem:s25+$0x6011]  }
0x107: {  	v3 =	vld [tilespmem:s25+$0x6021]  }
0x108: {  	v4 =	vld [tilespmem:s25+$0x6051]  }
0x109: {  	v5 =	vld [tilespmem:s25+$0x6031]  }
0x10a: {  	s10 =	simm.s32 $0x400;
	s16 =	simm.s32 $0x200;
	v8 =	vld [tilespmem:s25+$0x6070]  }
.LBB2_8:
0x10b: {  	p0 =	sne.s32 s10, $0xFE00  }
0x10c: {  	s11 =	sshra.s32 s16, $0x2;
	[tilespmem:s25+$0x6000] =	vst v7;
	v9 =	vld [tilespmem:s25+$0x6061];
	s16 =	smov.u32 s10;
	s10 =	sadd.s32 $0x200, s10  }
0x10d: {  	[tilespmem:s25+$0x6010] =	vst v6;
	v10 =	vld [tilespmem:s25+$0x6041]  }
0x10e: {  	v7 =	vld [tilespmem:s11+$0x6001];
	[tilespmem:s25+$0x6020] =	vst v3  }
0x10f: {  	[tilespmem:s25+$0x6050] =	vst v4  }
.Ltmp3:
0x110: {  	vm0 =	veq.s32 v1, $0xF;
	v6 =	vld [tilespmem:s11+$0x6011];
	[tilespmem:s25+$0x6030] =	vst v5;
	v5 =	vperm.xlane v8, v0;
	(pc) =	sbr.rel @p0 .LBB2_8-.Ltmp3, $4  }
0x111: {  	v3 =	vld [tilespmem:s11+$0x6021];
	[tilespmem:s25+$0x6060] =	vst v9  }
0x112: {  	v4 =	vld [tilespmem:s11+$0x6051];
	[tilespmem:s25+$0x6040] =	vst v10;
	v8 =	vsel vm0, $0x0, v5  }
0x113: {  	v5 =	vld [tilespmem:s11+$0x6031];
	[tilespmem:s25+$0x6070] =	vst v8;
	s25 =	smov.u32 s11  }
0x114: {  	v8 =	vld [tilespmem:s25+$0x6070]  }
0x115: {  	[tilespmem:s25+$0x6000] =	vst v7;
	v7 =	vld [tilespmem:s25+$0x6061]  }
0x116: {  	[tilespmem:s25+$0x6010] =	vst v6;
	s10 =	sshra.s32 s16, $0x2;
	v6 =	vld [tilespmem:s25+$0x6041]  }
0x117: {  	v9 =	vld [tilespmem:s10+$0x6001];
	[tilespmem:s25+$0x6020] =	vst v3  }
0x118: {  	[tilespmem:s25+$0x6050] =	vst v4  }
0x119: {  	v3 =	vld [tilespmem:s10+$0x6011];
	[tilespmem:s25+$0x6030] =	vst v5;
	v5 =	vperm.xlane v8, v0  }
0x11a: {  	v4 =	vld [tilespmem:s10+$0x6021];
	[tilespmem:s25+$0x6060] =	vst v7  }
0x11b: {  	v7 =	vld [tilespmem:s10+$0x6051];
	[tilespmem:s25+$0x6040] =	vst v6;
	v5 =	vsel vm0, $0x0, v5  }
0x11c: {  	v6 =	vld [tilespmem:s10+$0x6031];
	[tilespmem:s25+$0x6070] =	vst v5  }
0x11d: {  	v5 =	vld [tilespmem:s10+$0x6070]  }
0x11e: {  	[tilespmem:s10+$0x6000] =	vst v9;
	v8 =	vld [tilespmem:s10+$0x6061]  }
0x11f: {  	[tilespmem:s10+$0x6010] =	vst v3;
	v3 =	vld [tilespmem:s10+$0x6041]  }
0x120: {  	[tilespmem:s10+$0x6020] =	vst v4  }
0x121: {  	[tilespmem:s10+$0x6050] =	vst v7  }
0x122: {  	[tilespmem:s10+$0x6030] =	vst v6;
	v4 =	vperm.xlane v5, v0  }
0x123: {  	[tilespmem:s10+$0x6060] =	vst v8  }
0x124: {  	[tilespmem:s10+$0x6040] =	vst v3;
	v3 =	vsel vm0, $0x0, v4  }
0x125: {  	s16 =	simm.s32 $0x180;
	[tilespmem:s10+$0x6070] =	vst v3  }
0x126: {  	[hbm4b:s3+s12] =	stream.indirect.scatter [tilespmem:s15], [sflag:$0x9], $0x80, s16, s12, $0xb8;
	[tilespmem:$0x1E000] =	vst v63  }
0x127: {  	_ =	swait.ge [sflag:s8], $0x4000  }
0x128: {  	[sflag:s8] =	ssyncset.done $0x0  }
0x129: {  	s25 =	simm.s32 $0xF80;
	[sflag:s8] =	ssyncadd.s32 $0xFFFFC000  }
0x12a: {  	[tilespmem:s26], [sflag:$0x7] =	stream.indirect.gather [hbm4b:s0+s12], $0x80, s25, s12, $0xb8;
	[tilespmem:$0x1E000] =	vst v63  }
0x12b: {  	_ =	swait.ge [sflag:s28], $0x4000  }
0x12c: {  	[sflag:s28] =	ssyncset.done $0x0  }
0x12d: {  	s11 =	simm.s32 $0xE00;
	[sflag:s28] =	ssyncadd.s32 $0xFFFFC000  }
0x12e: {  	[hbm4b:s3+s12] =	stream.indirect.scatter [tilespmem:s17], [sflag:$0xA], $0x80, s11, s12, $0xb8;
	[tilespmem:$0x1E000] =	vst v63  }
0x12f: {  	_ =	swait.ge [sflag:s29], $0x4000  }
0x130: {  	[sflag:s29] =	ssyncset.done $0x0  }
0x131: {  	s16 =	simm.s32 $0x1000;
	[sflag:s29] =	ssyncadd.s32 $0xFFFFC000  }
0x132: {  	[tilespmem:s13], [sflag:$0x1] =	stream.indirect.gather [hbm4b:s0+s12], $0x80, s16, s12, $0xb8;
	[tilespmem:$0x1E000] =	vst v63  }
0x133: {  	_ =	swait.ge [sflag:s30], $0x4000  }
0x134: {  	[sflag:s30] =	ssyncset.done $0x0  }
0x135: {  	s25 =	simm.s32 $0xE80;
	[sflag:s30] =	ssyncadd.s32 $0xFFFFC000  }
0x136: {  	[hbm4b:s3+s12] =	stream.indirect.scatter [tilespmem:s18], [sflag:$0xB], $0x80, s25, s12, $0xb8;
	[tilespmem:$0x1E000] =	vst v63  }
0x137: {  	_ =	swait.ge [sflag:s31], $0x4000  }
0x138: {  	[sflag:s31] =	ssyncset.done $0x0  }
0x139: {  	s11 =	simm.s32 $0x1080;
	[sflag:s31] =	ssyncadd.s32 $0xFFFFC000  }
0x13a: {  	[tilespmem:s15], [sflag:$0x2] =	stream.indirect.gather [hbm4b:s0+s12], $0x80, s11, s12, $0xb8;
	[tilespmem:$0x1E000] =	vst v63  }
0x13b: {  	_ =	swait.ge [sflag:s2], $0x4000  }
0x13c: {  	[sflag:s2] =	ssyncset.done $0x0  }
0x13d: {  	s16 =	simm.s32 $0xF00;
	[sflag:s2] =	ssyncadd.s32 $0xFFFFC000  }
0x13e: {  	[hbm4b:s3+s12] =	stream.indirect.scatter [tilespmem:s20], [sflag:$0xC], $0x80, s16, s12, $0xb8;
	[tilespmem:$0x1E000] =	vst v63  }
0x13f: {  	_ =	swait.ge [sflag:s14], $0x4000  }
0x140: {  	[sflag:s14] =	ssyncset.done $0x0  }
0x141: {  	s25 =	simm.s32 $0x280;
	[sflag:s14] =	ssyncadd.s32 $0xFFFFC000  }
0x142: {  	[tilespmem:s17], [sflag:$0x3] =	stream.indirect.gather [hbm4b:s0+s12], $0x80, s25, s12, $0xb8;
	[tilespmem:$0x1E000] =	vst v63  }
0x143: {  	_ =	swait.ge [sflag:s19], $0x4000  }
0x144: {  	[sflag:s19] =	ssyncset.done $0x0  }
0x145: {  	s25 =	simm.s32 $0x0;
	[sflag:s19] =	ssyncadd.s32 $0xFFFFC000  }
0x146: {  	v7 =	vld [tilespmem:s25+$0x16001]  }
0x147: {  	v6 =	vld [tilespmem:s25+$0x16011]  }
0x148: {  	v3 =	vld [tilespmem:s25+$0x16021]  }
0x149: {  	v4 =	vld [tilespmem:s25+$0x16051]  }
0x14a: {  	v5 =	vld [tilespmem:s25+$0x16031]  }
0x14b: {  	s10 =	simm.s32 $0x400;
	s16 =	simm.s32 $0x200;
	v8 =	vld [tilespmem:s25+$0x16070]  }
.LBB2_10:
0x14c: {  	p0 =	sne.s32 s10, $0xFE00  }
0x14d: {  	s11 =	sshra.s32 s16, $0x2;
	[tilespmem:s25+$0x16000] =	vst v7;
	v9 =	vld [tilespmem:s25+$0x16061];
	s16 =	smov.u32 s10;
	s10 =	sadd.s32 $0x200, s10  }
0x14e: {  	[tilespmem:s25+$0x16010] =	vst v6;
	v10 =	vld [tilespmem:s25+$0x16041]  }
0x14f: {  	v7 =	vld [tilespmem:s11+$0x16001];
	[tilespmem:s25+$0x16020] =	vst v3  }
0x150: {  	[tilespmem:s25+$0x16050] =	vst v4  }
.Ltmp4:
0x151: {  	vm0 =	veq.s32 v1, $0xF;
	v6 =	vld [tilespmem:s11+$0x16011];
	[tilespmem:s25+$0x16030] =	vst v5;
	v5 =	vperm.xlane v8, v0;
	(pc) =	sbr.rel @p0 .LBB2_10-.Ltmp4, $4  }
0x152: {  	v3 =	vld [tilespmem:s11+$0x16021];
	[tilespmem:s25+$0x16060] =	vst v9  }
0x153: {  	v4 =	vld [tilespmem:s11+$0x16051];
	[tilespmem:s25+$0x16040] =	vst v10;
	v8 =	vsel vm0, $0x0, v5  }
0x154: {  	v5 =	vld [tilespmem:s11+$0x16031];
	[tilespmem:s25+$0x16070] =	vst v8;
	s25 =	smov.u32 s11  }
0x155: {  	v8 =	vld [tilespmem:s25+$0x16070]  }
0x156: {  	[tilespmem:s25+$0x16000] =	vst v7;
	v7 =	vld [tilespmem:s25+$0x16061]  }
0x157: {  	[tilespmem:s25+$0x16010] =	vst v6;
	s10 =	sshra.s32 s16, $0x2;
	v6 =	vld [tilespmem:s25+$0x16041]  }
0x158: {  	v9 =	vld [tilespmem:s10+$0x16001];
	[tilespmem:s25+$0x16020] =	vst v3  }
0x159: {  	[tilespmem:s25+$0x16050] =	vst v4  }
0x15a: {  	v3 =	vld [tilespmem:s10+$0x16011];
	[tilespmem:s25+$0x16030] =	vst v5;
	v5 =	vperm.xlane v8, v0  }
0x15b: {  	v4 =	vld [tilespmem:s10+$0x16021];
	[tilespmem:s25+$0x16060] =	vst v7  }
0x15c: {  	v7 =	vld [tilespmem:s10+$0x16051];
	[tilespmem:s25+$0x16040] =	vst v6;
	v5 =	vsel vm0, $0x0, v5  }
0x15d: {  	v6 =	vld [tilespmem:s10+$0x16031];
	[tilespmem:s25+$0x16070] =	vst v5  }
0x15e: {  	v5 =	vld [tilespmem:s10+$0x16070]  }
0x15f: {  	[tilespmem:s10+$0x16000] =	vst v9;
	v8 =	vld [tilespmem:s10+$0x16061]  }
0x160: {  	[tilespmem:s10+$0x16010] =	vst v3;
	v3 =	vld [tilespmem:s10+$0x16041]  }
0x161: {  	[tilespmem:s10+$0x16020] =	vst v4  }
0x162: {  	[tilespmem:s10+$0x16050] =	vst v7  }
0x163: {  	[tilespmem:s10+$0x16030] =	vst v6;
	v4 =	vperm.xlane v5, v0  }
0x164: {  	[tilespmem:s10+$0x16060] =	vst v8  }
0x165: {  	[tilespmem:s10+$0x16040] =	vst v3;
	v3 =	vsel vm0, $0x0, v4  }
0x166: {  	s16 =	simm.s32 $0x200;
	[tilespmem:s10+$0x16070] =	vst v3  }
0x167: {  	[hbm4b:s3+s12] =	stream.indirect.scatter [tilespmem:s23], [sflag:$0xD], $0x80, s16, s12, $0xb8;
	[tilespmem:$0x1E000] =	vst v63  }
0x168: {  	_ =	swait.ge [sflag:s22], $0x4000  }
0x169: {  	[sflag:s22] =	ssyncset.done $0x0  }
0x16a: {  	s25 =	simm.s32 $0x1100;
	[sflag:s22] =	ssyncadd.s32 $0xFFFFC000  }
0x16b: {  	[tilespmem:s18], [sflag:$0x4] =	stream.indirect.gather [hbm4b:s0+s12], $0x80, s25, s12, $0xb8;
	[tilespmem:$0x1E000] =	vst v63  }
0x16c: {  	_ =	swait.ge [sflag:s1], $0x4000  }
0x16d: {  	[sflag:s1] =	ssyncset.done $0x0  }
0x16e: {  	s11 =	simm.s32 $0xF80;
	[sflag:s1] =	ssyncadd.s32 $0xFFFFC000  }
0x16f: {  	[hbm4b:s3+s12] =	stream.indirect.scatter [tilespmem:s26], [sflag:$0xE], $0x80, s11, s12, $0xb8;
	[tilespmem:$0x1E000] =	vst v63  }
0x170: {  	_ =	swait.ge [sflag:s5], $0x4000  }
0x171: {  	[sflag:s5] =	ssyncset.done $0x0  }
0x172: {  	s16 =	simm.s32 $0x1180;
	[sflag:s5] =	ssyncadd.s32 $0xFFFFC000  }
0x173: {  	[tilespmem:s20], [sflag:$0x5] =	stream.indirect.gather [hbm4b:s0+s12], $0x80, s16, s12, $0xb8;
	[tilespmem:$0x1E000] =	vst v63  }
0x174: {  	_ =	swait.ge [sflag:s21], $0x4000  }
0x175: {  	[sflag:s21] =	ssyncset.done $0x0  }
0x176: {  	s25 =	simm.s32 $0x1000;
	[sflag:s21] =	ssyncadd.s32 $0xFFFFC000  }
0x177: {  	[hbm4b:s3+s12] =	stream.indirect.scatter [tilespmem:s13], [sflag:$0x8], $0x80, s25, s12, $0xb8;
	[tilespmem:$0x1E000] =	vst v63  }
0x178: {  	_ =	swait.ge [sflag:s6], $0x4000  }
0x179: {  	[sflag:s6] =	ssyncset.done $0x0  }
0x17a: {  	s11 =	simm.s32 $0x1200;
	[sflag:s6] =	ssyncadd.s32 $0xFFFFC000  }
0x17b: {  	[tilespmem:s23], [sflag:$0x6] =	stream.indirect.gather [hbm4b:s0+s12], $0x80, s11, s12, $0xb8;
	[tilespmem:$0x1E000] =	vst v63  }
0x17c: {  	_ =	swait.ge [sflag:s24], $0x4000  }
0x17d: {  	[sflag:s24] =	ssyncset.done $0x0  }
0x17e: {  	s16 =	simm.s32 $0x1080;
	[sflag:s24] =	ssyncadd.s32 $0xFFFFC000  }
0x17f: {  	[hbm4b:s3+s12] =	stream.indirect.scatter [tilespmem:s15], [sflag:$0x9], $0x80, s16, s12, $0xb8;
	[tilespmem:$0x1E000] =	vst v63  }
0x180: {  	_ =	swait.ge [sflag:s8], $0x4000  }
0x181: {  	[sflag:s8] =	ssyncset.done $0x0  }
0x182: {  	s25 =	simm.s32 $0x300;
	[sflag:s8] =	ssyncadd.s32 $0xFFFFC000  }
0x183: {  	[tilespmem:s26], [sflag:$0x7] =	stream.indirect.gather [hbm4b:s0+s12], $0x80, s25, s12, $0xb8;
	[tilespmem:$0x1E000] =	vst v63  }
0x184: {  	_ =	swait.ge [sflag:s28], $0x4000  }
0x185: {  	[sflag:s28] =	ssyncset.done $0x0  }
0x186: {  	s25 =	simm.s32 $0x0;
	[sflag:s28] =	ssyncadd.s32 $0xFFFFC000  }
0x187: {  	v7 =	vld [tilespmem:s25+$0xA001]  }
0x188: {  	v6 =	vld [tilespmem:s25+$0xA011]  }
0x189: {  	v3 =	vld [tilespmem:s25+$0xA021]  }
0x18a: {  	v4 =	vld [tilespmem:s25+$0xA051]  }
0x18b: {  	v5 =	vld [tilespmem:s25+$0xA031]  }
0x18c: {  	s10 =	simm.s32 $0x400;
	s16 =	simm.s32 $0x200;
	v8 =	vld [tilespmem:s25+$0xA070]  }
.LBB2_12:
0x18d: {  	p0 =	sne.s32 s10, $0xFE00  }
0x18e: {  	s11 =	sshra.s32 s16, $0x2;
	[tilespmem:s25+$0xA000] =	vst v7;
	v9 =	vld [tilespmem:s25+$0xA061];
	s16 =	smov.u32 s10;
	s10 =	sadd.s32 $0x200, s10  }
0x18f: {  	[tilespmem:s25+$0xA010] =	vst v6;
	v10 =	vld [tilespmem:s25+$0xA041]  }
0x190: {  	v7 =	vld [tilespmem:s11+$0xA001];
	[tilespmem:s25+$0xA020] =	vst v3  }
0x191: {  	[tilespmem:s25+$0xA050] =	vst v4  }
.Ltmp5:
0x192: {  	vm0 =	veq.s32 v1, $0xF;
	v6 =	vld [tilespmem:s11+$0xA011];
	[tilespmem:s25+$0xA030] =	vst v5;
	v5 =	vperm.xlane v8, v0;
	(pc) =	sbr.rel @p0 .LBB2_12-.Ltmp5, $4  }
0x193: {  	v3 =	vld [tilespmem:s11+$0xA021];
	[tilespmem:s25+$0xA060] =	vst v9  }
0x194: {  	v4 =	vld [tilespmem:s11+$0xA051];
	[tilespmem:s25+$0xA040] =	vst v10;
	v8 =	vsel vm0, $0x0, v5  }
0x195: {  	v5 =	vld [tilespmem:s11+$0xA031];
	[tilespmem:s25+$0xA070] =	vst v8;
	s25 =	smov.u32 s11  }
0x196: {  	v8 =	vld [tilespmem:s25+$0xA070]  }
0x197: {  	[tilespmem:s25+$0xA000] =	vst v7;
	v7 =	vld [tilespmem:s25+$0xA061]  }
0x198: {  	[tilespmem:s25+$0xA010] =	vst v6;
	s10 =	sshra.s32 s16, $0x2;
	v6 =	vld [tilespmem:s25+$0xA041]  }
0x199: {  	v9 =	vld [tilespmem:s10+$0xA001];
	[tilespmem:s25+$0xA020] =	vst v3  }
0x19a: {  	[tilespmem:s25+$0xA050] =	vst v4  }
0x19b: {  	v3 =	vld [tilespmem:s10+$0xA011];
	[tilespmem:s25+$0xA030] =	vst v5;
	v5 =	vperm.xlane v8, v0  }
0x19c: {  	v4 =	vld [tilespmem:s10+$0xA021];
	[tilespmem:s25+$0xA060] =	vst v7  }
0x19d: {  	v7 =	vld [tilespmem:s10+$0xA051];
	[tilespmem:s25+$0xA040] =	vst v6;
	v5 =	vsel vm0, $0x0, v5  }
0x19e: {  	v6 =	vld [tilespmem:s10+$0xA031];
	[tilespmem:s25+$0xA070] =	vst v5  }
0x19f: {  	v5 =	vld [tilespmem:s10+$0xA070]  }
0x1a0: {  	[tilespmem:s10+$0xA000] =	vst v9;
	v8 =	vld [tilespmem:s10+$0xA061]  }
0x1a1: {  	[tilespmem:s10+$0xA010] =	vst v3;
	v3 =	vld [tilespmem:s10+$0xA041]  }
0x1a2: {  	[tilespmem:s10+$0xA020] =	vst v4  }
0x1a3: {  	[tilespmem:s10+$0xA050] =	vst v7  }
0x1a4: {  	[tilespmem:s10+$0xA030] =	vst v6;
	v4 =	vperm.xlane v5, v0  }
0x1a5: {  	[tilespmem:s10+$0xA060] =	vst v8  }
0x1a6: {  	[tilespmem:s10+$0xA040] =	vst v3;
	v3 =	vsel vm0, $0x0, v4  }
0x1a7: {  	s16 =	simm.s32 $0x280;
	[tilespmem:s10+$0xA070] =	vst v3  }
0x1a8: {  	[hbm4b:s3+s12] =	stream.indirect.scatter [tilespmem:s17], [sflag:$0xA], $0x80, s16, s12, $0xb8;
	[tilespmem:$0x1E000] =	vst v63  }
0x1a9: {  	_ =	swait.ge [sflag:s29], $0x4000  }
0x1aa: {  	[sflag:s29] =	ssyncset.done $0x0  }
0x1ab: {  	s25 =	simm.s32 $0x1280;
	[sflag:s29] =	ssyncadd.s32 $0xFFFFC000  }
0x1ac: {  	[tilespmem:s13], [sflag:$0x1] =	stream.indirect.gather [hbm4b:s0+s12], $0x80, s25, s12, $0xb8;
	[tilespmem:$0x1E000] =	vst v63  }
0x1ad: {  	_ =	swait.ge [sflag:s30], $0x4000  }
0x1ae: {  	[sflag:s30] =	ssyncset.done $0x0  }
0x1af: {  	s11 =	simm.s32 $0x1100;
	[sflag:s30] =	ssyncadd.s32 $0xFFFFC000  }
0x1b0: {  	[hbm4b:s3+s12] =	stream.indirect.scatter [tilespmem:s18], [sflag:$0xB], $0x80, s11, s12, $0xb8;
	[tilespmem:$0x1E000] =	vst v63  }
0x1b1: {  	_ =	swait.ge [sflag:s31], $0x4000  }
0x1b2: {  	[sflag:s31] =	ssyncset.done $0x0  }
0x1b3: {  	s16 =	simm.s32 $0x1300;
	[sflag:s31] =	ssyncadd.s32 $0xFFFFC000  }
0x1b4: {  	[tilespmem:s15], [sflag:$0x2] =	stream.indirect.gather [hbm4b:s0+s12], $0x80, s16, s12, $0xb8;
	[tilespmem:$0x1E000] =	vst v63  }
0x1b5: {  	_ =	swait.ge [sflag:s2], $0x4000  }
0x1b6: {  	[sflag:s2] =	ssyncset.done $0x0  }
0x1b7: {  	s25 =	simm.s32 $0x1180;
	[sflag:s2] =	ssyncadd.s32 $0xFFFFC000  }
0x1b8: {  	[hbm4b:s3+s12] =	stream.indirect.scatter [tilespmem:s20], [sflag:$0xC], $0x80, s25, s12, $0xb8;
	[tilespmem:$0x1E000] =	vst v63  }
0x1b9: {  	_ =	swait.ge [sflag:s14], $0x4000  }
0x1ba: {  	[sflag:s14] =	ssyncset.done $0x0  }
0x1bb: {  	s11 =	simm.s32 $0x1380;
	[sflag:s14] =	ssyncadd.s32 $0xFFFFC000  }
0x1bc: {  	[tilespmem:s17], [sflag:$0x3] =	stream.indirect.gather [hbm4b:s0+s12], $0x80, s11, s12, $0xb8;
	[tilespmem:$0x1E000] =	vst v63  }
0x1bd: {  	_ =	swait.ge [sflag:s19], $0x4000  }
0x1be: {  	[sflag:s19] =	ssyncset.done $0x0  }
0x1bf: {  	s16 =	simm.s32 $0x1200;
	[sflag:s19] =	ssyncadd.s32 $0xFFFFC000  }
0x1c0: {  	[hbm4b:s3+s12] =	stream.indirect.scatter [tilespmem:s23], [sflag:$0xD], $0x80, s16, s12, $0xb8;
	[tilespmem:$0x1E000] =	vst v63  }
0x1c1: {  	_ =	swait.ge [sflag:s22], $0x4000  }
0x1c2: {  	[sflag:s22] =	ssyncset.done $0x0  }
0x1c3: {  	s25 =	simm.s32 $0x380;
	[sflag:s22] =	ssyncadd.s32 $0xFFFFC000  }
0x1c4: {  	[tilespmem:s18], [sflag:$0x4] =	stream.indirect.gather [hbm4b:s0+s12], $0x80, s25, s12, $0xb8;
	[tilespmem:$0x1E000] =	vst v63  }
0x1c5: {  	_ =	swait.ge [sflag:s1], $0x4000  }
0x1c6: {  	[sflag:s1] =	ssyncset.done $0x0  }
0x1c7: {  	s25 =	simm.s32 $0x0;
	[sflag:s1] =	ssyncadd.s32 $0xFFFFC000  }
0x1c8: {  	v7 =	vld [tilespmem:s25+$0x1A001]  }
0x1c9: {  	v6 =	vld [tilespmem:s25+$0x1A011]  }
0x1ca: {  	v3 =	vld [tilespmem:s25+$0x1A021]  }
0x1cb: {  	v4 =	vld [tilespmem:s25+$0x1A051]  }
0x1cc: {  	v5 =	vld [tilespmem:s25+$0x1A031]  }
0x1cd: {  	s10 =	simm.s32 $0x400;
	s16 =	simm.s32 $0x200;
	v8 =	vld [tilespmem:s25+$0x1A070]  }
.LBB2_14:
0x1ce: {  	p0 =	sne.s32 s10, $0xFE00  }
0x1cf: {  	s11 =	sshra.s32 s16, $0x2;
	[tilespmem:s25+$0x1A000] =	vst v7;
	v9 =	vld [tilespmem:s25+$0x1A061];
	s16 =	smov.u32 s10;
	s10 =	sadd.s32 $0x200, s10  }
0x1d0: {  	[tilespmem:s25+$0x1A010] =	vst v6;
	v10 =	vld [tilespmem:s25+$0x1A041]  }
0x1d1: {  	v7 =	vld [tilespmem:s11+$0x1A001];
	[tilespmem:s25+$0x1A020] =	vst v3  }
0x1d2: {  	[tilespmem:s25+$0x1A050] =	vst v4  }
.Ltmp6:
0x1d3: {  	vm0 =	veq.s32 v1, $0xF;
	v6 =	vld [tilespmem:s11+$0x1A011];
	[tilespmem:s25+$0x1A030] =	vst v5;
	v5 =	vperm.xlane v8, v0;
	(pc) =	sbr.rel @p0 .LBB2_14-.Ltmp6, $4  }
0x1d4: {  	v3 =	vld [tilespmem:s11+$0x1A021];
	[tilespmem:s25+$0x1A060] =	vst v9  }
0x1d5: {  	v4 =	vld [tilespmem:s11+$0x1A051];
	[tilespmem:s25+$0x1A040] =	vst v10;
	v8 =	vsel vm0, $0x0, v5  }
0x1d6: {  	v5 =	vld [tilespmem:s11+$0x1A031];
	[tilespmem:s25+$0x1A070] =	vst v8;
	s25 =	smov.u32 s11  }
0x1d7: {  	v8 =	vld [tilespmem:s25+$0x1A070]  }
0x1d8: {  	[tilespmem:s25+$0x1A000] =	vst v7;
	v7 =	vld [tilespmem:s25+$0x1A061]  }
0x1d9: {  	[tilespmem:s25+$0x1A010] =	vst v6;
	s10 =	sshra.s32 s16, $0x2;
	v6 =	vld [tilespmem:s25+$0x1A041]  }
0x1da: {  	v9 =	vld [tilespmem:s10+$0x1A001];
	[tilespmem:s25+$0x1A020] =	vst v3  }
0x1db: {  	[tilespmem:s25+$0x1A050] =	vst v4  }
0x1dc: {  	v3 =	vld [tilespmem:s10+$0x1A011];
	[tilespmem:s25+$0x1A030] =	vst v5;
	v5 =	vperm.xlane v8, v0  }
0x1dd: {  	v4 =	vld [tilespmem:s10+$0x1A021];
	[tilespmem:s25+$0x1A060] =	vst v7  }
0x1de: {  	v7 =	vld [tilespmem:s10+$0x1A051];
	[tilespmem:s25+$0x1A040] =	vst v6;
	v5 =	vsel vm0, $0x0, v5  }
0x1df: {  	v6 =	vld [tilespmem:s10+$0x1A031];
	[tilespmem:s25+$0x1A070] =	vst v5  }
0x1e0: {  	v5 =	vld [tilespmem:s10+$0x1A070]  }
0x1e1: {  	[tilespmem:s10+$0x1A000] =	vst v9;
	v8 =	vld [tilespmem:s10+$0x1A061]  }
0x1e2: {  	[tilespmem:s10+$0x1A010] =	vst v3;
	v3 =	vld [tilespmem:s10+$0x1A041]  }
0x1e3: {  	[tilespmem:s10+$0x1A020] =	vst v4  }
0x1e4: {  	[tilespmem:s10+$0x1A050] =	vst v7  }
0x1e5: {  	[tilespmem:s10+$0x1A030] =	vst v6;
	v4 =	vperm.xlane v5, v0  }
0x1e6: {  	[tilespmem:s10+$0x1A060] =	vst v8  }
0x1e7: {  	[tilespmem:s10+$0x1A040] =	vst v3;
	v3 =	vsel vm0, $0x0, v4  }
0x1e8: {  	s16 =	simm.s32 $0x300;
	[tilespmem:s10+$0x1A070] =	vst v3  }
0x1e9: {  	[hbm4b:s3+s12] =	stream.indirect.scatter [tilespmem:s26], [sflag:$0xE], $0x80, s16, s12, $0xb8;
	[tilespmem:$0x1E000] =	vst v63  }
0x1ea: {  	_ =	swait.ge [sflag:s5], $0x4000  }
0x1eb: {  	[sflag:s5] =	ssyncset.done $0x0  }
0x1ec: {  	s25 =	simm.s32 $0x1400;
	[sflag:s5] =	ssyncadd.s32 $0xFFFFC000  }
0x1ed: {  	[tilespmem:s20], [sflag:$0x5] =	stream.indirect.gather [hbm4b:s0+s12], $0x80, s25, s12, $0xb8;
	[tilespmem:$0x1E000] =	vst v63  }
0x1ee: {  	_ =	swait.ge [sflag:s21], $0x4000  }
0x1ef: {  	[sflag:s21] =	ssyncset.done $0x0  }
0x1f0: {  	s11 =	simm.s32 $0x1280;
	[sflag:s21] =	ssyncadd.s32 $0xFFFFC000  }
0x1f1: {  	[hbm4b:s3+s12] =	stream.indirect.scatter [tilespmem:s13], [sflag:$0x8], $0x80, s11, s12, $0xb8;
	[tilespmem:$0x1E000] =	vst v63  }
0x1f2: {  	_ =	swait.ge [sflag:s6], $0x4000  }
0x1f3: {  	[sflag:s6] =	ssyncset.done $0x0  }
0x1f4: {  	s16 =	simm.s32 $0x1480;
	[sflag:s6] =	ssyncadd.s32 $0xFFFFC000  }
0x1f5: {  	[tilespmem:s23], [sflag:$0x6] =	stream.indirect.gather [hbm4b:s0+s12], $0x80, s16, s12, $0xb8;
	[tilespmem:$0x1E000] =	vst v63  }
0x1f6: {  	_ =	swait.ge [sflag:s24], $0x4000  }
0x1f7: {  	[sflag:s24] =	ssyncset.done $0x0  }
0x1f8: {  	s25 =	simm.s32 $0x1300;
	[sflag:s24] =	ssyncadd.s32 $0xFFFFC000  }
0x1f9: {  	[hbm4b:s3+s12] =	stream.indirect.scatter [tilespmem:s15], [sflag:$0x9], $0x80, s25, s12, $0xb8;
	[tilespmem:$0x1E000] =	vst v63  }
0x1fa: {  	_ =	swait.ge [sflag:s8], $0x4000  }
0x1fb: {  	[sflag:s8] =	ssyncset.done $0x0  }
0x1fc: {  	s11 =	simm.s32 $0x1500;
	[sflag:s8] =	ssyncadd.s32 $0xFFFFC000  }
0x1fd: {  	[tilespmem:s26], [sflag:$0x7] =	stream.indirect.gather [hbm4b:s0+s12], $0x80, s11, s12, $0xb8;
	[tilespmem:$0x1E000] =	vst v63  }
0x1fe: {  	_ =	swait.ge [sflag:s28], $0x4000  }
0x1ff: {  	[sflag:s28] =	ssyncset.done $0x0  }
0x200: {  	s16 =	simm.s32 $0x1380;
	[sflag:s28] =	ssyncadd.s32 $0xFFFFC000  }
0x201: {  	[hbm4b:s3+s12] =	stream.indirect.scatter [tilespmem:s17], [sflag:$0xA], $0x80, s16, s12, $0xb8;
	[tilespmem:$0x1E000] =	vst v63  }
0x202: {  	_ =	swait.ge [sflag:s29], $0x4000  }
0x203: {  	[sflag:s29] =	ssyncset.done $0x0  }
0x204: {  	s25 =	simm.s32 $0x400;
	[sflag:s29] =	ssyncadd.s32 $0xFFFFC000  }
0x205: {  	[tilespmem:s13], [sflag:$0x1] =	stream.indirect.gather [hbm4b:s0+s12], $0x80, s25, s12, $0xb8;
	[tilespmem:$0x1E000] =	vst v63  }
0x206: {  	_ =	swait.ge [sflag:s30], $0x4000  }
0x207: {  	[sflag:s30] =	ssyncset.done $0x0  }
0x208: {  	s25 =	simm.s32 $0x0;
	[sflag:s30] =	ssyncadd.s32 $0xFFFFC000  }
0x209: {  	v7 =	vld [tilespmem:s25+$0xE001]  }
0x20a: {  	v6 =	vld [tilespmem:s25+$0xE011]  }
0x20b: {  	v3 =	vld [tilespmem:s25+$0xE021]  }
0x20c: {  	v4 =	vld [tilespmem:s25+$0xE051]  }
0x20d: {  	v5 =	vld [tilespmem:s25+$0xE031]  }
0x20e: {  	s10 =	simm.s32 $0x400;
	s16 =	simm.s32 $0x200;
	v8 =	vld [tilespmem:s25+$0xE070]  }
.LBB2_16:
0x20f: {  	p0 =	sne.s32 s10, $0xFE00  }
0x210: {  	s11 =	sshra.s32 s16, $0x2;
	[tilespmem:s25+$0xE000] =	vst v7;
	v9 =	vld [tilespmem:s25+$0xE061];
	s16 =	smov.u32 s10;
	s10 =	sadd.s32 $0x200, s10  }
0x211: {  	[tilespmem:s25+$0xE010] =	vst v6;
	v10 =	vld [tilespmem:s25+$0xE041]  }
0x212: {  	v7 =	vld [tilespmem:s11+$0xE001];
	[tilespmem:s25+$0xE020] =	vst v3  }
0x213: {  	[tilespmem:s25+$0xE050] =	vst v4  }
.Ltmp7:
0x214: {  	vm0 =	veq.s32 v1, $0xF;
	v6 =	vld [tilespmem:s11+$0xE011];
	[tilespmem:s25+$0xE030] =	vst v5;
	v5 =	vperm.xlane v8, v0;
	(pc) =	sbr.rel @p0 .LBB2_16-.Ltmp7, $4  }
0x215: {  	v3 =	vld [tilespmem:s11+$0xE021];
	[tilespmem:s25+$0xE060] =	vst v9  }
0x216: {  	v4 =	vld [tilespmem:s11+$0xE051];
	[tilespmem:s25+$0xE040] =	vst v10;
	v8 =	vsel vm0, $0x0, v5  }
0x217: {  	v5 =	vld [tilespmem:s11+$0xE031];
	[tilespmem:s25+$0xE070] =	vst v8;
	s25 =	smov.u32 s11  }
0x218: {  	v8 =	vld [tilespmem:s25+$0xE070]  }
0x219: {  	[tilespmem:s25+$0xE000] =	vst v7;
	v7 =	vld [tilespmem:s25+$0xE061]  }
0x21a: {  	[tilespmem:s25+$0xE010] =	vst v6;
	s10 =	sshra.s32 s16, $0x2;
	v6 =	vld [tilespmem:s25+$0xE041]  }
0x21b: {  	v9 =	vld [tilespmem:s10+$0xE001];
	[tilespmem:s25+$0xE020] =	vst v3  }
0x21c: {  	[tilespmem:s25+$0xE050] =	vst v4  }
0x21d: {  	v3 =	vld [tilespmem:s10+$0xE011];
	[tilespmem:s25+$0xE030] =	vst v5;
	v5 =	vperm.xlane v8, v0  }
0x21e: {  	v4 =	vld [tilespmem:s10+$0xE021];
	[tilespmem:s25+$0xE060] =	vst v7  }
0x21f: {  	v7 =	vld [tilespmem:s10+$0xE051];
	[tilespmem:s25+$0xE040] =	vst v6;
	v5 =	vsel vm0, $0x0, v5  }
0x220: {  	v6 =	vld [tilespmem:s10+$0xE031];
	[tilespmem:s25+$0xE070] =	vst v5  }
0x221: {  	v5 =	vld [tilespmem:s10+$0xE070]  }
0x222: {  	[tilespmem:s10+$0xE000] =	vst v9;
	v8 =	vld [tilespmem:s10+$0xE061]  }
0x223: {  	[tilespmem:s10+$0xE010] =	vst v3;
	v3 =	vld [tilespmem:s10+$0xE041]  }
0x224: {  	[tilespmem:s10+$0xE020] =	vst v4  }
0x225: {  	[tilespmem:s10+$0xE050] =	vst v7  }
0x226: {  	[tilespmem:s10+$0xE030] =	vst v6;
	v4 =	vperm.xlane v5, v0  }
0x227: {  	[tilespmem:s10+$0xE060] =	vst v8  }
0x228: {  	[tilespmem:s10+$0xE040] =	vst v3;
	v3 =	vsel vm0, $0x0, v4  }
0x229: {  	s16 =	simm.s32 $0x380;
	[tilespmem:s10+$0xE070] =	vst v3  }
0x22a: {  	[hbm4b:s3+s12] =	stream.indirect.scatter [tilespmem:s18], [sflag:$0xB], $0x80, s16, s12, $0xb8;
	[tilespmem:$0x1E000] =	vst v63  }
0x22b: {  	_ =	swait.ge [sflag:s31], $0x4000  }
0x22c: {  	[sflag:s31] =	ssyncset.done $0x0  }
0x22d: {  	s25 =	simm.s32 $0x1580;
	[sflag:s31] =	ssyncadd.s32 $0xFFFFC000  }
0x22e: {  	[tilespmem:s15], [sflag:$0x2] =	stream.indirect.gather [hbm4b:s0+s12], $0x80, s25, s12, $0xb8;
	[tilespmem:$0x1E000] =	vst v63  }
0x22f: {  	_ =	swait.ge [sflag:s2], $0x4000  }
0x230: {  	[sflag:s2] =	ssyncset.done $0x0  }
0x231: {  	s11 =	simm.s32 $0x1400;
	[sflag:s2] =	ssyncadd.s32 $0xFFFFC000  }
0x232: {  	[hbm4b:s3+s12] =	stream.indirect.scatter [tilespmem:s20], [sflag:$0xC], $0x80, s11, s12, $0xb8;
	[tilespmem:$0x1E000] =	vst v63  }
0x233: {  	_ =	swait.ge [sflag:s14], $0x4000  }
0x234: {  	[sflag:s14] =	ssyncset.done $0x0  }
0x235: {  	s16 =	simm.s32 $0x1600;
	[sflag:s14] =	ssyncadd.s32 $0xFFFFC000  }
0x236: {  	[tilespmem:s17], [sflag:$0x3] =	stream.indirect.gather [hbm4b:s0+s12], $0x80, s16, s12, $0xb8;
	[tilespmem:$0x1E000] =	vst v63  }
0x237: {  	_ =	swait.ge [sflag:s19], $0x4000  }
0x238: {  	[sflag:s19] =	ssyncset.done $0x0  }
0x239: {  	s25 =	simm.s32 $0x1480;
	[sflag:s19] =	ssyncadd.s32 $0xFFFFC000  }
0x23a: {  	[hbm4b:s3+s12] =	stream.indirect.scatter [tilespmem:s23], [sflag:$0xD], $0x80, s25, s12, $0xb8;
	[tilespmem:$0x1E000] =	vst v63  }
0x23b: {  	_ =	swait.ge [sflag:s22], $0x4000  }
0x23c: {  	[sflag:s22] =	ssyncset.done $0x0  }
0x23d: {  	s11 =	simm.s32 $0x1680;
	[sflag:s22] =	ssyncadd.s32 $0xFFFFC000  }
0x23e: {  	[tilespmem:s18], [sflag:$0x4] =	stream.indirect.gather [hbm4b:s0+s12], $0x80, s11, s12, $0xb8;
	[tilespmem:$0x1E000] =	vst v63  }
0x23f: {  	_ =	swait.ge [sflag:s1], $0x4000  }
0x240: {  	[sflag:s1] =	ssyncset.done $0x0  }
0x241: {  	s16 =	simm.s32 $0x1500;
	[sflag:s1] =	ssyncadd.s32 $0xFFFFC000  }
0x242: {  	[hbm4b:s3+s12] =	stream.indirect.scatter [tilespmem:s26], [sflag:$0xE], $0x80, s16, s12, $0xb8;
	[tilespmem:$0x1E000] =	vst v63  }
0x243: {  	_ =	swait.ge [sflag:s5], $0x4000  }
0x244: {  	[sflag:s5] =	ssyncset.done $0x0  }
0x245: {  	s25 =	simm.s32 $0x480;
	[sflag:s5] =	ssyncadd.s32 $0xFFFFC000  }
0x246: {  	[tilespmem:s20], [sflag:$0x5] =	stream.indirect.gather [hbm4b:s0+s12], $0x80, s25, s12, $0xb8;
	[tilespmem:$0x1E000] =	vst v63  }
0x247: {  	_ =	swait.ge [sflag:s21], $0x4000  }
0x248: {  	[sflag:s21] =	ssyncset.done $0x0  }
0x249: {  	s25 =	simm.s32 $0x0;
	[sflag:s21] =	ssyncadd.s32 $0xFFFFC000  }
0x24a: {  	v7 =	vld [tilespmem:s25+$0x206F]  }
0x24b: {  	v6 =	vld [tilespmem:s25+$0x205F]  }
0x24c: {  	v3 =	vld [tilespmem:s25+$0x204F]  }
0x24d: {  	v4 =	vld [tilespmem:s25+$0x201F]  }
0x24e: {  	v5 =	vld [tilespmem:s25+$0x203F]  }
0x24f: {  	s10 =	simm.s32 $0x400;
	s16 =	simm.s32 $0x200;
	v8 =	vld [tilespmem:s25+$0x2000]  }
.LBB2_18:
0x250: {  	p0 =	sne.s32 s10, $0xFE00  }
0x251: {  	s11 =	sshra.s32 s16, $0x2;
	[tilespmem:s25+$0x2070] =	vst v7;
	v9 =	vld [tilespmem:s25+$0x200F];
	s16 =	smov.u32 s10;
	s10 =	sadd.s32 $0x200, s10  }
0x252: {  	[tilespmem:s25+$0x2060] =	vst v6;
	v10 =	vld [tilespmem:s25+$0x202F]  }
0x253: {  	v7 =	vld [tilespmem:s11+$0x206F];
	[tilespmem:s25+$0x2050] =	vst v3  }
0x254: {  	[tilespmem:s25+$0x2020] =	vst v4  }
.Ltmp8:
0x255: {  	vm0 =	veq.s32 v1, $0x0;
	v6 =	vld [tilespmem:s11+$0x205F];
	[tilespmem:s25+$0x2040] =	vst v5;
	v5 =	vperm.xlane v8, v2;
	(pc) =	sbr.rel @p0 .LBB2_18-.Ltmp8, $4  }
0x256: {  	v3 =	vld [tilespmem:s11+$0x204F];
	[tilespmem:s25+$0x2010] =	vst v9  }
0x257: {  	v4 =	vld [tilespmem:s11+$0x201F];
	[tilespmem:s25+$0x2030] =	vst v10;
	v8 =	vsel vm0, $0x0, v5  }
0x258: {  	v5 =	vld [tilespmem:s11+$0x203F];
	[tilespmem:s25+$0x2000] =	vst v8;
	s25 =	smov.u32 s11  }
0x259: {  	v8 =	vld [tilespmem:s25+$0x2000]  }
0x25a: {  	[tilespmem:s25+$0x2070] =	vst v7;
	v7 =	vld [tilespmem:s25+$0x200F]  }
0x25b: {  	[tilespmem:s25+$0x2060] =	vst v6;
	s10 =	sshra.s32 s16, $0x2;
	v6 =	vld [tilespmem:s25+$0x202F]  }
0x25c: {  	v9 =	vld [tilespmem:s10+$0x206F];
	[tilespmem:s25+$0x2050] =	vst v3  }
0x25d: {  	[tilespmem:s25+$0x2020] =	vst v4  }
0x25e: {  	v3 =	vld [tilespmem:s10+$0x205F];
	[tilespmem:s25+$0x2040] =	vst v5;
	v5 =	vperm.xlane v8, v2  }
0x25f: {  	v4 =	vld [tilespmem:s10+$0x204F];
	[tilespmem:s25+$0x2010] =	vst v7  }
0x260: {  	v7 =	vld [tilespmem:s10+$0x201F];
	[tilespmem:s25+$0x2030] =	vst v6;
	v5 =	vsel vm0, $0x0, v5  }
0x261: {  	v6 =	vld [tilespmem:s10+$0x203F];
	[tilespmem:s25+$0x2000] =	vst v5  }
0x262: {  	v5 =	vld [tilespmem:s10+$0x2000]  }
0x263: {  	[tilespmem:s10+$0x2070] =	vst v9;
	v8 =	vld [tilespmem:s10+$0x200F]  }
0x264: {  	[tilespmem:s10+$0x2060] =	vst v3;
	v3 =	vld [tilespmem:s10+$0x202F]  }
0x265: {  	[tilespmem:s10+$0x2050] =	vst v4  }
0x266: {  	[tilespmem:s10+$0x2020] =	vst v7  }
0x267: {  	[tilespmem:s10+$0x2040] =	vst v6;
	v4 =	vperm.xlane v5, v2  }
0x268: {  	[tilespmem:s10+$0x2010] =	vst v8  }
0x269: {  	[tilespmem:s10+$0x2030] =	vst v3;
	v3 =	vsel vm0, $0x0, v4  }
0x26a: {  	s16 =	simm.s32 $0x400;
	[tilespmem:s10+$0x2000] =	vst v3  }
0x26b: {  	[hbm4b:s3+s12] =	stream.indirect.scatter [tilespmem:s13], [sflag:$0x8], $0x80, s16, s12, $0xb8;
	[tilespmem:$0x1E000] =	vst v63  }
0x26c: {  	_ =	swait.ge [sflag:s6], $0x4000  }
0x26d: {  	[sflag:s6] =	ssyncset.done $0x0  }
0x26e: {  	s25 =	simm.s32 $0x1700;
	[sflag:s6] =	ssyncadd.s32 $0xFFFFC000  }
0x26f: {  	[tilespmem:s23], [sflag:$0x6] =	stream.indirect.gather [hbm4b:s0+s12], $0x80, s25, s12, $0xb8;
	[tilespmem:$0x1E000] =	vst v63  }
0x270: {  	_ =	swait.ge [sflag:s24], $0x4000  }
0x271: {  	[sflag:s24] =	ssyncset.done $0x0  }
0x272: {  	s11 =	simm.s32 $0x1580;
	[sflag:s24] =	ssyncadd.s32 $0xFFFFC000  }
0x273: {  	[hbm4b:s3+s12] =	stream.indirect.scatter [tilespmem:s15], [sflag:$0x9], $0x80, s11, s12, $0xb8;
	[tilespmem:$0x1E000] =	vst v63  }
0x274: {  	_ =	swait.ge [sflag:s8], $0x4000  }
0x275: {  	[sflag:s8] =	ssyncset.done $0x0  }
0x276: {  	s16 =	simm.s32 $0x1780;
	[sflag:s8] =	ssyncadd.s32 $0xFFFFC000  }
0x277: {  	[tilespmem:s26], [sflag:$0x7] =	stream.indirect.gather [hbm4b:s0+s12], $0x80, s16, s12, $0xb8;
	[tilespmem:$0x1E000] =	vst v63  }
0x278: {  	_ =	swait.ge [sflag:s28], $0x4000  }
0x279: {  	[sflag:s28] =	ssyncset.done $0x0  }
0x27a: {  	s25 =	simm.s32 $0x1600;
	[sflag:s28] =	ssyncadd.s32 $0xFFFFC000  }
0x27b: {  	[hbm4b:s3+s12] =	stream.indirect.scatter [tilespmem:s17], [sflag:$0xA], $0x80, s25, s12, $0xb8;
	[tilespmem:$0x1E000] =	vst v63  }
0x27c: {  	_ =	swait.ge [sflag:s29], $0x4000  }
0x27d: {  	[sflag:s29] =	ssyncset.done $0x0  }
0x27e: {  	s11 =	simm.s32 $0x1800;
	[sflag:s29] =	ssyncadd.s32 $0xFFFFC000  }
0x27f: {  	[tilespmem:s13], [sflag:$0x1] =	stream.indirect.gather [hbm4b:s0+s12], $0x80, s11, s12, $0xb8;
	[tilespmem:$0x1E000] =	vst v63  }
0x280: {  	_ =	swait.ge [sflag:s30], $0x4000  }
0x281: {  	[sflag:s30] =	ssyncset.done $0x0  }
0x282: {  	s16 =	simm.s32 $0x1680;
	[sflag:s30] =	ssyncadd.s32 $0xFFFFC000  }
0x283: {  	[hbm4b:s3+s12] =	stream.indirect.scatter [tilespmem:s18], [sflag:$0xB], $0x80, s16, s12, $0xb8;
	[tilespmem:$0x1E000] =	vst v63  }
0x284: {  	_ =	swait.ge [sflag:s31], $0x4000  }
0x285: {  	[sflag:s31] =	ssyncset.done $0x0  }
0x286: {  	s25 =	simm.s32 $0x500;
	[sflag:s31] =	ssyncadd.s32 $0xFFFFC000  }
0x287: {  	[tilespmem:s15], [sflag:$0x2] =	stream.indirect.gather [hbm4b:s0+s12], $0x80, s25, s12, $0xb8;
	[tilespmem:$0x1E000] =	vst v63  }
0x288: {  	_ =	swait.ge [sflag:s2], $0x4000  }
0x289: {  	[sflag:s2] =	ssyncset.done $0x0  }
0x28a: {  	s25 =	simm.s32 $0x0;
	[sflag:s2] =	ssyncadd.s32 $0xFFFFC000  }
0x28b: {  	v7 =	vld [tilespmem:s25+$0x1206F]  }
0x28c: {  	v6 =	vld [tilespmem:s25+$0x1205F]  }
0x28d: {  	v3 =	vld [tilespmem:s25+$0x1204F]  }
0x28e: {  	v4 =	vld [tilespmem:s25+$0x1201F]  }
0x28f: {  	v5 =	vld [tilespmem:s25+$0x1203F]  }
0x290: {  	s10 =	simm.s32 $0x400;
	s16 =	simm.s32 $0x200;
	v8 =	vld [tilespmem:s25+$0x12000]  }
.LBB2_20:
0x291: {  	p0 =	sne.s32 s10, $0xFE00  }
0x292: {  	s11 =	sshra.s32 s16, $0x2;
	[tilespmem:s25+$0x12070] =	vst v7;
	v9 =	vld [tilespmem:s25+$0x1200F];
	s16 =	smov.u32 s10;
	s10 =	sadd.s32 $0x200, s10  }
0x293: {  	[tilespmem:s25+$0x12060] =	vst v6;
	v10 =	vld [tilespmem:s25+$0x1202F]  }
0x294: {  	v7 =	vld [tilespmem:s11+$0x1206F];
	[tilespmem:s25+$0x12050] =	vst v3  }
0x295: {  	[tilespmem:s25+$0x12020] =	vst v4  }
.Ltmp9:
0x296: {  	vm0 =	veq.s32 v1, $0x0;
	v6 =	vld [tilespmem:s11+$0x1205F];
	[tilespmem:s25+$0x12040] =	vst v5;
	v5 =	vperm.xlane v8, v2;
	(pc) =	sbr.rel @p0 .LBB2_20-.Ltmp9, $4  }
0x297: {  	v3 =	vld [tilespmem:s11+$0x1204F];
	[tilespmem:s25+$0x12010] =	vst v9  }
0x298: {  	v4 =	vld [tilespmem:s11+$0x1201F];
	[tilespmem:s25+$0x12030] =	vst v10;
	v8 =	vsel vm0, $0x0, v5  }
0x299: {  	v5 =	vld [tilespmem:s11+$0x1203F];
	[tilespmem:s25+$0x12000] =	vst v8;
	s25 =	smov.u32 s11  }
0x29a: {  	v8 =	vld [tilespmem:s25+$0x12000]  }
0x29b: {  	[tilespmem:s25+$0x12070] =	vst v7;
	v7 =	vld [tilespmem:s25+$0x1200F]  }
0x29c: {  	[tilespmem:s25+$0x12060] =	vst v6;
	s10 =	sshra.s32 s16, $0x2;
	v6 =	vld [tilespmem:s25+$0x1202F]  }
0x29d: {  	v9 =	vld [tilespmem:s10+$0x1206F];
	[tilespmem:s25+$0x12050] =	vst v3  }
0x29e: {  	[tilespmem:s25+$0x12020] =	vst v4  }
0x29f: {  	v3 =	vld [tilespmem:s10+$0x1205F];
	[tilespmem:s25+$0x12040] =	vst v5;
	v5 =	vperm.xlane v8, v2  }
0x2a0: {  	v4 =	vld [tilespmem:s10+$0x1204F];
	[tilespmem:s25+$0x12010] =	vst v7  }
0x2a1: {  	v7 =	vld [tilespmem:s10+$0x1201F];
	[tilespmem:s25+$0x12030] =	vst v6;
	v5 =	vsel vm0, $0x0, v5  }
0x2a2: {  	v6 =	vld [tilespmem:s10+$0x1203F];
	[tilespmem:s25+$0x12000] =	vst v5  }
0x2a3: {  	v5 =	vld [tilespmem:s10+$0x12000]  }
0x2a4: {  	[tilespmem:s10+$0x12070] =	vst v9;
	v8 =	vld [tilespmem:s10+$0x1200F]  }
0x2a5: {  	[tilespmem:s10+$0x12060] =	vst v3;
	v3 =	vld [tilespmem:s10+$0x1202F]  }
0x2a6: {  	[tilespmem:s10+$0x12050] =	vst v4  }
0x2a7: {  	[tilespmem:s10+$0x12020] =	vst v7  }
0x2a8: {  	[tilespmem:s10+$0x12040] =	vst v6;
	v4 =	vperm.xlane v5, v2  }
0x2a9: {  	[tilespmem:s10+$0x12010] =	vst v8  }
0x2aa: {  	[tilespmem:s10+$0x12030] =	vst v3;
	v3 =	vsel vm0, $0x0, v4  }
0x2ab: {  	s16 =	simm.s32 $0x480;
	[tilespmem:s10+$0x12000] =	vst v3  }
0x2ac: {  	[hbm4b:s3+s12] =	stream.indirect.scatter [tilespmem:s20], [sflag:$0xC], $0x80, s16, s12, $0xb8;
	[tilespmem:$0x1E000] =	vst v63  }
0x2ad: {  	_ =	swait.ge [sflag:s14], $0x4000  }
0x2ae: {  	[sflag:s14] =	ssyncset.done $0x0  }
0x2af: {  	s25 =	simm.s32 $0x1880;
	[sflag:s14] =	ssyncadd.s32 $0xFFFFC000  }
0x2b0: {  	[tilespmem:s17], [sflag:$0x3] =	stream.indirect.gather [hbm4b:s0+s12], $0x80, s25, s12, $0xb8;
	[tilespmem:$0x1E000] =	vst v63  }
0x2b1: {  	_ =	swait.ge [sflag:s19], $0x4000  }
0x2b2: {  	[sflag:s19] =	ssyncset.done $0x0  }
0x2b3: {  	s11 =	simm.s32 $0x1700;
	[sflag:s19] =	ssyncadd.s32 $0xFFFFC000  }
0x2b4: {  	[hbm4b:s3+s12] =	stream.indirect.scatter [tilespmem:s23], [sflag:$0xD], $0x80, s11, s12, $0xb8;
	[tilespmem:$0x1E000] =	vst v63  }
0x2b5: {  	_ =	swait.ge [sflag:s22], $0x4000  }
0x2b6: {  	[sflag:s22] =	ssyncset.done $0x0  }
0x2b7: {  	s16 =	simm.s32 $0x1900;
	[sflag:s22] =	ssyncadd.s32 $0xFFFFC000  }
0x2b8: {  	[tilespmem:s18], [sflag:$0x4] =	stream.indirect.gather [hbm4b:s0+s12], $0x80, s16, s12, $0xb8;
	[tilespmem:$0x1E000] =	vst v63  }
0x2b9: {  	_ =	swait.ge [sflag:s1], $0x4000  }
0x2ba: {  	[sflag:s1] =	ssyncset.done $0x0  }
0x2bb: {  	s25 =	simm.s32 $0x1780;
	[sflag:s1] =	ssyncadd.s32 $0xFFFFC000  }
0x2bc: {  	[hbm4b:s3+s12] =	stream.indirect.scatter [tilespmem:s26], [sflag:$0xE], $0x80, s25, s12, $0xb8;
	[tilespmem:$0x1E000] =	vst v63  }
0x2bd: {  	_ =	swait.ge [sflag:s5], $0x4000  }
0x2be: {  	[sflag:s5] =	ssyncset.done $0x0  }
0x2bf: {  	s11 =	simm.s32 $0x1980;
	[sflag:s5] =	ssyncadd.s32 $0xFFFFC000  }
0x2c0: {  	[tilespmem:s20], [sflag:$0x5] =	stream.indirect.gather [hbm4b:s0+s12], $0x80, s11, s12, $0xb8;
	[tilespmem:$0x1E000] =	vst v63  }
0x2c1: {  	_ =	swait.ge [sflag:s21], $0x4000  }
0x2c2: {  	[sflag:s21] =	ssyncset.done $0x0  }
0x2c3: {  	s16 =	simm.s32 $0x1800;
	[sflag:s21] =	ssyncadd.s32 $0xFFFFC000  }
0x2c4: {  	[hbm4b:s3+s12] =	stream.indirect.scatter [tilespmem:s13], [sflag:$0x8], $0x80, s16, s12, $0xb8;
	[tilespmem:$0x1E000] =	vst v63  }
0x2c5: {  	_ =	swait.ge [sflag:s6], $0x4000  }
0x2c6: {  	[sflag:s6] =	ssyncset.done $0x0  }
0x2c7: {  	s25 =	simm.s32 $0x580;
	[sflag:s6] =	ssyncadd.s32 $0xFFFFC000  }
0x2c8: {  	[tilespmem:s23], [sflag:$0x6] =	stream.indirect.gather [hbm4b:s0+s12], $0x80, s25, s12, $0xb8;
	[tilespmem:$0x1E000] =	vst v63  }
0x2c9: {  	_ =	swait.ge [sflag:s24], $0x4000  }
0x2ca: {  	[sflag:s24] =	ssyncset.done $0x0  }
0x2cb: {  	s25 =	simm.s32 $0x0;
	[sflag:s24] =	ssyncadd.s32 $0xFFFFC000  }
0x2cc: {  	v7 =	vld [tilespmem:s25+$0x606F]  }
0x2cd: {  	v6 =	vld [tilespmem:s25+$0x605F]  }
0x2ce: {  	v3 =	vld [tilespmem:s25+$0x604F]  }
0x2cf: {  	v4 =	vld [tilespmem:s25+$0x601F]  }
0x2d0: {  	v5 =	vld [tilespmem:s25+$0x603F]  }
0x2d1: {  	s10 =	simm.s32 $0x400;
	s16 =	simm.s32 $0x200;
	v8 =	vld [tilespmem:s25+$0x6000]  }
.LBB2_22:
0x2d2: {  	p0 =	sne.s32 s10, $0xFE00  }
0x2d3: {  	s11 =	sshra.s32 s16, $0x2;
	[tilespmem:s25+$0x6070] =	vst v7;
	v9 =	vld [tilespmem:s25+$0x600F];
	s16 =	smov.u32 s10;
	s10 =	sadd.s32 $0x200, s10  }
0x2d4: {  	[tilespmem:s25+$0x6060] =	vst v6;
	v10 =	vld [tilespmem:s25+$0x602F]  }
0x2d5: {  	v7 =	vld [tilespmem:s11+$0x606F];
	[tilespmem:s25+$0x6050] =	vst v3  }
0x2d6: {  	[tilespmem:s25+$0x6020] =	vst v4  }
.Ltmp10:
0x2d7: {  	vm0 =	veq.s32 v1, $0x0;
	v6 =	vld [tilespmem:s11+$0x605F];
	[tilespmem:s25+$0x6040] =	vst v5;
	v5 =	vperm.xlane v8, v2;
	(pc) =	sbr.rel @p0 .LBB2_22-.Ltmp10, $4  }
0x2d8: {  	v3 =	vld [tilespmem:s11+$0x604F];
	[tilespmem:s25+$0x6010] =	vst v9  }
0x2d9: {  	v4 =	vld [tilespmem:s11+$0x601F];
	[tilespmem:s25+$0x6030] =	vst v10;
	v8 =	vsel vm0, $0x0, v5  }
0x2da: {  	v5 =	vld [tilespmem:s11+$0x603F];
	[tilespmem:s25+$0x6000] =	vst v8;
	s25 =	smov.u32 s11  }
0x2db: {  	v8 =	vld [tilespmem:s25+$0x6000]  }
0x2dc: {  	[tilespmem:s25+$0x6070] =	vst v7;
	v7 =	vld [tilespmem:s25+$0x600F]  }
0x2dd: {  	[tilespmem:s25+$0x6060] =	vst v6;
	s10 =	sshra.s32 s16, $0x2;
	v6 =	vld [tilespmem:s25+$0x602F]  }
0x2de: {  	v9 =	vld [tilespmem:s10+$0x606F];
	[tilespmem:s25+$0x6050] =	vst v3  }
0x2df: {  	[tilespmem:s25+$0x6020] =	vst v4  }
0x2e0: {  	v3 =	vld [tilespmem:s10+$0x605F];
	[tilespmem:s25+$0x6040] =	vst v5;
	v5 =	vperm.xlane v8, v2  }
0x2e1: {  	v4 =	vld [tilespmem:s10+$0x604F];
	[tilespmem:s25+$0x6010] =	vst v7  }
0x2e2: {  	v7 =	vld [tilespmem:s10+$0x601F];
	[tilespmem:s25+$0x6030] =	vst v6;
	v5 =	vsel vm0, $0x0, v5  }
0x2e3: {  	v6 =	vld [tilespmem:s10+$0x603F];
	[tilespmem:s25+$0x6000] =	vst v5  }
0x2e4: {  	v5 =	vld [tilespmem:s10+$0x6000]  }
0x2e5: {  	[tilespmem:s10+$0x6070] =	vst v9;
	v8 =	vld [tilespmem:s10+$0x600F]  }
0x2e6: {  	[tilespmem:s10+$0x6060] =	vst v3;
	v3 =	vld [tilespmem:s10+$0x602F]  }
0x2e7: {  	[tilespmem:s10+$0x6050] =	vst v4  }
0x2e8: {  	[tilespmem:s10+$0x6020] =	vst v7  }
0x2e9: {  	[tilespmem:s10+$0x6040] =	vst v6;
	v4 =	vperm.xlane v5, v2  }
0x2ea: {  	[tilespmem:s10+$0x6010] =	vst v8  }
0x2eb: {  	[tilespmem:s10+$0x6030] =	vst v3;
	v3 =	vsel vm0, $0x0, v4  }
0x2ec: {  	s16 =	simm.s32 $0x500;
	[tilespmem:s10+$0x6000] =	vst v3  }
0x2ed: {  	[hbm4b:s3+s12] =	stream.indirect.scatter [tilespmem:s15], [sflag:$0x9], $0x80, s16, s12, $0xb8;
	[tilespmem:$0x1E000] =	vst v63  }
0x2ee: {  	_ =	swait.ge [sflag:s8], $0x4000  }
0x2ef: {  	[sflag:s8] =	ssyncset.done $0x0  }
0x2f0: {  	s25 =	simm.s32 $0x1A00;
	[sflag:s8] =	ssyncadd.s32 $0xFFFFC000  }
0x2f1: {  	[tilespmem:s26], [sflag:$0x7] =	stream.indirect.gather [hbm4b:s0+s12], $0x80, s25, s12, $0xb8;
	[tilespmem:$0x1E000] =	vst v63  }
0x2f2: {  	_ =	swait.ge [sflag:s28], $0x4000  }
0x2f3: {  	[sflag:s28] =	ssyncset.done $0x0  }
0x2f4: {  	s11 =	simm.s32 $0x1880;
	[sflag:s28] =	ssyncadd.s32 $0xFFFFC000  }
0x2f5: {  	[hbm4b:s3+s12] =	stream.indirect.scatter [tilespmem:s17], [sflag:$0xA], $0x80, s11, s12, $0xb8;
	[tilespmem:$0x1E000] =	vst v63  }
0x2f6: {  	_ =	swait.ge [sflag:s29], $0x4000  }
0x2f7: {  	[sflag:s29] =	ssyncset.done $0x0  }
0x2f8: {  	s16 =	simm.s32 $0x1A80;
	[sflag:s29] =	ssyncadd.s32 $0xFFFFC000  }
0x2f9: {  	[tilespmem:s13], [sflag:$0x1] =	stream.indirect.gather [hbm4b:s0+s12], $0x80, s16, s12, $0xb8;
	[tilespmem:$0x1E000] =	vst v63  }
0x2fa: {  	_ =	swait.ge [sflag:s30], $0x4000  }
0x2fb: {  	[sflag:s30] =	ssyncset.done $0x0  }
0x2fc: {  	s25 =	simm.s32 $0x1900;
	[sflag:s30] =	ssyncadd.s32 $0xFFFFC000  }
0x2fd: {  	[hbm4b:s3+s12] =	stream.indirect.scatter [tilespmem:s18], [sflag:$0xB], $0x80, s25, s12, $0xb8;
	[tilespmem:$0x1E000] =	vst v63  }
0x2fe: {  	_ =	swait.ge [sflag:s31], $0x4000  }
0x2ff: {  	[sflag:s31] =	ssyncset.done $0x0  }
0x300: {  	s11 =	simm.s32 $0x1B00;
	[sflag:s31] =	ssyncadd.s32 $0xFFFFC000  }
0x301: {  	[tilespmem:s15], [sflag:$0x2] =	stream.indirect.gather [hbm4b:s0+s12], $0x80, s11, s12, $0xb8;
	[tilespmem:$0x1E000] =	vst v63  }
0x302: {  	_ =	swait.ge [sflag:s2], $0x4000  }
0x303: {  	[sflag:s2] =	ssyncset.done $0x0  }
0x304: {  	s16 =	simm.s32 $0x1980;
	[sflag:s2] =	ssyncadd.s32 $0xFFFFC000  }
0x305: {  	[hbm4b:s3+s12] =	stream.indirect.scatter [tilespmem:s20], [sflag:$0xC], $0x80, s16, s12, $0xb8;
	[tilespmem:$0x1E000] =	vst v63  }
0x306: {  	_ =	swait.ge [sflag:s14], $0x4000  }
0x307: {  	[sflag:s14] =	ssyncset.done $0x0  }
0x308: {  	s25 =	simm.s32 $0x600;
	[sflag:s14] =	ssyncadd.s32 $0xFFFFC000  }
0x309: {  	[tilespmem:s17], [sflag:$0x3] =	stream.indirect.gather [hbm4b:s0+s12], $0x80, s25, s12, $0xb8;
	[tilespmem:$0x1E000] =	vst v63  }
0x30a: {  	_ =	swait.ge [sflag:s19], $0x4000  }
0x30b: {  	[sflag:s19] =	ssyncset.done $0x0  }
0x30c: {  	s25 =	simm.s32 $0x0;
	[sflag:s19] =	ssyncadd.s32 $0xFFFFC000  }
0x30d: {  	v7 =	vld [tilespmem:s25+$0x1606F]  }
0x30e: {  	v6 =	vld [tilespmem:s25+$0x1605F]  }
0x30f: {  	v3 =	vld [tilespmem:s25+$0x1604F]  }
0x310: {  	v4 =	vld [tilespmem:s25+$0x1601F]  }
0x311: {  	v5 =	vld [tilespmem:s25+$0x1603F]  }
0x312: {  	s10 =	simm.s32 $0x400;
	s16 =	simm.s32 $0x200;
	v8 =	vld [tilespmem:s25+$0x16000]  }
.LBB2_24:
0x313: {  	p0 =	sne.s32 s10, $0xFE00  }
0x314: {  	s11 =	sshra.s32 s16, $0x2;
	[tilespmem:s25+$0x16070] =	vst v7;
	v9 =	vld [tilespmem:s25+$0x1600F];
	s16 =	smov.u32 s10;
	s10 =	sadd.s32 $0x200, s10  }
0x315: {  	[tilespmem:s25+$0x16060] =	vst v6;
	v10 =	vld [tilespmem:s25+$0x1602F]  }
0x316: {  	v7 =	vld [tilespmem:s11+$0x1606F];
	[tilespmem:s25+$0x16050] =	vst v3  }
0x317: {  	[tilespmem:s25+$0x16020] =	vst v4  }
.Ltmp11:
0x318: {  	vm0 =	veq.s32 v1, $0x0;
	v6 =	vld [tilespmem:s11+$0x1605F];
	[tilespmem:s25+$0x16040] =	vst v5;
	v5 =	vperm.xlane v8, v2;
	(pc) =	sbr.rel @p0 .LBB2_24-.Ltmp11, $4  }
0x319: {  	v3 =	vld [tilespmem:s11+$0x1604F];
	[tilespmem:s25+$0x16010] =	vst v9  }
0x31a: {  	v4 =	vld [tilespmem:s11+$0x1601F];
	[tilespmem:s25+$0x16030] =	vst v10;
	v8 =	vsel vm0, $0x0, v5  }
0x31b: {  	v5 =	vld [tilespmem:s11+$0x1603F];
	[tilespmem:s25+$0x16000] =	vst v8;
	s25 =	smov.u32 s11  }
0x31c: {  	v8 =	vld [tilespmem:s25+$0x16000]  }
0x31d: {  	[tilespmem:s25+$0x16070] =	vst v7;
	v7 =	vld [tilespmem:s25+$0x1600F]  }
0x31e: {  	[tilespmem:s25+$0x16060] =	vst v6;
	s10 =	sshra.s32 s16, $0x2;
	v6 =	vld [tilespmem:s25+$0x1602F]  }
0x31f: {  	v9 =	vld [tilespmem:s10+$0x1606F];
	[tilespmem:s25+$0x16050] =	vst v3  }
0x320: {  	[tilespmem:s25+$0x16020] =	vst v4  }
0x321: {  	v3 =	vld [tilespmem:s10+$0x1605F];
	[tilespmem:s25+$0x16040] =	vst v5;
	v5 =	vperm.xlane v8, v2  }
0x322: {  	v4 =	vld [tilespmem:s10+$0x1604F];
	[tilespmem:s25+$0x16010] =	vst v7  }
0x323: {  	v7 =	vld [tilespmem:s10+$0x1601F];
	[tilespmem:s25+$0x16030] =	vst v6;
	v5 =	vsel vm0, $0x0, v5  }
0x324: {  	v6 =	vld [tilespmem:s10+$0x1603F];
	[tilespmem:s25+$0x16000] =	vst v5  }
0x325: {  	v5 =	vld [tilespmem:s10+$0x16000]  }
0x326: {  	[tilespmem:s10+$0x16070] =	vst v9;
	v8 =	vld [tilespmem:s10+$0x1600F]  }
0x327: {  	[tilespmem:s10+$0x16060] =	vst v3;
	v3 =	vld [tilespmem:s10+$0x1602F]  }
0x328: {  	[tilespmem:s10+$0x16050] =	vst v4  }
0x329: {  	[tilespmem:s10+$0x16020] =	vst v7  }
0x32a: {  	[tilespmem:s10+$0x16040] =	vst v6;
	v4 =	vperm.xlane v5, v2  }
0x32b: {  	[tilespmem:s10+$0x16010] =	vst v8  }
0x32c: {  	[tilespmem:s10+$0x16030] =	vst v3;
	v3 =	vsel vm0, $0x0, v4  }
0x32d: {  	s16 =	simm.s32 $0x580;
	[tilespmem:s10+$0x16000] =	vst v3  }
0x32e: {  	[hbm4b:s3+s12] =	stream.indirect.scatter [tilespmem:s23], [sflag:$0xD], $0x80, s16, s12, $0xb8;
	[tilespmem:$0x1E000] =	vst v63  }
0x32f: {  	_ =	swait.ge [sflag:s22], $0x4000  }
0x330: {  	[sflag:s22] =	ssyncset.done $0x0  }
0x331: {  	s25 =	simm.s32 $0x1B80;
	[sflag:s22] =	ssyncadd.s32 $0xFFFFC000  }
0x332: {  	[tilespmem:s18], [sflag:$0x4] =	stream.indirect.gather [hbm4b:s0+s12], $0x80, s25, s12, $0xb8;
	[tilespmem:$0x1E000] =	vst v63  }
0x333: {  	_ =	swait.ge [sflag:s1], $0x4000  }
0x334: {  	[sflag:s1] =	ssyncset.done $0x0  }
0x335: {  	s11 =	simm.s32 $0x1A00;
	[sflag:s1] =	ssyncadd.s32 $0xFFFFC000  }
0x336: {  	[hbm4b:s3+s12] =	stream.indirect.scatter [tilespmem:s26], [sflag:$0xE], $0x80, s11, s12, $0xb8;
	[tilespmem:$0x1E000] =	vst v63  }
0x337: {  	_ =	swait.ge [sflag:s5], $0x4000  }
0x338: {  	[sflag:s5] =	ssyncset.done $0x0  }
0x339: {  	s16 =	simm.s32 $0x1C00;
	[sflag:s5] =	ssyncadd.s32 $0xFFFFC000  }
0x33a: {  	[tilespmem:s20], [sflag:$0x5] =	stream.indirect.gather [hbm4b:s0+s12], $0x80, s16, s12, $0xb8;
	[tilespmem:$0x1E000] =	vst v63  }
0x33b: {  	_ =	swait.ge [sflag:s21], $0x4000  }
0x33c: {  	[sflag:s21] =	ssyncset.done $0x0  }
0x33d: {  	s25 =	simm.s32 $0x1A80;
	[sflag:s21] =	ssyncadd.s32 $0xFFFFC000  }
0x33e: {  	[hbm4b:s3+s12] =	stream.indirect.scatter [tilespmem:s13], [sflag:$0x8], $0x80, s25, s12, $0xb8;
	[tilespmem:$0x1E000] =	vst v63  }
0x33f: {  	_ =	swait.ge [sflag:s6], $0x4000  }
0x340: {  	[sflag:s6] =	ssyncset.done $0x0  }
0x341: {  	s11 =	simm.s32 $0x1C80;
	[sflag:s6] =	ssyncadd.s32 $0xFFFFC000  }
0x342: {  	[tilespmem:s23], [sflag:$0x6] =	stream.indirect.gather [hbm4b:s0+s12], $0x80, s11, s12, $0xb8;
	[tilespmem:$0x1E000] =	vst v63  }
0x343: {  	_ =	swait.ge [sflag:s24], $0x4000  }
0x344: {  	[sflag:s24] =	ssyncset.done $0x0  }
0x345: {  	s16 =	simm.s32 $0x1B00;
	[sflag:s24] =	ssyncadd.s32 $0xFFFFC000  }
0x346: {  	[hbm4b:s3+s12] =	stream.indirect.scatter [tilespmem:s15], [sflag:$0x9], $0x80, s16, s12, $0xb8;
	[tilespmem:$0x1E000] =	vst v63  }
0x347: {  	_ =	swait.ge [sflag:s8], $0x4000  }
0x348: {  	[sflag:s8] =	ssyncset.done $0x0  }
0x349: {  	s25 =	simm.s32 $0x680;
	[sflag:s8] =	ssyncadd.s32 $0xFFFFC000  }
0x34a: {  	[tilespmem:s26], [sflag:$0x7] =	stream.indirect.gather [hbm4b:s0+s12], $0x80, s25, s12, $0xb8;
	[tilespmem:$0x1E000] =	vst v63  }
0x34b: {  	_ =	swait.ge [sflag:s28], $0x4000  }
0x34c: {  	[sflag:s28] =	ssyncset.done $0x0  }
0x34d: {  	s25 =	simm.s32 $0x0;
	[sflag:s28] =	ssyncadd.s32 $0xFFFFC000  }
0x34e: {  	v7 =	vld [tilespmem:s25+$0xA06F]  }
0x34f: {  	v6 =	vld [tilespmem:s25+$0xA05F]  }
0x350: {  	v3 =	vld [tilespmem:s25+$0xA04F]  }
0x351: {  	v4 =	vld [tilespmem:s25+$0xA01F]  }
0x352: {  	v5 =	vld [tilespmem:s25+$0xA03F]  }
0x353: {  	s10 =	simm.s32 $0x400;
	s16 =	simm.s32 $0x200;
	v8 =	vld [tilespmem:s25+$0xA000]  }
.LBB2_26:
0x354: {  	p0 =	sne.s32 s10, $0xFE00  }
0x355: {  	s11 =	sshra.s32 s16, $0x2;
	[tilespmem:s25+$0xA070] =	vst v7;
	v9 =	vld [tilespmem:s25+$0xA00F];
	s16 =	smov.u32 s10;
	s10 =	sadd.s32 $0x200, s10  }
0x356: {  	[tilespmem:s25+$0xA060] =	vst v6;
	v10 =	vld [tilespmem:s25+$0xA02F]  }
0x357: {  	v7 =	vld [tilespmem:s11+$0xA06F];
	[tilespmem:s25+$0xA050] =	vst v3  }
0x358: {  	[tilespmem:s25+$0xA020] =	vst v4  }
.Ltmp12:
0x359: {  	vm0 =	veq.s32 v1, $0x0;
	v6 =	vld [tilespmem:s11+$0xA05F];
	[tilespmem:s25+$0xA040] =	vst v5;
	v5 =	vperm.xlane v8, v2;
	(pc) =	sbr.rel @p0 .LBB2_26-.Ltmp12, $4  }
0x35a: {  	v3 =	vld [tilespmem:s11+$0xA04F];
	[tilespmem:s25+$0xA010] =	vst v9  }
0x35b: {  	v4 =	vld [tilespmem:s11+$0xA01F];
	[tilespmem:s25+$0xA030] =	vst v10;
	v8 =	vsel vm0, $0x0, v5  }
0x35c: {  	v5 =	vld [tilespmem:s11+$0xA03F];
	[tilespmem:s25+$0xA000] =	vst v8;
	s25 =	smov.u32 s11  }
0x35d: {  	v8 =	vld [tilespmem:s25+$0xA000]  }
0x35e: {  	[tilespmem:s25+$0xA070] =	vst v7;
	v7 =	vld [tilespmem:s25+$0xA00F]  }
0x35f: {  	[tilespmem:s25+$0xA060] =	vst v6;
	s10 =	sshra.s32 s16, $0x2;
	v6 =	vld [tilespmem:s25+$0xA02F]  }
0x360: {  	v9 =	vld [tilespmem:s10+$0xA06F];
	[tilespmem:s25+$0xA050] =	vst v3  }
0x361: {  	[tilespmem:s25+$0xA020] =	vst v4  }
0x362: {  	v3 =	vld [tilespmem:s10+$0xA05F];
	[tilespmem:s25+$0xA040] =	vst v5;
	v5 =	vperm.xlane v8, v2  }
0x363: {  	v4 =	vld [tilespmem:s10+$0xA04F];
	[tilespmem:s25+$0xA010] =	vst v7  }
0x364: {  	v7 =	vld [tilespmem:s10+$0xA01F];
	[tilespmem:s25+$0xA030] =	vst v6;
	v5 =	vsel vm0, $0x0, v5  }
0x365: {  	v6 =	vld [tilespmem:s10+$0xA03F];
	[tilespmem:s25+$0xA000] =	vst v5  }
0x366: {  	v5 =	vld [tilespmem:s10+$0xA000]  }
0x367: {  	[tilespmem:s10+$0xA070] =	vst v9;
	v8 =	vld [tilespmem:s10+$0xA00F]  }
0x368: {  	[tilespmem:s10+$0xA060] =	vst v3;
	v3 =	vld [tilespmem:s10+$0xA02F]  }
0x369: {  	[tilespmem:s10+$0xA050] =	vst v4  }
0x36a: {  	[tilespmem:s10+$0xA020] =	vst v7  }
0x36b: {  	[tilespmem:s10+$0xA040] =	vst v6;
	v4 =	vperm.xlane v5, v2  }
0x36c: {  	[tilespmem:s10+$0xA010] =	vst v8  }
0x36d: {  	[tilespmem:s10+$0xA030] =	vst v3;
	v3 =	vsel vm0, $0x0, v4  }
0x36e: {  	s16 =	simm.s32 $0x600;
	[tilespmem:s10+$0xA000] =	vst v3  }
0x36f: {  	[hbm4b:s3+s12] =	stream.indirect.scatter [tilespmem:s17], [sflag:$0xA], $0x80, s16, s12, $0xb8;
	[tilespmem:$0x1E000] =	vst v63  }
0x370: {  	_ =	swait.ge [sflag:s29], $0x4000  }
0x371: {  	[sflag:s29] =	ssyncset.done $0x0  }
0x372: {  	s25 =	simm.s32 $0x1D00;
	[sflag:s29] =	ssyncadd.s32 $0xFFFFC000  }
0x373: {  	[tilespmem:s13], [sflag:$0x1] =	stream.indirect.gather [hbm4b:s0+s12], $0x80, s25, s12, $0xb8;
	[tilespmem:$0x1E000] =	vst v63  }
0x374: {  	_ =	swait.ge [sflag:s30], $0x4000  }
0x375: {  	[sflag:s30] =	ssyncset.done $0x0  }
0x376: {  	s11 =	simm.s32 $0x1B80;
	[sflag:s30] =	ssyncadd.s32 $0xFFFFC000  }
0x377: {  	[hbm4b:s3+s12] =	stream.indirect.scatter [tilespmem:s18], [sflag:$0xB], $0x80, s11, s12, $0xb8;
	[tilespmem:$0x1E000] =	vst v63  }
0x378: {  	_ =	swait.ge [sflag:s31], $0x4000  }
0x379: {  	[sflag:s31] =	ssyncset.done $0x0  }
0x37a: {  	s16 =	simm.s32 $0x1D80;
	[sflag:s31] =	ssyncadd.s32 $0xFFFFC000  }
0x37b: {  	[tilespmem:s15], [sflag:$0x2] =	stream.indirect.gather [hbm4b:s0+s12], $0x80, s16, s12, $0xb8;
	[tilespmem:$0x1E000] =	vst v63  }
0x37c: {  	_ =	swait.ge [sflag:s2], $0x4000  }
0x37d: {  	[sflag:s2] =	ssyncset.done $0x0  }
0x37e: {  	s25 =	simm.s32 $0x1C00;
	[sflag:s2] =	ssyncadd.s32 $0xFFFFC000  }
0x37f: {  	[hbm4b:s3+s12] =	stream.indirect.scatter [tilespmem:s20], [sflag:$0xC], $0x80, s25, s12, $0xb8;
	[tilespmem:$0x1E000] =	vst v63  }
0x380: {  	_ =	swait.ge [sflag:s14], $0x4000  }
0x381: {  	[sflag:s14] =	ssyncset.done $0x0  }
0x382: {  	s11 =	simm.s32 $0x1E00;
	[sflag:s14] =	ssyncadd.s32 $0xFFFFC000  }
0x383: {  	[tilespmem:s17], [sflag:$0x3] =	stream.indirect.gather [hbm4b:s0+s12], $0x80, s11, s12, $0xb8;
	[tilespmem:$0x1E000] =	vst v63  }
0x384: {  	_ =	swait.ge [sflag:s19], $0x4000  }
0x385: {  	[sflag:s19] =	ssyncset.done $0x0  }
0x386: {  	s16 =	simm.s32 $0x1C80;
	[sflag:s19] =	ssyncadd.s32 $0xFFFFC000  }
0x387: {  	[hbm4b:s3+s12] =	stream.indirect.scatter [tilespmem:s23], [sflag:$0xD], $0x80, s16, s12, $0xb8;
	[tilespmem:$0x1E000] =	vst v63  }
0x388: {  	_ =	swait.ge [sflag:s22], $0x4000  }
0x389: {  	[sflag:s22] =	ssyncset.done $0x0  }
0x38a: {  	s25 =	simm.s32 $0x700;
	[sflag:s22] =	ssyncadd.s32 $0xFFFFC000  }
0x38b: {  	[tilespmem:s18], [sflag:$0x4] =	stream.indirect.gather [hbm4b:s0+s12], $0x80, s25, s12, $0xb8;
	[tilespmem:$0x1E000] =	vst v63  }
0x38c: {  	_ =	swait.ge [sflag:s1], $0x4000  }
0x38d: {  	[sflag:s1] =	ssyncset.done $0x0  }
0x38e: {  	s25 =	simm.s32 $0x0;
	[sflag:s1] =	ssyncadd.s32 $0xFFFFC000  }
0x38f: {  	v7 =	vld [tilespmem:s25+$0x1A06F]  }
0x390: {  	v6 =	vld [tilespmem:s25+$0x1A05F]  }
0x391: {  	v3 =	vld [tilespmem:s25+$0x1A04F]  }
0x392: {  	v4 =	vld [tilespmem:s25+$0x1A01F]  }
0x393: {  	v5 =	vld [tilespmem:s25+$0x1A03F]  }
0x394: {  	s10 =	simm.s32 $0x400;
	s16 =	simm.s32 $0x200;
	v8 =	vld [tilespmem:s25+$0x1A000]  }
.LBB2_28:
0x395: {  	p0 =	sne.s32 s10, $0xFE00  }
0x396: {  	s11 =	sshra.s32 s16, $0x2;
	[tilespmem:s25+$0x1A070] =	vst v7;
	v9 =	vld [tilespmem:s25+$0x1A00F];
	s16 =	smov.u32 s10;
	s10 =	sadd.s32 $0x200, s10  }
0x397: {  	[tilespmem:s25+$0x1A060] =	vst v6;
	v10 =	vld [tilespmem:s25+$0x1A02F]  }
0x398: {  	v7 =	vld [tilespmem:s11+$0x1A06F];
	[tilespmem:s25+$0x1A050] =	vst v3  }
0x399: {  	[tilespmem:s25+$0x1A020] =	vst v4  }
.Ltmp13:
0x39a: {  	vm0 =	veq.s32 v1, $0x0;
	v6 =	vld [tilespmem:s11+$0x1A05F];
	[tilespmem:s25+$0x1A040] =	vst v5;
	v5 =	vperm.xlane v8, v2;
	(pc) =	sbr.rel @p0 .LBB2_28-.Ltmp13, $4  }
0x39b: {  	v3 =	vld [tilespmem:s11+$0x1A04F];
	[tilespmem:s25+$0x1A010] =	vst v9  }
0x39c: {  	v4 =	vld [tilespmem:s11+$0x1A01F];
	[tilespmem:s25+$0x1A030] =	vst v10;
	v8 =	vsel vm0, $0x0, v5  }
0x39d: {  	v5 =	vld [tilespmem:s11+$0x1A03F];
	[tilespmem:s25+$0x1A000] =	vst v8;
	s25 =	smov.u32 s11  }
0x39e: {  	v8 =	vld [tilespmem:s25+$0x1A000]  }
0x39f: {  	[tilespmem:s25+$0x1A070] =	vst v7;
	v7 =	vld [tilespmem:s25+$0x1A00F]  }
0x3a0: {  	[tilespmem:s25+$0x1A060] =	vst v6;
	s10 =	sshra.s32 s16, $0x2;
	v6 =	vld [tilespmem:s25+$0x1A02F]  }
0x3a1: {  	v9 =	vld [tilespmem:s10+$0x1A06F];
	[tilespmem:s25+$0x1A050] =	vst v3  }
0x3a2: {  	[tilespmem:s25+$0x1A020] =	vst v4  }
0x3a3: {  	v3 =	vld [tilespmem:s10+$0x1A05F];
	[tilespmem:s25+$0x1A040] =	vst v5;
	v5 =	vperm.xlane v8, v2  }
0x3a4: {  	v4 =	vld [tilespmem:s10+$0x1A04F];
	[tilespmem:s25+$0x1A010] =	vst v7  }
0x3a5: {  	v7 =	vld [tilespmem:s10+$0x1A01F];
	[tilespmem:s25+$0x1A030] =	vst v6;
	v5 =	vsel vm0, $0x0, v5  }
0x3a6: {  	v6 =	vld [tilespmem:s10+$0x1A03F];
	[tilespmem:s25+$0x1A000] =	vst v5  }
0x3a7: {  	v5 =	vld [tilespmem:s10+$0x1A000]  }
0x3a8: {  	[tilespmem:s10+$0x1A070] =	vst v9;
	v8 =	vld [tilespmem:s10+$0x1A00F]  }
0x3a9: {  	[tilespmem:s10+$0x1A060] =	vst v3;
	v3 =	vld [tilespmem:s10+$0x1A02F]  }
0x3aa: {  	[tilespmem:s10+$0x1A050] =	vst v4  }
0x3ab: {  	[tilespmem:s10+$0x1A020] =	vst v7  }
0x3ac: {  	[tilespmem:s10+$0x1A040] =	vst v6;
	v4 =	vperm.xlane v5, v2  }
0x3ad: {  	[tilespmem:s10+$0x1A010] =	vst v8  }
0x3ae: {  	[tilespmem:s10+$0x1A030] =	vst v3;
	v3 =	vsel vm0, $0x0, v4  }
0x3af: {  	s16 =	simm.s32 $0x680;
	[tilespmem:s10+$0x1A000] =	vst v3  }
0x3b0: {  	[hbm4b:s3+s12] =	stream.indirect.scatter [tilespmem:s26], [sflag:$0xE], $0x80, s16, s12, $0xb8;
	[tilespmem:$0x1E000] =	vst v63  }
0x3b1: {  	_ =	swait.ge [sflag:s5], $0x4000  }
0x3b2: {  	[sflag:s5] =	ssyncset.done $0x0  }
0x3b3: {  	s25 =	simm.s32 $0x1E80;
	[sflag:s5] =	ssyncadd.s32 $0xFFFFC000  }
0x3b4: {  	[tilespmem:s20], [sflag:$0x5] =	stream.indirect.gather [hbm4b:s0+s12], $0x80, s25, s12, $0xb8;
	[tilespmem:$0x1E000] =	vst v63  }
0x3b5: {  	_ =	swait.ge [sflag:s21], $0x4000  }
0x3b6: {  	[sflag:s21] =	ssyncset.done $0x0  }
0x3b7: {  	s11 =	simm.s32 $0x1D00;
	[sflag:s21] =	ssyncadd.s32 $0xFFFFC000  }
0x3b8: {  	[hbm4b:s3+s12] =	stream.indirect.scatter [tilespmem:s13], [sflag:$0x8], $0x80, s11, s12, $0xb8;
	[tilespmem:$0x1E000] =	vst v63  }
0x3b9: {  	_ =	swait.ge [sflag:s6], $0x4000  }
0x3ba: {  	[sflag:s6] =	ssyncset.done $0x0  }
0x3bb: {  	s16 =	simm.s32 $0x1F00;
	[sflag:s6] =	ssyncadd.s32 $0xFFFFC000  }
0x3bc: {  	[tilespmem:s23], [sflag:$0x6] =	stream.indirect.gather [hbm4b:s0+s12], $0x80, s16, s12, $0xb8;
	[tilespmem:$0x1E000] =	vst v63  }
0x3bd: {  	_ =	swait.ge [sflag:s24], $0x4000  }
0x3be: {  	[sflag:s24] =	ssyncset.done $0x0  }
0x3bf: {  	s25 =	simm.s32 $0x1D80;
	[sflag:s24] =	ssyncadd.s32 $0xFFFFC000  }
0x3c0: {  	[hbm4b:s3+s12] =	stream.indirect.scatter [tilespmem:s15], [sflag:$0x9], $0x80, s25, s12, $0xb8;
	[tilespmem:$0x1E000] =	vst v63  }
0x3c1: {  	_ =	swait.ge [sflag:s8], $0x4000  }
0x3c2: {  	[sflag:s8] =	ssyncset.done $0x0  }
0x3c3: {  	s11 =	simm.s32 $0x1F80;
	[sflag:s8] =	ssyncadd.s32 $0xFFFFC000  }
0x3c4: {  	[tilespmem:s26], [sflag:$0x7] =	stream.indirect.gather [hbm4b:s0+s12], $0x80, s11, s12, $0xb8;
	[tilespmem:$0x1E000] =	vst v63  }
0x3c5: {  	_ =	swait.ge [sflag:s28], $0x4000  }
0x3c6: {  	[sflag:s28] =	ssyncset.done $0x0  }
0x3c7: {  	s16 =	simm.s32 $0x1E00;
	[sflag:s28] =	ssyncadd.s32 $0xFFFFC000  }
0x3c8: {  	[hbm4b:s3+s12] =	stream.indirect.scatter [tilespmem:s17], [sflag:$0xA], $0x80, s16, s12, $0xb8;
	[tilespmem:$0x1E000] =	vst v63  }
0x3c9: {  	_ =	swait.ge [sflag:s29], $0x4000  }
0x3ca: {  	[sflag:s29] =	ssyncset.done $0x0  }
0x3cb: {  	s25 =	simm.s32 $0x780;
	[sflag:s29] =	ssyncadd.s32 $0xFFFFC000  }
0x3cc: {  	[tilespmem:s13], [sflag:$0x1] =	stream.indirect.gather [hbm4b:s0+s12], $0x80, s25, s12, $0xb8;
	[tilespmem:$0x1E000] =	vst v63  }
0x3cd: {  	_ =	swait.ge [sflag:s30], $0x4000  }
0x3ce: {  	[sflag:s30] =	ssyncset.done $0x0  }
0x3cf: {  	s25 =	simm.s32 $0x0;
	[sflag:s30] =	ssyncadd.s32 $0xFFFFC000  }
0x3d0: {  	v7 =	vld [tilespmem:s25+$0xE06F]  }
0x3d1: {  	v6 =	vld [tilespmem:s25+$0xE05F]  }
0x3d2: {  	v3 =	vld [tilespmem:s25+$0xE04F]  }
0x3d3: {  	v4 =	vld [tilespmem:s25+$0xE01F]  }
0x3d4: {  	v5 =	vld [tilespmem:s25+$0xE03F]  }
0x3d5: {  	s10 =	simm.s32 $0x400;
	s16 =	simm.s32 $0x200;
	v8 =	vld [tilespmem:s25+$0xE000]  }
.LBB2_30:
0x3d6: {  	p0 =	sne.s32 s10, $0xFE00  }
0x3d7: {  	s11 =	sshra.s32 s16, $0x2;
	[tilespmem:s25+$0xE070] =	vst v7;
	v9 =	vld [tilespmem:s25+$0xE00F];
	s16 =	smov.u32 s10;
	s10 =	sadd.s32 $0x200, s10  }
0x3d8: {  	[tilespmem:s25+$0xE060] =	vst v6;
	v10 =	vld [tilespmem:s25+$0xE02F]  }
0x3d9: {  	v7 =	vld [tilespmem:s11+$0xE06F];
	[tilespmem:s25+$0xE050] =	vst v3  }
0x3da: {  	[tilespmem:s25+$0xE020] =	vst v4  }
.Ltmp14:
0x3db: {  	vm0 =	veq.s32 v1, $0x0;
	v6 =	vld [tilespmem:s11+$0xE05F];
	[tilespmem:s25+$0xE040] =	vst v5;
	v5 =	vperm.xlane v8, v2;
	(pc) =	sbr.rel @p0 .LBB2_30-.Ltmp14, $4  }
0x3dc: {  	v3 =	vld [tilespmem:s11+$0xE04F];
	[tilespmem:s25+$0xE010] =	vst v9  }
0x3dd: {  	v4 =	vld [tilespmem:s11+$0xE01F];
	[tilespmem:s25+$0xE030] =	vst v10;
	v8 =	vsel vm0, $0x0, v5  }
0x3de: {  	v5 =	vld [tilespmem:s11+$0xE03F];
	[tilespmem:s25+$0xE000] =	vst v8;
	s25 =	smov.u32 s11  }
0x3df: {  	v8 =	vld [tilespmem:s25+$0xE000]  }
0x3e0: {  	[tilespmem:s25+$0xE070] =	vst v7;
	v7 =	vld [tilespmem:s25+$0xE00F]  }
0x3e1: {  	[tilespmem:s25+$0xE060] =	vst v6;
	s10 =	sshra.s32 s16, $0x2;
	v6 =	vld [tilespmem:s25+$0xE02F]  }
0x3e2: {  	v9 =	vld [tilespmem:s10+$0xE06F];
	[tilespmem:s25+$0xE050] =	vst v3  }
0x3e3: {  	[tilespmem:s25+$0xE020] =	vst v4  }
0x3e4: {  	v3 =	vld [tilespmem:s10+$0xE05F];
	[tilespmem:s25+$0xE040] =	vst v5;
	v5 =	vperm.xlane v8, v2  }
0x3e5: {  	v4 =	vld [tilespmem:s10+$0xE04F];
	[tilespmem:s25+$0xE010] =	vst v7  }
0x3e6: {  	v7 =	vld [tilespmem:s10+$0xE01F];
	[tilespmem:s25+$0xE030] =	vst v6;
	v5 =	vsel vm0, $0x0, v5  }
0x3e7: {  	v6 =	vld [tilespmem:s10+$0xE03F];
	[tilespmem:s25+$0xE000] =	vst v5  }
0x3e8: {  	v5 =	vld [tilespmem:s10+$0xE000]  }
0x3e9: {  	[tilespmem:s10+$0xE070] =	vst v9;
	v8 =	vld [tilespmem:s10+$0xE00F]  }
0x3ea: {  	[tilespmem:s10+$0xE060] =	vst v3;
	v3 =	vld [tilespmem:s10+$0xE02F]  }
0x3eb: {  	[tilespmem:s10+$0xE050] =	vst v4  }
0x3ec: {  	[tilespmem:s10+$0xE020] =	vst v7  }
0x3ed: {  	[tilespmem:s10+$0xE040] =	vst v6;
	v4 =	vperm.xlane v5, v2  }
0x3ee: {  	[tilespmem:s10+$0xE010] =	vst v8  }
0x3ef: {  	[tilespmem:s10+$0xE030] =	vst v3;
	v3 =	vsel vm0, $0x0, v4  }
0x3f0: {  	s25 =	simm.s32 $0x700;
	[tilespmem:s10+$0xE000] =	vst v3  }
0x3f1: {  	[hbm4b:s3+s12] =	stream.indirect.scatter [tilespmem:s18], [sflag:$0xB], $0x80, s25, s12, $0xb8;
	[tilespmem:$0x1E000] =	vst v63  }
0x3f2: {  	_ =	swait.ge [sflag:s2], $0x4000  }
0x3f3: {  	[sflag:s2] =	ssyncset.done $0x0  }
0x3f4: {  	s11 =	simm.s32 $0x1E80;
	[sflag:s2] =	ssyncadd.s32 $0xFFFFC000  }
0x3f5: {  	[hbm4b:s3+s12] =	stream.indirect.scatter [tilespmem:s20], [sflag:$0xC], $0x80, s11, s12, $0xb8;
	[tilespmem:$0x1E000] =	vst v63  }
0x3f6: {  	_ =	swait.ge [sflag:s19], $0x4000  }
0x3f7: {  	[sflag:s19] =	ssyncset.done $0x0  }
0x3f8: {  	s16 =	simm.s32 $0x1F00;
	[sflag:s19] =	ssyncadd.s32 $0xFFFFC000  }
0x3f9: {  	[hbm4b:s3+s12] =	stream.indirect.scatter [tilespmem:s23], [sflag:$0xD], $0x80, s16, s12, $0xb8;
	[tilespmem:$0x1E000] =	vst v63  }
0x3fa: {  	_ =	swait.ge [sflag:s1], $0x4000  }
0x3fb: {  	[sflag:s1] =	ssyncset.done $0x0  }
0x3fc: {  	s25 =	simm.s32 $0x1F80;
	[sflag:s1] =	ssyncadd.s32 $0xFFFFC000  }
0x3fd: {  	[hbm4b:s3+s12] =	stream.indirect.scatter [tilespmem:s26], [sflag:$0xE], $0x80, s25, s12, $0xb8;
	[tilespmem:$0x1E000] =	vst v63  }
0x3fe: {  	_ =	swait.ge [sflag:s21], $0x4000  }
0x3ff: {  	[sflag:s21] =	ssyncset.done $0x0  }
0x400: {  	s25 =	simm.s32 $0x0;
	[sflag:s21] =	ssyncadd.s32 $0xFFFFC000  }
0x401: {  	v7 =	vld [tilespmem:s25+$0x206F]  }
0x402: {  	v6 =	vld [tilespmem:s25+$0x205F]  }
0x403: {  	v3 =	vld [tilespmem:s25+$0x204F]  }
0x404: {  	v4 =	vld [tilespmem:s25+$0x201F]  }
0x405: {  	v5 =	vld [tilespmem:s25+$0x203F]  }
0x406: {  	s10 =	simm.s32 $0x400;
	s16 =	simm.s32 $0x200;
	v8 =	vld [tilespmem:s25+$0x2000]  }
.LBB2_32:
0x407: {  	p0 =	sne.s32 s10, $0xFE00  }
0x408: {  	s11 =	sshra.s32 s16, $0x2;
	[tilespmem:s25+$0x2070] =	vst v7;
	v9 =	vld [tilespmem:s25+$0x200F];
	s16 =	smov.u32 s10;
	s10 =	sadd.s32 $0x200, s10  }
0x409: {  	[tilespmem:s25+$0x2060] =	vst v6;
	v10 =	vld [tilespmem:s25+$0x202F]  }
0x40a: {  	v7 =	vld [tilespmem:s11+$0x206F];
	[tilespmem:s25+$0x2050] =	vst v3  }
0x40b: {  	[tilespmem:s25+$0x2020] =	vst v4  }
.Ltmp15:
0x40c: {  	vm0 =	veq.s32 v1, $0x0;
	v6 =	vld [tilespmem:s11+$0x205F];
	[tilespmem:s25+$0x2040] =	vst v5;
	v5 =	vperm.xlane v8, v2;
	(pc) =	sbr.rel @p0 .LBB2_32-.Ltmp15, $4  }
0x40d: {  	v3 =	vld [tilespmem:s11+$0x204F];
	[tilespmem:s25+$0x2010] =	vst v9  }
0x40e: {  	v4 =	vld [tilespmem:s11+$0x201F];
	[tilespmem:s25+$0x2030] =	vst v10;
	v8 =	vsel vm0, $0x0, v5  }
0x40f: {  	v5 =	vld [tilespmem:s11+$0x203F];
	[tilespmem:s25+$0x2000] =	vst v8;
	s25 =	smov.u32 s11  }
0x410: {  	v8 =	vld [tilespmem:s25+$0x2000]  }
0x411: {  	[tilespmem:s25+$0x2070] =	vst v7;
	v59 =	vld [tilespmem:s25+$0x200F]  }
0x412: {  	[tilespmem:s25+$0x2060] =	vst v6;
	s10 =	sshra.s32 s16, $0x2;
	v60 =	vld [tilespmem:s25+$0x202F]  }
0x413: {  	v9 =	vld [tilespmem:s10+$0x206F];
	[tilespmem:s25+$0x2050] =	vst v3  }
0x414: {  	[tilespmem:s25+$0x2020] =	vst v4  }
0x415: {  	v3 =	vld [tilespmem:s10+$0x205F];
	[tilespmem:s25+$0x2040] =	vst v5;
	v61 =	vperm.xlane v8, v2  }
0x416: {  	v4 =	vld [tilespmem:s10+$0x204F];
	[tilespmem:s25+$0x2010] =	vst v59  }
0x417: {  	v7 =	vld [tilespmem:s10+$0x201F];
	[tilespmem:s25+$0x2030] =	vst v60;
	v5 =	vsel vm0, $0x0, v61  }
0x418: {  	v6 =	vld [tilespmem:s10+$0x203F];
	[tilespmem:s25+$0x2000] =	vst v5  }
0x419: {  	v5 =	vld [tilespmem:s10+$0x2000]  }
0x41a: {  	[tilespmem:s10+$0x2070] =	vst v9;
	v62 =	vld [tilespmem:s10+$0x200F]  }
0x41b: {  	[tilespmem:s10+$0x2060] =	vst v3;
	v3 =	vld [tilespmem:s10+$0x202F]  }
0x41c: {  	[tilespmem:s10+$0x2050] =	vst v4  }
0x41d: {  	[tilespmem:s10+$0x2020] =	vst v7  }
0x41e: {  	[tilespmem:s10+$0x2040] =	vst v6;
	v63 =	vperm.xlane v5, v2  }
0x41f: {  	[tilespmem:s10+$0x2010] =	vst v62  }
0x420: {  	[tilespmem:s10+$0x2030] =	vst v3;
	v3 =	vsel vm0, $0x0, v63  }
0x421: {  	s16 =	simm.s32 $0x780;
	[tilespmem:s10+$0x2000] =	vst v3  }
0x422: {  	[hbm4b:s3+s12] =	stream.indirect.scatter [tilespmem:s13], [sflag:$0x8], $0x80, s16, s12, $0xb8;
	[tilespmem:$0x1E000] =	vst v63  }
0x423: {  	_ =	swait.ge [sflag:s29], $0x4000  }
0x424: {  	[sflag:s29] =	ssyncset.done $0x0  }
0x425: {  	[sflag:s29] =	ssyncadd.s32 $0xFFFFC000  }
0x426: {  	_ =	swait.ge [sflag:s31], $0x4000  }
0x427: {  	[sflag:s31] =	ssyncset.done $0x0  }
0x428: {  	[sflag:s31] =	ssyncadd.s32 $0xFFFFC000  }
0x429: {  	_ =	swait.ge [sflag:s14], $0x4000  }
0x42a: {  	[sflag:s14] =	ssyncset.done $0x0  }
0x42b: {  	[sflag:s14] =	ssyncadd.s32 $0xFFFFC000  }
0x42c: {  	_ =	swait.ge [sflag:s22], $0x4000  }
0x42d: {  	[sflag:s22] =	ssyncset.done $0x0  }
0x42e: {  	[sflag:s22] =	ssyncadd.s32 $0xFFFFC000  }
0x42f: {  	_ =	swait.ge [sflag:s5], $0x4000  }
0x430: {  	[sflag:s5] =	ssyncset.done $0x0  }
0x431: {  	[sflag:s5] =	ssyncadd.s32 $0xFFFFC000  }
0x432: {  	_ =	swait.ge [sflag:s6], $0x4000  }
0x433: {  	[sflag:s6] =	ssyncset.done $0x0  }
0x434: {  	[sflag:s6] =	ssyncadd.s32 $0xFFFFC000  }
0x435: {  	_ =	swait.ge [sflag:s8], $0x4000  }
0x436: {  	s7 =	sadd.s32 $0x1, s7;
	s25 =	rddreg [dreg:$0x9]  }
0x437: {  	p0 =	sne.s32 s7, s25  }
.Ltmp16:
0x438: {  	_ = 	snop;
	(pc) =	sbr.rel @p0 .LBB2_1-.Ltmp16, $3  }
0x439: {  	_ =	sdelay $0x1  }
0x43a: {  	[sflag:s8] =	ssyncset.done $0x0  }
0x43b: {  	[sflag:s8] =	ssyncadd.s32 $0xFFFFC000  }
0x43c: {  	_ =	sfence.sel $0x180000  }
0x43d: {  	[bflag:$0x0] =	sbarrier.arrive $0xFFFF  }
0x43e: {  	_ =	strace $0x90000047  }
0x43f: {  	s0 =	stileid.u32;
	[bflag:$0x2] =	sbarrier.arrive $0xFFFF  }
0x440: {  	p0 =	sne.s32 s0, $0x0;
	s0 =	rddreg [dreg:$0x5]  }
0x441: {  	s0 =	sadd.s32 @!p0 $0x100000, s0  }
0x442: {  	[sflag:s0] =	ssyncadd.tile.s32 @!p0 $0x1;
	_ =	shalt  }
.Lfunc_end2:
_tile_overlayer_lowered:
.L_overlay_start_2:
0x443: {  	(tag) =	ssettag $0x2  }
0x444: {  	s0 =	rddreg [dreg:$0x0];
	s2 =	stileid.u32  }
0x445: {  	s1 =	rddreg [dreg:$0x1];
	p0 =	sne.s32 s2, $0x0  }
0x446: {  	s3 =	rddreg [dreg:$0x2];
	[bflag:$0x3] =	sbarrier.arrive $0xFFFF;
	s2 =	simm.s32 @!p0 $0x1C0F  }
0x447: {  	[timem:s3], [sflag:s2] =	dma.local @!p0 [hbm:s0], s1  }
0x448: {  	s0 =	simm.s32 @!p0 $0xF  }
0x449: {  	_ =	swait.ge @!p0 [sflag:s0], s1  }
0x44a: {  	s1 =	ssub.s32 @!p0 $0x0, s1;
	[sflag:s0] =	ssyncset.done @!p0 $0x0  }
0x44b: {  	[sflag:s0] =	ssyncadd.s32 @!p0 s1  }
0x44c: {  	[bflag:$0x3] =	sbarrier.arrive $0xFFFF  }
0x44d: {  	_ =	shalt  }

</sc_bundles>
